<compile_context>
chip_gen: v7x
topology: tpu7x:2x2x1
jax: 0.10.2.dev20260603
libtpu: 0.0.44.dev20260713+nightly
codegen_flags: <defaults>
</compile_context>

<pallas_src>
import functools

import jax
import jax.numpy as jnp
from jax import lax
from jax.experimental import pallas as pl
from jax.experimental.pallas import tpu as pltpu
from jax.experimental.pallas import tpu_sc as plsc


def kernel(indices, tables):
    B, F = indices.shape
    _, V, D = tables.shape

    info = plsc.get_sparse_core_info()
    NC, NS, L = info.num_cores, info.num_subcores, info.num_lanes
    NW = NC * NS
    HD = D // 2
    UNITS = F * 2
    VC = 2048
    VSH = 11
    TAILV = (V // 128) * 128
    NFULL = TAILV // VC
    VLAST = TAILV - NFULL * VC
    NCH = NFULL + 2
    NBUF = 4
    NGRP = B // L

    idx_t = jnp.pad(indices.T, ((0, NW - F), (0, 0))).reshape(
        NW, B // 128, 128)
    tab2 = jnp.swapaxes(tables, 1, 2).reshape(F * D, V)
    tail = jnp.pad(
        jnp.swapaxes(tables[:, TAILV:, :], 1, 2).reshape(F * D, V - TAILV),
        ((0, 0), (0, 128 - (V - TAILV))),
    )

    mesh = plsc.VectorSubcoreMesh(core_axis_name="c", subcore_axis_name="s")

    @functools.partial(
        pl.kernel,
        mesh=mesh,
        compiler_params=pltpu.CompilerParams(needs_layout_passes=False),
        out_type=jax.ShapeDtypeStruct((F, D, B), jnp.float32),
        scratch_types=[
            pltpu.VMEM((B // 128, 128), jnp.int32),
            pltpu.VMEM((4, HD, VC), jnp.float32),
            pltpu.VMEM((HD, 128), jnp.float32),
            pltpu.VMEM((HD, B), jnp.float32),
            pltpu.VMEM((B + L,), jnp.int32),
            pltpu.VMEM((B + L,), jnp.int32),
            pltpu.VMEM(((NCH + 1) * L,), jnp.int32),
            pltpu.SMEM((NCH + 1,), jnp.int32),
            pltpu.SemaphoreType.DMA,
            pltpu.SemaphoreType.DMA,
            pltpu.SemaphoreType.DMA,
            pltpu.SemaphoreType.DMA,
            pltpu.SemaphoreType.DMA,
        ],
    )
    def emb(idx_hbm, tab_hbm, tail_hbm, out_hbm, idxblk, slab, tailslab,
            outs, blist, vlist, cur, pref, sem0, sem1, sem2, sem3, semf):
        sems = (sem0, sem1, sem2, sem3)
        wid = lax.axis_index("s") * NC + lax.axis_index("c")
        lanes = lax.iota(jnp.int32, L)
        ones = jnp.ones((L,), jnp.int32)
        zeros16 = jnp.zeros((L,), jnp.int32)

        def unit_body(u):
            f = lax.rem(u, F)
            h = lax.div(u, F)
            row0 = pl.multiple_of(f * D + HD * h, 8)

            def fire(c, buf, sem, width):
                return pltpu.async_copy(
                    tab_hbm.at[pl.ds(row0, HD),
                               pl.ds(pl.multiple_of(c * VC, 128), width)],
                    slab.at[buf, :, pl.ds(0, width)],
                    sem,
                )

            for b in range(NBUF):
                fire(b, b, sems[b], VC)
            pltpu.sync_copy(idx_hbm.at[f], idxblk)
            pltpu.sync_copy(tail_hbm.at[pl.ds(row0, HD)], tailslab)

            def zero(i, carry):
                cur[pl.ds(pl.multiple_of(i * L, L), L)] = zeros16
                return carry

            lax.fori_loop(0, NCH + 1, zero, 0, unroll=False)

            def chunk_of(iv):
                return jnp.where(
                    iv >= TAILV, NCH - 1, lax.shift_right_logical(iv, VSH)
                )

            def hist(g, carry):
                iv = idxblk[lax.div(g, 8),
                            pl.ds(pl.multiple_of(lax.rem(g, 8) * L, L), L)]
                c = chunk_of(iv)
                plsc.addupdate_scatter(cur, [c * L + lanes], ones)
                return carry

            lax.fori_loop(0, NGRP, hist, 0, unroll=False)

            def prefix(c, carry):
                pref[c] = carry
                sl = pl.ds(pl.multiple_of(c * L, L), L)
                grp = cur[sl]
                inc = plsc.cumsum(grp)
                cur[sl] = inc - grp + carry
                return carry + jnp.sum(grp)

            total = lax.fori_loop(0, NCH, prefix, 0, unroll=False)
            pref[NCH] = total

            def append(g, carry):
                iv = idxblk[lax.div(g, 8),
                            pl.ds(pl.multiple_of(lax.rem(g, 8) * L, L), L)]
                bv = g * L + lanes
                c = chunk_of(iv)
                addr = c * L + lanes
                base = plsc.load_gather(cur, [addr])
                plsc.store_scatter(blist, [base], bv)
                plsc.store_scatter(vlist, [base], iv)
                plsc.addupdate_scatter(cur, [addr], ones)
                return carry

            lax.fori_loop(0, NGRP, append, 0, unroll=False)

            def extract_from(src_ref, gather_idx, c):
                s = pref[c]
                e = pref[c + 1]
                n_grp = lax.shift_right_logical(e - s + (L - 1), 4)

                def egroup(k, carry):
                    pos = s + k * L + lanes
                    m = pos < e
                    bv = plsc.load_gather(blist, [pos], mask=m)
                    vv = plsc.load_gather(vlist, [pos], mask=m)
                    for dd in range(HD):
                        ddv = dd + zeros16
                        vals = plsc.load_gather(
                            src_ref, gather_idx(ddv, vv), mask=m)
                        plsc.store_scatter(outs, [ddv, bv], vals, mask=m)
                    return carry

                lax.fori_loop(0, n_grp, egroup, 0, unroll=False)

            def extract(c, buf):
                bufv = buf + zeros16
                extract_from(
                    slab, lambda ddv, vv: [bufv, ddv, vv - c * VC], c)

            def ring(qq, carry):
                for b in range(NBUF):
                    c = qq * NBUF + b
                    pltpu.make_async_copy(
                        tab_hbm.at[pl.ds(row0, HD), pl.ds(0, VC)],
                        slab.at[b],
                        sems[b],
                    ).wait()
                    extract(c, b)

                    @pl.when(c + NBUF < NFULL)
                    def _():
                        fire(c + NBUF, b, sems[b], VC)

                    @pl.when(c + NBUF == NFULL)
                    def _():
                        fire(NFULL, b, sems[b], VLAST)

                return carry

            lax.fori_loop(0, NFULL // NBUF, ring, 0, unroll=False)

            pltpu.make_async_copy(
                tab_hbm.at[pl.ds(row0, HD), pl.ds(0, VLAST)],
                slab.at[0, :, pl.ds(0, VLAST)],
                sems[NFULL % NBUF],
            ).wait()
            extract(NFULL, 0)
            extract_from(
                tailslab, lambda ddv, vv: [ddv, vv - TAILV], NCH - 1)

            pltpu.async_copy(
                outs, out_hbm.at[f, pl.ds(pl.multiple_of(HD * h, 8), HD)],
                semf)

        def wait_flush(u):
            f = lax.rem(u, F)
            h = lax.div(u, F)
            pltpu.make_async_copy(
                out_hbm.at[f, pl.ds(pl.multiple_of(HD * h, 8), HD)],
                outs, semf).wait()

        for t in range(2):
            u = wid + NW * t

            @pl.when(u < UNITS)
            def _():
                if t > 0:
                    wait_flush(u - NW)
                unit_body(u)

        @pl.when(wid + NW < UNITS)
        def _():
            wait_flush(wid + NW)

        @pl.when(wid + NW >= UNITS)
        def _():
            wait_flush(wid)

    out_t = emb(idx_t, tab2, tail)
    return out_t.transpose(2, 0, 1)

# --- scband reference (transcript-rebuilt; emitter-appended) ---
"""Pipeline reference for scband-feature-embedding-17738214933191 (READ-ONLY COPY).

The authoritative reference and input builder live on the scoring server;
editing this copy changes nothing except your own understanding.
"""

import jax, jax.numpy as jnp
import numpy as np

B = 4096   # batch
F = 26     # n_sparse_fields
V = 100000 # vocab_size per field
D = 16     # embedding_dim


def setup_inputs(seed: int = 0) -> dict:
    key = jax.random.key(seed)
    k_idx, k_tab = jax.random.split(key)
    # forward arg: one categorical id per field per sample
    indices = jax.random.randint(k_idx, (B, F), 0, V, dtype=jnp.int32)
    # learned parameters: one embedding table per field, stacked [F, V, D]
    # (FeatureEmbeddingDict creates nn.Embedding(vocab_size, embedding_dim) per feature;
    #  initializer is normal(std=1e-4))
    tables = jax.random.normal(k_tab, (F, V, D), dtype=jnp.float32) * 1e-4
    return {"indices": indices, "tables": tables}


def reference(indices, tables):
    # Faithful translation of FeatureEmbedding/FeatureEmbeddingDict forward for a
    # feature_map of F categorical fields, each with its own embedding table:
    #   for each field f: emb_f = embedding_layers[f](X[:, f])   (gather)
    #   feature_emb = stack([emb_0, ..., emb_{F-1}], dim=1)  -> [B, F, D]
    F_ = tables.shape[0]
    field_ids = jnp.arange(F_)[None, :]          # [1, F]
    feature_emb = tables[field_ids, indices]     # gather -> [B, F, D]
    return feature_emb

if __name__ == "__main__":
    import jax
    _d = setup_inputs()
    print(jax.jit(kernel)(*tuple(_d.values())))

</pallas_src>

<mosaic_0001>
#map = affine_map<(d0, d1) -> (0, 0, 0)>
#map1 = affine_map<(d0, d1) -> (0, 0)>
module attributes {stable_mosaic.version = 14 : i64} {
  func.func @emb(%arg0: i32, %arg1: i32, %arg2: memref<32x32x128xi32, #tpu.memory_space<hbm>>, %arg3: memref<416x100000xf32, #tpu.memory_space<hbm>>, %arg4: memref<416x128xf32, #tpu.memory_space<hbm>>, %arg5: memref<26x16x4096xf32, #tpu.memory_space<hbm>>, %arg6: memref<32x128xi32, #tpu.memory_space<vmem>>, %arg7: memref<4x8x2048xf32, #tpu.memory_space<vmem>>, %arg8: memref<8x128xf32, #tpu.memory_space<vmem>>, %arg9: memref<8x4096xf32, #tpu.memory_space<vmem>>, %arg10: memref<4112xi32, #tpu.memory_space<vmem>>, %arg11: memref<4112xi32, #tpu.memory_space<vmem>>, %arg12: memref<816xi32, #tpu.memory_space<vmem>>, %arg13: memref<51xi32, #tpu.memory_space<smem>>, %arg14: memref<!tpu.dma_semaphore, #tpu.memory_space<semaphore_mem>>, %arg15: memref<!tpu.dma_semaphore, #tpu.memory_space<semaphore_mem>>, %arg16: memref<!tpu.dma_semaphore, #tpu.memory_space<semaphore_mem>>, %arg17: memref<!tpu.dma_semaphore, #tpu.memory_space<semaphore_mem>>, %arg18: memref<!tpu.dma_semaphore, #tpu.memory_space<semaphore_mem>>) attributes {dimension_semantics = [#tpu.dimension_semantics<core_parallel>, #tpu.dimension_semantics<subcore_parallel>], iteration_bounds = array<i64: 2, 16>, scalar_prefetch = 0 : i64, scratch_operands = 13 : i64, tpu.core_type = #tpu.core_type<sc_vector_subcore>, window_params = [{transform_indices = #map}, {transform_indices = #map1}, {transform_indices = #map1}, {transform_indices = #map}]} {
    %mul3A = arith.constant 2 : i32
    %mul3A_0 = arith.muli %arg1, %mul3A : i32
    %add3A = arith.addi %mul3A_0, %arg0 : i32
    %iota3A = tpu.iota {dimensions = array<i32: 0>} : vector<16xi32>
    %broadcast_in_dim3A = arith.constant 1 : i32
    %broadcast_in_dim3A_1 = vector.broadcast %broadcast_in_dim3A : i32 to vector<16xi32>
    %broadcast_in_dim3A_2 = arith.constant 0 : i32
    %broadcast_in_dim3A_3 = vector.broadcast %broadcast_in_dim3A_2 : i32 to vector<16xi32>
    %add3A_4 = arith.constant 0 : i32
    %add3A_5 = arith.addi %add3A, %add3A_4 : i32
    %lt3A = arith.constant 52 : i32
    %lt3A_6 = arith.cmpi slt, %add3A_5, %lt3A : i32
    %convert_element_type3A = arith.extui %lt3A_6 : i1 to i32
    %cond3A = arith.constant 0 : i32
    %cond3A_7 = arith.cmpi ne, %convert_element_type3A, %cond3A : i32
    scf.if %cond3A_7 {
      %rem3A = arith.constant 26 : i32
      %rem3A_28 = arith.remsi %add3A_5, %rem3A : i32
      %div3A = arith.constant 26 : i32
      %div3A_29 = arith.divsi %add3A_5, %div3A : i32
      %mul3A_30 = arith.constant 16 : i32
      %mul3A_31 = arith.muli %rem3A_28, %mul3A_30 : i32
      %mul3A_32 = arith.constant 8 : i32
      %mul3A_33 = arith.muli %mul3A_32, %div3A_29 : i32
      %add3A_34 = arith.addi %mul3A_31, %mul3A_33 : i32
      %multiple_of3A = tpu.assume_multiple %add3A_34, 8 : i32
      %multiple_of3A_35 = arith.constant 0 : i32
      %multiple_of3A_36 = tpu.assume_multiple %multiple_of3A_35, 128 : i32
      %dma_start3A = arith.constant 0 : i32
      %dma_start3A_37 = arith.constant 0 : i32
      %dma_start3A_38 = arith.constant 0 : i32
      %dma_start3A_39 = tpu.memref_slice %arg7[%dma_start3A, %dma_start3A_37, %dma_start3A_38] : memref<4x8x2048xf32, #tpu.memory_space<vmem>> -> memref<1x8x2048xf32, #tpu.memory_space<vmem>>
      %dma_start3A_40 = tpu.memref_squeeze %dma_start3A_39 : memref<1x8x2048xf32, #tpu.memory_space<vmem>> -> memref<8x2048xf32, #tpu.memory_space<vmem>>
      %dma_start3A_41 = tpu.memref_slice %arg3[%multiple_of3A, %multiple_of3A_36] : memref<416x100000xf32, #tpu.memory_space<hbm>> -> memref<8x2048xf32, #tpu.memory_space<hbm>>
      %dma_start3A_42 = arith.constant 0 : i32
      %dma_start3A_43 = arith.constant 0 : i32
      %dma_start3A_44 = tpu.memref_slice %arg7[%dma_start3A, %dma_start3A_42, %dma_start3A_43] : memref<4x8x2048xf32, #tpu.memory_space<vmem>> -> memref<1x8x2048xf32, #tpu.memory_space<vmem>>
      %dma_start3A_45 = tpu.memref_squeeze %dma_start3A_44 : memref<1x8x2048xf32, #tpu.memory_space<vmem>> -> memref<8x2048xf32, #tpu.memory_space<vmem>>
      %dma_start3A_46 = tpu.memref_slice %arg3[%multiple_of3A, %multiple_of3A_36] : memref<416x100000xf32, #tpu.memory_space<hbm>> -> memref<8x2048xf32, #tpu.memory_space<hbm>>
      tpu.enqueue_dma source(%dma_start3A_46 : memref<8x2048xf32, #tpu.memory_space<hbm>>) target(%dma_start3A_45 : memref<8x2048xf32, #tpu.memory_space<vmem>>) target_semaphore(%arg14 : memref<!tpu.dma_semaphore, #tpu.memory_space<semaphore_mem>>)
      %multiple_of3A_47 = arith.constant 2048 : i32
      %multiple_of3A_48 = tpu.assume_multiple %multiple_of3A_47, 128 : i32
      %dma_start3A_49 = arith.constant 1 : i32
      %dma_start3A_50 = arith.constant 0 : i32
      %dma_start3A_51 = arith.constant 0 : i32
      %dma_start3A_52 = tpu.memref_slice %arg7[%dma_start3A_49, %dma_start3A_50, %dma_start3A_51] : memref<4x8x2048xf32, #tpu.memory_space<vmem>> -> memref<1x8x2048xf32, #tpu.memory_space<vmem>>
      %dma_start3A_53 = tpu.memref_squeeze %dma_start3A_52 : memref<1x8x2048xf32, #tpu.memory_space<vmem>> -> memref<8x2048xf32, #tpu.memory_space<vmem>>
      %dma_start3A_54 = tpu.memref_slice %arg3[%multiple_of3A, %multiple_of3A_48] : memref<416x100000xf32, #tpu.memory_space<hbm>> -> memref<8x2048xf32, #tpu.memory_space<hbm>>
      %dma_start3A_55 = arith.constant 0 : i32
      %dma_start3A_56 = arith.constant 0 : i32
      %dma_start3A_57 = tpu.memref_slice %arg7[%dma_start3A_49, %dma_start3A_55, %dma_start3A_56] : memref<4x8x2048xf32, #tpu.memory_space<vmem>> -> memref<1x8x2048xf32, #tpu.memory_space<vmem>>
      %dma_start3A_58 = tpu.memref_squeeze %dma_start3A_57 : memref<1x8x2048xf32, #tpu.memory_space<vmem>> -> memref<8x2048xf32, #tpu.memory_space<vmem>>
      %dma_start3A_59 = tpu.memref_slice %arg3[%multiple_of3A, %multiple_of3A_48] : memref<416x100000xf32, #tpu.memory_space<hbm>> -> memref<8x2048xf32, #tpu.memory_space<hbm>>
      tpu.enqueue_dma source(%dma_start3A_59 : memref<8x2048xf32, #tpu.memory_space<hbm>>) target(%dma_start3A_58 : memref<8x2048xf32, #tpu.memory_space<vmem>>) target_semaphore(%arg15 : memref<!tpu.dma_semaphore, #tpu.memory_space<semaphore_mem>>)
      %multiple_of3A_60 = arith.constant 4096 : i32
      %multiple_of3A_61 = tpu.assume_multiple %multiple_of3A_60, 128 : i32
      %dma_start3A_62 = arith.constant 2 : i32
      %dma_start3A_63 = arith.constant 0 : i32
      %dma_start3A_64 = arith.constant 0 : i32
      %dma_start3A_65 = tpu.memref_slice %arg7[%dma_start3A_62, %dma_start3A_63, %dma_start3A_64] : memref<4x8x2048xf32, #tpu.memory_space<vmem>> -> memref<1x8x2048xf32, #tpu.memory_space<vmem>>
      %dma_start3A_66 = tpu.memref_squeeze %dma_start3A_65 : memref<1x8x2048xf32, #tpu.memory_space<vmem>> -> memref<8x2048xf32, #tpu.memory_space<vmem>>
      %dma_start3A_67 = tpu.memref_slice %arg3[%multiple_of3A, %multiple_of3A_61] : memref<416x100000xf32, #tpu.memory_space<hbm>> -> memref<8x2048xf32, #tpu.memory_space<hbm>>
      %dma_start3A_68 = arith.constant 0 : i32
      %dma_start3A_69 = arith.constant 0 : i32
      %dma_start3A_70 = tpu.memref_slice %arg7[%dma_start3A_62, %dma_start3A_68, %dma_start3A_69] : memref<4x8x2048xf32, #tpu.memory_space<vmem>> -> memref<1x8x2048xf32, #tpu.memory_space<vmem>>
      %dma_start3A_71 = tpu.memref_squeeze %dma_start3A_70 : memref<1x8x2048xf32, #tpu.memory_space<vmem>> -> memref<8x2048xf32, #tpu.memory_space<vmem>>
      %dma_start3A_72 = tpu.memref_slice %arg3[%multiple_of3A, %multiple_of3A_61] : memref<416x100000xf32, #tpu.memory_space<hbm>> -> memref<8x2048xf32, #tpu.memory_space<hbm>>
      tpu.enqueue_dma source(%dma_start3A_72 : memref<8x2048xf32, #tpu.memory_space<hbm>>) target(%dma_start3A_71 : memref<8x2048xf32, #tpu.memory_space<vmem>>) target_semaphore(%arg16 : memref<!tpu.dma_semaphore, #tpu.memory_space<semaphore_mem>>)
      %multiple_of3A_73 = arith.constant 6144 : i32
      %multiple_of3A_74 = tpu.assume_multiple %multiple_of3A_73, 128 : i32
      %dma_start3A_75 = arith.constant 3 : i32
      %dma_start3A_76 = arith.constant 0 : i32
      %dma_start3A_77 = arith.constant 0 : i32
      %dma_start3A_78 = tpu.memref_slice %arg7[%dma_start3A_75, %dma_start3A_76, %dma_start3A_77] : memref<4x8x2048xf32, #tpu.memory_space<vmem>> -> memref<1x8x2048xf32, #tpu.memory_space<vmem>>
      %dma_start3A_79 = tpu.memref_squeeze %dma_start3A_78 : memref<1x8x2048xf32, #tpu.memory_space<vmem>> -> memref<8x2048xf32, #tpu.memory_space<vmem>>
      %dma_start3A_80 = tpu.memref_slice %arg3[%multiple_of3A, %multiple_of3A_74] : memref<416x100000xf32, #tpu.memory_space<hbm>> -> memref<8x2048xf32, #tpu.memory_space<hbm>>
      %dma_start3A_81 = arith.constant 0 : i32
      %dma_start3A_82 = arith.constant 0 : i32
      %dma_start3A_83 = tpu.memref_slice %arg7[%dma_start3A_75, %dma_start3A_81, %dma_start3A_82] : memref<4x8x2048xf32, #tpu.memory_space<vmem>> -> memref<1x8x2048xf32, #tpu.memory_space<vmem>>
      %dma_start3A_84 = tpu.memref_squeeze %dma_start3A_83 : memref<1x8x2048xf32, #tpu.memory_space<vmem>> -> memref<8x2048xf32, #tpu.memory_space<vmem>>
      %dma_start3A_85 = tpu.memref_slice %arg3[%multiple_of3A, %multiple_of3A_74] : memref<416x100000xf32, #tpu.memory_space<hbm>> -> memref<8x2048xf32, #tpu.memory_space<hbm>>
      tpu.enqueue_dma source(%dma_start3A_85 : memref<8x2048xf32, #tpu.memory_space<hbm>>) target(%dma_start3A_84 : memref<8x2048xf32, #tpu.memory_space<vmem>>) target_semaphore(%arg17 : memref<!tpu.dma_semaphore, #tpu.memory_space<semaphore_mem>>)
      "tpu.region"() ({
        %run_scoped3A = tpu.sem_alloc : memref<!tpu.dma_semaphore, #tpu.memory_space<semaphore_mem>>
        %dma_start3A_180 = arith.constant 0 : i32
        %dma_start3A_181 = arith.constant 0 : i32
        %dma_start3A_182 = tpu.memref_slice %arg2[%rem3A_28, %dma_start3A_180, %dma_start3A_181] : memref<32x32x128xi32, #tpu.memory_space<hbm>> -> memref<1x32x128xi32, #tpu.memory_space<hbm>>
        %dma_start3A_183 = tpu.memref_squeeze %dma_start3A_182 : memref<1x32x128xi32, #tpu.memory_space<hbm>> -> memref<32x128xi32, #tpu.memory_space<hbm>>
        %dma_start3A_184 = arith.constant 0 : i32
        %dma_start3A_185 = arith.constant 0 : i32
        %dma_start3A_186 = tpu.memref_slice %arg2[%rem3A_28, %dma_start3A_184, %dma_start3A_185] : memref<32x32x128xi32, #tpu.memory_space<hbm>> -> memref<1x32x128xi32, #tpu.memory_space<hbm>>
        %dma_start3A_187 = tpu.memref_squeeze %dma_start3A_186 : memref<1x32x128xi32, #tpu.memory_space<hbm>> -> memref<32x128xi32, #tpu.memory_space<hbm>>
        tpu.enqueue_dma source(%dma_start3A_187 : memref<32x128xi32, #tpu.memory_space<hbm>>) target(%arg6 : memref<32x128xi32, #tpu.memory_space<vmem>>) target_semaphore(%run_scoped3A : memref<!tpu.dma_semaphore, #tpu.memory_space<semaphore_mem>>)
        %dma_wait3A_188 = arith.constant 0 : i32
        %dma_wait3A_189 = arith.constant 0 : i32
        %dma_wait3A_190 = tpu.memref_slice %arg2[%rem3A_28, %dma_wait3A_188, %dma_wait3A_189] : memref<32x32x128xi32, #tpu.memory_space<hbm>> -> memref<1x32x128xi32, #tpu.memory_space<hbm>>
        %dma_wait3A_191 = tpu.memref_squeeze %dma_wait3A_190 : memref<1x32x128xi32, #tpu.memory_space<hbm>> -> memref<32x128xi32, #tpu.memory_space<hbm>>
        %dma_wait3A_192 = arith.constant 0 : i32
        %dma_wait3A_193 = arith.constant 0 : i32
        %dma_wait3A_194 = tpu.memref_slice %arg2[%rem3A_28, %dma_wait3A_192, %dma_wait3A_193] : memref<32x32x128xi32, #tpu.memory_space<hbm>> -> memref<1x32x128xi32, #tpu.memory_space<hbm>>
        %dma_wait3A_195 = tpu.memref_squeeze %dma_wait3A_194 : memref<1x32x128xi32, #tpu.memory_space<hbm>> -> memref<32x128xi32, #tpu.memory_space<hbm>>
        tpu.wait_dma2 semaphore(%run_scoped3A : memref<!tpu.dma_semaphore, #tpu.memory_space<semaphore_mem>>) src(%dma_wait3A_195 : memref<32x128xi32, #tpu.memory_space<hbm>>) dst(%arg6 : memref<32x128xi32, #tpu.memory_space<vmem>>)
        tpu.yield
      }) : () -> ()
      "tpu.region"() ({
        %run_scoped3A = tpu.sem_alloc : memref<!tpu.dma_semaphore, #tpu.memory_space<semaphore_mem>>
        %dma_start3A_180 = arith.constant 0 : i32
        %dma_start3A_181 = tpu.memref_slice %arg4[%multiple_of3A, %dma_start3A_180] : memref<416x128xf32, #tpu.memory_space<hbm>> -> memref<8x128xf32, #tpu.memory_space<hbm>>
        %dma_start3A_182 = arith.constant 0 : i32
        %dma_start3A_183 = tpu.memref_slice %arg4[%multiple_of3A, %dma_start3A_182] : memref<416x128xf32, #tpu.memory_space<hbm>> -> memref<8x128xf32, #tpu.memory_space<hbm>>
        tpu.enqueue_dma source(%dma_start3A_183 : memref<8x128xf32, #tpu.memory_space<hbm>>) target(%arg8 : memref<8x128xf32, #tpu.memory_space<vmem>>) target_semaphore(%run_scoped3A : memref<!tpu.dma_semaphore, #tpu.memory_space<semaphore_mem>>)
        %dma_wait3A_184 = arith.constant 0 : i32
        %dma_wait3A_185 = tpu.memref_slice %arg4[%multiple_of3A, %dma_wait3A_184] : memref<416x128xf32, #tpu.memory_space<hbm>> -> memref<8x128xf32, #tpu.memory_space<hbm>>
        %dma_wait3A_186 = arith.constant 0 : i32
        %dma_wait3A_187 = tpu.memref_slice %arg4[%multiple_of3A, %dma_wait3A_186] : memref<416x128xf32, #tpu.memory_space<hbm>> -> memref<8x128xf32, #tpu.memory_space<hbm>>
        tpu.wait_dma2 semaphore(%run_scoped3A : memref<!tpu.dma_semaphore, #tpu.memory_space<semaphore_mem>>) src(%dma_wait3A_187 : memref<8x128xf32, #tpu.memory_space<hbm>>) dst(%arg8 : memref<8x128xf32, #tpu.memory_space<vmem>>)
        tpu.yield
      }) : () -> ()
      %scan3A = arith.constant 0 : i32
      %scan3A_86 = arith.constant 0 : i32
      %scan3A_87 = arith.constant 51 : i32
      %scan3A_88 = arith.addi %scan3A_86, %scan3A_87 : i32
      %scan3A_89 = arith.constant 1 : i32
      scf.for %scan3A_180 = %scan3A_86 to %scan3A_88 step %scan3A_89  : i32 {
        %mul3A_181 = arith.constant 16 : i32
        %mul3A_182 = arith.muli %scan3A_180, %mul3A_181 : i32
        %multiple_of3A_183 = tpu.assume_multiple %mul3A_182, 16 : i32
        %swap3A_184 = arith.index_cast %multiple_of3A_183 : i32 to index
        %swap3A_185 = tpu.vector_load %arg12[%swap3A_184] {strides = array<i32>} : memref<816xi32, #tpu.memory_space<vmem>>, vector<16xi32>,
        tpu.vector_store %arg12[%swap3A_184], %broadcast_in_dim3A_3 {strides = array<i32>} : memref<816xi32, #tpu.memory_space<vmem>>, vector<16xi32>,
      }
      %scan3A_90 = arith.constant 51 : i32
      %scan3A_91 = arith.constant 0 : i32
      %scan3A_92 = arith.constant 0 : i32
      %scan3A_93 = arith.constant 256 : i32
      %scan3A_94 = arith.addi %scan3A_92, %scan3A_93 : i32
      %scan3A_95 = arith.constant 1 : i32
      scf.for %scan3A_180 = %scan3A_92 to %scan3A_94 step %scan3A_95  : i32 {
        %div3A_181 = arith.constant 8 : i32
        %div3A_182 = arith.divsi %scan3A_180, %div3A_181 : i32
        %rem3A_183 = arith.constant 8 : i32
        %rem3A_184 = arith.remsi %scan3A_180, %rem3A_183 : i32
        %mul3A_185 = arith.constant 16 : i32
        %mul3A_186 = arith.muli %rem3A_184, %mul3A_185 : i32
        %multiple_of3A_187 = tpu.assume_multiple %mul3A_186, 16 : i32
        %get3A_188 = arith.index_cast %div3A_182 : i32 to index
        %get3A_189 = arith.index_cast %multiple_of3A_187 : i32 to index
        %get3A_190 = tpu.vector_load %arg6[%get3A_188, %get3A_189] {strides = array<i32>} : memref<32x128xi32, #tpu.memory_space<vmem>>, vector<16xi32>,
        %ge3A_191 = arith.constant 99968 : i32
        %ge3A_192 = vector.broadcast %ge3A_191 : i32 to vector<16xi32>
        %ge3A_193 = arith.cmpi sge, %get3A_190, %ge3A_192 : vector<16xi32>
        %shift_right_logical3A_194 = arith.constant 11 : i32
        %shift_right_logical3A_195 = vector.broadcast %shift_right_logical3A_194 : i32 to vector<16xi32>
        %shift_right_logical3A_196 = arith.shrui %get3A_190, %shift_right_logical3A_195 : vector<16xi32>
        %jit3A = arith.constant 49 : i32
        %broadcast_in_dim3A_197 = vector.broadcast %jit3A : i32 to vector<16xi32>
        %select_n3A = arith.select %ge3A_193, %broadcast_in_dim3A_197, %shift_right_logical3A_196 : vector<16xi1>, vector<16xi32>
        %mul3A_198 = arith.constant 16 : i32
        %mul3A_199 = vector.broadcast %mul3A_198 : i32 to vector<16xi32>
        %mul3A_200 = arith.muli %select_n3A, %mul3A_199 : vector<16xi32>
        %add3A_201 = arith.addi %mul3A_200, %iota3A : vector<16xi32>
        tpu.vector_store_idx %arg12[%add3A_201], %broadcast_in_dim3A_1 {add = true} : memref<816xi32, #tpu.memory_space<vmem>>[vector<16xi32>], vector<16xi32>,
      }
      %scan3A_96 = arith.constant 256 : i32
      %scan3A_97 = arith.constant 0 : i32
      %scan3A_98 = arith.constant 0 : i32
      %scan3A_99 = arith.constant 50 : i32
      %scan3A_100 = arith.addi %scan3A_98, %scan3A_99 : i32
      %scan3A_101 = arith.constant 1 : i32
      %scan3A_102 = scf.for %scan3A_180 = %scan3A_98 to %scan3A_100 step %scan3A_101 iter_args(%scan3A_181 = %scan3A_97) -> (i32)  : i32 {
        %swap3A_182 = arith.index_cast %scan3A_180 : i32 to index
        %swap3A_183 = memref.load %arg13[%swap3A_182] : memref<51xi32, #tpu.memory_space<smem>>
        memref.store %scan3A_181, %arg13[%swap3A_182] : memref<51xi32, #tpu.memory_space<smem>>
        %mul3A_184 = arith.constant 16 : i32
        %mul3A_185 = arith.muli %scan3A_180, %mul3A_184 : i32
        %multiple_of3A_186 = tpu.assume_multiple %mul3A_185, 16 : i32
        %get3A_187 = arith.index_cast %multiple_of3A_186 : i32 to index
        %get3A_188 = tpu.vector_load %arg12[%get3A_187] {strides = array<i32>} : memref<816xi32, #tpu.memory_space<vmem>>, vector<16xi32>,
        %broadcast_in_dim3A_189 = arith.constant true
        %broadcast_in_dim3A_190 = vector.broadcast %broadcast_in_dim3A_189 : i1 to vector<16xi1>
        %masked_cumsum3A = tpu.scan <sum>, %get3A_188 masked %broadcast_in_dim3A_190 : vector<16xi32>, vector<16xi1> -> vector<16xi32>
        %sub3A_191 = arith.subi %masked_cumsum3A, %get3A_188 : vector<16xi32>
        %add3A_192 = vector.broadcast %scan3A_181 : i32 to vector<16xi32>
        %add3A_193 = arith.addi %sub3A_191, %add3A_192 : vector<16xi32>
        %swap3A_194 = arith.index_cast %multiple_of3A_186 : i32 to index
        %swap3A_195 = tpu.vector_load %arg12[%swap3A_194] {strides = array<i32>} : memref<816xi32, #tpu.memory_space<vmem>>, vector<16xi32>,
        tpu.vector_store %arg12[%swap3A_194], %add3A_193 {strides = array<i32>} : memref<816xi32, #tpu.memory_space<vmem>>, vector<16xi32>,
        %reduce_sum3A = arith.constant true
        %reduce_sum3A_196 = vector.broadcast %reduce_sum3A : i1 to vector<16xi1>
        %reduce_sum3A_197 = tpu.scan <sum>, %get3A_188 masked %reduce_sum3A_196 : vector<16xi32>, vector<16xi1> -> vector<16xi32>
        %reduce_sum3A_198 = vector.extract %reduce_sum3A_197[15] : i32 from vector<16xi32>
        %add3A_199 = arith.addi %scan3A_181, %reduce_sum3A_198 : i32
        scf.yield %add3A_199 : i32
      }
      %scan3A_103 = arith.constant 50 : i32
      %swap3A = arith.constant 50 : i32
      %swap3A_104 = arith.index_cast %swap3A : i32 to index
      %swap3A_105 = memref.load %arg13[%swap3A_104] : memref<51xi32, #tpu.memory_space<smem>>
      memref.store %scan3A_102, %arg13[%swap3A_104] : memref<51xi32, #tpu.memory_space<smem>>
      %scan3A_106 = arith.constant 0 : i32
      %scan3A_107 = arith.constant 0 : i32
      %scan3A_108 = arith.constant 256 : i32
      %scan3A_109 = arith.addi %scan3A_107, %scan3A_108 : i32
      %scan3A_110 = arith.constant 1 : i32
      scf.for %scan3A_180 = %scan3A_107 to %scan3A_109 step %scan3A_110  : i32 {
        %div3A_181 = arith.constant 8 : i32
        %div3A_182 = arith.divsi %scan3A_180, %div3A_181 : i32
        %rem3A_183 = arith.constant 8 : i32
        %rem3A_184 = arith.remsi %scan3A_180, %rem3A_183 : i32
        %mul3A_185 = arith.constant 16 : i32
        %mul3A_186 = arith.muli %rem3A_184, %mul3A_185 : i32
        %multiple_of3A_187 = tpu.assume_multiple %mul3A_186, 16 : i32
        %get3A_188 = arith.index_cast %div3A_182 : i32 to index
        %get3A_189 = arith.index_cast %multiple_of3A_187 : i32 to index
        %get3A_190 = tpu.vector_load %arg6[%get3A_188, %get3A_189] {strides = array<i32>} : memref<32x128xi32, #tpu.memory_space<vmem>>, vector<16xi32>,
        %mul3A_191 = arith.constant 16 : i32
        %mul3A_192 = arith.muli %scan3A_180, %mul3A_191 : i32
        %add3A_193 = vector.broadcast %mul3A_192 : i32 to vector<16xi32>
        %add3A_194 = arith.addi %add3A_193, %iota3A : vector<16xi32>
        %ge3A_195 = arith.constant 99968 : i32
        %ge3A_196 = vector.broadcast %ge3A_195 : i32 to vector<16xi32>
        %ge3A_197 = arith.cmpi sge, %get3A_190, %ge3A_196 : vector<16xi32>
        %shift_right_logical3A_198 = arith.constant 11 : i32
        %shift_right_logical3A_199 = vector.broadcast %shift_right_logical3A_198 : i32 to vector<16xi32>
        %shift_right_logical3A_200 = arith.shrui %get3A_190, %shift_right_logical3A_199 : vector<16xi32>
        %jit3A = arith.constant 49 : i32
        %broadcast_in_dim3A_201 = vector.broadcast %jit3A : i32 to vector<16xi32>
        %select_n3A = arith.select %ge3A_197, %broadcast_in_dim3A_201, %shift_right_logical3A_200 : vector<16xi1>, vector<16xi32>
        %mul3A_202 = arith.constant 16 : i32
        %mul3A_203 = vector.broadcast %mul3A_202 : i32 to vector<16xi32>
        %mul3A_204 = arith.muli %select_n3A, %mul3A_203 : vector<16xi32>
        %add3A_205 = arith.addi %mul3A_204, %iota3A : vector<16xi32>
        %gather3A = tpu.vector_load_idx %arg12[%add3A_205] : memref<816xi32, #tpu.memory_space<vmem>>[vector<16xi32>], vector<16xi32>,
        tpu.vector_store_idx %arg10[%gather3A], %add3A_194 : memref<4112xi32, #tpu.memory_space<vmem>>[vector<16xi32>], vector<16xi32>,
        tpu.vector_store_idx %arg11[%gather3A], %get3A_190 : memref<4112xi32, #tpu.memory_space<vmem>>[vector<16xi32>], vector<16xi32>,
        tpu.vector_store_idx %arg12[%add3A_205], %broadcast_in_dim3A_1 {add = true} : memref<816xi32, #tpu.memory_space<vmem>>[vector<16xi32>], vector<16xi32>,
      }
      %scan3A_111 = arith.constant 256 : i32
      %scan3A_112 = arith.constant 0 : i32
      %scan3A_113 = arith.constant 0 : i32
      %scan3A_114 = arith.constant 12 : i32
      %scan3A_115 = arith.addi %scan3A_113, %scan3A_114 : i32
      %scan3A_116 = arith.constant 1 : i32
      scf.for %scan3A_180 = %scan3A_113 to %scan3A_115 step %scan3A_116  : i32 {
        %mul3A_181 = arith.constant 4 : i32
        %mul3A_182 = arith.muli %scan3A_180, %mul3A_181 : i32
        %add3A_183 = arith.constant 0 : i32
        %add3A_184 = arith.addi %mul3A_182, %add3A_183 : i32
        %dma_wait3A_185 = arith.constant 0 : i32
        %dma_wait3A_186 = arith.constant 0 : i32
        %dma_wait3A_187 = arith.constant 0 : i32
        %dma_wait3A_188 = tpu.memref_slice %arg7[%dma_wait3A_185, %dma_wait3A_186, %dma_wait3A_187] : memref<4x8x2048xf32, #tpu.memory_space<vmem>> -> memref<1x8x2048xf32, #tpu.memory_space<vmem>>
        %dma_wait3A_189 = tpu.memref_squeeze %dma_wait3A_188 : memref<1x8x2048xf32, #tpu.memory_space<vmem>> -> memref<8x2048xf32, #tpu.memory_space<vmem>>
        %dma_wait3A_190 = arith.constant 0 : i32
        %dma_wait3A_191 = tpu.memref_slice %arg3[%multiple_of3A, %dma_wait3A_190] : memref<416x100000xf32, #tpu.memory_space<hbm>> -> memref<8x2048xf32, #tpu.memory_space<hbm>>
        %dma_wait3A_192 = arith.constant 0 : i32
        %dma_wait3A_193 = arith.constant 0 : i32
        %dma_wait3A_194 = tpu.memref_slice %arg7[%dma_wait3A_185, %dma_wait3A_192, %dma_wait3A_193] : memref<4x8x2048xf32, #tpu.memory_space<vmem>> -> memref<1x8x2048xf32, #tpu.memory_space<vmem>>
        %dma_wait3A_195 = tpu.memref_squeeze %dma_wait3A_194 : memref<1x8x2048xf32, #tpu.memory_space<vmem>> -> memref<8x2048xf32, #tpu.memory_space<vmem>>
        %dma_wait3A_196 = arith.constant 0 : i32
        %dma_wait3A_197 = tpu.memref_slice %arg3[%multiple_of3A, %dma_wait3A_196] : memref<416x100000xf32, #tpu.memory_space<hbm>> -> memref<8x2048xf32, #tpu.memory_space<hbm>>
        tpu.wait_dma2 semaphore(%arg14 : memref<!tpu.dma_semaphore, #tpu.memory_space<semaphore_mem>>) src(%dma_wait3A_197 : memref<8x2048xf32, #tpu.memory_space<hbm>>) dst(%dma_wait3A_195 : memref<8x2048xf32, #tpu.memory_space<vmem>>)
        %add3A_198 = arith.constant 0 : i32
        %add3A_199 = vector.broadcast %add3A_198 : i32 to vector<16xi32>
        %add3A_200 = arith.addi %add3A_199, %broadcast_in_dim3A_3 : vector<16xi32>
        %get3A_201 = arith.index_cast %add3A_184 : i32 to index
        %get3A_202 = memref.load %arg13[%get3A_201] : memref<51xi32, #tpu.memory_space<smem>>
        %add3A_203 = arith.constant 1 : i32
        %add3A_204 = arith.addi %add3A_184, %add3A_203 : i32
        %get3A_205 = arith.index_cast %add3A_204 : i32 to index
        %get3A_206 = memref.load %arg13[%get3A_205] : memref<51xi32, #tpu.memory_space<smem>>
        %sub3A_207 = arith.subi %get3A_206, %get3A_202 : i32
        %add3A_208 = arith.constant 15 : i32
        %add3A_209 = arith.addi %sub3A_207, %add3A_208 : i32
        %shift_right_logical3A_210 = arith.constant 4 : i32
        %shift_right_logical3A_211 = arith.shrui %add3A_209, %shift_right_logical3A_210 : i32
        %while3A_212 = arith.constant 0 : i32
        %while3A_213 = arith.constant 0 : i32
        %while3A_214 = arith.subi %shift_right_logical3A_211, %while3A_213 : i32
        %while3A_215 = arith.addi %while3A_213, %while3A_214 : i32
        %while3A_216 = arith.constant 1 : i32
        %while3A_217 = arith.divsi %while3A_214, %while3A_216 : i32
        %while3A_218 = arith.muli %while3A_217, %while3A_216 : i32
        %while3A_219 = arith.addi %while3A_213, %while3A_218 : i32
        %while3A_220 = arith.constant 1 : i32
        scf.for %while3A_400 = %while3A_213 to %while3A_219 step %while3A_220  : i32 {
          %mul3A_401 = arith.constant 16 : i32
          %mul3A_402 = arith.muli %while3A_400, %mul3A_401 : i32
          %add3A_403 = arith.addi %get3A_202, %mul3A_402 : i32
          %add3A_404 = vector.broadcast %add3A_403 : i32 to vector<16xi32>
          %add3A_405 = arith.addi %add3A_404, %iota3A : vector<16xi32>
          %lt3A_406 = vector.broadcast %get3A_206 : i32 to vector<16xi32>
          %lt3A_407 = arith.cmpi slt, %add3A_405, %lt3A_406 : vector<16xi32>
          %gather3A = tpu.vector_load_idx %arg10[%add3A_405] masked %lt3A_407 : memref<4112xi32, #tpu.memory_space<vmem>>[vector<16xi32>], vector<16xi32>, vector<16xi1>
          %gather3A_408 = tpu.vector_load_idx %arg11[%add3A_405] masked %lt3A_407 : memref<4112xi32, #tpu.memory_space<vmem>>[vector<16xi32>], vector<16xi32>, vector<16xi1>
          %add3A_409 = arith.constant 0 : i32
          %add3A_410 = vector.broadcast %add3A_409 : i32 to vector<16xi32>
          %add3A_411 = arith.addi %add3A_410, %broadcast_in_dim3A_3 : vector<16xi32>
          %mul3A_412 = arith.constant 2048 : i32
          %mul3A_413 = arith.muli %add3A_184, %mul3A_412 : i32
          %sub3A_414 = vector.broadcast %mul3A_413 : i32 to vector<16xi32>
          %sub3A_415 = arith.subi %gather3A_408, %sub3A_414 : vector<16xi32>
          %gather3A_416 = tpu.vector_load_idx %arg7[%add3A_200, %add3A_411, %sub3A_415] masked %lt3A_407 : memref<4x8x2048xf32, #tpu.memory_space<vmem>>[vector<16xi32>, vector<16xi32>, vector<16xi32>], vector<16xf32>, vector<16xi1>
          tpu.vector_store_idx %arg9[%add3A_411, %gather3A], %gather3A_416 masked %lt3A_407 : memref<8x4096xf32, #tpu.memory_space<vmem>>[vector<16xi32>, vector<16xi32>], vector<16xf32>, vector<16xi1>
          %add3A_417 = arith.constant 1 : i32
          %add3A_418 = vector.broadcast %add3A_417 : i32 to vector<16xi32>
          %add3A_419 = arith.addi %add3A_418, %broadcast_in_dim3A_3 : vector<16xi32>
          %mul3A_420 = arith.constant 2048 : i32
          %mul3A_421 = arith.muli %add3A_184, %mul3A_420 : i32
          %sub3A_422 = vector.broadcast %mul3A_421 : i32 to vector<16xi32>
          %sub3A_423 = arith.subi %gather3A_408, %sub3A_422 : vector<16xi32>
          %gather3A_424 = tpu.vector_load_idx %arg7[%add3A_200, %add3A_419, %sub3A_423] masked %lt3A_407 : memref<4x8x2048xf32, #tpu.memory_space<vmem>>[vector<16xi32>, vector<16xi32>, vector<16xi32>], vector<16xf32>, vector<16xi1>
          tpu.vector_store_idx %arg9[%add3A_419, %gather3A], %gather3A_424 masked %lt3A_407 : memref<8x4096xf32, #tpu.memory_space<vmem>>[vector<16xi32>, vector<16xi32>], vector<16xf32>, vector<16xi1>
          %add3A_425 = arith.constant 2 : i32
          %add3A_426 = vector.broadcast %add3A_425 : i32 to vector<16xi32>
          %add3A_427 = arith.addi %add3A_426, %broadcast_in_dim3A_3 : vector<16xi32>
          %mul3A_428 = arith.constant 2048 : i32
          %mul3A_429 = arith.muli %add3A_184, %mul3A_428 : i32
          %sub3A_430 = vector.broadcast %mul3A_429 : i32 to vector<16xi32>
          %sub3A_431 = arith.subi %gather3A_408, %sub3A_430 : vector<16xi32>
          %gather3A_432 = tpu.vector_load_idx %arg7[%add3A_200, %add3A_427, %sub3A_431] masked %lt3A_407 : memref<4x8x2048xf32, #tpu.memory_space<vmem>>[vector<16xi32>, vector<16xi32>, vector<16xi32>], vector<16xf32>, vector<16xi1>
          tpu.vector_store_idx %arg9[%add3A_427, %gather3A], %gather3A_432 masked %lt3A_407 : memref<8x4096xf32, #tpu.memory_space<vmem>>[vector<16xi32>, vector<16xi32>], vector<16xf32>, vector<16xi1>
          %add3A_433 = arith.constant 3 : i32
          %add3A_434 = vector.broadcast %add3A_433 : i32 to vector<16xi32>
          %add3A_435 = arith.addi %add3A_434, %broadcast_in_dim3A_3 : vector<16xi32>
          %mul3A_436 = arith.constant 2048 : i32
          %mul3A_437 = arith.muli %add3A_184, %mul3A_436 : i32
          %sub3A_438 = vector.broadcast %mul3A_437 : i32 to vector<16xi32>
          %sub3A_439 = arith.subi %gather3A_408, %sub3A_438 : vector<16xi32>
          %gather3A_440 = tpu.vector_load_idx %arg7[%add3A_200, %add3A_435, %sub3A_439] masked %lt3A_407 : memref<4x8x2048xf32, #tpu.memory_space<vmem>>[vector<16xi32>, vector<16xi32>, vector<16xi32>], vector<16xf32>, vector<16xi1>
          tpu.vector_store_idx %arg9[%add3A_435, %gather3A], %gather3A_440 masked %lt3A_407 : memref<8x4096xf32, #tpu.memory_space<vmem>>[vector<16xi32>, vector<16xi32>], vector<16xf32>, vector<16xi1>
          %add3A_441 = arith.constant 4 : i32
          %add3A_442 = vector.broadcast %add3A_441 : i32 to vector<16xi32>
          %add3A_443 = arith.addi %add3A_442, %broadcast_in_dim3A_3 : vector<16xi32>
          %mul3A_444 = arith.constant 2048 : i32
          %mul3A_445 = arith.muli %add3A_184, %mul3A_444 : i32
          %sub3A_446 = vector.broadcast %mul3A_445 : i32 to vector<16xi32>
          %sub3A_447 = arith.subi %gather3A_408, %sub3A_446 : vector<16xi32>
          %gather3A_448 = tpu.vector_load_idx %arg7[%add3A_200, %add3A_443, %sub3A_447] masked %lt3A_407 : memref<4x8x2048xf32, #tpu.memory_space<vmem>>[vector<16xi32>, vector<16xi32>, vector<16xi32>], vector<16xf32>, vector<16xi1>
          tpu.vector_store_idx %arg9[%add3A_443, %gather3A], %gather3A_448 masked %lt3A_407 : memref<8x4096xf32, #tpu.memory_space<vmem>>[vector<16xi32>, vector<16xi32>], vector<16xf32>, vector<16xi1>
          %add3A_449 = arith.constant 5 : i32
          %add3A_450 = vector.broadcast %add3A_449 : i32 to vector<16xi32>
          %add3A_451 = arith.addi %add3A_450, %broadcast_in_dim3A_3 : vector<16xi32>
          %mul3A_452 = arith.constant 2048 : i32
          %mul3A_453 = arith.muli %add3A_184, %mul3A_452 : i32
          %sub3A_454 = vector.broadcast %mul3A_453 : i32 to vector<16xi32>
          %sub3A_455 = arith.subi %gather3A_408, %sub3A_454 : vector<16xi32>
          %gather3A_456 = tpu.vector_load_idx %arg7[%add3A_200, %add3A_451, %sub3A_455] masked %lt3A_407 : memref<4x8x2048xf32, #tpu.memory_space<vmem>>[vector<16xi32>, vector<16xi32>, vector<16xi32>], vector<16xf32>, vector<16xi1>
          tpu.vector_store_idx %arg9[%add3A_451, %gather3A], %gather3A_456 masked %lt3A_407 : memref<8x4096xf32, #tpu.memory_space<vmem>>[vector<16xi32>, vector<16xi32>], vector<16xf32>, vector<16xi1>
          %add3A_457 = arith.constant 6 : i32
          %add3A_458 = vector.broadcast %add3A_457 : i32 to vector<16xi32>
          %add3A_459 = arith.addi %add3A_458, %broadcast_in_dim3A_3 : vector<16xi32>
          %mul3A_460 = arith.constant 2048 : i32
          %mul3A_461 = arith.muli %add3A_184, %mul3A_460 : i32
          %sub3A_462 = vector.broadcast %mul3A_461 : i32 to vector<16xi32>
          %sub3A_463 = arith.subi %gather3A_408, %sub3A_462 : vector<16xi32>
          %gather3A_464 = tpu.vector_load_idx %arg7[%add3A_200, %add3A_459, %sub3A_463] masked %lt3A_407 : memref<4x8x2048xf32, #tpu.memory_space<vmem>>[vector<16xi32>, vector<16xi32>, vector<16xi32>], vector<16xf32>, vector<16xi1>
          tpu.vector_store_idx %arg9[%add3A_459, %gather3A], %gather3A_464 masked %lt3A_407 : memref<8x4096xf32, #tpu.memory_space<vmem>>[vector<16xi32>, vector<16xi32>], vector<16xf32>, vector<16xi1>
          %add3A_465 = arith.constant 7 : i32
          %add3A_466 = vector.broadcast %add3A_465 : i32 to vector<16xi32>
          %add3A_467 = arith.addi %add3A_466, %broadcast_in_dim3A_3 : vector<16xi32>
          %mul3A_468 = arith.constant 2048 : i32
          %mul3A_469 = arith.muli %add3A_184, %mul3A_468 : i32
          %sub3A_470 = vector.broadcast %mul3A_469 : i32 to vector<16xi32>
          %sub3A_471 = arith.subi %gather3A_408, %sub3A_470 : vector<16xi32>
          %gather3A_472 = tpu.vector_load_idx %arg7[%add3A_200, %add3A_467, %sub3A_471] masked %lt3A_407 : memref<4x8x2048xf32, #tpu.memory_space<vmem>>[vector<16xi32>, vector<16xi32>, vector<16xi32>], vector<16xf32>, vector<16xi1>
          tpu.vector_store_idx %arg9[%add3A_467, %gather3A], %gather3A_472 masked %lt3A_407 : memref<8x4096xf32, #tpu.memory_space<vmem>>[vector<16xi32>, vector<16xi32>], vector<16xf32>, vector<16xi1>
        }
        %while3A_221 = arith.constant 1 : i32
        scf.for %while3A_400 = %while3A_219 to %while3A_215 step %while3A_221  : i32 {
          %mul3A_401 = arith.constant 16 : i32
          %mul3A_402 = arith.muli %while3A_400, %mul3A_401 : i32
          %add3A_403 = arith.addi %get3A_202, %mul3A_402 : i32
          %add3A_404 = vector.broadcast %add3A_403 : i32 to vector<16xi32>
          %add3A_405 = arith.addi %add3A_404, %iota3A : vector<16xi32>
          %lt3A_406 = vector.broadcast %get3A_206 : i32 to vector<16xi32>
          %lt3A_407 = arith.cmpi slt, %add3A_405, %lt3A_406 : vector<16xi32>
          %gather3A = tpu.vector_load_idx %arg10[%add3A_405] masked %lt3A_407 : memref<4112xi32, #tpu.memory_space<vmem>>[vector<16xi32>], vector<16xi32>, vector<16xi1>
          %gather3A_408 = tpu.vector_load_idx %arg11[%add3A_405] masked %lt3A_407 : memref<4112xi32, #tpu.memory_space<vmem>>[vector<16xi32>], vector<16xi32>, vector<16xi1>
          %add3A_409 = arith.constant 0 : i32
          %add3A_410 = vector.broadcast %add3A_409 : i32 to vector<16xi32>
          %add3A_411 = arith.addi %add3A_410, %broadcast_in_dim3A_3 : vector<16xi32>
          %mul3A_412 = arith.constant 2048 : i32
          %mul3A_413 = arith.muli %add3A_184, %mul3A_412 : i32
          %sub3A_414 = vector.broadcast %mul3A_413 : i32 to vector<16xi32>
          %sub3A_415 = arith.subi %gather3A_408, %sub3A_414 : vector<16xi32>
          %gather3A_416 = tpu.vector_load_idx %arg7[%add3A_200, %add3A_411, %sub3A_415] masked %lt3A_407 : memref<4x8x2048xf32, #tpu.memory_space<vmem>>[vector<16xi32>, vector<16xi32>, vector<16xi32>], vector<16xf32>, vector<16xi1>
          tpu.vector_store_idx %arg9[%add3A_411, %gather3A], %gather3A_416 masked %lt3A_407 : memref<8x4096xf32, #tpu.memory_space<vmem>>[vector<16xi32>, vector<16xi32>], vector<16xf32>, vector<16xi1>
          %add3A_417 = arith.constant 1 : i32
          %add3A_418 = vector.broadcast %add3A_417 : i32 to vector<16xi32>
          %add3A_419 = arith.addi %add3A_418, %broadcast_in_dim3A_3 : vector<16xi32>
          %mul3A_420 = arith.constant 2048 : i32
          %mul3A_421 = arith.muli %add3A_184, %mul3A_420 : i32
          %sub3A_422 = vector.broadcast %mul3A_421 : i32 to vector<16xi32>
          %sub3A_423 = arith.subi %gather3A_408, %sub3A_422 : vector<16xi32>
          %gather3A_424 = tpu.vector_load_idx %arg7[%add3A_200, %add3A_419, %sub3A_423] masked %lt3A_407 : memref<4x8x2048xf32, #tpu.memory_space<vmem>>[vector<16xi32>, vector<16xi32>, vector<16xi32>], vector<16xf32>, vector<16xi1>
          tpu.vector_store_idx %arg9[%add3A_419, %gather3A], %gather3A_424 masked %lt3A_407 : memref<8x4096xf32, #tpu.memory_space<vmem>>[vector<16xi32>, vector<16xi32>], vector<16xf32>, vector<16xi1>
          %add3A_425 = arith.constant 2 : i32
          %add3A_426 = vector.broadcast %add3A_425 : i32 to vector<16xi32>
          %add3A_427 = arith.addi %add3A_426, %broadcast_in_dim3A_3 : vector<16xi32>
          %mul3A_428 = arith.constant 2048 : i32
          %mul3A_429 = arith.muli %add3A_184, %mul3A_428 : i32
          %sub3A_430 = vector.broadcast %mul3A_429 : i32 to vector<16xi32>
          %sub3A_431 = arith.subi %gather3A_408, %sub3A_430 : vector<16xi32>
          %gather3A_432 = tpu.vector_load_idx %arg7[%add3A_200, %add3A_427, %sub3A_431] masked %lt3A_407 : memref<4x8x2048xf32, #tpu.memory_space<vmem>>[vector<16xi32>, vector<16xi32>, vector<16xi32>], vector<16xf32>, vector<16xi1>
          tpu.vector_store_idx %arg9[%add3A_427, %gather3A], %gather3A_432 masked %lt3A_407 : memref<8x4096xf32, #tpu.memory_space<vmem>>[vector<16xi32>, vector<16xi32>], vector<16xf32>, vector<16xi1>
          %add3A_433 = arith.constant 3 : i32
          %add3A_434 = vector.broadcast %add3A_433 : i32 to vector<16xi32>
          %add3A_435 = arith.addi %add3A_434, %broadcast_in_dim3A_3 : vector<16xi32>
          %mul3A_436 = arith.constant 2048 : i32
          %mul3A_437 = arith.muli %add3A_184, %mul3A_436 : i32
          %sub3A_438 = vector.broadcast %mul3A_437 : i32 to vector<16xi32>
          %sub3A_439 = arith.subi %gather3A_408, %sub3A_438 : vector<16xi32>
          %gather3A_440 = tpu.vector_load_idx %arg7[%add3A_200, %add3A_435, %sub3A_439] masked %lt3A_407 : memref<4x8x2048xf32, #tpu.memory_space<vmem>>[vector<16xi32>, vector<16xi32>, vector<16xi32>], vector<16xf32>, vector<16xi1>
          tpu.vector_store_idx %arg9[%add3A_435, %gather3A], %gather3A_440 masked %lt3A_407 : memref<8x4096xf32, #tpu.memory_space<vmem>>[vector<16xi32>, vector<16xi32>], vector<16xf32>, vector<16xi1>
          %add3A_441 = arith.constant 4 : i32
          %add3A_442 = vector.broadcast %add3A_441 : i32 to vector<16xi32>
          %add3A_443 = arith.addi %add3A_442, %broadcast_in_dim3A_3 : vector<16xi32>
          %mul3A_444 = arith.constant 2048 : i32
          %mul3A_445 = arith.muli %add3A_184, %mul3A_444 : i32
          %sub3A_446 = vector.broadcast %mul3A_445 : i32 to vector<16xi32>
          %sub3A_447 = arith.subi %gather3A_408, %sub3A_446 : vector<16xi32>
          %gather3A_448 = tpu.vector_load_idx %arg7[%add3A_200, %add3A_443, %sub3A_447] masked %lt3A_407 : memref<4x8x2048xf32, #tpu.memory_space<vmem>>[vector<16xi32>, vector<16xi32>, vector<16xi32>], vector<16xf32>, vector<16xi1>
          tpu.vector_store_idx %arg9[%add3A_443, %gather3A], %gather3A_448 masked %lt3A_407 : memref<8x4096xf32, #tpu.memory_space<vmem>>[vector<16xi32>, vector<16xi32>], vector<16xf32>, vector<16xi1>
          %add3A_449 = arith.constant 5 : i32
          %add3A_450 = vector.broadcast %add3A_449 : i32 to vector<16xi32>
          %add3A_451 = arith.addi %add3A_450, %broadcast_in_dim3A_3 : vector<16xi32>
          %mul3A_452 = arith.constant 2048 : i32
          %mul3A_453 = arith.muli %add3A_184, %mul3A_452 : i32
          %sub3A_454 = vector.broadcast %mul3A_453 : i32 to vector<16xi32>
          %sub3A_455 = arith.subi %gather3A_408, %sub3A_454 : vector<16xi32>
          %gather3A_456 = tpu.vector_load_idx %arg7[%add3A_200, %add3A_451, %sub3A_455] masked %lt3A_407 : memref<4x8x2048xf32, #tpu.memory_space<vmem>>[vector<16xi32>, vector<16xi32>, vector<16xi32>], vector<16xf32>, vector<16xi1>
          tpu.vector_store_idx %arg9[%add3A_451, %gather3A], %gather3A_456 masked %lt3A_407 : memref<8x4096xf32, #tpu.memory_space<vmem>>[vector<16xi32>, vector<16xi32>], vector<16xf32>, vector<16xi1>
          %add3A_457 = arith.constant 6 : i32
          %add3A_458 = vector.broadcast %add3A_457 : i32 to vector<16xi32>
          %add3A_459 = arith.addi %add3A_458, %broadcast_in_dim3A_3 : vector<16xi32>
          %mul3A_460 = arith.constant 2048 : i32
          %mul3A_461 = arith.muli %add3A_184, %mul3A_460 : i32
          %sub3A_462 = vector.broadcast %mul3A_461 : i32 to vector<16xi32>
          %sub3A_463 = arith.subi %gather3A_408, %sub3A_462 : vector<16xi32>
          %gather3A_464 = tpu.vector_load_idx %arg7[%add3A_200, %add3A_459, %sub3A_463] masked %lt3A_407 : memref<4x8x2048xf32, #tpu.memory_space<vmem>>[vector<16xi32>, vector<16xi32>, vector<16xi32>], vector<16xf32>, vector<16xi1>
          tpu.vector_store_idx %arg9[%add3A_459, %gather3A], %gather3A_464 masked %lt3A_407 : memref<8x4096xf32, #tpu.memory_space<vmem>>[vector<16xi32>, vector<16xi32>], vector<16xf32>, vector<16xi1>
          %add3A_465 = arith.constant 7 : i32
          %add3A_466 = vector.broadcast %add3A_465 : i32 to vector<16xi32>
          %add3A_467 = arith.addi %add3A_466, %broadcast_in_dim3A_3 : vector<16xi32>
          %mul3A_468 = arith.constant 2048 : i32
          %mul3A_469 = arith.muli %add3A_184, %mul3A_468 : i32
          %sub3A_470 = vector.broadcast %mul3A_469 : i32 to vector<16xi32>
          %sub3A_471 = arith.subi %gather3A_408, %sub3A_470 : vector<16xi32>
          %gather3A_472 = tpu.vector_load_idx %arg7[%add3A_200, %add3A_467, %sub3A_471] masked %lt3A_407 : memref<4x8x2048xf32, #tpu.memory_space<vmem>>[vector<16xi32>, vector<16xi32>, vector<16xi32>], vector<16xf32>, vector<16xi1>
          tpu.vector_store_idx %arg9[%add3A_467, %gather3A], %gather3A_472 masked %lt3A_407 : memref<8x4096xf32, #tpu.memory_space<vmem>>[vector<16xi32>, vector<16xi32>], vector<16xf32>, vector<16xi1>
        }
        %add3A_222 = arith.constant 4 : i32
        %add3A_223 = arith.addi %add3A_184, %add3A_222 : i32
        %lt3A_224 = arith.constant 48 : i32
        %lt3A_225 = arith.cmpi slt, %add3A_223, %lt3A_224 : i32
        %convert_element_type3A_226 = arith.extui %lt3A_225 : i1 to i32
        %cond3A_227 = arith.constant 0 : i32
        %cond3A_228 = arith.cmpi ne, %convert_element_type3A_226, %cond3A_227 : i32
        scf.if %cond3A_228 {
          %add3A_400 = arith.constant 4 : i32
          %add3A_401 = arith.addi %add3A_184, %add3A_400 : i32
          %mul3A_402 = arith.constant 2048 : i32
          %mul3A_403 = arith.muli %add3A_401, %mul3A_402 : i32
          %multiple_of3A_404 = tpu.assume_multiple %mul3A_403, 128 : i32
          %dma_start3A_405 = arith.constant 0 : i32
          %dma_start3A_406 = arith.constant 0 : i32
          %dma_start3A_407 = arith.constant 0 : i32
          %dma_start3A_408 = tpu.memref_slice %arg7[%dma_start3A_405, %dma_start3A_406, %dma_start3A_407] : memref<4x8x2048xf32, #tpu.memory_space<vmem>> -> memref<1x8x2048xf32, #tpu.memory_space<vmem>>
          %dma_start3A_409 = tpu.memref_squeeze %dma_start3A_408 : memref<1x8x2048xf32, #tpu.memory_space<vmem>> -> memref<8x2048xf32, #tpu.memory_space<vmem>>
          %dma_start3A_410 = tpu.memref_slice %arg3[%multiple_of3A, %multiple_of3A_404] : memref<416x100000xf32, #tpu.memory_space<hbm>> -> memref<8x2048xf32, #tpu.memory_space<hbm>>
          %dma_start3A_411 = arith.constant 0 : i32
          %dma_start3A_412 = arith.constant 0 : i32
          %dma_start3A_413 = tpu.memref_slice %arg7[%dma_start3A_405, %dma_start3A_411, %dma_start3A_412] : memref<4x8x2048xf32, #tpu.memory_space<vmem>> -> memref<1x8x2048xf32, #tpu.memory_space<vmem>>
          %dma_start3A_414 = tpu.memref_squeeze %dma_start3A_413 : memref<1x8x2048xf32, #tpu.memory_space<vmem>> -> memref<8x2048xf32, #tpu.memory_space<vmem>>
          %dma_start3A_415 = tpu.memref_slice %arg3[%multiple_of3A, %multiple_of3A_404] : memref<416x100000xf32, #tpu.memory_space<hbm>> -> memref<8x2048xf32, #tpu.memory_space<hbm>>
          tpu.enqueue_dma source(%dma_start3A_415 : memref<8x2048xf32, #tpu.memory_space<hbm>>) target(%dma_start3A_414 : memref<8x2048xf32, #tpu.memory_space<vmem>>) target_semaphore(%arg14 : memref<!tpu.dma_semaphore, #tpu.memory_space<semaphore_mem>>)
        } else {
        }
        %add3A_229 = arith.constant 4 : i32
        %add3A_230 = arith.addi %add3A_184, %add3A_229 : i32
        %eq3A = arith.constant 48 : i32
        %eq3A_231 = arith.cmpi eq, %add3A_230, %eq3A : i32
        %convert_element_type3A_232 = arith.extui %eq3A_231 : i1 to i32
        %cond3A_233 = arith.constant 0 : i32
        %cond3A_234 = arith.cmpi ne, %convert_element_type3A_232, %cond3A_233 : i32
        scf.if %cond3A_234 {
          %multiple_of3A_400 = arith.constant 98304 : i32
          %multiple_of3A_401 = tpu.assume_multiple %multiple_of3A_400, 128 : i32
          %dma_start3A_402 = arith.constant 0 : i32
          %dma_start3A_403 = arith.constant 0 : i32
          %dma_start3A_404 = arith.constant 0 : i32
          %dma_start3A_405 = tpu.memref_slice %arg7[%dma_start3A_402, %dma_start3A_403, %dma_start3A_404] : memref<4x8x2048xf32, #tpu.memory_space<vmem>> -> memref<1x8x1664xf32, #tpu.memory_space<vmem>>
          %dma_start3A_406 = tpu.memref_squeeze %dma_start3A_405 : memref<1x8x1664xf32, #tpu.memory_space<vmem>> -> memref<8x1664xf32, #tpu.memory_space<vmem>>
          %dma_start3A_407 = tpu.memref_slice %arg3[%multiple_of3A, %multiple_of3A_401] : memref<416x100000xf32, #tpu.memory_space<hbm>> -> memref<8x1664xf32, #tpu.memory_space<hbm>>
          %dma_start3A_408 = arith.constant 0 : i32
          %dma_start3A_409 = arith.constant 0 : i32
          %dma_start3A_410 = tpu.memref_slice %arg7[%dma_start3A_402, %dma_start3A_408, %dma_start3A_409] : memref<4x8x2048xf32, #tpu.memory_space<vmem>> -> memref<1x8x1664xf32, #tpu.memory_space<vmem>>
          %dma_start3A_411 = tpu.memref_squeeze %dma_start3A_410 : memref<1x8x1664xf32, #tpu.memory_space<vmem>> -> memref<8x1664xf32, #tpu.memory_space<vmem>>
          %dma_start3A_412 = tpu.memref_slice %arg3[%multiple_of3A, %multiple_of3A_401] : memref<416x100000xf32, #tpu.memory_space<hbm>> -> memref<8x1664xf32, #tpu.memory_space<hbm>>
          tpu.enqueue_dma source(%dma_start3A_412 : memref<8x1664xf32, #tpu.memory_space<hbm>>) target(%dma_start3A_411 : memref<8x1664xf32, #tpu.memory_space<vmem>>) target_semaphore(%arg14 : memref<!tpu.dma_semaphore, #tpu.memory_space<semaphore_mem>>)
        } else {
        }
        %mul3A_235 = arith.constant 4 : i32
        %mul3A_236 = arith.muli %scan3A_180, %mul3A_235 : i32
        %add3A_237 = arith.constant 1 : i32
        %add3A_238 = arith.addi %mul3A_236, %add3A_237 : i32
        %dma_wait3A_239 = arith.constant 1 : i32
        %dma_wait3A_240 = arith.constant 0 : i32
        %dma_wait3A_241 = arith.constant 0 : i32
        %dma_wait3A_242 = tpu.memref_slice %arg7[%dma_wait3A_239, %dma_wait3A_240, %dma_wait3A_241] : memref<4x8x2048xf32, #tpu.memory_space<vmem>> -> memref<1x8x2048xf32, #tpu.memory_space<vmem>>
        %dma_wait3A_243 = tpu.memref_squeeze %dma_wait3A_242 : memref<1x8x2048xf32, #tpu.memory_space<vmem>> -> memref<8x2048xf32, #tpu.memory_space<vmem>>
        %dma_wait3A_244 = arith.constant 0 : i32
        %dma_wait3A_245 = tpu.memref_slice %arg3[%multiple_of3A, %dma_wait3A_244] : memref<416x100000xf32, #tpu.memory_space<hbm>> -> memref<8x2048xf32, #tpu.memory_space<hbm>>
        %dma_wait3A_246 = arith.constant 0 : i32
        %dma_wait3A_247 = arith.constant 0 : i32
        %dma_wait3A_248 = tpu.memref_slice %arg7[%dma_wait3A_239, %dma_wait3A_246, %dma_wait3A_247] : memref<4x8x2048xf32, #tpu.memory_space<vmem>> -> memref<1x8x2048xf32, #tpu.memory_space<vmem>>
        %dma_wait3A_249 = tpu.memref_squeeze %dma_wait3A_248 : memref<1x8x2048xf32, #tpu.memory_space<vmem>> -> memref<8x2048xf32, #tpu.memory_space<vmem>>
        %dma_wait3A_250 = arith.constant 0 : i32
        %dma_wait3A_251 = tpu.memref_slice %arg3[%multiple_of3A, %dma_wait3A_250] : memref<416x100000xf32, #tpu.memory_space<hbm>> -> memref<8x2048xf32, #tpu.memory_space<hbm>>
        tpu.wait_dma2 semaphore(%arg15 : memref<!tpu.dma_semaphore, #tpu.memory_space<semaphore_mem>>) src(%dma_wait3A_251 : memref<8x2048xf32, #tpu.memory_space<hbm>>) dst(%dma_wait3A_249 : memref<8x2048xf32, #tpu.memory_space<vmem>>)
        %add3A_252 = arith.constant 1 : i32
        %add3A_253 = vector.broadcast %add3A_252 : i32 to vector<16xi32>
        %add3A_254 = arith.addi %add3A_253, %broadcast_in_dim3A_3 : vector<16xi32>
        %get3A_255 = arith.index_cast %add3A_238 : i32 to index
        %get3A_256 = memref.load %arg13[%get3A_255] : memref<51xi32, #tpu.memory_space<smem>>
        %add3A_257 = arith.constant 1 : i32
        %add3A_258 = arith.addi %add3A_238, %add3A_257 : i32
        %get3A_259 = arith.index_cast %add3A_258 : i32 to index
        %get3A_260 = memref.load %arg13[%get3A_259] : memref<51xi32, #tpu.memory_space<smem>>
        %sub3A_261 = arith.subi %get3A_260, %get3A_256 : i32
        %add3A_262 = arith.constant 15 : i32
        %add3A_263 = arith.addi %sub3A_261, %add3A_262 : i32
        %shift_right_logical3A_264 = arith.constant 4 : i32
        %shift_right_logical3A_265 = arith.shrui %add3A_263, %shift_right_logical3A_264 : i32
        %while3A_266 = arith.constant 0 : i32
        %while3A_267 = arith.constant 0 : i32
        %while3A_268 = arith.subi %shift_right_logical3A_265, %while3A_267 : i32
        %while3A_269 = arith.addi %while3A_267, %while3A_268 : i32
        %while3A_270 = arith.constant 1 : i32
        %while3A_271 = arith.divsi %while3A_268, %while3A_270 : i32
        %while3A_272 = arith.muli %while3A_271, %while3A_270 : i32
        %while3A_273 = arith.addi %while3A_267, %while3A_272 : i32
        %while3A_274 = arith.constant 1 : i32
        scf.for %while3A_400 = %while3A_267 to %while3A_273 step %while3A_274  : i32 {
          %mul3A_401 = arith.constant 16 : i32
          %mul3A_402 = arith.muli %while3A_400, %mul3A_401 : i32
          %add3A_403 = arith.addi %get3A_256, %mul3A_402 : i32
          %add3A_404 = vector.broadcast %add3A_403 : i32 to vector<16xi32>
          %add3A_405 = arith.addi %add3A_404, %iota3A : vector<16xi32>
          %lt3A_406 = vector.broadcast %get3A_260 : i32 to vector<16xi32>
          %lt3A_407 = arith.cmpi slt, %add3A_405, %lt3A_406 : vector<16xi32>
          %gather3A = tpu.vector_load_idx %arg10[%add3A_405] masked %lt3A_407 : memref<4112xi32, #tpu.memory_space<vmem>>[vector<16xi32>], vector<16xi32>, vector<16xi1>
          %gather3A_408 = tpu.vector_load_idx %arg11[%add3A_405] masked %lt3A_407 : memref<4112xi32, #tpu.memory_space<vmem>>[vector<16xi32>], vector<16xi32>, vector<16xi1>
          %add3A_409 = arith.constant 0 : i32
          %add3A_410 = vector.broadcast %add3A_409 : i32 to vector<16xi32>
          %add3A_411 = arith.addi %add3A_410, %broadcast_in_dim3A_3 : vector<16xi32>
          %mul3A_412 = arith.constant 2048 : i32
          %mul3A_413 = arith.muli %add3A_238, %mul3A_412 : i32
          %sub3A_414 = vector.broadcast %mul3A_413 : i32 to vector<16xi32>
          %sub3A_415 = arith.subi %gather3A_408, %sub3A_414 : vector<16xi32>
          %gather3A_416 = tpu.vector_load_idx %arg7[%add3A_254, %add3A_411, %sub3A_415] masked %lt3A_407 : memref<4x8x2048xf32, #tpu.memory_space<vmem>>[vector<16xi32>, vector<16xi32>, vector<16xi32>], vector<16xf32>, vector<16xi1>
          tpu.vector_store_idx %arg9[%add3A_411, %gather3A], %gather3A_416 masked %lt3A_407 : memref<8x4096xf32, #tpu.memory_space<vmem>>[vector<16xi32>, vector<16xi32>], vector<16xf32>, vector<16xi1>
          %add3A_417 = arith.constant 1 : i32
          %add3A_418 = vector.broadcast %add3A_417 : i32 to vector<16xi32>
          %add3A_419 = arith.addi %add3A_418, %broadcast_in_dim3A_3 : vector<16xi32>
          %mul3A_420 = arith.constant 2048 : i32
          %mul3A_421 = arith.muli %add3A_238, %mul3A_420 : i32
          %sub3A_422 = vector.broadcast %mul3A_421 : i32 to vector<16xi32>
          %sub3A_423 = arith.subi %gather3A_408, %sub3A_422 : vector<16xi32>
          %gather3A_424 = tpu.vector_load_idx %arg7[%add3A_254, %add3A_419, %sub3A_423] masked %lt3A_407 : memref<4x8x2048xf32, #tpu.memory_space<vmem>>[vector<16xi32>, vector<16xi32>, vector<16xi32>], vector<16xf32>, vector<16xi1>
          tpu.vector_store_idx %arg9[%add3A_419, %gather3A], %gather3A_424 masked %lt3A_407 : memref<8x4096xf32, #tpu.memory_space<vmem>>[vector<16xi32>, vector<16xi32>], vector<16xf32>, vector<16xi1>
          %add3A_425 = arith.constant 2 : i32
          %add3A_426 = vector.broadcast %add3A_425 : i32 to vector<16xi32>
          %add3A_427 = arith.addi %add3A_426, %broadcast_in_dim3A_3 : vector<16xi32>
          %mul3A_428 = arith.constant 2048 : i32
          %mul3A_429 = arith.muli %add3A_238, %mul3A_428 : i32
          %sub3A_430 = vector.broadcast %mul3A_429 : i32 to vector<16xi32>
          %sub3A_431 = arith.subi %gather3A_408, %sub3A_430 : vector<16xi32>
          %gather3A_432 = tpu.vector_load_idx %arg7[%add3A_254, %add3A_427, %sub3A_431] masked %lt3A_407 : memref<4x8x2048xf32, #tpu.memory_space<vmem>>[vector<16xi32>, vector<16xi32>, vector<16xi32>], vector<16xf32>, vector<16xi1>
          tpu.vector_store_idx %arg9[%add3A_427, %gather3A], %gather3A_432 masked %lt3A_407 : memref<8x4096xf32, #tpu.memory_space<vmem>>[vector<16xi32>, vector<16xi32>], vector<16xf32>, vector<16xi1>
          %add3A_433 = arith.constant 3 : i32
          %add3A_434 = vector.broadcast %add3A_433 : i32 to vector<16xi32>
          %add3A_435 = arith.addi %add3A_434, %broadcast_in_dim3A_3 : vector<16xi32>
          %mul3A_436 = arith.constant 2048 : i32
          %mul3A_437 = arith.muli %add3A_238, %mul3A_436 : i32
          %sub3A_438 = vector.broadcast %mul3A_437 : i32 to vector<16xi32>
          %sub3A_439 = arith.subi %gather3A_408, %sub3A_438 : vector<16xi32>
          %gather3A_440 = tpu.vector_load_idx %arg7[%add3A_254, %add3A_435, %sub3A_439] masked %lt3A_407 : memref<4x8x2048xf32, #tpu.memory_space<vmem>>[vector<16xi32>, vector<16xi32>, vector<16xi32>], vector<16xf32>, vector<16xi1>
          tpu.vector_store_idx %arg9[%add3A_435, %gather3A], %gather3A_440 masked %lt3A_407 : memref<8x4096xf32, #tpu.memory_space<vmem>>[vector<16xi32>, vector<16xi32>], vector<16xf32>, vector<16xi1>
          %add3A_441 = arith.constant 4 : i32
          %add3A_442 = vector.broadcast %add3A_441 : i32 to vector<16xi32>
          %add3A_443 = arith.addi %add3A_442, %broadcast_in_dim3A_3 : vector<16xi32>
          %mul3A_444 = arith.constant 2048 : i32
          %mul3A_445 = arith.muli %add3A_238, %mul3A_444 : i32
          %sub3A_446 = vector.broadcast %mul3A_445 : i32 to vector<16xi32>
          %sub3A_447 = arith.subi %gather3A_408, %sub3A_446 : vector<16xi32>
          %gather3A_448 = tpu.vector_load_idx %arg7[%add3A_254, %add3A_443, %sub3A_447] masked %lt3A_407 : memref<4x8x2048xf32, #tpu.memory_space<vmem>>[vector<16xi32>, vector<16xi32>, vector<16xi32>], vector<16xf32>, vector<16xi1>
          tpu.vector_store_idx %arg9[%add3A_443, %gather3A], %gather3A_448 masked %lt3A_407 : memref<8x4096xf32, #tpu.memory_space<vmem>>[vector<16xi32>, vector<16xi32>], vector<16xf32>, vector<16xi1>
          %add3A_449 = arith.constant 5 : i32
          %add3A_450 = vector.broadcast %add3A_449 : i32 to vector<16xi32>
          %add3A_451 = arith.addi %add3A_450, %broadcast_in_dim3A_3 : vector<16xi32>
          %mul3A_452 = arith.constant 2048 : i32
          %mul3A_453 = arith.muli %add3A_238, %mul3A_452 : i32
          %sub3A_454 = vector.broadcast %mul3A_453 : i32 to vector<16xi32>
          %sub3A_455 = arith.subi %gather3A_408, %sub3A_454 : vector<16xi32>
          %gather3A_456 = tpu.vector_load_idx %arg7[%add3A_254, %add3A_451, %sub3A_455] masked %lt3A_407 : memref<4x8x2048xf32, #tpu.memory_space<vmem>>[vector<16xi32>, vector<16xi32>, vector<16xi32>], vector<16xf32>, vector<16xi1>
          tpu.vector_store_idx %arg9[%add3A_451, %gather3A], %gather3A_456 masked %lt3A_407 : memref<8x4096xf32, #tpu.memory_space<vmem>>[vector<16xi32>, vector<16xi32>], vector<16xf32>, vector<16xi1>
          %add3A_457 = arith.constant 6 : i32
          %add3A_458 = vector.broadcast %add3A_457 : i32 to vector<16xi32>
          %add3A_459 = arith.addi %add3A_458, %broadcast_in_dim3A_3 : vector<16xi32>
          %mul3A_460 = arith.constant 2048 : i32
          %mul3A_461 = arith.muli %add3A_238, %mul3A_460 : i32
          %sub3A_462 = vector.broadcast %mul3A_461 : i32 to vector<16xi32>
          %sub3A_463 = arith.subi %gather3A_408, %sub3A_462 : vector<16xi32>
          %gather3A_464 = tpu.vector_load_idx %arg7[%add3A_254, %add3A_459, %sub3A_463] masked %lt3A_407 : memref<4x8x2048xf32, #tpu.memory_space<vmem>>[vector<16xi32>, vector<16xi32>, vector<16xi32>], vector<16xf32>, vector<16xi1>
          tpu.vector_store_idx %arg9[%add3A_459, %gather3A], %gather3A_464 masked %lt3A_407 : memref<8x4096xf32, #tpu.memory_space<vmem>>[vector<16xi32>, vector<16xi32>], vector<16xf32>, vector<16xi1>
          %add3A_465 = arith.constant 7 : i32
          %add3A_466 = vector.broadcast %add3A_465 : i32 to vector<16xi32>
          %add3A_467 = arith.addi %add3A_466, %broadcast_in_dim3A_3 : vector<16xi32>
          %mul3A_468 = arith.constant 2048 : i32
          %mul3A_469 = arith.muli %add3A_238, %mul3A_468 : i32
          %sub3A_470 = vector.broadcast %mul3A_469 : i32 to vector<16xi32>
          %sub3A_471 = arith.subi %gather3A_408, %sub3A_470 : vector<16xi32>
          %gather3A_472 = tpu.vector_load_idx %arg7[%add3A_254, %add3A_467, %sub3A_471] masked %lt3A_407 : memref<4x8x2048xf32, #tpu.memory_space<vmem>>[vector<16xi32>, vector<16xi32>, vector<16xi32>], vector<16xf32>, vector<16xi1>
          tpu.vector_store_idx %arg9[%add3A_467, %gather3A], %gather3A_472 masked %lt3A_407 : memref<8x4096xf32, #tpu.memory_space<vmem>>[vector<16xi32>, vector<16xi32>], vector<16xf32>, vector<16xi1>
        }
        %while3A_275 = arith.constant 1 : i32
        scf.for %while3A_400 = %while3A_273 to %while3A_269 step %while3A_275  : i32 {
          %mul3A_401 = arith.constant 16 : i32
          %mul3A_402 = arith.muli %while3A_400, %mul3A_401 : i32
          %add3A_403 = arith.addi %get3A_256, %mul3A_402 : i32
          %add3A_404 = vector.broadcast %add3A_403 : i32 to vector<16xi32>
          %add3A_405 = arith.addi %add3A_404, %iota3A : vector<16xi32>
          %lt3A_406 = vector.broadcast %get3A_260 : i32 to vector<16xi32>
          %lt3A_407 = arith.cmpi slt, %add3A_405, %lt3A_406 : vector<16xi32>
          %gather3A = tpu.vector_load_idx %arg10[%add3A_405] masked %lt3A_407 : memref<4112xi32, #tpu.memory_space<vmem>>[vector<16xi32>], vector<16xi32>, vector<16xi1>
          %gather3A_408 = tpu.vector_load_idx %arg11[%add3A_405] masked %lt3A_407 : memref<4112xi32, #tpu.memory_space<vmem>>[vector<16xi32>], vector<16xi32>, vector<16xi1>
          %add3A_409 = arith.constant 0 : i32
          %add3A_410 = vector.broadcast %add3A_409 : i32 to vector<16xi32>
          %add3A_411 = arith.addi %add3A_410, %broadcast_in_dim3A_3 : vector<16xi32>
          %mul3A_412 = arith.constant 2048 : i32
          %mul3A_413 = arith.muli %add3A_238, %mul3A_412 : i32
          %sub3A_414 = vector.broadcast %mul3A_413 : i32 to vector<16xi32>
          %sub3A_415 = arith.subi %gather3A_408, %sub3A_414 : vector<16xi32>
          %gather3A_416 = tpu.vector_load_idx %arg7[%add3A_254, %add3A_411, %sub3A_415] masked %lt3A_407 : memref<4x8x2048xf32, #tpu.memory_space<vmem>>[vector<16xi32>, vector<16xi32>, vector<16xi32>], vector<16xf32>, vector<16xi1>
          tpu.vector_store_idx %arg9[%add3A_411, %gather3A], %gather3A_416 masked %lt3A_407 : memref<8x4096xf32, #tpu.memory_space<vmem>>[vector<16xi32>, vector<16xi32>], vector<16xf32>, vector<16xi1>
          %add3A_417 = arith.constant 1 : i32
          %add3A_418 = vector.broadcast %add3A_417 : i32 to vector<16xi32>
          %add3A_419 = arith.addi %add3A_418, %broadcast_in_dim3A_3 : vector<16xi32>
          %mul3A_420 = arith.constant 2048 : i32
          %mul3A_421 = arith.muli %add3A_238, %mul3A_420 : i32
          %sub3A_422 = vector.broadcast %mul3A_421 : i32 to vector<16xi32>
          %sub3A_423 = arith.subi %gather3A_408, %sub3A_422 : vector<16xi32>
          %gather3A_424 = tpu.vector_load_idx %arg7[%add3A_254, %add3A_419, %sub3A_423] masked %lt3A_407 : memref<4x8x2048xf32, #tpu.memory_space<vmem>>[vector<16xi32>, vector<16xi32>, vector<16xi32>], vector<16xf32>, vector<16xi1>
          tpu.vector_store_idx %arg9[%add3A_419, %gather3A], %gather3A_424 masked %lt3A_407 : memref<8x4096xf32, #tpu.memory_space<vmem>>[vector<16xi32>, vector<16xi32>], vector<16xf32>, vector<16xi1>
          %add3A_425 = arith.constant 2 : i32
          %add3A_426 = vector.broadcast %add3A_425 : i32 to vector<16xi32>
          %add3A_427 = arith.addi %add3A_426, %broadcast_in_dim3A_3 : vector<16xi32>
          %mul3A_428 = arith.constant 2048 : i32
          %mul3A_429 = arith.muli %add3A_238, %mul3A_428 : i32
          %sub3A_430 = vector.broadcast %mul3A_429 : i32 to vector<16xi32>
          %sub3A_431 = arith.subi %gather3A_408, %sub3A_430 : vector<16xi32>
          %gather3A_432 = tpu.vector_load_idx %arg7[%add3A_254, %add3A_427, %sub3A_431] masked %lt3A_407 : memref<4x8x2048xf32, #tpu.memory_space<vmem>>[vector<16xi32>, vector<16xi32>, vector<16xi32>], vector<16xf32>, vector<16xi1>
          tpu.vector_store_idx %arg9[%add3A_427, %gather3A], %gather3A_432 masked %lt3A_407 : memref<8x4096xf32, #tpu.memory_space<vmem>>[vector<16xi32>, vector<16xi32>], vector<16xf32>, vector<16xi1>
          %add3A_433 = arith.constant 3 : i32
          %add3A_434 = vector.broadcast %add3A_433 : i32 to vector<16xi32>
          %add3A_435 = arith.addi %add3A_434, %broadcast_in_dim3A_3 : vector<16xi32>
          %mul3A_436 = arith.constant 2048 : i32
          %mul3A_437 = arith.muli %add3A_238, %mul3A_436 : i32
          %sub3A_438 = vector.broadcast %mul3A_437 : i32 to vector<16xi32>
          %sub3A_439 = arith.subi %gather3A_408, %sub3A_438 : vector<16xi32>
          %gather3A_440 = tpu.vector_load_idx %arg7[%add3A_254, %add3A_435, %sub3A_439] masked %lt3A_407 : memref<4x8x2048xf32, #tpu.memory_space<vmem>>[vector<16xi32>, vector<16xi32>, vector<16xi32>], vector<16xf32>, vector<16xi1>
          tpu.vector_store_idx %arg9[%add3A_435, %gather3A], %gather3A_440 masked %lt3A_407 : memref<8x4096xf32, #tpu.memory_space<vmem>>[vector<16xi32>, vector<16xi32>], vector<16xf32>, vector<16xi1>
          %add3A_441 = arith.constant 4 : i32
          %add3A_442 = vector.broadcast %add3A_441 : i32 to vector<16xi32>
          %add3A_443 = arith.addi %add3A_442, %broadcast_in_dim3A_3 : vector<16xi32>
          %mul3A_444 = arith.constant 2048 : i32
          %mul3A_445 = arith.muli %add3A_238, %mul3A_444 : i32
          %sub3A_446 = vector.broadcast %mul3A_445 : i32 to vector<16xi32>
          %sub3A_447 = arith.subi %gather3A_408, %sub3A_446 : vector<16xi32>
          %gather3A_448 = tpu.vector_load_idx %arg7[%add3A_254, %add3A_443, %sub3A_447] masked %lt3A_407 : memref<4x8x2048xf32, #tpu.memory_space<vmem>>[vector<16xi32>, vector<16xi32>, vector<16xi32>], vector<16xf32>, vector<16xi1>
          tpu.vector_store_idx %arg9[%add3A_443, %gather3A], %gather3A_448 masked %lt3A_407 : memref<8x4096xf32, #tpu.memory_space<vmem>>[vector<16xi32>, vector<16xi32>], vector<16xf32>, vector<16xi1>
          %add3A_449 = arith.constant 5 : i32
          %add3A_450 = vector.broadcast %add3A_449 : i32 to vector<16xi32>
          %add3A_451 = arith.addi %add3A_450, %broadcast_in_dim3A_3 : vector<16xi32>
          %mul3A_452 = arith.constant 2048 : i32
          %mul3A_453 = arith.muli %add3A_238, %mul3A_452 : i32
          %sub3A_454 = vector.broadcast %mul3A_453 : i32 to vector<16xi32>
          %sub3A_455 = arith.subi %gather3A_408, %sub3A_454 : vector<16xi32>
          %gather3A_456 = tpu.vector_load_idx %arg7[%add3A_254, %add3A_451, %sub3A_455] masked %lt3A_407 : memref<4x8x2048xf32, #tpu.memory_space<vmem>>[vector<16xi32>, vector<16xi32>, vector<16xi32>], vector<16xf32>, vector<16xi1>
          tpu.vector_store_idx %arg9[%add3A_451, %gather3A], %gather3A_456 masked %lt3A_407 : memref<8x4096xf32, #tpu.memory_space<vmem>>[vector<16xi32>, vector<16xi32>], vector<16xf32>, vector<16xi1>
          %add3A_457 = arith.constant 6 : i32
          %add3A_458 = vector.broadcast %add3A_457 : i32 to vector<16xi32>
          %add3A_459 = arith.addi %add3A_458, %broadcast_in_dim3A_3 : vector<16xi32>
          %mul3A_460 = arith.constant 2048 : i32
          %mul3A_461 = arith.muli %add3A_238, %mul3A_460 : i32
          %sub3A_462 = vector.broadcast %mul3A_461 : i32 to vector<16xi32>
          %sub3A_463 = arith.subi %gather3A_408, %sub3A_462 : vector<16xi32>
          %gather3A_464 = tpu.vector_load_idx %arg7[%add3A_254, %add3A_459, %sub3A_463] masked %lt3A_407 : memref<4x8x2048xf32, #tpu.memory_space<vmem>>[vector<16xi32>, vector<16xi32>, vector<16xi32>], vector<16xf32>, vector<16xi1>
          tpu.vector_store_idx %arg9[%add3A_459, %gather3A], %gather3A_464 masked %lt3A_407 : memref<8x4096xf32, #tpu.memory_space<vmem>>[vector<16xi32>, vector<16xi32>], vector<16xf32>, vector<16xi1>
          %add3A_465 = arith.constant 7 : i32
          %add3A_466 = vector.broadcast %add3A_465 : i32 to vector<16xi32>
          %add3A_467 = arith.addi %add3A_466, %broadcast_in_dim3A_3 : vector<16xi32>
          %mul3A_468 = arith.constant 2048 : i32
          %mul3A_469 = arith.muli %add3A_238, %mul3A_468 : i32
          %sub3A_470 = vector.broadcast %mul3A_469 : i32 to vector<16xi32>
          %sub3A_471 = arith.subi %gather3A_408, %sub3A_470 : vector<16xi32>
          %gather3A_472 = tpu.vector_load_idx %arg7[%add3A_254, %add3A_467, %sub3A_471] masked %lt3A_407 : memref<4x8x2048xf32, #tpu.memory_space<vmem>>[vector<16xi32>, vector<16xi32>, vector<16xi32>], vector<16xf32>, vector<16xi1>
          tpu.vector_store_idx %arg9[%add3A_467, %gather3A], %gather3A_472 masked %lt3A_407 : memref<8x4096xf32, #tpu.memory_space<vmem>>[vector<16xi32>, vector<16xi32>], vector<16xf32>, vector<16xi1>
        }
        %add3A_276 = arith.constant 4 : i32
        %add3A_277 = arith.addi %add3A_238, %add3A_276 : i32
        %lt3A_278 = arith.constant 48 : i32
        %lt3A_279 = arith.cmpi slt, %add3A_277, %lt3A_278 : i32
        %convert_element_type3A_280 = arith.extui %lt3A_279 : i1 to i32
        %cond3A_281 = arith.constant 0 : i32
        %cond3A_282 = arith.cmpi ne, %convert_element_type3A_280, %cond3A_281 : i32
        scf.if %cond3A_282 {
          %add3A_400 = arith.constant 4 : i32
          %add3A_401 = arith.addi %add3A_238, %add3A_400 : i32
          %mul3A_402 = arith.constant 2048 : i32
          %mul3A_403 = arith.muli %add3A_401, %mul3A_402 : i32
          %multiple_of3A_404 = tpu.assume_multiple %mul3A_403, 128 : i32
          %dma_start3A_405 = arith.constant 1 : i32
          %dma_start3A_406 = arith.constant 0 : i32
          %dma_start3A_407 = arith.constant 0 : i32
          %dma_start3A_408 = tpu.memref_slice %arg7[%dma_start3A_405, %dma_start3A_406, %dma_start3A_407] : memref<4x8x2048xf32, #tpu.memory_space<vmem>> -> memref<1x8x2048xf32, #tpu.memory_space<vmem>>
          %dma_start3A_409 = tpu.memref_squeeze %dma_start3A_408 : memref<1x8x2048xf32, #tpu.memory_space<vmem>> -> memref<8x2048xf32, #tpu.memory_space<vmem>>
          %dma_start3A_410 = tpu.memref_slice %arg3[%multiple_of3A, %multiple_of3A_404] : memref<416x100000xf32, #tpu.memory_space<hbm>> -> memref<8x2048xf32, #tpu.memory_space<hbm>>
          %dma_start3A_411 = arith.constant 0 : i32
          %dma_start3A_412 = arith.constant 0 : i32
          %dma_start3A_413 = tpu.memref_slice %arg7[%dma_start3A_405, %dma_start3A_411, %dma_start3A_412] : memref<4x8x2048xf32, #tpu.memory_space<vmem>> -> memref<1x8x2048xf32, #tpu.memory_space<vmem>>
          %dma_start3A_414 = tpu.memref_squeeze %dma_start3A_413 : memref<1x8x2048xf32, #tpu.memory_space<vmem>> -> memref<8x2048xf32, #tpu.memory_space<vmem>>
          %dma_start3A_415 = tpu.memref_slice %arg3[%multiple_of3A, %multiple_of3A_404] : memref<416x100000xf32, #tpu.memory_space<hbm>> -> memref<8x2048xf32, #tpu.memory_space<hbm>>
          tpu.enqueue_dma source(%dma_start3A_415 : memref<8x2048xf32, #tpu.memory_space<hbm>>) target(%dma_start3A_414 : memref<8x2048xf32, #tpu.memory_space<vmem>>) target_semaphore(%arg15 : memref<!tpu.dma_semaphore, #tpu.memory_space<semaphore_mem>>)
        } else {
        }
        %add3A_283 = arith.constant 4 : i32
        %add3A_284 = arith.addi %add3A_238, %add3A_283 : i32
        %eq3A_285 = arith.constant 48 : i32
        %eq3A_286 = arith.cmpi eq, %add3A_284, %eq3A_285 : i32
        %convert_element_type3A_287 = arith.extui %eq3A_286 : i1 to i32
        %cond3A_288 = arith.constant 0 : i32
        %cond3A_289 = arith.cmpi ne, %convert_element_type3A_287, %cond3A_288 : i32
        scf.if %cond3A_289 {
          %multiple_of3A_400 = arith.constant 98304 : i32
          %multiple_of3A_401 = tpu.assume_multiple %multiple_of3A_400, 128 : i32
          %dma_start3A_402 = arith.constant 1 : i32
          %dma_start3A_403 = arith.constant 0 : i32
          %dma_start3A_404 = arith.constant 0 : i32
          %dma_start3A_405 = tpu.memref_slice %arg7[%dma_start3A_402, %dma_start3A_403, %dma_start3A_404] : memref<4x8x2048xf32, #tpu.memory_space<vmem>> -> memref<1x8x1664xf32, #tpu.memory_space<vmem>>
          %dma_start3A_406 = tpu.memref_squeeze %dma_start3A_405 : memref<1x8x1664xf32, #tpu.memory_space<vmem>> -> memref<8x1664xf32, #tpu.memory_space<vmem>>
          %dma_start3A_407 = tpu.memref_slice %arg3[%multiple_of3A, %multiple_of3A_401] : memref<416x100000xf32, #tpu.memory_space<hbm>> -> memref<8x1664xf32, #tpu.memory_space<hbm>>
          %dma_start3A_408 = arith.constant 0 : i32
          %dma_start3A_409 = arith.constant 0 : i32
          %dma_start3A_410 = tpu.memref_slice %arg7[%dma_start3A_402, %dma_start3A_408, %dma_start3A_409] : memref<4x8x2048xf32, #tpu.memory_space<vmem>> -> memref<1x8x1664xf32, #tpu.memory_space<vmem>>
          %dma_start3A_411 = tpu.memref_squeeze %dma_start3A_410 : memref<1x8x1664xf32, #tpu.memory_space<vmem>> -> memref<8x1664xf32, #tpu.memory_space<vmem>>
          %dma_start3A_412 = tpu.memref_slice %arg3[%multiple_of3A, %multiple_of3A_401] : memref<416x100000xf32, #tpu.memory_space<hbm>> -> memref<8x1664xf32, #tpu.memory_space<hbm>>
          tpu.enqueue_dma source(%dma_start3A_412 : memref<8x1664xf32, #tpu.memory_space<hbm>>) target(%dma_start3A_411 : memref<8x1664xf32, #tpu.memory_space<vmem>>) target_semaphore(%arg15 : memref<!tpu.dma_semaphore, #tpu.memory_space<semaphore_mem>>)
        } else {
        }
        %mul3A_290 = arith.constant 4 : i32
        %mul3A_291 = arith.muli %scan3A_180, %mul3A_290 : i32
        %add3A_292 = arith.constant 2 : i32
        %add3A_293 = arith.addi %mul3A_291, %add3A_292 : i32
        %dma_wait3A_294 = arith.constant 2 : i32
        %dma_wait3A_295 = arith.constant 0 : i32
        %dma_wait3A_296 = arith.constant 0 : i32
        %dma_wait3A_297 = tpu.memref_slice %arg7[%dma_wait3A_294, %dma_wait3A_295, %dma_wait3A_296] : memref<4x8x2048xf32, #tpu.memory_space<vmem>> -> memref<1x8x2048xf32, #tpu.memory_space<vmem>>
        %dma_wait3A_298 = tpu.memref_squeeze %dma_wait3A_297 : memref<1x8x2048xf32, #tpu.memory_space<vmem>> -> memref<8x2048xf32, #tpu.memory_space<vmem>>
        %dma_wait3A_299 = arith.constant 0 : i32
        %dma_wait3A_300 = tpu.memref_slice %arg3[%multiple_of3A, %dma_wait3A_299] : memref<416x100000xf32, #tpu.memory_space<hbm>> -> memref<8x2048xf32, #tpu.memory_space<hbm>>
        %dma_wait3A_301 = arith.constant 0 : i32
        %dma_wait3A_302 = arith.constant 0 : i32
        %dma_wait3A_303 = tpu.memref_slice %arg7[%dma_wait3A_294, %dma_wait3A_301, %dma_wait3A_302] : memref<4x8x2048xf32, #tpu.memory_space<vmem>> -> memref<1x8x2048xf32, #tpu.memory_space<vmem>>
        %dma_wait3A_304 = tpu.memref_squeeze %dma_wait3A_303 : memref<1x8x2048xf32, #tpu.memory_space<vmem>> -> memref<8x2048xf32, #tpu.memory_space<vmem>>
        %dma_wait3A_305 = arith.constant 0 : i32
        %dma_wait3A_306 = tpu.memref_slice %arg3[%multiple_of3A, %dma_wait3A_305] : memref<416x100000xf32, #tpu.memory_space<hbm>> -> memref<8x2048xf32, #tpu.memory_space<hbm>>
        tpu.wait_dma2 semaphore(%arg16 : memref<!tpu.dma_semaphore, #tpu.memory_space<semaphore_mem>>) src(%dma_wait3A_306 : memref<8x2048xf32, #tpu.memory_space<hbm>>) dst(%dma_wait3A_304 : memref<8x2048xf32, #tpu.memory_space<vmem>>)
        %add3A_307 = arith.constant 2 : i32
        %add3A_308 = vector.broadcast %add3A_307 : i32 to vector<16xi32>
        %add3A_309 = arith.addi %add3A_308, %broadcast_in_dim3A_3 : vector<16xi32>
        %get3A_310 = arith.index_cast %add3A_293 : i32 to index
        %get3A_311 = memref.load %arg13[%get3A_310] : memref<51xi32, #tpu.memory_space<smem>>
        %add3A_312 = arith.constant 1 : i32
        %add3A_313 = arith.addi %add3A_293, %add3A_312 : i32
        %get3A_314 = arith.index_cast %add3A_313 : i32 to index
        %get3A_315 = memref.load %arg13[%get3A_314] : memref<51xi32, #tpu.memory_space<smem>>
        %sub3A_316 = arith.subi %get3A_315, %get3A_311 : i32
        %add3A_317 = arith.constant 15 : i32
        %add3A_318 = arith.addi %sub3A_316, %add3A_317 : i32
        %shift_right_logical3A_319 = arith.constant 4 : i32
        %shift_right_logical3A_320 = arith.shrui %add3A_318, %shift_right_logical3A_319 : i32
        %while3A_321 = arith.constant 0 : i32
        %while3A_322 = arith.constant 0 : i32
        %while3A_323 = arith.subi %shift_right_logical3A_320, %while3A_322 : i32
        %while3A_324 = arith.addi %while3A_322, %while3A_323 : i32
        %while3A_325 = arith.constant 1 : i32
        %while3A_326 = arith.divsi %while3A_323, %while3A_325 : i32
        %while3A_327 = arith.muli %while3A_326, %while3A_325 : i32
        %while3A_328 = arith.addi %while3A_322, %while3A_327 : i32
        %while3A_329 = arith.constant 1 : i32
        scf.for %while3A_400 = %while3A_322 to %while3A_328 step %while3A_329  : i32 {
          %mul3A_401 = arith.constant 16 : i32
          %mul3A_402 = arith.muli %while3A_400, %mul3A_401 : i32
          %add3A_403 = arith.addi %get3A_311, %mul3A_402 : i32
          %add3A_404 = vector.broadcast %add3A_403 : i32 to vector<16xi32>
          %add3A_405 = arith.addi %add3A_404, %iota3A : vector<16xi32>
          %lt3A_406 = vector.broadcast %get3A_315 : i32 to vector<16xi32>
          %lt3A_407 = arith.cmpi slt, %add3A_405, %lt3A_406 : vector<16xi32>
          %gather3A = tpu.vector_load_idx %arg10[%add3A_405] masked %lt3A_407 : memref<4112xi32, #tpu.memory_space<vmem>>[vector<16xi32>], vector<16xi32>, vector<16xi1>
          %gather3A_408 = tpu.vector_load_idx %arg11[%add3A_405] masked %lt3A_407 : memref<4112xi32, #tpu.memory_space<vmem>>[vector<16xi32>], vector<16xi32>, vector<16xi1>
          %add3A_409 = arith.constant 0 : i32
          %add3A_410 = vector.broadcast %add3A_409 : i32 to vector<16xi32>
          %add3A_411 = arith.addi %add3A_410, %broadcast_in_dim3A_3 : vector<16xi32>
          %mul3A_412 = arith.constant 2048 : i32
          %mul3A_413 = arith.muli %add3A_293, %mul3A_412 : i32
          %sub3A_414 = vector.broadcast %mul3A_413 : i32 to vector<16xi32>
          %sub3A_415 = arith.subi %gather3A_408, %sub3A_414 : vector<16xi32>
          %gather3A_416 = tpu.vector_load_idx %arg7[%add3A_309, %add3A_411, %sub3A_415] masked %lt3A_407 : memref<4x8x2048xf32, #tpu.memory_space<vmem>>[vector<16xi32>, vector<16xi32>, vector<16xi32>], vector<16xf32>, vector<16xi1>
          tpu.vector_store_idx %arg9[%add3A_411, %gather3A], %gather3A_416 masked %lt3A_407 : memref<8x4096xf32, #tpu.memory_space<vmem>>[vector<16xi32>, vector<16xi32>], vector<16xf32>, vector<16xi1>
          %add3A_417 = arith.constant 1 : i32
          %add3A_418 = vector.broadcast %add3A_417 : i32 to vector<16xi32>
          %add3A_419 = arith.addi %add3A_418, %broadcast_in_dim3A_3 : vector<16xi32>
          %mul3A_420 = arith.constant 2048 : i32
          %mul3A_421 = arith.muli %add3A_293, %mul3A_420 : i32
          %sub3A_422 = vector.broadcast %mul3A_421 : i32 to vector<16xi32>
          %sub3A_423 = arith.subi %gather3A_408, %sub3A_422 : vector<16xi32>
          %gather3A_424 = tpu.vector_load_idx %arg7[%add3A_309, %add3A_419, %sub3A_423] masked %lt3A_407 : memref<4x8x2048xf32, #tpu.memory_space<vmem>>[vector<16xi32>, vector<16xi32>, vector<16xi32>], vector<16xf32>, vector<16xi1>
          tpu.vector_store_idx %arg9[%add3A_419, %gather3A], %gather3A_424 masked %lt3A_407 : memref<8x4096xf32, #tpu.memory_space<vmem>>[vector<16xi32>, vector<16xi32>], vector<16xf32>, vector<16xi1>
          %add3A_425 = arith.constant 2 : i32
          %add3A_426 = vector.broadcast %add3A_425 : i32 to vector<16xi32>
          %add3A_427 = arith.addi %add3A_426, %broadcast_in_dim3A_3 : vector<16xi32>
          %mul3A_428 = arith.constant 2048 : i32
          %mul3A_429 = arith.muli %add3A_293, %mul3A_428 : i32
          %sub3A_430 = vector.broadcast %mul3A_429 : i32 to vector<16xi32>
          %sub3A_431 = arith.subi %gather3A_408, %sub3A_430 : vector<16xi32>
          %gather3A_432 = tpu.vector_load_idx %arg7[%add3A_309, %add3A_427, %sub3A_431] masked %lt3A_407 : memref<4x8x2048xf32, #tpu.memory_space<vmem>>[vector<16xi32>, vector<16xi32>, vector<16xi32>], vector<16xf32>, vector<16xi1>
          tpu.vector_store_idx %arg9[%add3A_427, %gather3A], %gather3A_432 masked %lt3A_407 : memref<8x4096xf32, #tpu.memory_space<vmem>>[vector<16xi32>, vector<16xi32>], vector<16xf32>, vector<16xi1>
          %add3A_433 = arith.constant 3 : i32
          %add3A_434 = vector.broadcast %add3A_433 : i32 to vector<16xi32>
          %add3A_435 = arith.addi %add3A_434, %broadcast_in_dim3A_3 : vector<16xi32>
          %mul3A_436 = arith.constant 2048 : i32
          %mul3A_437 = arith.muli %add3A_293, %mul3A_436 : i32
          %sub3A_438 = vector.broadcast %mul3A_437 : i32 to vector<16xi32>
          %sub3A_439 = arith.subi %gather3A_408, %sub3A_438 : vector<16xi32>
          %gather3A_440 = tpu.vector_load_idx %arg7[%add3A_309, %add3A_435, %sub3A_439] masked %lt3A_407 : memref<4x8x2048xf32, #tpu.memory_space<vmem>>[vector<16xi32>, vector<16xi32>, vector<16xi32>], vector<16xf32>, vector<16xi1>
          tpu.vector_store_idx %arg9[%add3A_435, %gather3A], %gather3A_440 masked %lt3A_407 : memref<8x4096xf32, #tpu.memory_space<vmem>>[vector<16xi32>, vector<16xi32>], vector<16xf32>, vector<16xi1>
          %add3A_441 = arith.constant 4 : i32
          %add3A_442 = vector.broadcast %add3A_441 : i32 to vector<16xi32>
          %add3A_443 = arith.addi %add3A_442, %broadcast_in_dim3A_3 : vector<16xi32>
          %mul3A_444 = arith.constant 2048 : i32
          %mul3A_445 = arith.muli %add3A_293, %mul3A_444 : i32
          %sub3A_446 = vector.broadcast %mul3A_445 : i32 to vector<16xi32>
          %sub3A_447 = arith.subi %gather3A_408, %sub3A_446 : vector<16xi32>
          %gather3A_448 = tpu.vector_load_idx %arg7[%add3A_309, %add3A_443, %sub3A_447] masked %lt3A_407 : memref<4x8x2048xf32, #tpu.memory_space<vmem>>[vector<16xi32>, vector<16xi32>, vector<16xi32>], vector<16xf32>, vector<16xi1>
          tpu.vector_store_idx %arg9[%add3A_443, %gather3A], %gather3A_448 masked %lt3A_407 : memref<8x4096xf32, #tpu.memory_space<vmem>>[vector<16xi32>, vector<16xi32>], vector<16xf32>, vector<16xi1>
          %add3A_449 = arith.constant 5 : i32
          %add3A_450 = vector.broadcast %add3A_449 : i32 to vector<16xi32>
          %add3A_451 = arith.addi %add3A_450, %broadcast_in_dim3A_3 : vector<16xi32>
          %mul3A_452 = arith.constant 2048 : i32
          %mul3A_453 = arith.muli %add3A_293, %mul3A_452 : i32
          %sub3A_454 = vector.broadcast %mul3A_453 : i32 to vector<16xi32>
          %sub3A_455 = arith.subi %gather3A_408, %sub3A_454 : vector<16xi32>
          %gather3A_456 = tpu.vector_load_idx %arg7[%add3A_309, %add3A_451, %sub3A_455] masked %lt3A_407 : memref<4x8x2048xf32, #tpu.memory_space<vmem>>[vector<16xi32>, vector<16xi32>, vector<16xi32>], vector<16xf32>, vector<16xi1>
          tpu.vector_store_idx %arg9[%add3A_451, %gather3A], %gather3A_456 masked %lt3A_407 : memref<8x4096xf32, #tpu.memory_space<vmem>>[vector<16xi32>, vector<16xi32>], vector<16xf32>, vector<16xi1>
          %add3A_457 = arith.constant 6 : i32
          %add3A_458 = vector.broadcast %add3A_457 : i32 to vector<16xi32>
          %add3A_459 = arith.addi %add3A_458, %broadcast_in_dim3A_3 : vector<16xi32>
          %mul3A_460 = arith.constant 2048 : i32
          %mul3A_461 = arith.muli %add3A_293, %mul3A_460 : i32
          %sub3A_462 = vector.broadcast %mul3A_461 : i32 to vector<16xi32>
          %sub3A_463 = arith.subi %gather3A_408, %sub3A_462 : vector<16xi32>
          %gather3A_464 = tpu.vector_load_idx %arg7[%add3A_309, %add3A_459, %sub3A_463] masked %lt3A_407 : memref<4x8x2048xf32, #tpu.memory_space<vmem>>[vector<16xi32>, vector<16xi32>, vector<16xi32>], vector<16xf32>, vector<16xi1>
          tpu.vector_store_idx %arg9[%add3A_459, %gather3A], %gather3A_464 masked %lt3A_407 : memref<8x4096xf32, #tpu.memory_space<vmem>>[vector<16xi32>, vector<16xi32>], vector<16xf32>, vector<16xi1>
          %add3A_465 = arith.constant 7 : i32
          %add3A_466 = vector.broadcast %add3A_465 : i32 to vector<16xi32>
          %add3A_467 = arith.addi %add3A_466, %broadcast_in_dim3A_3 : vector<16xi32>
          %mul3A_468 = arith.constant 2048 : i32
          %mul3A_469 = arith.muli %add3A_293, %mul3A_468 : i32
          %sub3A_470 = vector.broadcast %mul3A_469 : i32 to vector<16xi32>
          %sub3A_471 = arith.subi %gather3A_408, %sub3A_470 : vector<16xi32>
          %gather3A_472 = tpu.vector_load_idx %arg7[%add3A_309, %add3A_467, %sub3A_471] masked %lt3A_407 : memref<4x8x2048xf32, #tpu.memory_space<vmem>>[vector<16xi32>, vector<16xi32>, vector<16xi32>], vector<16xf32>, vector<16xi1>
          tpu.vector_store_idx %arg9[%add3A_467, %gather3A], %gather3A_472 masked %lt3A_407 : memref<8x4096xf32, #tpu.memory_space<vmem>>[vector<16xi32>, vector<16xi32>], vector<16xf32>, vector<16xi1>
        }
        %while3A_330 = arith.constant 1 : i32
        scf.for %while3A_400 = %while3A_328 to %while3A_324 step %while3A_330  : i32 {
          %mul3A_401 = arith.constant 16 : i32
          %mul3A_402 = arith.muli %while3A_400, %mul3A_401 : i32
          %add3A_403 = arith.addi %get3A_311, %mul3A_402 : i32
          %add3A_404 = vector.broadcast %add3A_403 : i32 to vector<16xi32>
          %add3A_405 = arith.addi %add3A_404, %iota3A : vector<16xi32>
          %lt3A_406 = vector.broadcast %get3A_315 : i32 to vector<16xi32>
          %lt3A_407 = arith.cmpi slt, %add3A_405, %lt3A_406 : vector<16xi32>
          %gather3A = tpu.vector_load_idx %arg10[%add3A_405] masked %lt3A_407 : memref<4112xi32, #tpu.memory_space<vmem>>[vector<16xi32>], vector<16xi32>, vector<16xi1>
          %gather3A_408 = tpu.vector_load_idx %arg11[%add3A_405] masked %lt3A_407 : memref<4112xi32, #tpu.memory_space<vmem>>[vector<16xi32>], vector<16xi32>, vector<16xi1>
          %add3A_409 = arith.constant 0 : i32
          %add3A_410 = vector.broadcast %add3A_409 : i32 to vector<16xi32>
          %add3A_411 = arith.addi %add3A_410, %broadcast_in_dim3A_3 : vector<16xi32>
          %mul3A_412 = arith.constant 2048 : i32
          %mul3A_413 = arith.muli %add3A_293, %mul3A_412 : i32
          %sub3A_414 = vector.broadcast %mul3A_413 : i32 to vector<16xi32>
          %sub3A_415 = arith.subi %gather3A_408, %sub3A_414 : vector<16xi32>
          %gather3A_416 = tpu.vector_load_idx %arg7[%add3A_309, %add3A_411, %sub3A_415] masked %lt3A_407 : memref<4x8x2048xf32, #tpu.memory_space<vmem>>[vector<16xi32>, vector<16xi32>, vector<16xi32>], vector<16xf32>, vector<16xi1>
          tpu.vector_store_idx %arg9[%add3A_411, %gather3A], %gather3A_416 masked %lt3A_407 : memref<8x4096xf32, #tpu.memory_space<vmem>>[vector<16xi32>, vector<16xi32>], vector<16xf32>, vector<16xi1>
          %add3A_417 = arith.constant 1 : i32
          %add3A_418 = vector.broadcast %add3A_417 : i32 to vector<16xi32>
          %add3A_419 = arith.addi %add3A_418, %broadcast_in_dim3A_3 : vector<16xi32>
          %mul3A_420 = arith.constant 2048 : i32
          %mul3A_421 = arith.muli %add3A_293, %mul3A_420 : i32
          %sub3A_422 = vector.broadcast %mul3A_421 : i32 to vector<16xi32>
          %sub3A_423 = arith.subi %gather3A_408, %sub3A_422 : vector<16xi32>
          %gather3A_424 = tpu.vector_load_idx %arg7[%add3A_309, %add3A_419, %sub3A_423] masked %lt3A_407 : memref<4x8x2048xf32, #tpu.memory_space<vmem>>[vector<16xi32>, vector<16xi32>, vector<16xi32>], vector<16xf32>, vector<16xi1>
          tpu.vector_store_idx %arg9[%add3A_419, %gather3A], %gather3A_424 masked %lt3A_407 : memref<8x4096xf32, #tpu.memory_space<vmem>>[vector<16xi32>, vector<16xi32>], vector<16xf32>, vector<16xi1>
          %add3A_425 = arith.constant 2 : i32
          %add3A_426 = vector.broadcast %add3A_425 : i32 to vector<16xi32>
          %add3A_427 = arith.addi %add3A_426, %broadcast_in_dim3A_3 : vector<16xi32>
          %mul3A_428 = arith.constant 2048 : i32
          %mul3A_429 = arith.muli %add3A_293, %mul3A_428 : i32
          %sub3A_430 = vector.broadcast %mul3A_429 : i32 to vector<16xi32>
          %sub3A_431 = arith.subi %gather3A_408, %sub3A_430 : vector<16xi32>
          %gather3A_432 = tpu.vector_load_idx %arg7[%add3A_309, %add3A_427, %sub3A_431] masked %lt3A_407 : memref<4x8x2048xf32, #tpu.memory_space<vmem>>[vector<16xi32>, vector<16xi32>, vector<16xi32>], vector<16xf32>, vector<16xi1>
          tpu.vector_store_idx %arg9[%add3A_427, %gather3A], %gather3A_432 masked %lt3A_407 : memref<8x4096xf32, #tpu.memory_space<vmem>>[vector<16xi32>, vector<16xi32>], vector<16xf32>, vector<16xi1>
          %add3A_433 = arith.constant 3 : i32
          %add3A_434 = vector.broadcast %add3A_433 : i32 to vector<16xi32>
          %add3A_435 = arith.addi %add3A_434, %broadcast_in_dim3A_3 : vector<16xi32>
          %mul3A_436 = arith.constant 2048 : i32
          %mul3A_437 = arith.muli %add3A_293, %mul3A_436 : i32
          %sub3A_438 = vector.broadcast %mul3A_437 : i32 to vector<16xi32>
          %sub3A_439 = arith.subi %gather3A_408, %sub3A_438 : vector<16xi32>
          %gather3A_440 = tpu.vector_load_idx %arg7[%add3A_309, %add3A_435, %sub3A_439] masked %lt3A_407 : memref<4x8x2048xf32, #tpu.memory_space<vmem>>[vector<16xi32>, vector<16xi32>, vector<16xi32>], vector<16xf32>, vector<16xi1>
          tpu.vector_store_idx %arg9[%add3A_435, %gather3A], %gather3A_440 masked %lt3A_407 : memref<8x4096xf32, #tpu.memory_space<vmem>>[vector<16xi32>, vector<16xi32>], vector<16xf32>, vector<16xi1>
          %add3A_441 = arith.constant 4 : i32
          %add3A_442 = vector.broadcast %add3A_441 : i32 to vector<16xi32>
          %add3A_443 = arith.addi %add3A_442, %broadcast_in_dim3A_3 : vector<16xi32>
          %mul3A_444 = arith.constant 2048 : i32
          %mul3A_445 = arith.muli %add3A_293, %mul3A_444 : i32
          %sub3A_446 = vector.broadcast %mul3A_445 : i32 to vector<16xi32>
          %sub3A_447 = arith.subi %gather3A_408, %sub3A_446 : vector<16xi32>
          %gather3A_448 = tpu.vector_load_idx %arg7[%add3A_309, %add3A_443, %sub3A_447] masked %lt3A_407 : memref<4x8x2048xf32, #tpu.memory_space<vmem>>[vector<16xi32>, vector<16xi32>, vector<16xi32>], vector<16xf32>, vector<16xi1>
          tpu.vector_store_idx %arg9[%add3A_443, %gather3A], %gather3A_448 masked %lt3A_407 : memref<8x4096xf32, #tpu.memory_space<vmem>>[vector<16xi32>, vector<16xi32>], vector<16xf32>, vector<16xi1>
          %add3A_449 = arith.constant 5 : i32
          %add3A_450 = vector.broadcast %add3A_449 : i32 to vector<16xi32>
          %add3A_451 = arith.addi %add3A_450, %broadcast_in_dim3A_3 : vector<16xi32>
          %mul3A_452 = arith.constant 2048 : i32
          %mul3A_453 = arith.muli %add3A_293, %mul3A_452 : i32
          %sub3A_454 = vector.broadcast %mul3A_453 : i32 to vector<16xi32>
          %sub3A_455 = arith.subi %gather3A_408, %sub3A_454 : vector<16xi32>
          %gather3A_456 = tpu.vector_load_idx %arg7[%add3A_309, %add3A_451, %sub3A_455] masked %lt3A_407 : memref<4x8x2048xf32, #tpu.memory_space<vmem>>[vector<16xi32>, vector<16xi32>, vector<16xi32>], vector<16xf32>, vector<16xi1>
          tpu.vector_store_idx %arg9[%add3A_451, %gather3A], %gather3A_456 masked %lt3A_407 : memref<8x4096xf32, #tpu.memory_space<vmem>>[vector<16xi32>, vector<16xi32>], vector<16xf32>, vector<16xi1>
          %add3A_457 = arith.constant 6 : i32
          %add3A_458 = vector.broadcast %add3A_457 : i32 to vector<16xi32>
          %add3A_459 = arith.addi %add3A_458, %broadcast_in_dim3A_3 : vector<16xi32>
          %mul3A_460 = arith.constant 2048 : i32
          %mul3A_461 = arith.muli %add3A_293, %mul3A_460 : i32
          %sub3A_462 = vector.broadcast %mul3A_461 : i32 to vector<16xi32>
          %sub3A_463 = arith.subi %gather3A_408, %sub3A_462 : vector<16xi32>
          %gather3A_464 = tpu.vector_load_idx %arg7[%add3A_309, %add3A_459, %sub3A_463] masked %lt3A_407 : memref<4x8x2048xf32, #tpu.memory_space<vmem>>[vector<16xi32>, vector<16xi32>, vector<16xi32>], vector<16xf32>, vector<16xi1>
          tpu.vector_store_idx %arg9[%add3A_459, %gather3A], %gather3A_464 masked %lt3A_407 : memref<8x4096xf32, #tpu.memory_space<vmem>>[vector<16xi32>, vector<16xi32>], vector<16xf32>, vector<16xi1>
          %add3A_465 = arith.constant 7 : i32
          %add3A_466 = vector.broadcast %add3A_465 : i32 to vector<16xi32>
          %add3A_467 = arith.addi %add3A_466, %broadcast_in_dim3A_3 : vector<16xi32>
          %mul3A_468 = arith.constant 2048 : i32
          %mul3A_469 = arith.muli %add3A_293, %mul3A_468 : i32
          %sub3A_470 = vector.broadcast %mul3A_469 : i32 to vector<16xi32>
          %sub3A_471 = arith.subi %gather3A_408, %sub3A_470 : vector<16xi32>
          %gather3A_472 = tpu.vector_load_idx %arg7[%add3A_309, %add3A_467, %sub3A_471] masked %lt3A_407 : memref<4x8x2048xf32, #tpu.memory_space<vmem>>[vector<16xi32>, vector<16xi32>, vector<16xi32>], vector<16xf32>, vector<16xi1>
          tpu.vector_store_idx %arg9[%add3A_467, %gather3A], %gather3A_472 masked %lt3A_407 : memref<8x4096xf32, #tpu.memory_space<vmem>>[vector<16xi32>, vector<16xi32>], vector<16xf32>, vector<16xi1>
        }
        %add3A_331 = arith.constant 4 : i32
        %add3A_332 = arith.addi %add3A_293, %add3A_331 : i32
        %lt3A_333 = arith.constant 48 : i32
        %lt3A_334 = arith.cmpi slt, %add3A_332, %lt3A_333 : i32
        %convert_element_type3A_335 = arith.extui %lt3A_334 : i1 to i32
        %cond3A_336 = arith.constant 0 : i32
        %cond3A_337 = arith.cmpi ne, %convert_element_type3A_335, %cond3A_336 : i32
        scf.if %cond3A_337 {
          %add3A_400 = arith.constant 4 : i32
          %add3A_401 = arith.addi %add3A_293, %add3A_400 : i32
          %mul3A_402 = arith.constant 2048 : i32
          %mul3A_403 = arith.muli %add3A_401, %mul3A_402 : i32
          %multiple_of3A_404 = tpu.assume_multiple %mul3A_403, 128 : i32
          %dma_start3A_405 = arith.constant 2 : i32
          %dma_start3A_406 = arith.constant 0 : i32
          %dma_start3A_407 = arith.constant 0 : i32
          %dma_start3A_408 = tpu.memref_slice %arg7[%dma_start3A_405, %dma_start3A_406, %dma_start3A_407] : memref<4x8x2048xf32, #tpu.memory_space<vmem>> -> memref<1x8x2048xf32, #tpu.memory_space<vmem>>
          %dma_start3A_409 = tpu.memref_squeeze %dma_start3A_408 : memref<1x8x2048xf32, #tpu.memory_space<vmem>> -> memref<8x2048xf32, #tpu.memory_space<vmem>>
          %dma_start3A_410 = tpu.memref_slice %arg3[%multiple_of3A, %multiple_of3A_404] : memref<416x100000xf32, #tpu.memory_space<hbm>> -> memref<8x2048xf32, #tpu.memory_space<hbm>>
          %dma_start3A_411 = arith.constant 0 : i32
          %dma_start3A_412 = arith.constant 0 : i32
          %dma_start3A_413 = tpu.memref_slice %arg7[%dma_start3A_405, %dma_start3A_411, %dma_start3A_412] : memref<4x8x2048xf32, #tpu.memory_space<vmem>> -> memref<1x8x2048xf32, #tpu.memory_space<vmem>>
          %dma_start3A_414 = tpu.memref_squeeze %dma_start3A_413 : memref<1x8x2048xf32, #tpu.memory_space<vmem>> -> memref<8x2048xf32, #tpu.memory_space<vmem>>
          %dma_start3A_415 = tpu.memref_slice %arg3[%multiple_of3A, %multiple_of3A_404] : memref<416x100000xf32, #tpu.memory_space<hbm>> -> memref<8x2048xf32, #tpu.memory_space<hbm>>
          tpu.enqueue_dma source(%dma_start3A_415 : memref<8x2048xf32, #tpu.memory_space<hbm>>) target(%dma_start3A_414 : memref<8x2048xf32, #tpu.memory_space<vmem>>) target_semaphore(%arg16 : memref<!tpu.dma_semaphore, #tpu.memory_space<semaphore_mem>>)
        } else {
        }
        %add3A_338 = arith.constant 4 : i32
        %add3A_339 = arith.addi %add3A_293, %add3A_338 : i32
        %eq3A_340 = arith.constant 48 : i32
        %eq3A_341 = arith.cmpi eq, %add3A_339, %eq3A_340 : i32
        %convert_element_type3A_342 = arith.extui %eq3A_341 : i1 to i32
        %cond3A_343 = arith.constant 0 : i32
        %cond3A_344 = arith.cmpi ne, %convert_element_type3A_342, %cond3A_343 : i32
        scf.if %cond3A_344 {
          %multiple_of3A_400 = arith.constant 98304 : i32
          %multiple_of3A_401 = tpu.assume_multiple %multiple_of3A_400, 128 : i32
          %dma_start3A_402 = arith.constant 2 : i32
          %dma_start3A_403 = arith.constant 0 : i32
          %dma_start3A_404 = arith.constant 0 : i32
          %dma_start3A_405 = tpu.memref_slice %arg7[%dma_start3A_402, %dma_start3A_403, %dma_start3A_404] : memref<4x8x2048xf32, #tpu.memory_space<vmem>> -> memref<1x8x1664xf32, #tpu.memory_space<vmem>>
          %dma_start3A_406 = tpu.memref_squeeze %dma_start3A_405 : memref<1x8x1664xf32, #tpu.memory_space<vmem>> -> memref<8x1664xf32, #tpu.memory_space<vmem>>
          %dma_start3A_407 = tpu.memref_slice %arg3[%multiple_of3A, %multiple_of3A_401] : memref<416x100000xf32, #tpu.memory_space<hbm>> -> memref<8x1664xf32, #tpu.memory_space<hbm>>
          %dma_start3A_408 = arith.constant 0 : i32
          %dma_start3A_409 = arith.constant 0 : i32
          %dma_start3A_410 = tpu.memref_slice %arg7[%dma_start3A_402, %dma_start3A_408, %dma_start3A_409] : memref<4x8x2048xf32, #tpu.memory_space<vmem>> -> memref<1x8x1664xf32, #tpu.memory_space<vmem>>
          %dma_start3A_411 = tpu.memref_squeeze %dma_start3A_410 : memref<1x8x1664xf32, #tpu.memory_space<vmem>> -> memref<8x1664xf32, #tpu.memory_space<vmem>>
          %dma_start3A_412 = tpu.memref_slice %arg3[%multiple_of3A, %multiple_of3A_401] : memref<416x100000xf32, #tpu.memory_space<hbm>> -> memref<8x1664xf32, #tpu.memory_space<hbm>>
          tpu.enqueue_dma source(%dma_start3A_412 : memref<8x1664xf32, #tpu.memory_space<hbm>>) target(%dma_start3A_411 : memref<8x1664xf32, #tpu.memory_space<vmem>>) target_semaphore(%arg16 : memref<!tpu.dma_semaphore, #tpu.memory_space<semaphore_mem>>)
        } else {
        }
        %mul3A_345 = arith.constant 4 : i32
        %mul3A_346 = arith.muli %scan3A_180, %mul3A_345 : i32
        %add3A_347 = arith.constant 3 : i32
        %add3A_348 = arith.addi %mul3A_346, %add3A_347 : i32
        %dma_wait3A_349 = arith.constant 3 : i32
        %dma_wait3A_350 = arith.constant 0 : i32
        %dma_wait3A_351 = arith.constant 0 : i32
        %dma_wait3A_352 = tpu.memref_slice %arg7[%dma_wait3A_349, %dma_wait3A_350, %dma_wait3A_351] : memref<4x8x2048xf32, #tpu.memory_space<vmem>> -> memref<1x8x2048xf32, #tpu.memory_space<vmem>>
        %dma_wait3A_353 = tpu.memref_squeeze %dma_wait3A_352 : memref<1x8x2048xf32, #tpu.memory_space<vmem>> -> memref<8x2048xf32, #tpu.memory_space<vmem>>
        %dma_wait3A_354 = arith.constant 0 : i32
        %dma_wait3A_355 = tpu.memref_slice %arg3[%multiple_of3A, %dma_wait3A_354] : memref<416x100000xf32, #tpu.memory_space<hbm>> -> memref<8x2048xf32, #tpu.memory_space<hbm>>
        %dma_wait3A_356 = arith.constant 0 : i32
        %dma_wait3A_357 = arith.constant 0 : i32
        %dma_wait3A_358 = tpu.memref_slice %arg7[%dma_wait3A_349, %dma_wait3A_356, %dma_wait3A_357] : memref<4x8x2048xf32, #tpu.memory_space<vmem>> -> memref<1x8x2048xf32, #tpu.memory_space<vmem>>
        %dma_wait3A_359 = tpu.memref_squeeze %dma_wait3A_358 : memref<1x8x2048xf32, #tpu.memory_space<vmem>> -> memref<8x2048xf32, #tpu.memory_space<vmem>>
        %dma_wait3A_360 = arith.constant 0 : i32
        %dma_wait3A_361 = tpu.memref_slice %arg3[%multiple_of3A, %dma_wait3A_360] : memref<416x100000xf32, #tpu.memory_space<hbm>> -> memref<8x2048xf32, #tpu.memory_space<hbm>>
        tpu.wait_dma2 semaphore(%arg17 : memref<!tpu.dma_semaphore, #tpu.memory_space<semaphore_mem>>) src(%dma_wait3A_361 : memref<8x2048xf32, #tpu.memory_space<hbm>>) dst(%dma_wait3A_359 : memref<8x2048xf32, #tpu.memory_space<vmem>>)
        %add3A_362 = arith.constant 3 : i32
        %add3A_363 = vector.broadcast %add3A_362 : i32 to vector<16xi32>
        %add3A_364 = arith.addi %add3A_363, %broadcast_in_dim3A_3 : vector<16xi32>
        %get3A_365 = arith.index_cast %add3A_348 : i32 to index
        %get3A_366 = memref.load %arg13[%get3A_365] : memref<51xi32, #tpu.memory_space<smem>>
        %add3A_367 = arith.constant 1 : i32
        %add3A_368 = arith.addi %add3A_348, %add3A_367 : i32
        %get3A_369 = arith.index_cast %add3A_368 : i32 to index
        %get3A_370 = memref.load %arg13[%get3A_369] : memref<51xi32, #tpu.memory_space<smem>>
        %sub3A_371 = arith.subi %get3A_370, %get3A_366 : i32
        %add3A_372 = arith.constant 15 : i32
        %add3A_373 = arith.addi %sub3A_371, %add3A_372 : i32
        %shift_right_logical3A_374 = arith.constant 4 : i32
        %shift_right_logical3A_375 = arith.shrui %add3A_373, %shift_right_logical3A_374 : i32
        %while3A_376 = arith.constant 0 : i32
        %while3A_377 = arith.constant 0 : i32
        %while3A_378 = arith.subi %shift_right_logical3A_375, %while3A_377 : i32
        %while3A_379 = arith.addi %while3A_377, %while3A_378 : i32
        %while3A_380 = arith.constant 1 : i32
        %while3A_381 = arith.divsi %while3A_378, %while3A_380 : i32
        %while3A_382 = arith.muli %while3A_381, %while3A_380 : i32
        %while3A_383 = arith.addi %while3A_377, %while3A_382 : i32
        %while3A_384 = arith.constant 1 : i32
        scf.for %while3A_400 = %while3A_377 to %while3A_383 step %while3A_384  : i32 {
          %mul3A_401 = arith.constant 16 : i32
          %mul3A_402 = arith.muli %while3A_400, %mul3A_401 : i32
          %add3A_403 = arith.addi %get3A_366, %mul3A_402 : i32
          %add3A_404 = vector.broadcast %add3A_403 : i32 to vector<16xi32>
          %add3A_405 = arith.addi %add3A_404, %iota3A : vector<16xi32>
          %lt3A_406 = vector.broadcast %get3A_370 : i32 to vector<16xi32>
          %lt3A_407 = arith.cmpi slt, %add3A_405, %lt3A_406 : vector<16xi32>
          %gather3A = tpu.vector_load_idx %arg10[%add3A_405] masked %lt3A_407 : memref<4112xi32, #tpu.memory_space<vmem>>[vector<16xi32>], vector<16xi32>, vector<16xi1>
          %gather3A_408 = tpu.vector_load_idx %arg11[%add3A_405] masked %lt3A_407 : memref<4112xi32, #tpu.memory_space<vmem>>[vector<16xi32>], vector<16xi32>, vector<16xi1>
          %add3A_409 = arith.constant 0 : i32
          %add3A_410 = vector.broadcast %add3A_409 : i32 to vector<16xi32>
          %add3A_411 = arith.addi %add3A_410, %broadcast_in_dim3A_3 : vector<16xi32>
          %mul3A_412 = arith.constant 2048 : i32
          %mul3A_413 = arith.muli %add3A_348, %mul3A_412 : i32
          %sub3A_414 = vector.broadcast %mul3A_413 : i32 to vector<16xi32>
          %sub3A_415 = arith.subi %gather3A_408, %sub3A_414 : vector<16xi32>
          %gather3A_416 = tpu.vector_load_idx %arg7[%add3A_364, %add3A_411, %sub3A_415] masked %lt3A_407 : memref<4x8x2048xf32, #tpu.memory_space<vmem>>[vector<16xi32>, vector<16xi32>, vector<16xi32>], vector<16xf32>, vector<16xi1>
          tpu.vector_store_idx %arg9[%add3A_411, %gather3A], %gather3A_416 masked %lt3A_407 : memref<8x4096xf32, #tpu.memory_space<vmem>>[vector<16xi32>, vector<16xi32>], vector<16xf32>, vector<16xi1>
          %add3A_417 = arith.constant 1 : i32
          %add3A_418 = vector.broadcast %add3A_417 : i32 to vector<16xi32>
          %add3A_419 = arith.addi %add3A_418, %broadcast_in_dim3A_3 : vector<16xi32>
          %mul3A_420 = arith.constant 2048 : i32
          %mul3A_421 = arith.muli %add3A_348, %mul3A_420 : i32
          %sub3A_422 = vector.broadcast %mul3A_421 : i32 to vector<16xi32>
          %sub3A_423 = arith.subi %gather3A_408, %sub3A_422 : vector<16xi32>
          %gather3A_424 = tpu.vector_load_idx %arg7[%add3A_364, %add3A_419, %sub3A_423] masked %lt3A_407 : memref<4x8x2048xf32, #tpu.memory_space<vmem>>[vector<16xi32>, vector<16xi32>, vector<16xi32>], vector<16xf32>, vector<16xi1>
          tpu.vector_store_idx %arg9[%add3A_419, %gather3A], %gather3A_424 masked %lt3A_407 : memref<8x4096xf32, #tpu.memory_space<vmem>>[vector<16xi32>, vector<16xi32>], vector<16xf32>, vector<16xi1>
          %add3A_425 = arith.constant 2 : i32
          %add3A_426 = vector.broadcast %add3A_425 : i32 to vector<16xi32>
          %add3A_427 = arith.addi %add3A_426, %broadcast_in_dim3A_3 : vector<16xi32>
          %mul3A_428 = arith.constant 2048 : i32
          %mul3A_429 = arith.muli %add3A_348, %mul3A_428 : i32
          %sub3A_430 = vector.broadcast %mul3A_429 : i32 to vector<16xi32>
          %sub3A_431 = arith.subi %gather3A_408, %sub3A_430 : vector<16xi32>
          %gather3A_432 = tpu.vector_load_idx %arg7[%add3A_364, %add3A_427, %sub3A_431] masked %lt3A_407 : memref<4x8x2048xf32, #tpu.memory_space<vmem>>[vector<16xi32>, vector<16xi32>, vector<16xi32>], vector<16xf32>, vector<16xi1>
          tpu.vector_store_idx %arg9[%add3A_427, %gather3A], %gather3A_432 masked %lt3A_407 : memref<8x4096xf32, #tpu.memory_space<vmem>>[vector<16xi32>, vector<16xi32>], vector<16xf32>, vector<16xi1>
          %add3A_433 = arith.constant 3 : i32
          %add3A_434 = vector.broadcast %add3A_433 : i32 to vector<16xi32>
          %add3A_435 = arith.addi %add3A_434, %broadcast_in_dim3A_3 : vector<16xi32>
          %mul3A_436 = arith.constant 2048 : i32
          %mul3A_437 = arith.muli %add3A_348, %mul3A_436 : i32
          %sub3A_438 = vector.broadcast %mul3A_437 : i32 to vector<16xi32>
          %sub3A_439 = arith.subi %gather3A_408, %sub3A_438 : vector<16xi32>
          %gather3A_440 = tpu.vector_load_idx %arg7[%add3A_364, %add3A_435, %sub3A_439] masked %lt3A_407 : memref<4x8x2048xf32, #tpu.memory_space<vmem>>[vector<16xi32>, vector<16xi32>, vector<16xi32>], vector<16xf32>, vector<16xi1>
          tpu.vector_store_idx %arg9[%add3A_435, %gather3A], %gather3A_440 masked %lt3A_407 : memref<8x4096xf32, #tpu.memory_space<vmem>>[vector<16xi32>, vector<16xi32>], vector<16xf32>, vector<16xi1>
          %add3A_441 = arith.constant 4 : i32
          %add3A_442 = vector.broadcast %add3A_441 : i32 to vector<16xi32>
          %add3A_443 = arith.addi %add3A_442, %broadcast_in_dim3A_3 : vector<16xi32>
          %mul3A_444 = arith.constant 2048 : i32
          %mul3A_445 = arith.muli %add3A_348, %mul3A_444 : i32
          %sub3A_446 = vector.broadcast %mul3A_445 : i32 to vector<16xi32>
          %sub3A_447 = arith.subi %gather3A_408, %sub3A_446 : vector<16xi32>
          %gather3A_448 = tpu.vector_load_idx %arg7[%add3A_364, %add3A_443, %sub3A_447] masked %lt3A_407 : memref<4x8x2048xf32, #tpu.memory_space<vmem>>[vector<16xi32>, vector<16xi32>, vector<16xi32>], vector<16xf32>, vector<16xi1>
          tpu.vector_store_idx %arg9[%add3A_443, %gather3A], %gather3A_448 masked %lt3A_407 : memref<8x4096xf32, #tpu.memory_space<vmem>>[vector<16xi32>, vector<16xi32>], vector<16xf32>, vector<16xi1>
          %add3A_449 = arith.constant 5 : i32
          %add3A_450 = vector.broadcast %add3A_449 : i32 to vector<16xi32>
          %add3A_451 = arith.addi %add3A_450, %broadcast_in_dim3A_3 : vector<16xi32>
          %mul3A_452 = arith.constant 2048 : i32
          %mul3A_453 = arith.muli %add3A_348, %mul3A_452 : i32
          %sub3A_454 = vector.broadcast %mul3A_453 : i32 to vector<16xi32>
          %sub3A_455 = arith.subi %gather3A_408, %sub3A_454 : vector<16xi32>
          %gather3A_456 = tpu.vector_load_idx %arg7[%add3A_364, %add3A_451, %sub3A_455] masked %lt3A_407 : memref<4x8x2048xf32, #tpu.memory_space<vmem>>[vector<16xi32>, vector<16xi32>, vector<16xi32>], vector<16xf32>, vector<16xi1>
          tpu.vector_store_idx %arg9[%add3A_451, %gather3A], %gather3A_456 masked %lt3A_407 : memref<8x4096xf32, #tpu.memory_space<vmem>>[vector<16xi32>, vector<16xi32>], vector<16xf32>, vector<16xi1>
          %add3A_457 = arith.constant 6 : i32
          %add3A_458 = vector.broadcast %add3A_457 : i32 to vector<16xi32>
          %add3A_459 = arith.addi %add3A_458, %broadcast_in_dim3A_3 : vector<16xi32>
          %mul3A_460 = arith.constant 2048 : i32
          %mul3A_461 = arith.muli %add3A_348, %mul3A_460 : i32
          %sub3A_462 = vector.broadcast %mul3A_461 : i32 to vector<16xi32>
          %sub3A_463 = arith.subi %gather3A_408, %sub3A_462 : vector<16xi32>
          %gather3A_464 = tpu.vector_load_idx %arg7[%add3A_364, %add3A_459, %sub3A_463] masked %lt3A_407 : memref<4x8x2048xf32, #tpu.memory_space<vmem>>[vector<16xi32>, vector<16xi32>, vector<16xi32>], vector<16xf32>, vector<16xi1>
          tpu.vector_store_idx %arg9[%add3A_459, %gather3A], %gather3A_464 masked %lt3A_407 : memref<8x4096xf32, #tpu.memory_space<vmem>>[vector<16xi32>, vector<16xi32>], vector<16xf32>, vector<16xi1>
          %add3A_465 = arith.constant 7 : i32
          %add3A_466 = vector.broadcast %add3A_465 : i32 to vector<16xi32>
          %add3A_467 = arith.addi %add3A_466, %broadcast_in_dim3A_3 : vector<16xi32>
          %mul3A_468 = arith.constant 2048 : i32
          %mul3A_469 = arith.muli %add3A_348, %mul3A_468 : i32
          %sub3A_470 = vector.broadcast %mul3A_469 : i32 to vector<16xi32>
          %sub3A_471 = arith.subi %gather3A_408, %sub3A_470 : vector<16xi32>
          %gather3A_472 = tpu.vector_load_idx %arg7[%add3A_364, %add3A_467, %sub3A_471] masked %lt3A_407 : memref<4x8x2048xf32, #tpu.memory_space<vmem>>[vector<16xi32>, vector<16xi32>, vector<16xi32>], vector<16xf32>, vector<16xi1>
          tpu.vector_store_idx %arg9[%add3A_467, %gather3A], %gather3A_472 masked %lt3A_407 : memref<8x4096xf32, #tpu.memory_space<vmem>>[vector<16xi32>, vector<16xi32>], vector<16xf32>, vector<16xi1>
        }
        %while3A_385 = arith.constant 1 : i32
        scf.for %while3A_400 = %while3A_383 to %while3A_379 step %while3A_385  : i32 {
          %mul3A_401 = arith.constant 16 : i32
          %mul3A_402 = arith.muli %while3A_400, %mul3A_401 : i32
          %add3A_403 = arith.addi %get3A_366, %mul3A_402 : i32
          %add3A_404 = vector.broadcast %add3A_403 : i32 to vector<16xi32>
          %add3A_405 = arith.addi %add3A_404, %iota3A : vector<16xi32>
          %lt3A_406 = vector.broadcast %get3A_370 : i32 to vector<16xi32>
          %lt3A_407 = arith.cmpi slt, %add3A_405, %lt3A_406 : vector<16xi32>
          %gather3A = tpu.vector_load_idx %arg10[%add3A_405] masked %lt3A_407 : memref<4112xi32, #tpu.memory_space<vmem>>[vector<16xi32>], vector<16xi32>, vector<16xi1>
          %gather3A_408 = tpu.vector_load_idx %arg11[%add3A_405] masked %lt3A_407 : memref<4112xi32, #tpu.memory_space<vmem>>[vector<16xi32>], vector<16xi32>, vector<16xi1>
          %add3A_409 = arith.constant 0 : i32
          %add3A_410 = vector.broadcast %add3A_409 : i32 to vector<16xi32>
          %add3A_411 = arith.addi %add3A_410, %broadcast_in_dim3A_3 : vector<16xi32>
          %mul3A_412 = arith.constant 2048 : i32
          %mul3A_413 = arith.muli %add3A_348, %mul3A_412 : i32
          %sub3A_414 = vector.broadcast %mul3A_413 : i32 to vector<16xi32>
          %sub3A_415 = arith.subi %gather3A_408, %sub3A_414 : vector<16xi32>
          %gather3A_416 = tpu.vector_load_idx %arg7[%add3A_364, %add3A_411, %sub3A_415] masked %lt3A_407 : memref<4x8x2048xf32, #tpu.memory_space<vmem>>[vector<16xi32>, vector<16xi32>, vector<16xi32>], vector<16xf32>, vector<16xi1>
          tpu.vector_store_idx %arg9[%add3A_411, %gather3A], %gather3A_416 masked %lt3A_407 : memref<8x4096xf32, #tpu.memory_space<vmem>>[vector<16xi32>, vector<16xi32>], vector<16xf32>, vector<16xi1>
          %add3A_417 = arith.constant 1 : i32
          %add3A_418 = vector.broadcast %add3A_417 : i32 to vector<16xi32>
          %add3A_419 = arith.addi %add3A_418, %broadcast_in_dim3A_3 : vector<16xi32>
          %mul3A_420 = arith.constant 2048 : i32
          %mul3A_421 = arith.muli %add3A_348, %mul3A_420 : i32
          %sub3A_422 = vector.broadcast %mul3A_421 : i32 to vector<16xi32>
          %sub3A_423 = arith.subi %gather3A_408, %sub3A_422 : vector<16xi32>
          %gather3A_424 = tpu.vector_load_idx %arg7[%add3A_364, %add3A_419, %sub3A_423] masked %lt3A_407 : memref<4x8x2048xf32, #tpu.memory_space<vmem>>[vector<16xi32>, vector<16xi32>, vector<16xi32>], vector<16xf32>, vector<16xi1>
          tpu.vector_store_idx %arg9[%add3A_419, %gather3A], %gather3A_424 masked %lt3A_407 : memref<8x4096xf32, #tpu.memory_space<vmem>>[vector<16xi32>, vector<16xi32>], vector<16xf32>, vector<16xi1>
          %add3A_425 = arith.constant 2 : i32
          %add3A_426 = vector.broadcast %add3A_425 : i32 to vector<16xi32>
          %add3A_427 = arith.addi %add3A_426, %broadcast_in_dim3A_3 : vector<16xi32>
          %mul3A_428 = arith.constant 2048 : i32
          %mul3A_429 = arith.muli %add3A_348, %mul3A_428 : i32
          %sub3A_430 = vector.broadcast %mul3A_429 : i32 to vector<16xi32>
          %sub3A_431 = arith.subi %gather3A_408, %sub3A_430 : vector<16xi32>
          %gather3A_432 = tpu.vector_load_idx %arg7[%add3A_364, %add3A_427, %sub3A_431] masked %lt3A_407 : memref<4x8x2048xf32, #tpu.memory_space<vmem>>[vector<16xi32>, vector<16xi32>, vector<16xi32>], vector<16xf32>, vector<16xi1>
          tpu.vector_store_idx %arg9[%add3A_427, %gather3A], %gather3A_432 masked %lt3A_407 : memref<8x4096xf32, #tpu.memory_space<vmem>>[vector<16xi32>, vector<16xi32>], vector<16xf32>, vector<16xi1>
          %add3A_433 = arith.constant 3 : i32
          %add3A_434 = vector.broadcast %add3A_433 : i32 to vector<16xi32>
          %add3A_435 = arith.addi %add3A_434, %broadcast_in_dim3A_3 : vector<16xi32>
          %mul3A_436 = arith.constant 2048 : i32
          %mul3A_437 = arith.muli %add3A_348, %mul3A_436 : i32
          %sub3A_438 = vector.broadcast %mul3A_437 : i32 to vector<16xi32>
          %sub3A_439 = arith.subi %gather3A_408, %sub3A_438 : vector<16xi32>
          %gather3A_440 = tpu.vector_load_idx %arg7[%add3A_364, %add3A_435, %sub3A_439] masked %lt3A_407 : memref<4x8x2048xf32, #tpu.memory_space<vmem>>[vector<16xi32>, vector<16xi32>, vector<16xi32>], vector<16xf32>, vector<16xi1>
          tpu.vector_store_idx %arg9[%add3A_435, %gather3A], %gather3A_440 masked %lt3A_407 : memref<8x4096xf32, #tpu.memory_space<vmem>>[vector<16xi32>, vector<16xi32>], vector<16xf32>, vector<16xi1>
          %add3A_441 = arith.constant 4 : i32
          %add3A_442 = vector.broadcast %add3A_441 : i32 to vector<16xi32>
          %add3A_443 = arith.addi %add3A_442, %broadcast_in_dim3A_3 : vector<16xi32>
          %mul3A_444 = arith.constant 2048 : i32
          %mul3A_445 = arith.muli %add3A_348, %mul3A_444 : i32
          %sub3A_446 = vector.broadcast %mul3A_445 : i32 to vector<16xi32>
          %sub3A_447 = arith.subi %gather3A_408, %sub3A_446 : vector<16xi32>
          %gather3A_448 = tpu.vector_load_idx %arg7[%add3A_364, %add3A_443, %sub3A_447] masked %lt3A_407 : memref<4x8x2048xf32, #tpu.memory_space<vmem>>[vector<16xi32>, vector<16xi32>, vector<16xi32>], vector<16xf32>, vector<16xi1>
          tpu.vector_store_idx %arg9[%add3A_443, %gather3A], %gather3A_448 masked %lt3A_407 : memref<8x4096xf32, #tpu.memory_space<vmem>>[vector<16xi32>, vector<16xi32>], vector<16xf32>, vector<16xi1>
          %add3A_449 = arith.constant 5 : i32
          %add3A_450 = vector.broadcast %add3A_449 : i32 to vector<16xi32>
          %add3A_451 = arith.addi %add3A_450, %broadcast_in_dim3A_3 : vector<16xi32>
          %mul3A_452 = arith.constant 2048 : i32
          %mul3A_453 = arith.muli %add3A_348, %mul3A_452 : i32
          %sub3A_454 = vector.broadcast %mul3A_453 : i32 to vector<16xi32>
          %sub3A_455 = arith.subi %gather3A_408, %sub3A_454 : vector<16xi32>
          %gather3A_456 = tpu.vector_load_idx %arg7[%add3A_364, %add3A_451, %sub3A_455] masked %lt3A_407 : memref<4x8x2048xf32, #tpu.memory_space<vmem>>[vector<16xi32>, vector<16xi32>, vector<16xi32>], vector<16xf32>, vector<16xi1>
          tpu.vector_store_idx %arg9[%add3A_451, %gather3A], %gather3A_456 masked %lt3A_407 : memref<8x4096xf32, #tpu.memory_space<vmem>>[vector<16xi32>, vector<16xi32>], vector<16xf32>, vector<16xi1>
          %add3A_457 = arith.constant 6 : i32
          %add3A_458 = vector.broadcast %add3A_457 : i32 to vector<16xi32>
          %add3A_459 = arith.addi %add3A_458, %broadcast_in_dim3A_3 : vector<16xi32>
          %mul3A_460 = arith.constant 2048 : i32
          %mul3A_461 = arith.muli %add3A_348, %mul3A_460 : i32
          %sub3A_462 = vector.broadcast %mul3A_461 : i32 to vector<16xi32>
          %sub3A_463 = arith.subi %gather3A_408, %sub3A_462 : vector<16xi32>
          %gather3A_464 = tpu.vector_load_idx %arg7[%add3A_364, %add3A_459, %sub3A_463] masked %lt3A_407 : memref<4x8x2048xf32, #tpu.memory_space<vmem>>[vector<16xi32>, vector<16xi32>, vector<16xi32>], vector<16xf32>, vector<16xi1>
          tpu.vector_store_idx %arg9[%add3A_459, %gather3A], %gather3A_464 masked %lt3A_407 : memref<8x4096xf32, #tpu.memory_space<vmem>>[vector<16xi32>, vector<16xi32>], vector<16xf32>, vector<16xi1>
          %add3A_465 = arith.constant 7 : i32
          %add3A_466 = vector.broadcast %add3A_465 : i32 to vector<16xi32>
          %add3A_467 = arith.addi %add3A_466, %broadcast_in_dim3A_3 : vector<16xi32>
          %mul3A_468 = arith.constant 2048 : i32
          %mul3A_469 = arith.muli %add3A_348, %mul3A_468 : i32
          %sub3A_470 = vector.broadcast %mul3A_469 : i32 to vector<16xi32>
          %sub3A_471 = arith.subi %gather3A_408, %sub3A_470 : vector<16xi32>
          %gather3A_472 = tpu.vector_load_idx %arg7[%add3A_364, %add3A_467, %sub3A_471] masked %lt3A_407 : memref<4x8x2048xf32, #tpu.memory_space<vmem>>[vector<16xi32>, vector<16xi32>, vector<16xi32>], vector<16xf32>, vector<16xi1>
          tpu.vector_store_idx %arg9[%add3A_467, %gather3A], %gather3A_472 masked %lt3A_407 : memref<8x4096xf32, #tpu.memory_space<vmem>>[vector<16xi32>, vector<16xi32>], vector<16xf32>, vector<16xi1>
        }
        %add3A_386 = arith.constant 4 : i32
        %add3A_387 = arith.addi %add3A_348, %add3A_386 : i32
        %lt3A_388 = arith.constant 48 : i32
        %lt3A_389 = arith.cmpi slt, %add3A_387, %lt3A_388 : i32
        %convert_element_type3A_390 = arith.extui %lt3A_389 : i1 to i32
        %cond3A_391 = arith.constant 0 : i32
        %cond3A_392 = arith.cmpi ne, %convert_element_type3A_390, %cond3A_391 : i32
        scf.if %cond3A_392 {
          %add3A_400 = arith.constant 4 : i32
          %add3A_401 = arith.addi %add3A_348, %add3A_400 : i32
          %mul3A_402 = arith.constant 2048 : i32
          %mul3A_403 = arith.muli %add3A_401, %mul3A_402 : i32
          %multiple_of3A_404 = tpu.assume_multiple %mul3A_403, 128 : i32
          %dma_start3A_405 = arith.constant 3 : i32
          %dma_start3A_406 = arith.constant 0 : i32
          %dma_start3A_407 = arith.constant 0 : i32
          %dma_start3A_408 = tpu.memref_slice %arg7[%dma_start3A_405, %dma_start3A_406, %dma_start3A_407] : memref<4x8x2048xf32, #tpu.memory_space<vmem>> -> memref<1x8x2048xf32, #tpu.memory_space<vmem>>
          %dma_start3A_409 = tpu.memref_squeeze %dma_start3A_408 : memref<1x8x2048xf32, #tpu.memory_space<vmem>> -> memref<8x2048xf32, #tpu.memory_space<vmem>>
          %dma_start3A_410 = tpu.memref_slice %arg3[%multiple_of3A, %multiple_of3A_404] : memref<416x100000xf32, #tpu.memory_space<hbm>> -> memref<8x2048xf32, #tpu.memory_space<hbm>>
          %dma_start3A_411 = arith.constant 0 : i32
          %dma_start3A_412 = arith.constant 0 : i32
          %dma_start3A_413 = tpu.memref_slice %arg7[%dma_start3A_405, %dma_start3A_411, %dma_start3A_412] : memref<4x8x2048xf32, #tpu.memory_space<vmem>> -> memref<1x8x2048xf32, #tpu.memory_space<vmem>>
          %dma_start3A_414 = tpu.memref_squeeze %dma_start3A_413 : memref<1x8x2048xf32, #tpu.memory_space<vmem>> -> memref<8x2048xf32, #tpu.memory_space<vmem>>
          %dma_start3A_415 = tpu.memref_slice %arg3[%multiple_of3A, %multiple_of3A_404] : memref<416x100000xf32, #tpu.memory_space<hbm>> -> memref<8x2048xf32, #tpu.memory_space<hbm>>
          tpu.enqueue_dma source(%dma_start3A_415 : memref<8x2048xf32, #tpu.memory_space<hbm>>) target(%dma_start3A_414 : memref<8x2048xf32, #tpu.memory_space<vmem>>) target_semaphore(%arg17 : memref<!tpu.dma_semaphore, #tpu.memory_space<semaphore_mem>>)
        } else {
        }
        %add3A_393 = arith.constant 4 : i32
        %add3A_394 = arith.addi %add3A_348, %add3A_393 : i32
        %eq3A_395 = arith.constant 48 : i32
        %eq3A_396 = arith.cmpi eq, %add3A_394, %eq3A_395 : i32
        %convert_element_type3A_397 = arith.extui %eq3A_396 : i1 to i32
        %cond3A_398 = arith.constant 0 : i32
        %cond3A_399 = arith.cmpi ne, %convert_element_type3A_397, %cond3A_398 : i32
        scf.if %cond3A_399 {
          %multiple_of3A_400 = arith.constant 98304 : i32
          %multiple_of3A_401 = tpu.assume_multiple %multiple_of3A_400, 128 : i32
          %dma_start3A_402 = arith.constant 3 : i32
          %dma_start3A_403 = arith.constant 0 : i32
          %dma_start3A_404 = arith.constant 0 : i32
          %dma_start3A_405 = tpu.memref_slice %arg7[%dma_start3A_402, %dma_start3A_403, %dma_start3A_404] : memref<4x8x2048xf32, #tpu.memory_space<vmem>> -> memref<1x8x1664xf32, #tpu.memory_space<vmem>>
          %dma_start3A_406 = tpu.memref_squeeze %dma_start3A_405 : memref<1x8x1664xf32, #tpu.memory_space<vmem>> -> memref<8x1664xf32, #tpu.memory_space<vmem>>
          %dma_start3A_407 = tpu.memref_slice %arg3[%multiple_of3A, %multiple_of3A_401] : memref<416x100000xf32, #tpu.memory_space<hbm>> -> memref<8x1664xf32, #tpu.memory_space<hbm>>
          %dma_start3A_408 = arith.constant 0 : i32
          %dma_start3A_409 = arith.constant 0 : i32
          %dma_start3A_410 = tpu.memref_slice %arg7[%dma_start3A_402, %dma_start3A_408, %dma_start3A_409] : memref<4x8x2048xf32, #tpu.memory_space<vmem>> -> memref<1x8x1664xf32, #tpu.memory_space<vmem>>
          %dma_start3A_411 = tpu.memref_squeeze %dma_start3A_410 : memref<1x8x1664xf32, #tpu.memory_space<vmem>> -> memref<8x1664xf32, #tpu.memory_space<vmem>>
          %dma_start3A_412 = tpu.memref_slice %arg3[%multiple_of3A, %multiple_of3A_401] : memref<416x100000xf32, #tpu.memory_space<hbm>> -> memref<8x1664xf32, #tpu.memory_space<hbm>>
          tpu.enqueue_dma source(%dma_start3A_412 : memref<8x1664xf32, #tpu.memory_space<hbm>>) target(%dma_start3A_411 : memref<8x1664xf32, #tpu.memory_space<vmem>>) target_semaphore(%arg17 : memref<!tpu.dma_semaphore, #tpu.memory_space<semaphore_mem>>)
        } else {
        }
      }
      %scan3A_117 = arith.constant 12 : i32
      %dma_wait3A = arith.constant 0 : i32
      %dma_wait3A_118 = arith.constant 0 : i32
      %dma_wait3A_119 = arith.constant 0 : i32
      %dma_wait3A_120 = tpu.memref_slice %arg7[%dma_wait3A, %dma_wait3A_118, %dma_wait3A_119] : memref<4x8x2048xf32, #tpu.memory_space<vmem>> -> memref<1x8x1664xf32, #tpu.memory_space<vmem>>
      %dma_wait3A_121 = tpu.memref_squeeze %dma_wait3A_120 : memref<1x8x1664xf32, #tpu.memory_space<vmem>> -> memref<8x1664xf32, #tpu.memory_space<vmem>>
      %dma_wait3A_122 = arith.constant 0 : i32
      %dma_wait3A_123 = tpu.memref_slice %arg3[%multiple_of3A, %dma_wait3A_122] : memref<416x100000xf32, #tpu.memory_space<hbm>> -> memref<8x1664xf32, #tpu.memory_space<hbm>>
      %dma_wait3A_124 = arith.constant 0 : i32
      %dma_wait3A_125 = arith.constant 0 : i32
      %dma_wait3A_126 = tpu.memref_slice %arg7[%dma_wait3A, %dma_wait3A_124, %dma_wait3A_125] : memref<4x8x2048xf32, #tpu.memory_space<vmem>> -> memref<1x8x1664xf32, #tpu.memory_space<vmem>>
      %dma_wait3A_127 = tpu.memref_squeeze %dma_wait3A_126 : memref<1x8x1664xf32, #tpu.memory_space<vmem>> -> memref<8x1664xf32, #tpu.memory_space<vmem>>
      %dma_wait3A_128 = arith.constant 0 : i32
      %dma_wait3A_129 = tpu.memref_slice %arg3[%multiple_of3A, %dma_wait3A_128] : memref<416x100000xf32, #tpu.memory_space<hbm>> -> memref<8x1664xf32, #tpu.memory_space<hbm>>
      tpu.wait_dma2 semaphore(%arg14 : memref<!tpu.dma_semaphore, #tpu.memory_space<semaphore_mem>>) src(%dma_wait3A_129 : memref<8x1664xf32, #tpu.memory_space<hbm>>) dst(%dma_wait3A_127 : memref<8x1664xf32, #tpu.memory_space<vmem>>)
      %add3A_130 = arith.constant 0 : i32
      %add3A_131 = vector.broadcast %add3A_130 : i32 to vector<16xi32>
      %add3A_132 = arith.addi %add3A_131, %broadcast_in_dim3A_3 : vector<16xi32>
      %get3A = arith.constant 48 : i32
      %get3A_133 = arith.index_cast %get3A : i32 to index
      %get3A_134 = memref.load %arg13[%get3A_133] : memref<51xi32, #tpu.memory_space<smem>>
      %get3A_135 = arith.constant 49 : i32
      %get3A_136 = arith.index_cast %get3A_135 : i32 to index
      %get3A_137 = memref.load %arg13[%get3A_136] : memref<51xi32, #tpu.memory_space<smem>>
      %sub3A = arith.subi %get3A_137, %get3A_134 : i32
      %add3A_138 = arith.constant 15 : i32
      %add3A_139 = arith.addi %sub3A, %add3A_138 : i32
      %shift_right_logical3A = arith.constant 4 : i32
      %shift_right_logical3A_140 = arith.shrui %add3A_139, %shift_right_logical3A : i32
      %while3A = arith.constant 0 : i32
      %while3A_141 = arith.constant 0 : i32
      %while3A_142 = arith.subi %shift_right_logical3A_140, %while3A_141 : i32
      %while3A_143 = arith.addi %while3A_141, %while3A_142 : i32
      %while3A_144 = arith.constant 1 : i32
      %while3A_145 = arith.divsi %while3A_142, %while3A_144 : i32
      %while3A_146 = arith.muli %while3A_145, %while3A_144 : i32
      %while3A_147 = arith.addi %while3A_141, %while3A_146 : i32
      %while3A_148 = arith.constant 1 : i32
      scf.for %while3A_180 = %while3A_141 to %while3A_147 step %while3A_148  : i32 {
        %mul3A_181 = arith.constant 16 : i32
        %mul3A_182 = arith.muli %while3A_180, %mul3A_181 : i32
        %add3A_183 = arith.addi %get3A_134, %mul3A_182 : i32
        %add3A_184 = vector.broadcast %add3A_183 : i32 to vector<16xi32>
        %add3A_185 = arith.addi %add3A_184, %iota3A : vector<16xi32>
        %lt3A_186 = vector.broadcast %get3A_137 : i32 to vector<16xi32>
        %lt3A_187 = arith.cmpi slt, %add3A_185, %lt3A_186 : vector<16xi32>
        %gather3A = tpu.vector_load_idx %arg10[%add3A_185] masked %lt3A_187 : memref<4112xi32, #tpu.memory_space<vmem>>[vector<16xi32>], vector<16xi32>, vector<16xi1>
        %gather3A_188 = tpu.vector_load_idx %arg11[%add3A_185] masked %lt3A_187 : memref<4112xi32, #tpu.memory_space<vmem>>[vector<16xi32>], vector<16xi32>, vector<16xi1>
        %add3A_189 = arith.constant 0 : i32
        %add3A_190 = vector.broadcast %add3A_189 : i32 to vector<16xi32>
        %add3A_191 = arith.addi %add3A_190, %broadcast_in_dim3A_3 : vector<16xi32>
        %sub3A_192 = arith.constant 98304 : i32
        %sub3A_193 = vector.broadcast %sub3A_192 : i32 to vector<16xi32>
        %sub3A_194 = arith.subi %gather3A_188, %sub3A_193 : vector<16xi32>
        %gather3A_195 = tpu.vector_load_idx %arg7[%add3A_132, %add3A_191, %sub3A_194] masked %lt3A_187 : memref<4x8x2048xf32, #tpu.memory_space<vmem>>[vector<16xi32>, vector<16xi32>, vector<16xi32>], vector<16xf32>, vector<16xi1>
        tpu.vector_store_idx %arg9[%add3A_191, %gather3A], %gather3A_195 masked %lt3A_187 : memref<8x4096xf32, #tpu.memory_space<vmem>>[vector<16xi32>, vector<16xi32>], vector<16xf32>, vector<16xi1>
        %add3A_196 = arith.constant 1 : i32
        %add3A_197 = vector.broadcast %add3A_196 : i32 to vector<16xi32>
        %add3A_198 = arith.addi %add3A_197, %broadcast_in_dim3A_3 : vector<16xi32>
        %sub3A_199 = arith.constant 98304 : i32
        %sub3A_200 = vector.broadcast %sub3A_199 : i32 to vector<16xi32>
        %sub3A_201 = arith.subi %gather3A_188, %sub3A_200 : vector<16xi32>
        %gather3A_202 = tpu.vector_load_idx %arg7[%add3A_132, %add3A_198, %sub3A_201] masked %lt3A_187 : memref<4x8x2048xf32, #tpu.memory_space<vmem>>[vector<16xi32>, vector<16xi32>, vector<16xi32>], vector<16xf32>, vector<16xi1>
        tpu.vector_store_idx %arg9[%add3A_198, %gather3A], %gather3A_202 masked %lt3A_187 : memref<8x4096xf32, #tpu.memory_space<vmem>>[vector<16xi32>, vector<16xi32>], vector<16xf32>, vector<16xi1>
        %add3A_203 = arith.constant 2 : i32
        %add3A_204 = vector.broadcast %add3A_203 : i32 to vector<16xi32>
        %add3A_205 = arith.addi %add3A_204, %broadcast_in_dim3A_3 : vector<16xi32>
        %sub3A_206 = arith.constant 98304 : i32
        %sub3A_207 = vector.broadcast %sub3A_206 : i32 to vector<16xi32>
        %sub3A_208 = arith.subi %gather3A_188, %sub3A_207 : vector<16xi32>
        %gather3A_209 = tpu.vector_load_idx %arg7[%add3A_132, %add3A_205, %sub3A_208] masked %lt3A_187 : memref<4x8x2048xf32, #tpu.memory_space<vmem>>[vector<16xi32>, vector<16xi32>, vector<16xi32>], vector<16xf32>, vector<16xi1>
        tpu.vector_store_idx %arg9[%add3A_205, %gather3A], %gather3A_209 masked %lt3A_187 : memref<8x4096xf32, #tpu.memory_space<vmem>>[vector<16xi32>, vector<16xi32>], vector<16xf32>, vector<16xi1>
        %add3A_210 = arith.constant 3 : i32
        %add3A_211 = vector.broadcast %add3A_210 : i32 to vector<16xi32>
        %add3A_212 = arith.addi %add3A_211, %broadcast_in_dim3A_3 : vector<16xi32>
        %sub3A_213 = arith.constant 98304 : i32
        %sub3A_214 = vector.broadcast %sub3A_213 : i32 to vector<16xi32>
        %sub3A_215 = arith.subi %gather3A_188, %sub3A_214 : vector<16xi32>
        %gather3A_216 = tpu.vector_load_idx %arg7[%add3A_132, %add3A_212, %sub3A_215] masked %lt3A_187 : memref<4x8x2048xf32, #tpu.memory_space<vmem>>[vector<16xi32>, vector<16xi32>, vector<16xi32>], vector<16xf32>, vector<16xi1>
        tpu.vector_store_idx %arg9[%add3A_212, %gather3A], %gather3A_216 masked %lt3A_187 : memref<8x4096xf32, #tpu.memory_space<vmem>>[vector<16xi32>, vector<16xi32>], vector<16xf32>, vector<16xi1>
        %add3A_217 = arith.constant 4 : i32
        %add3A_218 = vector.broadcast %add3A_217 : i32 to vector<16xi32>
        %add3A_219 = arith.addi %add3A_218, %broadcast_in_dim3A_3 : vector<16xi32>
        %sub3A_220 = arith.constant 98304 : i32
        %sub3A_221 = vector.broadcast %sub3A_220 : i32 to vector<16xi32>
        %sub3A_222 = arith.subi %gather3A_188, %sub3A_221 : vector<16xi32>
        %gather3A_223 = tpu.vector_load_idx %arg7[%add3A_132, %add3A_219, %sub3A_222] masked %lt3A_187 : memref<4x8x2048xf32, #tpu.memory_space<vmem>>[vector<16xi32>, vector<16xi32>, vector<16xi32>], vector<16xf32>, vector<16xi1>
        tpu.vector_store_idx %arg9[%add3A_219, %gather3A], %gather3A_223 masked %lt3A_187 : memref<8x4096xf32, #tpu.memory_space<vmem>>[vector<16xi32>, vector<16xi32>], vector<16xf32>, vector<16xi1>
        %add3A_224 = arith.constant 5 : i32
        %add3A_225 = vector.broadcast %add3A_224 : i32 to vector<16xi32>
        %add3A_226 = arith.addi %add3A_225, %broadcast_in_dim3A_3 : vector<16xi32>
        %sub3A_227 = arith.constant 98304 : i32
        %sub3A_228 = vector.broadcast %sub3A_227 : i32 to vector<16xi32>
        %sub3A_229 = arith.subi %gather3A_188, %sub3A_228 : vector<16xi32>
        %gather3A_230 = tpu.vector_load_idx %arg7[%add3A_132, %add3A_226, %sub3A_229] masked %lt3A_187 : memref<4x8x2048xf32, #tpu.memory_space<vmem>>[vector<16xi32>, vector<16xi32>, vector<16xi32>], vector<16xf32>, vector<16xi1>
        tpu.vector_store_idx %arg9[%add3A_226, %gather3A], %gather3A_230 masked %lt3A_187 : memref<8x4096xf32, #tpu.memory_space<vmem>>[vector<16xi32>, vector<16xi32>], vector<16xf32>, vector<16xi1>
        %add3A_231 = arith.constant 6 : i32
        %add3A_232 = vector.broadcast %add3A_231 : i32 to vector<16xi32>
        %add3A_233 = arith.addi %add3A_232, %broadcast_in_dim3A_3 : vector<16xi32>
        %sub3A_234 = arith.constant 98304 : i32
        %sub3A_235 = vector.broadcast %sub3A_234 : i32 to vector<16xi32>
        %sub3A_236 = arith.subi %gather3A_188, %sub3A_235 : vector<16xi32>
        %gather3A_237 = tpu.vector_load_idx %arg7[%add3A_132, %add3A_233, %sub3A_236] masked %lt3A_187 : memref<4x8x2048xf32, #tpu.memory_space<vmem>>[vector<16xi32>, vector<16xi32>, vector<16xi32>], vector<16xf32>, vector<16xi1>
        tpu.vector_store_idx %arg9[%add3A_233, %gather3A], %gather3A_237 masked %lt3A_187 : memref<8x4096xf32, #tpu.memory_space<vmem>>[vector<16xi32>, vector<16xi32>], vector<16xf32>, vector<16xi1>
        %add3A_238 = arith.constant 7 : i32
        %add3A_239 = vector.broadcast %add3A_238 : i32 to vector<16xi32>
        %add3A_240 = arith.addi %add3A_239, %broadcast_in_dim3A_3 : vector<16xi32>
        %sub3A_241 = arith.constant 98304 : i32
        %sub3A_242 = vector.broadcast %sub3A_241 : i32 to vector<16xi32>
        %sub3A_243 = arith.subi %gather3A_188, %sub3A_242 : vector<16xi32>
        %gather3A_244 = tpu.vector_load_idx %arg7[%add3A_132, %add3A_240, %sub3A_243] masked %lt3A_187 : memref<4x8x2048xf32, #tpu.memory_space<vmem>>[vector<16xi32>, vector<16xi32>, vector<16xi32>], vector<16xf32>, vector<16xi1>
        tpu.vector_store_idx %arg9[%add3A_240, %gather3A], %gather3A_244 masked %lt3A_187 : memref<8x4096xf32, #tpu.memory_space<vmem>>[vector<16xi32>, vector<16xi32>], vector<16xf32>, vector<16xi1>
      }
      %while3A_149 = arith.constant 1 : i32
      scf.for %while3A_180 = %while3A_147 to %while3A_143 step %while3A_149  : i32 {
        %mul3A_181 = arith.constant 16 : i32
        %mul3A_182 = arith.muli %while3A_180, %mul3A_181 : i32
        %add3A_183 = arith.addi %get3A_134, %mul3A_182 : i32
        %add3A_184 = vector.broadcast %add3A_183 : i32 to vector<16xi32>
        %add3A_185 = arith.addi %add3A_184, %iota3A : vector<16xi32>
        %lt3A_186 = vector.broadcast %get3A_137 : i32 to vector<16xi32>
        %lt3A_187 = arith.cmpi slt, %add3A_185, %lt3A_186 : vector<16xi32>
        %gather3A = tpu.vector_load_idx %arg10[%add3A_185] masked %lt3A_187 : memref<4112xi32, #tpu.memory_space<vmem>>[vector<16xi32>], vector<16xi32>, vector<16xi1>
        %gather3A_188 = tpu.vector_load_idx %arg11[%add3A_185] masked %lt3A_187 : memref<4112xi32, #tpu.memory_space<vmem>>[vector<16xi32>], vector<16xi32>, vector<16xi1>
        %add3A_189 = arith.constant 0 : i32
        %add3A_190 = vector.broadcast %add3A_189 : i32 to vector<16xi32>
        %add3A_191 = arith.addi %add3A_190, %broadcast_in_dim3A_3 : vector<16xi32>
        %sub3A_192 = arith.constant 98304 : i32
        %sub3A_193 = vector.broadcast %sub3A_192 : i32 to vector<16xi32>
        %sub3A_194 = arith.subi %gather3A_188, %sub3A_193 : vector<16xi32>
        %gather3A_195 = tpu.vector_load_idx %arg7[%add3A_132, %add3A_191, %sub3A_194] masked %lt3A_187 : memref<4x8x2048xf32, #tpu.memory_space<vmem>>[vector<16xi32>, vector<16xi32>, vector<16xi32>], vector<16xf32>, vector<16xi1>
        tpu.vector_store_idx %arg9[%add3A_191, %gather3A], %gather3A_195 masked %lt3A_187 : memref<8x4096xf32, #tpu.memory_space<vmem>>[vector<16xi32>, vector<16xi32>], vector<16xf32>, vector<16xi1>
        %add3A_196 = arith.constant 1 : i32
        %add3A_197 = vector.broadcast %add3A_196 : i32 to vector<16xi32>
        %add3A_198 = arith.addi %add3A_197, %broadcast_in_dim3A_3 : vector<16xi32>
        %sub3A_199 = arith.constant 98304 : i32
        %sub3A_200 = vector.broadcast %sub3A_199 : i32 to vector<16xi32>
        %sub3A_201 = arith.subi %gather3A_188, %sub3A_200 : vector<16xi32>
        %gather3A_202 = tpu.vector_load_idx %arg7[%add3A_132, %add3A_198, %sub3A_201] masked %lt3A_187 : memref<4x8x2048xf32, #tpu.memory_space<vmem>>[vector<16xi32>, vector<16xi32>, vector<16xi32>], vector<16xf32>, vector<16xi1>
        tpu.vector_store_idx %arg9[%add3A_198, %gather3A], %gather3A_202 masked %lt3A_187 : memref<8x4096xf32, #tpu.memory_space<vmem>>[vector<16xi32>, vector<16xi32>], vector<16xf32>, vector<16xi1>
        %add3A_203 = arith.constant 2 : i32
        %add3A_204 = vector.broadcast %add3A_203 : i32 to vector<16xi32>
        %add3A_205 = arith.addi %add3A_204, %broadcast_in_dim3A_3 : vector<16xi32>
        %sub3A_206 = arith.constant 98304 : i32
        %sub3A_207 = vector.broadcast %sub3A_206 : i32 to vector<16xi32>
        %sub3A_208 = arith.subi %gather3A_188, %sub3A_207 : vector<16xi32>
        %gather3A_209 = tpu.vector_load_idx %arg7[%add3A_132, %add3A_205, %sub3A_208] masked %lt3A_187 : memref<4x8x2048xf32, #tpu.memory_space<vmem>>[vector<16xi32>, vector<16xi32>, vector<16xi32>], vector<16xf32>, vector<16xi1>
        tpu.vector_store_idx %arg9[%add3A_205, %gather3A], %gather3A_209 masked %lt3A_187 : memref<8x4096xf32, #tpu.memory_space<vmem>>[vector<16xi32>, vector<16xi32>], vector<16xf32>, vector<16xi1>
        %add3A_210 = arith.constant 3 : i32
        %add3A_211 = vector.broadcast %add3A_210 : i32 to vector<16xi32>
        %add3A_212 = arith.addi %add3A_211, %broadcast_in_dim3A_3 : vector<16xi32>
        %sub3A_213 = arith.constant 98304 : i32
        %sub3A_214 = vector.broadcast %sub3A_213 : i32 to vector<16xi32>
        %sub3A_215 = arith.subi %gather3A_188, %sub3A_214 : vector<16xi32>
        %gather3A_216 = tpu.vector_load_idx %arg7[%add3A_132, %add3A_212, %sub3A_215] masked %lt3A_187 : memref<4x8x2048xf32, #tpu.memory_space<vmem>>[vector<16xi32>, vector<16xi32>, vector<16xi32>], vector<16xf32>, vector<16xi1>
        tpu.vector_store_idx %arg9[%add3A_212, %gather3A], %gather3A_216 masked %lt3A_187 : memref<8x4096xf32, #tpu.memory_space<vmem>>[vector<16xi32>, vector<16xi32>], vector<16xf32>, vector<16xi1>
        %add3A_217 = arith.constant 4 : i32
        %add3A_218 = vector.broadcast %add3A_217 : i32 to vector<16xi32>
        %add3A_219 = arith.addi %add3A_218, %broadcast_in_dim3A_3 : vector<16xi32>
        %sub3A_220 = arith.constant 98304 : i32
        %sub3A_221 = vector.broadcast %sub3A_220 : i32 to vector<16xi32>
        %sub3A_222 = arith.subi %gather3A_188, %sub3A_221 : vector<16xi32>
        %gather3A_223 = tpu.vector_load_idx %arg7[%add3A_132, %add3A_219, %sub3A_222] masked %lt3A_187 : memref<4x8x2048xf32, #tpu.memory_space<vmem>>[vector<16xi32>, vector<16xi32>, vector<16xi32>], vector<16xf32>, vector<16xi1>
        tpu.vector_store_idx %arg9[%add3A_219, %gather3A], %gather3A_223 masked %lt3A_187 : memref<8x4096xf32, #tpu.memory_space<vmem>>[vector<16xi32>, vector<16xi32>], vector<16xf32>, vector<16xi1>
        %add3A_224 = arith.constant 5 : i32
        %add3A_225 = vector.broadcast %add3A_224 : i32 to vector<16xi32>
        %add3A_226 = arith.addi %add3A_225, %broadcast_in_dim3A_3 : vector<16xi32>
        %sub3A_227 = arith.constant 98304 : i32
        %sub3A_228 = vector.broadcast %sub3A_227 : i32 to vector<16xi32>
        %sub3A_229 = arith.subi %gather3A_188, %sub3A_228 : vector<16xi32>
        %gather3A_230 = tpu.vector_load_idx %arg7[%add3A_132, %add3A_226, %sub3A_229] masked %lt3A_187 : memref<4x8x2048xf32, #tpu.memory_space<vmem>>[vector<16xi32>, vector<16xi32>, vector<16xi32>], vector<16xf32>, vector<16xi1>
        tpu.vector_store_idx %arg9[%add3A_226, %gather3A], %gather3A_230 masked %lt3A_187 : memref<8x4096xf32, #tpu.memory_space<vmem>>[vector<16xi32>, vector<16xi32>], vector<16xf32>, vector<16xi1>
        %add3A_231 = arith.constant 6 : i32
        %add3A_232 = vector.broadcast %add3A_231 : i32 to vector<16xi32>
        %add3A_233 = arith.addi %add3A_232, %broadcast_in_dim3A_3 : vector<16xi32>
        %sub3A_234 = arith.constant 98304 : i32
        %sub3A_235 = vector.broadcast %sub3A_234 : i32 to vector<16xi32>
        %sub3A_236 = arith.subi %gather3A_188, %sub3A_235 : vector<16xi32>
        %gather3A_237 = tpu.vector_load_idx %arg7[%add3A_132, %add3A_233, %sub3A_236] masked %lt3A_187 : memref<4x8x2048xf32, #tpu.memory_space<vmem>>[vector<16xi32>, vector<16xi32>, vector<16xi32>], vector<16xf32>, vector<16xi1>
        tpu.vector_store_idx %arg9[%add3A_233, %gather3A], %gather3A_237 masked %lt3A_187 : memref<8x4096xf32, #tpu.memory_space<vmem>>[vector<16xi32>, vector<16xi32>], vector<16xf32>, vector<16xi1>
        %add3A_238 = arith.constant 7 : i32
        %add3A_239 = vector.broadcast %add3A_238 : i32 to vector<16xi32>
        %add3A_240 = arith.addi %add3A_239, %broadcast_in_dim3A_3 : vector<16xi32>
        %sub3A_241 = arith.constant 98304 : i32
        %sub3A_242 = vector.broadcast %sub3A_241 : i32 to vector<16xi32>
        %sub3A_243 = arith.subi %gather3A_188, %sub3A_242 : vector<16xi32>
        %gather3A_244 = tpu.vector_load_idx %arg7[%add3A_132, %add3A_240, %sub3A_243] masked %lt3A_187 : memref<4x8x2048xf32, #tpu.memory_space<vmem>>[vector<16xi32>, vector<16xi32>, vector<16xi32>], vector<16xf32>, vector<16xi1>
        tpu.vector_store_idx %arg9[%add3A_240, %gather3A], %gather3A_244 masked %lt3A_187 : memref<8x4096xf32, #tpu.memory_space<vmem>>[vector<16xi32>, vector<16xi32>], vector<16xf32>, vector<16xi1>
      }
      %get3A_150 = arith.constant 49 : i32
      %get3A_151 = arith.index_cast %get3A_150 : i32 to index
      %get3A_152 = memref.load %arg13[%get3A_151] : memref<51xi32, #tpu.memory_space<smem>>
      %get3A_153 = arith.constant 50 : i32
      %get3A_154 = arith.index_cast %get3A_153 : i32 to index
      %get3A_155 = memref.load %arg13[%get3A_154] : memref<51xi32, #tpu.memory_space<smem>>
      %sub3A_156 = arith.subi %get3A_155, %get3A_152 : i32
      %add3A_157 = arith.constant 15 : i32
      %add3A_158 = arith.addi %sub3A_156, %add3A_157 : i32
      %shift_right_logical3A_159 = arith.constant 4 : i32
      %shift_right_logical3A_160 = arith.shrui %add3A_158, %shift_right_logical3A_159 : i32
      %while3A_161 = arith.constant 0 : i32
      %while3A_162 = arith.constant 0 : i32
      %while3A_163 = arith.subi %shift_right_logical3A_160, %while3A_162 : i32
      %while3A_164 = arith.addi %while3A_162, %while3A_163 : i32
      %while3A_165 = arith.constant 1 : i32
      %while3A_166 = arith.divsi %while3A_163, %while3A_165 : i32
      %while3A_167 = arith.muli %while3A_166, %while3A_165 : i32
      %while3A_168 = arith.addi %while3A_162, %while3A_167 : i32
      %while3A_169 = arith.constant 1 : i32
      scf.for %while3A_180 = %while3A_162 to %while3A_168 step %while3A_169  : i32 {
        %mul3A_181 = arith.constant 16 : i32
        %mul3A_182 = arith.muli %while3A_180, %mul3A_181 : i32
        %add3A_183 = arith.addi %get3A_152, %mul3A_182 : i32
        %add3A_184 = vector.broadcast %add3A_183 : i32 to vector<16xi32>
        %add3A_185 = arith.addi %add3A_184, %iota3A : vector<16xi32>
        %lt3A_186 = vector.broadcast %get3A_155 : i32 to vector<16xi32>
        %lt3A_187 = arith.cmpi slt, %add3A_185, %lt3A_186 : vector<16xi32>
        %gather3A = tpu.vector_load_idx %arg10[%add3A_185] masked %lt3A_187 : memref<4112xi32, #tpu.memory_space<vmem>>[vector<16xi32>], vector<16xi32>, vector<16xi1>
        %gather3A_188 = tpu.vector_load_idx %arg11[%add3A_185] masked %lt3A_187 : memref<4112xi32, #tpu.memory_space<vmem>>[vector<16xi32>], vector<16xi32>, vector<16xi1>
        %add3A_189 = arith.constant 0 : i32
        %add3A_190 = vector.broadcast %add3A_189 : i32 to vector<16xi32>
        %add3A_191 = arith.addi %add3A_190, %broadcast_in_dim3A_3 : vector<16xi32>
        %sub3A_192 = arith.constant 99968 : i32
        %sub3A_193 = vector.broadcast %sub3A_192 : i32 to vector<16xi32>
        %sub3A_194 = arith.subi %gather3A_188, %sub3A_193 : vector<16xi32>
        %gather3A_195 = tpu.vector_load_idx %arg8[%add3A_191, %sub3A_194] masked %lt3A_187 : memref<8x128xf32, #tpu.memory_space<vmem>>[vector<16xi32>, vector<16xi32>], vector<16xf32>, vector<16xi1>
        tpu.vector_store_idx %arg9[%add3A_191, %gather3A], %gather3A_195 masked %lt3A_187 : memref<8x4096xf32, #tpu.memory_space<vmem>>[vector<16xi32>, vector<16xi32>], vector<16xf32>, vector<16xi1>
        %add3A_196 = arith.constant 1 : i32
        %add3A_197 = vector.broadcast %add3A_196 : i32 to vector<16xi32>
        %add3A_198 = arith.addi %add3A_197, %broadcast_in_dim3A_3 : vector<16xi32>
        %sub3A_199 = arith.constant 99968 : i32
        %sub3A_200 = vector.broadcast %sub3A_199 : i32 to vector<16xi32>
        %sub3A_201 = arith.subi %gather3A_188, %sub3A_200 : vector<16xi32>
        %gather3A_202 = tpu.vector_load_idx %arg8[%add3A_198, %sub3A_201] masked %lt3A_187 : memref<8x128xf32, #tpu.memory_space<vmem>>[vector<16xi32>, vector<16xi32>], vector<16xf32>, vector<16xi1>
        tpu.vector_store_idx %arg9[%add3A_198, %gather3A], %gather3A_202 masked %lt3A_187 : memref<8x4096xf32, #tpu.memory_space<vmem>>[vector<16xi32>, vector<16xi32>], vector<16xf32>, vector<16xi1>
        %add3A_203 = arith.constant 2 : i32
        %add3A_204 = vector.broadcast %add3A_203 : i32 to vector<16xi32>
        %add3A_205 = arith.addi %add3A_204, %broadcast_in_dim3A_3 : vector<16xi32>
        %sub3A_206 = arith.constant 99968 : i32
        %sub3A_207 = vector.broadcast %sub3A_206 : i32 to vector<16xi32>
        %sub3A_208 = arith.subi %gather3A_188, %sub3A_207 : vector<16xi32>
        %gather3A_209 = tpu.vector_load_idx %arg8[%add3A_205, %sub3A_208] masked %lt3A_187 : memref<8x128xf32, #tpu.memory_space<vmem>>[vector<16xi32>, vector<16xi32>], vector<16xf32>, vector<16xi1>
        tpu.vector_store_idx %arg9[%add3A_205, %gather3A], %gather3A_209 masked %lt3A_187 : memref<8x4096xf32, #tpu.memory_space<vmem>>[vector<16xi32>, vector<16xi32>], vector<16xf32>, vector<16xi1>
        %add3A_210 = arith.constant 3 : i32
        %add3A_211 = vector.broadcast %add3A_210 : i32 to vector<16xi32>
        %add3A_212 = arith.addi %add3A_211, %broadcast_in_dim3A_3 : vector<16xi32>
        %sub3A_213 = arith.constant 99968 : i32
        %sub3A_214 = vector.broadcast %sub3A_213 : i32 to vector<16xi32>
        %sub3A_215 = arith.subi %gather3A_188, %sub3A_214 : vector<16xi32>
        %gather3A_216 = tpu.vector_load_idx %arg8[%add3A_212, %sub3A_215] masked %lt3A_187 : memref<8x128xf32, #tpu.memory_space<vmem>>[vector<16xi32>, vector<16xi32>], vector<16xf32>, vector<16xi1>
        tpu.vector_store_idx %arg9[%add3A_212, %gather3A], %gather3A_216 masked %lt3A_187 : memref<8x4096xf32, #tpu.memory_space<vmem>>[vector<16xi32>, vector<16xi32>], vector<16xf32>, vector<16xi1>
        %add3A_217 = arith.constant 4 : i32
        %add3A_218 = vector.broadcast %add3A_217 : i32 to vector<16xi32>
        %add3A_219 = arith.addi %add3A_218, %broadcast_in_dim3A_3 : vector<16xi32>
        %sub3A_220 = arith.constant 99968 : i32
        %sub3A_221 = vector.broadcast %sub3A_220 : i32 to vector<16xi32>
        %sub3A_222 = arith.subi %gather3A_188, %sub3A_221 : vector<16xi32>
        %gather3A_223 = tpu.vector_load_idx %arg8[%add3A_219, %sub3A_222] masked %lt3A_187 : memref<8x128xf32, #tpu.memory_space<vmem>>[vector<16xi32>, vector<16xi32>], vector<16xf32>, vector<16xi1>
        tpu.vector_store_idx %arg9[%add3A_219, %gather3A], %gather3A_223 masked %lt3A_187 : memref<8x4096xf32, #tpu.memory_space<vmem>>[vector<16xi32>, vector<16xi32>], vector<16xf32>, vector<16xi1>
        %add3A_224 = arith.constant 5 : i32
        %add3A_225 = vector.broadcast %add3A_224 : i32 to vector<16xi32>
        %add3A_226 = arith.addi %add3A_225, %broadcast_in_dim3A_3 : vector<16xi32>
        %sub3A_227 = arith.constant 99968 : i32
        %sub3A_228 = vector.broadcast %sub3A_227 : i32 to vector<16xi32>
        %sub3A_229 = arith.subi %gather3A_188, %sub3A_228 : vector<16xi32>
        %gather3A_230 = tpu.vector_load_idx %arg8[%add3A_226, %sub3A_229] masked %lt3A_187 : memref<8x128xf32, #tpu.memory_space<vmem>>[vector<16xi32>, vector<16xi32>], vector<16xf32>, vector<16xi1>
        tpu.vector_store_idx %arg9[%add3A_226, %gather3A], %gather3A_230 masked %lt3A_187 : memref<8x4096xf32, #tpu.memory_space<vmem>>[vector<16xi32>, vector<16xi32>], vector<16xf32>, vector<16xi1>
        %add3A_231 = arith.constant 6 : i32
        %add3A_232 = vector.broadcast %add3A_231 : i32 to vector<16xi32>
        %add3A_233 = arith.addi %add3A_232, %broadcast_in_dim3A_3 : vector<16xi32>
        %sub3A_234 = arith.constant 99968 : i32
        %sub3A_235 = vector.broadcast %sub3A_234 : i32 to vector<16xi32>
        %sub3A_236 = arith.subi %gather3A_188, %sub3A_235 : vector<16xi32>
        %gather3A_237 = tpu.vector_load_idx %arg8[%add3A_233, %sub3A_236] masked %lt3A_187 : memref<8x128xf32, #tpu.memory_space<vmem>>[vector<16xi32>, vector<16xi32>], vector<16xf32>, vector<16xi1>
        tpu.vector_store_idx %arg9[%add3A_233, %gather3A], %gather3A_237 masked %lt3A_187 : memref<8x4096xf32, #tpu.memory_space<vmem>>[vector<16xi32>, vector<16xi32>], vector<16xf32>, vector<16xi1>
        %add3A_238 = arith.constant 7 : i32
        %add3A_239 = vector.broadcast %add3A_238 : i32 to vector<16xi32>
        %add3A_240 = arith.addi %add3A_239, %broadcast_in_dim3A_3 : vector<16xi32>
        %sub3A_241 = arith.constant 99968 : i32
        %sub3A_242 = vector.broadcast %sub3A_241 : i32 to vector<16xi32>
        %sub3A_243 = arith.subi %gather3A_188, %sub3A_242 : vector<16xi32>
        %gather3A_244 = tpu.vector_load_idx %arg8[%add3A_240, %sub3A_243] masked %lt3A_187 : memref<8x128xf32, #tpu.memory_space<vmem>>[vector<16xi32>, vector<16xi32>], vector<16xf32>, vector<16xi1>
        tpu.vector_store_idx %arg9[%add3A_240, %gather3A], %gather3A_244 masked %lt3A_187 : memref<8x4096xf32, #tpu.memory_space<vmem>>[vector<16xi32>, vector<16xi32>], vector<16xf32>, vector<16xi1>
      }
      %while3A_170 = arith.constant 1 : i32
      scf.for %while3A_180 = %while3A_168 to %while3A_164 step %while3A_170  : i32 {
        %mul3A_181 = arith.constant 16 : i32
        %mul3A_182 = arith.muli %while3A_180, %mul3A_181 : i32
        %add3A_183 = arith.addi %get3A_152, %mul3A_182 : i32
        %add3A_184 = vector.broadcast %add3A_183 : i32 to vector<16xi32>
        %add3A_185 = arith.addi %add3A_184, %iota3A : vector<16xi32>
        %lt3A_186 = vector.broadcast %get3A_155 : i32 to vector<16xi32>
        %lt3A_187 = arith.cmpi slt, %add3A_185, %lt3A_186 : vector<16xi32>
        %gather3A = tpu.vector_load_idx %arg10[%add3A_185] masked %lt3A_187 : memref<4112xi32, #tpu.memory_space<vmem>>[vector<16xi32>], vector<16xi32>, vector<16xi1>
        %gather3A_188 = tpu.vector_load_idx %arg11[%add3A_185] masked %lt3A_187 : memref<4112xi32, #tpu.memory_space<vmem>>[vector<16xi32>], vector<16xi32>, vector<16xi1>
        %add3A_189 = arith.constant 0 : i32
        %add3A_190 = vector.broadcast %add3A_189 : i32 to vector<16xi32>
        %add3A_191 = arith.addi %add3A_190, %broadcast_in_dim3A_3 : vector<16xi32>
        %sub3A_192 = arith.constant 99968 : i32
        %sub3A_193 = vector.broadcast %sub3A_192 : i32 to vector<16xi32>
        %sub3A_194 = arith.subi %gather3A_188, %sub3A_193 : vector<16xi32>
        %gather3A_195 = tpu.vector_load_idx %arg8[%add3A_191, %sub3A_194] masked %lt3A_187 : memref<8x128xf32, #tpu.memory_space<vmem>>[vector<16xi32>, vector<16xi32>], vector<16xf32>, vector<16xi1>
        tpu.vector_store_idx %arg9[%add3A_191, %gather3A], %gather3A_195 masked %lt3A_187 : memref<8x4096xf32, #tpu.memory_space<vmem>>[vector<16xi32>, vector<16xi32>], vector<16xf32>, vector<16xi1>
        %add3A_196 = arith.constant 1 : i32
        %add3A_197 = vector.broadcast %add3A_196 : i32 to vector<16xi32>
        %add3A_198 = arith.addi %add3A_197, %broadcast_in_dim3A_3 : vector<16xi32>
        %sub3A_199 = arith.constant 99968 : i32
        %sub3A_200 = vector.broadcast %sub3A_199 : i32 to vector<16xi32>
        %sub3A_201 = arith.subi %gather3A_188, %sub3A_200 : vector<16xi32>
        %gather3A_202 = tpu.vector_load_idx %arg8[%add3A_198, %sub3A_201] masked %lt3A_187 : memref<8x128xf32, #tpu.memory_space<vmem>>[vector<16xi32>, vector<16xi32>], vector<16xf32>, vector<16xi1>
        tpu.vector_store_idx %arg9[%add3A_198, %gather3A], %gather3A_202 masked %lt3A_187 : memref<8x4096xf32, #tpu.memory_space<vmem>>[vector<16xi32>, vector<16xi32>], vector<16xf32>, vector<16xi1>
        %add3A_203 = arith.constant 2 : i32
        %add3A_204 = vector.broadcast %add3A_203 : i32 to vector<16xi32>
        %add3A_205 = arith.addi %add3A_204, %broadcast_in_dim3A_3 : vector<16xi32>
        %sub3A_206 = arith.constant 99968 : i32
        %sub3A_207 = vector.broadcast %sub3A_206 : i32 to vector<16xi32>
        %sub3A_208 = arith.subi %gather3A_188, %sub3A_207 : vector<16xi32>
        %gather3A_209 = tpu.vector_load_idx %arg8[%add3A_205, %sub3A_208] masked %lt3A_187 : memref<8x128xf32, #tpu.memory_space<vmem>>[vector<16xi32>, vector<16xi32>], vector<16xf32>, vector<16xi1>
        tpu.vector_store_idx %arg9[%add3A_205, %gather3A], %gather3A_209 masked %lt3A_187 : memref<8x4096xf32, #tpu.memory_space<vmem>>[vector<16xi32>, vector<16xi32>], vector<16xf32>, vector<16xi1>
        %add3A_210 = arith.constant 3 : i32
        %add3A_211 = vector.broadcast %add3A_210 : i32 to vector<16xi32>
        %add3A_212 = arith.addi %add3A_211, %broadcast_in_dim3A_3 : vector<16xi32>
        %sub3A_213 = arith.constant 99968 : i32
        %sub3A_214 = vector.broadcast %sub3A_213 : i32 to vector<16xi32>
        %sub3A_215 = arith.subi %gather3A_188, %sub3A_214 : vector<16xi32>
        %gather3A_216 = tpu.vector_load_idx %arg8[%add3A_212, %sub3A_215] masked %lt3A_187 : memref<8x128xf32, #tpu.memory_space<vmem>>[vector<16xi32>, vector<16xi32>], vector<16xf32>, vector<16xi1>
        tpu.vector_store_idx %arg9[%add3A_212, %gather3A], %gather3A_216 masked %lt3A_187 : memref<8x4096xf32, #tpu.memory_space<vmem>>[vector<16xi32>, vector<16xi32>], vector<16xf32>, vector<16xi1>
        %add3A_217 = arith.constant 4 : i32
        %add3A_218 = vector.broadcast %add3A_217 : i32 to vector<16xi32>
        %add3A_219 = arith.addi %add3A_218, %broadcast_in_dim3A_3 : vector<16xi32>
        %sub3A_220 = arith.constant 99968 : i32
        %sub3A_221 = vector.broadcast %sub3A_220 : i32 to vector<16xi32>
        %sub3A_222 = arith.subi %gather3A_188, %sub3A_221 : vector<16xi32>
        %gather3A_223 = tpu.vector_load_idx %arg8[%add3A_219, %sub3A_222] masked %lt3A_187 : memref<8x128xf32, #tpu.memory_space<vmem>>[vector<16xi32>, vector<16xi32>], vector<16xf32>, vector<16xi1>
        tpu.vector_store_idx %arg9[%add3A_219, %gather3A], %gather3A_223 masked %lt3A_187 : memref<8x4096xf32, #tpu.memory_space<vmem>>[vector<16xi32>, vector<16xi32>], vector<16xf32>, vector<16xi1>
        %add3A_224 = arith.constant 5 : i32
        %add3A_225 = vector.broadcast %add3A_224 : i32 to vector<16xi32>
        %add3A_226 = arith.addi %add3A_225, %broadcast_in_dim3A_3 : vector<16xi32>
        %sub3A_227 = arith.constant 99968 : i32
        %sub3A_228 = vector.broadcast %sub3A_227 : i32 to vector<16xi32>
        %sub3A_229 = arith.subi %gather3A_188, %sub3A_228 : vector<16xi32>
        %gather3A_230 = tpu.vector_load_idx %arg8[%add3A_226, %sub3A_229] masked %lt3A_187 : memref<8x128xf32, #tpu.memory_space<vmem>>[vector<16xi32>, vector<16xi32>], vector<16xf32>, vector<16xi1>
        tpu.vector_store_idx %arg9[%add3A_226, %gather3A], %gather3A_230 masked %lt3A_187 : memref<8x4096xf32, #tpu.memory_space<vmem>>[vector<16xi32>, vector<16xi32>], vector<16xf32>, vector<16xi1>
        %add3A_231 = arith.constant 6 : i32
        %add3A_232 = vector.broadcast %add3A_231 : i32 to vector<16xi32>
        %add3A_233 = arith.addi %add3A_232, %broadcast_in_dim3A_3 : vector<16xi32>
        %sub3A_234 = arith.constant 99968 : i32
        %sub3A_235 = vector.broadcast %sub3A_234 : i32 to vector<16xi32>
        %sub3A_236 = arith.subi %gather3A_188, %sub3A_235 : vector<16xi32>
        %gather3A_237 = tpu.vector_load_idx %arg8[%add3A_233, %sub3A_236] masked %lt3A_187 : memref<8x128xf32, #tpu.memory_space<vmem>>[vector<16xi32>, vector<16xi32>], vector<16xf32>, vector<16xi1>
        tpu.vector_store_idx %arg9[%add3A_233, %gather3A], %gather3A_237 masked %lt3A_187 : memref<8x4096xf32, #tpu.memory_space<vmem>>[vector<16xi32>, vector<16xi32>], vector<16xf32>, vector<16xi1>
        %add3A_238 = arith.constant 7 : i32
        %add3A_239 = vector.broadcast %add3A_238 : i32 to vector<16xi32>
        %add3A_240 = arith.addi %add3A_239, %broadcast_in_dim3A_3 : vector<16xi32>
        %sub3A_241 = arith.constant 99968 : i32
        %sub3A_242 = vector.broadcast %sub3A_241 : i32 to vector<16xi32>
        %sub3A_243 = arith.subi %gather3A_188, %sub3A_242 : vector<16xi32>
        %gather3A_244 = tpu.vector_load_idx %arg8[%add3A_240, %sub3A_243] masked %lt3A_187 : memref<8x128xf32, #tpu.memory_space<vmem>>[vector<16xi32>, vector<16xi32>], vector<16xf32>, vector<16xi1>
        tpu.vector_store_idx %arg9[%add3A_240, %gather3A], %gather3A_244 masked %lt3A_187 : memref<8x4096xf32, #tpu.memory_space<vmem>>[vector<16xi32>, vector<16xi32>], vector<16xf32>, vector<16xi1>
      }
      %mul3A_171 = arith.constant 8 : i32
      %mul3A_172 = arith.muli %mul3A_171, %div3A_29 : i32
      %multiple_of3A_173 = tpu.assume_multiple %mul3A_172, 8 : i32
      %dma_start3A_174 = arith.constant 0 : i32
      %dma_start3A_175 = tpu.memref_slice %arg5[%rem3A_28, %multiple_of3A_173, %dma_start3A_174] : memref<26x16x4096xf32, #tpu.memory_space<hbm>> -> memref<1x8x4096xf32, #tpu.memory_space<hbm>>
      %dma_start3A_176 = tpu.memref_squeeze %dma_start3A_175 : memref<1x8x4096xf32, #tpu.memory_space<hbm>> -> memref<8x4096xf32, #tpu.memory_space<hbm>>
      %dma_start3A_177 = arith.constant 0 : i32
      %dma_start3A_178 = tpu.memref_slice %arg5[%rem3A_28, %multiple_of3A_173, %dma_start3A_177] : memref<26x16x4096xf32, #tpu.memory_space<hbm>> -> memref<1x8x4096xf32, #tpu.memory_space<hbm>>
      %dma_start3A_179 = tpu.memref_squeeze %dma_start3A_178 : memref<1x8x4096xf32, #tpu.memory_space<hbm>> -> memref<8x4096xf32, #tpu.memory_space<hbm>>
      tpu.enqueue_dma source(%arg9 : memref<8x4096xf32, #tpu.memory_space<vmem>>) target(%dma_start3A_179 : memref<8x4096xf32, #tpu.memory_space<hbm>>) target_semaphore(%arg18 : memref<!tpu.dma_semaphore, #tpu.memory_space<semaphore_mem>>)
    } else {
    }
    %add3A_8 = arith.constant 32 : i32
    %add3A_9 = arith.addi %add3A, %add3A_8 : i32
    %lt3A_10 = arith.constant 52 : i32
    %lt3A_11 = arith.cmpi slt, %add3A_9, %lt3A_10 : i32
    %convert_element_type3A_12 = arith.extui %lt3A_11 : i1 to i32
    %cond3A_13 = arith.constant 0 : i32
    %cond3A_14 = arith.cmpi ne, %convert_element_type3A_12, %cond3A_13 : i32
    scf.if %cond3A_14 {
      %sub3A = arith.constant 32 : i32
      %sub3A_28 = arith.subi %add3A_9, %sub3A : i32
      %rem3A = arith.constant 26 : i32
      %rem3A_29 = arith.remsi %sub3A_28, %rem3A : i32
      %div3A = arith.constant 26 : i32
      %div3A_30 = arith.divsi %sub3A_28, %div3A : i32
      %mul3A_31 = arith.constant 8 : i32
      %mul3A_32 = arith.muli %mul3A_31, %div3A_30 : i32
      %multiple_of3A = tpu.assume_multiple %mul3A_32, 8 : i32
      %dma_wait3A = arith.constant 0 : i32
      %dma_wait3A_33 = tpu.memref_slice %arg5[%rem3A_29, %multiple_of3A, %dma_wait3A] : memref<26x16x4096xf32, #tpu.memory_space<hbm>> -> memref<1x8x4096xf32, #tpu.memory_space<hbm>>
      %dma_wait3A_34 = tpu.memref_squeeze %dma_wait3A_33 : memref<1x8x4096xf32, #tpu.memory_space<hbm>> -> memref<8x4096xf32, #tpu.memory_space<hbm>>
      %dma_wait3A_35 = arith.constant 0 : i32
      %dma_wait3A_36 = tpu.memref_slice %arg5[%rem3A_29, %multiple_of3A, %dma_wait3A_35] : memref<26x16x4096xf32, #tpu.memory_space<hbm>> -> memref<1x8x4096xf32, #tpu.memory_space<hbm>>
      %dma_wait3A_37 = tpu.memref_squeeze %dma_wait3A_36 : memref<1x8x4096xf32, #tpu.memory_space<hbm>> -> memref<8x4096xf32, #tpu.memory_space<hbm>>
      tpu.wait_dma2 semaphore(%arg18 : memref<!tpu.dma_semaphore, #tpu.memory_space<semaphore_mem>>) src(%dma_wait3A_37 : memref<8x4096xf32, #tpu.memory_space<hbm>>) dst(%arg9 : memref<8x4096xf32, #tpu.memory_space<vmem>>)
      %rem3A_38 = arith.constant 26 : i32
      %rem3A_39 = arith.remsi %add3A_9, %rem3A_38 : i32
      %div3A_40 = arith.constant 26 : i32
      %div3A_41 = arith.divsi %add3A_9, %div3A_40 : i32
      %mul3A_42 = arith.constant 16 : i32
      %mul3A_43 = arith.muli %rem3A_39, %mul3A_42 : i32
      %mul3A_44 = arith.constant 8 : i32
      %mul3A_45 = arith.muli %mul3A_44, %div3A_41 : i32
      %add3A_46 = arith.addi %mul3A_43, %mul3A_45 : i32
      %multiple_of3A_47 = tpu.assume_multiple %add3A_46, 8 : i32
      %multiple_of3A_48 = arith.constant 0 : i32
      %multiple_of3A_49 = tpu.assume_multiple %multiple_of3A_48, 128 : i32
      %dma_start3A = arith.constant 0 : i32
      %dma_start3A_50 = arith.constant 0 : i32
      %dma_start3A_51 = arith.constant 0 : i32
      %dma_start3A_52 = tpu.memref_slice %arg7[%dma_start3A, %dma_start3A_50, %dma_start3A_51] : memref<4x8x2048xf32, #tpu.memory_space<vmem>> -> memref<1x8x2048xf32, #tpu.memory_space<vmem>>
      %dma_start3A_53 = tpu.memref_squeeze %dma_start3A_52 : memref<1x8x2048xf32, #tpu.memory_space<vmem>> -> memref<8x2048xf32, #tpu.memory_space<vmem>>
      %dma_start3A_54 = tpu.memref_slice %arg3[%multiple_of3A_47, %multiple_of3A_49] : memref<416x100000xf32, #tpu.memory_space<hbm>> -> memref<8x2048xf32, #tpu.memory_space<hbm>>
      %dma_start3A_55 = arith.constant 0 : i32
      %dma_start3A_56 = arith.constant 0 : i32
      %dma_start3A_57 = tpu.memref_slice %arg7[%dma_start3A, %dma_start3A_55, %dma_start3A_56] : memref<4x8x2048xf32, #tpu.memory_space<vmem>> -> memref<1x8x2048xf32, #tpu.memory_space<vmem>>
      %dma_start3A_58 = tpu.memref_squeeze %dma_start3A_57 : memref<1x8x2048xf32, #tpu.memory_space<vmem>> -> memref<8x2048xf32, #tpu.memory_space<vmem>>
      %dma_start3A_59 = tpu.memref_slice %arg3[%multiple_of3A_47, %multiple_of3A_49] : memref<416x100000xf32, #tpu.memory_space<hbm>> -> memref<8x2048xf32, #tpu.memory_space<hbm>>
      tpu.enqueue_dma source(%dma_start3A_59 : memref<8x2048xf32, #tpu.memory_space<hbm>>) target(%dma_start3A_58 : memref<8x2048xf32, #tpu.memory_space<vmem>>) target_semaphore(%arg14 : memref<!tpu.dma_semaphore, #tpu.memory_space<semaphore_mem>>)
      %multiple_of3A_60 = arith.constant 2048 : i32
      %multiple_of3A_61 = tpu.assume_multiple %multiple_of3A_60, 128 : i32
      %dma_start3A_62 = arith.constant 1 : i32
      %dma_start3A_63 = arith.constant 0 : i32
      %dma_start3A_64 = arith.constant 0 : i32
      %dma_start3A_65 = tpu.memref_slice %arg7[%dma_start3A_62, %dma_start3A_63, %dma_start3A_64] : memref<4x8x2048xf32, #tpu.memory_space<vmem>> -> memref<1x8x2048xf32, #tpu.memory_space<vmem>>
      %dma_start3A_66 = tpu.memref_squeeze %dma_start3A_65 : memref<1x8x2048xf32, #tpu.memory_space<vmem>> -> memref<8x2048xf32, #tpu.memory_space<vmem>>
      %dma_start3A_67 = tpu.memref_slice %arg3[%multiple_of3A_47, %multiple_of3A_61] : memref<416x100000xf32, #tpu.memory_space<hbm>> -> memref<8x2048xf32, #tpu.memory_space<hbm>>
      %dma_start3A_68 = arith.constant 0 : i32
      %dma_start3A_69 = arith.constant 0 : i32
      %dma_start3A_70 = tpu.memref_slice %arg7[%dma_start3A_62, %dma_start3A_68, %dma_start3A_69] : memref<4x8x2048xf32, #tpu.memory_space<vmem>> -> memref<1x8x2048xf32, #tpu.memory_space<vmem>>
      %dma_start3A_71 = tpu.memref_squeeze %dma_start3A_70 : memref<1x8x2048xf32, #tpu.memory_space<vmem>> -> memref<8x2048xf32, #tpu.memory_space<vmem>>
      %dma_start3A_72 = tpu.memref_slice %arg3[%multiple_of3A_47, %multiple_of3A_61] : memref<416x100000xf32, #tpu.memory_space<hbm>> -> memref<8x2048xf32, #tpu.memory_space<hbm>>
      tpu.enqueue_dma source(%dma_start3A_72 : memref<8x2048xf32, #tpu.memory_space<hbm>>) target(%dma_start3A_71 : memref<8x2048xf32, #tpu.memory_space<vmem>>) target_semaphore(%arg15 : memref<!tpu.dma_semaphore, #tpu.memory_space<semaphore_mem>>)
      %multiple_of3A_73 = arith.constant 4096 : i32
      %multiple_of3A_74 = tpu.assume_multiple %multiple_of3A_73, 128 : i32
      %dma_start3A_75 = arith.constant 2 : i32
      %dma_start3A_76 = arith.constant 0 : i32
      %dma_start3A_77 = arith.constant 0 : i32
      %dma_start3A_78 = tpu.memref_slice %arg7[%dma_start3A_75, %dma_start3A_76, %dma_start3A_77] : memref<4x8x2048xf32, #tpu.memory_space<vmem>> -> memref<1x8x2048xf32, #tpu.memory_space<vmem>>
      %dma_start3A_79 = tpu.memref_squeeze %dma_start3A_78 : memref<1x8x2048xf32, #tpu.memory_space<vmem>> -> memref<8x2048xf32, #tpu.memory_space<vmem>>
      %dma_start3A_80 = tpu.memref_slice %arg3[%multiple_of3A_47, %multiple_of3A_74] : memref<416x100000xf32, #tpu.memory_space<hbm>> -> memref<8x2048xf32, #tpu.memory_space<hbm>>
      %dma_start3A_81 = arith.constant 0 : i32
      %dma_start3A_82 = arith.constant 0 : i32
      %dma_start3A_83 = tpu.memref_slice %arg7[%dma_start3A_75, %dma_start3A_81, %dma_start3A_82] : memref<4x8x2048xf32, #tpu.memory_space<vmem>> -> memref<1x8x2048xf32, #tpu.memory_space<vmem>>
      %dma_start3A_84 = tpu.memref_squeeze %dma_start3A_83 : memref<1x8x2048xf32, #tpu.memory_space<vmem>> -> memref<8x2048xf32, #tpu.memory_space<vmem>>
      %dma_start3A_85 = tpu.memref_slice %arg3[%multiple_of3A_47, %multiple_of3A_74] : memref<416x100000xf32, #tpu.memory_space<hbm>> -> memref<8x2048xf32, #tpu.memory_space<hbm>>
      tpu.enqueue_dma source(%dma_start3A_85 : memref<8x2048xf32, #tpu.memory_space<hbm>>) target(%dma_start3A_84 : memref<8x2048xf32, #tpu.memory_space<vmem>>) target_semaphore(%arg16 : memref<!tpu.dma_semaphore, #tpu.memory_space<semaphore_mem>>)
      %multiple_of3A_86 = arith.constant 6144 : i32
      %multiple_of3A_87 = tpu.assume_multiple %multiple_of3A_86, 128 : i32
      %dma_start3A_88 = arith.constant 3 : i32
      %dma_start3A_89 = arith.constant 0 : i32
      %dma_start3A_90 = arith.constant 0 : i32
      %dma_start3A_91 = tpu.memref_slice %arg7[%dma_start3A_88, %dma_start3A_89, %dma_start3A_90] : memref<4x8x2048xf32, #tpu.memory_space<vmem>> -> memref<1x8x2048xf32, #tpu.memory_space<vmem>>
      %dma_start3A_92 = tpu.memref_squeeze %dma_start3A_91 : memref<1x8x2048xf32, #tpu.memory_space<vmem>> -> memref<8x2048xf32, #tpu.memory_space<vmem>>
      %dma_start3A_93 = tpu.memref_slice %arg3[%multiple_of3A_47, %multiple_of3A_87] : memref<416x100000xf32, #tpu.memory_space<hbm>> -> memref<8x2048xf32, #tpu.memory_space<hbm>>
      %dma_start3A_94 = arith.constant 0 : i32
      %dma_start3A_95 = arith.constant 0 : i32
      %dma_start3A_96 = tpu.memref_slice %arg7[%dma_start3A_88, %dma_start3A_94, %dma_start3A_95] : memref<4x8x2048xf32, #tpu.memory_space<vmem>> -> memref<1x8x2048xf32, #tpu.memory_space<vmem>>
      %dma_start3A_97 = tpu.memref_squeeze %dma_start3A_96 : memref<1x8x2048xf32, #tpu.memory_space<vmem>> -> memref<8x2048xf32, #tpu.memory_space<vmem>>
      %dma_start3A_98 = tpu.memref_slice %arg3[%multiple_of3A_47, %multiple_of3A_87] : memref<416x100000xf32, #tpu.memory_space<hbm>> -> memref<8x2048xf32, #tpu.memory_space<hbm>>
      tpu.enqueue_dma source(%dma_start3A_98 : memref<8x2048xf32, #tpu.memory_space<hbm>>) target(%dma_start3A_97 : memref<8x2048xf32, #tpu.memory_space<vmem>>) target_semaphore(%arg17 : memref<!tpu.dma_semaphore, #tpu.memory_space<semaphore_mem>>)
      "tpu.region"() ({
        %run_scoped3A = tpu.sem_alloc : memref<!tpu.dma_semaphore, #tpu.memory_space<semaphore_mem>>
        %dma_start3A_195 = arith.constant 0 : i32
        %dma_start3A_196 = arith.constant 0 : i32
        %dma_start3A_197 = tpu.memref_slice %arg2[%rem3A_39, %dma_start3A_195, %dma_start3A_196] : memref<32x32x128xi32, #tpu.memory_space<hbm>> -> memref<1x32x128xi32, #tpu.memory_space<hbm>>
        %dma_start3A_198 = tpu.memref_squeeze %dma_start3A_197 : memref<1x32x128xi32, #tpu.memory_space<hbm>> -> memref<32x128xi32, #tpu.memory_space<hbm>>
        %dma_start3A_199 = arith.constant 0 : i32
        %dma_start3A_200 = arith.constant 0 : i32
        %dma_start3A_201 = tpu.memref_slice %arg2[%rem3A_39, %dma_start3A_199, %dma_start3A_200] : memref<32x32x128xi32, #tpu.memory_space<hbm>> -> memref<1x32x128xi32, #tpu.memory_space<hbm>>
        %dma_start3A_202 = tpu.memref_squeeze %dma_start3A_201 : memref<1x32x128xi32, #tpu.memory_space<hbm>> -> memref<32x128xi32, #tpu.memory_space<hbm>>
        tpu.enqueue_dma source(%dma_start3A_202 : memref<32x128xi32, #tpu.memory_space<hbm>>) target(%arg6 : memref<32x128xi32, #tpu.memory_space<vmem>>) target_semaphore(%run_scoped3A : memref<!tpu.dma_semaphore, #tpu.memory_space<semaphore_mem>>)
        %dma_wait3A_203 = arith.constant 0 : i32
        %dma_wait3A_204 = arith.constant 0 : i32
        %dma_wait3A_205 = tpu.memref_slice %arg2[%rem3A_39, %dma_wait3A_203, %dma_wait3A_204] : memref<32x32x128xi32, #tpu.memory_space<hbm>> -> memref<1x32x128xi32, #tpu.memory_space<hbm>>
        %dma_wait3A_206 = tpu.memref_squeeze %dma_wait3A_205 : memref<1x32x128xi32, #tpu.memory_space<hbm>> -> memref<32x128xi32, #tpu.memory_space<hbm>>
        %dma_wait3A_207 = arith.constant 0 : i32
        %dma_wait3A_208 = arith.constant 0 : i32
        %dma_wait3A_209 = tpu.memref_slice %arg2[%rem3A_39, %dma_wait3A_207, %dma_wait3A_208] : memref<32x32x128xi32, #tpu.memory_space<hbm>> -> memref<1x32x128xi32, #tpu.memory_space<hbm>>
        %dma_wait3A_210 = tpu.memref_squeeze %dma_wait3A_209 : memref<1x32x128xi32, #tpu.memory_space<hbm>> -> memref<32x128xi32, #tpu.memory_space<hbm>>
        tpu.wait_dma2 semaphore(%run_scoped3A : memref<!tpu.dma_semaphore, #tpu.memory_space<semaphore_mem>>) src(%dma_wait3A_210 : memref<32x128xi32, #tpu.memory_space<hbm>>) dst(%arg6 : memref<32x128xi32, #tpu.memory_space<vmem>>)
        tpu.yield
      }) : () -> ()
      "tpu.region"() ({
        %run_scoped3A = tpu.sem_alloc : memref<!tpu.dma_semaphore, #tpu.memory_space<semaphore_mem>>
        %dma_start3A_195 = arith.constant 0 : i32
        %dma_start3A_196 = tpu.memref_slice %arg4[%multiple_of3A_47, %dma_start3A_195] : memref<416x128xf32, #tpu.memory_space<hbm>> -> memref<8x128xf32, #tpu.memory_space<hbm>>
        %dma_start3A_197 = arith.constant 0 : i32
        %dma_start3A_198 = tpu.memref_slice %arg4[%multiple_of3A_47, %dma_start3A_197] : memref<416x128xf32, #tpu.memory_space<hbm>> -> memref<8x128xf32, #tpu.memory_space<hbm>>
        tpu.enqueue_dma source(%dma_start3A_198 : memref<8x128xf32, #tpu.memory_space<hbm>>) target(%arg8 : memref<8x128xf32, #tpu.memory_space<vmem>>) target_semaphore(%run_scoped3A : memref<!tpu.dma_semaphore, #tpu.memory_space<semaphore_mem>>)
        %dma_wait3A_199 = arith.constant 0 : i32
        %dma_wait3A_200 = tpu.memref_slice %arg4[%multiple_of3A_47, %dma_wait3A_199] : memref<416x128xf32, #tpu.memory_space<hbm>> -> memref<8x128xf32, #tpu.memory_space<hbm>>
        %dma_wait3A_201 = arith.constant 0 : i32
        %dma_wait3A_202 = tpu.memref_slice %arg4[%multiple_of3A_47, %dma_wait3A_201] : memref<416x128xf32, #tpu.memory_space<hbm>> -> memref<8x128xf32, #tpu.memory_space<hbm>>
        tpu.wait_dma2 semaphore(%run_scoped3A : memref<!tpu.dma_semaphore, #tpu.memory_space<semaphore_mem>>) src(%dma_wait3A_202 : memref<8x128xf32, #tpu.memory_space<hbm>>) dst(%arg8 : memref<8x128xf32, #tpu.memory_space<vmem>>)
        tpu.yield
      }) : () -> ()
      %scan3A = arith.constant 0 : i32
      %scan3A_99 = arith.constant 0 : i32
      %scan3A_100 = arith.constant 51 : i32
      %scan3A_101 = arith.addi %scan3A_99, %scan3A_100 : i32
      %scan3A_102 = arith.constant 1 : i32
      scf.for %scan3A_195 = %scan3A_99 to %scan3A_101 step %scan3A_102  : i32 {
        %mul3A_196 = arith.constant 16 : i32
        %mul3A_197 = arith.muli %scan3A_195, %mul3A_196 : i32
        %multiple_of3A_198 = tpu.assume_multiple %mul3A_197, 16 : i32
        %swap3A_199 = arith.index_cast %multiple_of3A_198 : i32 to index
        %swap3A_200 = tpu.vector_load %arg12[%swap3A_199] {strides = array<i32>} : memref<816xi32, #tpu.memory_space<vmem>>, vector<16xi32>,
        tpu.vector_store %arg12[%swap3A_199], %broadcast_in_dim3A_3 {strides = array<i32>} : memref<816xi32, #tpu.memory_space<vmem>>, vector<16xi32>,
      }
      %scan3A_103 = arith.constant 51 : i32
      %scan3A_104 = arith.constant 0 : i32
      %scan3A_105 = arith.constant 0 : i32
      %scan3A_106 = arith.constant 256 : i32
      %scan3A_107 = arith.addi %scan3A_105, %scan3A_106 : i32
      %scan3A_108 = arith.constant 1 : i32
      scf.for %scan3A_195 = %scan3A_105 to %scan3A_107 step %scan3A_108  : i32 {
        %div3A_196 = arith.constant 8 : i32
        %div3A_197 = arith.divsi %scan3A_195, %div3A_196 : i32
        %rem3A_198 = arith.constant 8 : i32
        %rem3A_199 = arith.remsi %scan3A_195, %rem3A_198 : i32
        %mul3A_200 = arith.constant 16 : i32
        %mul3A_201 = arith.muli %rem3A_199, %mul3A_200 : i32
        %multiple_of3A_202 = tpu.assume_multiple %mul3A_201, 16 : i32
        %get3A_203 = arith.index_cast %div3A_197 : i32 to index
        %get3A_204 = arith.index_cast %multiple_of3A_202 : i32 to index
        %get3A_205 = tpu.vector_load %arg6[%get3A_203, %get3A_204] {strides = array<i32>} : memref<32x128xi32, #tpu.memory_space<vmem>>, vector<16xi32>,
        %ge3A_206 = arith.constant 99968 : i32
        %ge3A_207 = vector.broadcast %ge3A_206 : i32 to vector<16xi32>
        %ge3A_208 = arith.cmpi sge, %get3A_205, %ge3A_207 : vector<16xi32>
        %shift_right_logical3A_209 = arith.constant 11 : i32
        %shift_right_logical3A_210 = vector.broadcast %shift_right_logical3A_209 : i32 to vector<16xi32>
        %shift_right_logical3A_211 = arith.shrui %get3A_205, %shift_right_logical3A_210 : vector<16xi32>
        %jit3A = arith.constant 49 : i32
        %broadcast_in_dim3A_212 = vector.broadcast %jit3A : i32 to vector<16xi32>
        %select_n3A = arith.select %ge3A_208, %broadcast_in_dim3A_212, %shift_right_logical3A_211 : vector<16xi1>, vector<16xi32>
        %mul3A_213 = arith.constant 16 : i32
        %mul3A_214 = vector.broadcast %mul3A_213 : i32 to vector<16xi32>
        %mul3A_215 = arith.muli %select_n3A, %mul3A_214 : vector<16xi32>
        %add3A_216 = arith.addi %mul3A_215, %iota3A : vector<16xi32>
        tpu.vector_store_idx %arg12[%add3A_216], %broadcast_in_dim3A_1 {add = true} : memref<816xi32, #tpu.memory_space<vmem>>[vector<16xi32>], vector<16xi32>,
      }
      %scan3A_109 = arith.constant 256 : i32
      %scan3A_110 = arith.constant 0 : i32
      %scan3A_111 = arith.constant 0 : i32
      %scan3A_112 = arith.constant 50 : i32
      %scan3A_113 = arith.addi %scan3A_111, %scan3A_112 : i32
      %scan3A_114 = arith.constant 1 : i32
      %scan3A_115 = scf.for %scan3A_195 = %scan3A_111 to %scan3A_113 step %scan3A_114 iter_args(%scan3A_196 = %scan3A_110) -> (i32)  : i32 {
        %swap3A_197 = arith.index_cast %scan3A_195 : i32 to index
        %swap3A_198 = memref.load %arg13[%swap3A_197] : memref<51xi32, #tpu.memory_space<smem>>
        memref.store %scan3A_196, %arg13[%swap3A_197] : memref<51xi32, #tpu.memory_space<smem>>
        %mul3A_199 = arith.constant 16 : i32
        %mul3A_200 = arith.muli %scan3A_195, %mul3A_199 : i32
        %multiple_of3A_201 = tpu.assume_multiple %mul3A_200, 16 : i32
        %get3A_202 = arith.index_cast %multiple_of3A_201 : i32 to index
        %get3A_203 = tpu.vector_load %arg12[%get3A_202] {strides = array<i32>} : memref<816xi32, #tpu.memory_space<vmem>>, vector<16xi32>,
        %broadcast_in_dim3A_204 = arith.constant true
        %broadcast_in_dim3A_205 = vector.broadcast %broadcast_in_dim3A_204 : i1 to vector<16xi1>
        %masked_cumsum3A = tpu.scan <sum>, %get3A_203 masked %broadcast_in_dim3A_205 : vector<16xi32>, vector<16xi1> -> vector<16xi32>
        %sub3A_206 = arith.subi %masked_cumsum3A, %get3A_203 : vector<16xi32>
        %add3A_207 = vector.broadcast %scan3A_196 : i32 to vector<16xi32>
        %add3A_208 = arith.addi %sub3A_206, %add3A_207 : vector<16xi32>
        %swap3A_209 = arith.index_cast %multiple_of3A_201 : i32 to index
        %swap3A_210 = tpu.vector_load %arg12[%swap3A_209] {strides = array<i32>} : memref<816xi32, #tpu.memory_space<vmem>>, vector<16xi32>,
        tpu.vector_store %arg12[%swap3A_209], %add3A_208 {strides = array<i32>} : memref<816xi32, #tpu.memory_space<vmem>>, vector<16xi32>,
        %reduce_sum3A = arith.constant true
        %reduce_sum3A_211 = vector.broadcast %reduce_sum3A : i1 to vector<16xi1>
        %reduce_sum3A_212 = tpu.scan <sum>, %get3A_203 masked %reduce_sum3A_211 : vector<16xi32>, vector<16xi1> -> vector<16xi32>
        %reduce_sum3A_213 = vector.extract %reduce_sum3A_212[15] : i32 from vector<16xi32>
        %add3A_214 = arith.addi %scan3A_196, %reduce_sum3A_213 : i32
        scf.yield %add3A_214 : i32
      }
      %scan3A_116 = arith.constant 50 : i32
      %swap3A = arith.constant 50 : i32
      %swap3A_117 = arith.index_cast %swap3A : i32 to index
      %swap3A_118 = memref.load %arg13[%swap3A_117] : memref<51xi32, #tpu.memory_space<smem>>
      memref.store %scan3A_115, %arg13[%swap3A_117] : memref<51xi32, #tpu.memory_space<smem>>
      %scan3A_119 = arith.constant 0 : i32
      %scan3A_120 = arith.constant 0 : i32
      %scan3A_121 = arith.constant 256 : i32
      %scan3A_122 = arith.addi %scan3A_120, %scan3A_121 : i32
      %scan3A_123 = arith.constant 1 : i32
      scf.for %scan3A_195 = %scan3A_120 to %scan3A_122 step %scan3A_123  : i32 {
        %div3A_196 = arith.constant 8 : i32
        %div3A_197 = arith.divsi %scan3A_195, %div3A_196 : i32
        %rem3A_198 = arith.constant 8 : i32
        %rem3A_199 = arith.remsi %scan3A_195, %rem3A_198 : i32
        %mul3A_200 = arith.constant 16 : i32
        %mul3A_201 = arith.muli %rem3A_199, %mul3A_200 : i32
        %multiple_of3A_202 = tpu.assume_multiple %mul3A_201, 16 : i32
        %get3A_203 = arith.index_cast %div3A_197 : i32 to index
        %get3A_204 = arith.index_cast %multiple_of3A_202 : i32 to index
        %get3A_205 = tpu.vector_load %arg6[%get3A_203, %get3A_204] {strides = array<i32>} : memref<32x128xi32, #tpu.memory_space<vmem>>, vector<16xi32>,
        %mul3A_206 = arith.constant 16 : i32
        %mul3A_207 = arith.muli %scan3A_195, %mul3A_206 : i32
        %add3A_208 = vector.broadcast %mul3A_207 : i32 to vector<16xi32>
        %add3A_209 = arith.addi %add3A_208, %iota3A : vector<16xi32>
        %ge3A_210 = arith.constant 99968 : i32
        %ge3A_211 = vector.broadcast %ge3A_210 : i32 to vector<16xi32>
        %ge3A_212 = arith.cmpi sge, %get3A_205, %ge3A_211 : vector<16xi32>
        %shift_right_logical3A_213 = arith.constant 11 : i32
        %shift_right_logical3A_214 = vector.broadcast %shift_right_logical3A_213 : i32 to vector<16xi32>
        %shift_right_logical3A_215 = arith.shrui %get3A_205, %shift_right_logical3A_214 : vector<16xi32>
        %jit3A = arith.constant 49 : i32
        %broadcast_in_dim3A_216 = vector.broadcast %jit3A : i32 to vector<16xi32>
        %select_n3A = arith.select %ge3A_212, %broadcast_in_dim3A_216, %shift_right_logical3A_215 : vector<16xi1>, vector<16xi32>
        %mul3A_217 = arith.constant 16 : i32
        %mul3A_218 = vector.broadcast %mul3A_217 : i32 to vector<16xi32>
        %mul3A_219 = arith.muli %select_n3A, %mul3A_218 : vector<16xi32>
        %add3A_220 = arith.addi %mul3A_219, %iota3A : vector<16xi32>
        %gather3A = tpu.vector_load_idx %arg12[%add3A_220] : memref<816xi32, #tpu.memory_space<vmem>>[vector<16xi32>], vector<16xi32>,
        tpu.vector_store_idx %arg10[%gather3A], %add3A_209 : memref<4112xi32, #tpu.memory_space<vmem>>[vector<16xi32>], vector<16xi32>,
        tpu.vector_store_idx %arg11[%gather3A], %get3A_205 : memref<4112xi32, #tpu.memory_space<vmem>>[vector<16xi32>], vector<16xi32>,
        tpu.vector_store_idx %arg12[%add3A_220], %broadcast_in_dim3A_1 {add = true} : memref<816xi32, #tpu.memory_space<vmem>>[vector<16xi32>], vector<16xi32>,
      }
      %scan3A_124 = arith.constant 256 : i32
      %scan3A_125 = arith.constant 0 : i32
      %scan3A_126 = arith.constant 0 : i32
      %scan3A_127 = arith.constant 12 : i32
      %scan3A_128 = arith.addi %scan3A_126, %scan3A_127 : i32
      %scan3A_129 = arith.constant 1 : i32
      scf.for %scan3A_195 = %scan3A_126 to %scan3A_128 step %scan3A_129  : i32 {
        %mul3A_196 = arith.constant 4 : i32
        %mul3A_197 = arith.muli %scan3A_195, %mul3A_196 : i32
        %add3A_198 = arith.constant 0 : i32
        %add3A_199 = arith.addi %mul3A_197, %add3A_198 : i32
        %dma_wait3A_200 = arith.constant 0 : i32
        %dma_wait3A_201 = arith.constant 0 : i32
        %dma_wait3A_202 = arith.constant 0 : i32
        %dma_wait3A_203 = tpu.memref_slice %arg7[%dma_wait3A_200, %dma_wait3A_201, %dma_wait3A_202] : memref<4x8x2048xf32, #tpu.memory_space<vmem>> -> memref<1x8x2048xf32, #tpu.memory_space<vmem>>
        %dma_wait3A_204 = tpu.memref_squeeze %dma_wait3A_203 : memref<1x8x2048xf32, #tpu.memory_space<vmem>> -> memref<8x2048xf32, #tpu.memory_space<vmem>>
        %dma_wait3A_205 = arith.constant 0 : i32
        %dma_wait3A_206 = tpu.memref_slice %arg3[%multiple_of3A_47, %dma_wait3A_205] : memref<416x100000xf32, #tpu.memory_space<hbm>> -> memref<8x2048xf32, #tpu.memory_space<hbm>>
        %dma_wait3A_207 = arith.constant 0 : i32
        %dma_wait3A_208 = arith.constant 0 : i32
        %dma_wait3A_209 = tpu.memref_slice %arg7[%dma_wait3A_200, %dma_wait3A_207, %dma_wait3A_208] : memref<4x8x2048xf32, #tpu.memory_space<vmem>> -> memref<1x8x2048xf32, #tpu.memory_space<vmem>>
        %dma_wait3A_210 = tpu.memref_squeeze %dma_wait3A_209 : memref<1x8x2048xf32, #tpu.memory_space<vmem>> -> memref<8x2048xf32, #tpu.memory_space<vmem>>
        %dma_wait3A_211 = arith.constant 0 : i32
        %dma_wait3A_212 = tpu.memref_slice %arg3[%multiple_of3A_47, %dma_wait3A_211] : memref<416x100000xf32, #tpu.memory_space<hbm>> -> memref<8x2048xf32, #tpu.memory_space<hbm>>
        tpu.wait_dma2 semaphore(%arg14 : memref<!tpu.dma_semaphore, #tpu.memory_space<semaphore_mem>>) src(%dma_wait3A_212 : memref<8x2048xf32, #tpu.memory_space<hbm>>) dst(%dma_wait3A_210 : memref<8x2048xf32, #tpu.memory_space<vmem>>)
        %add3A_213 = arith.constant 0 : i32
        %add3A_214 = vector.broadcast %add3A_213 : i32 to vector<16xi32>
        %add3A_215 = arith.addi %add3A_214, %broadcast_in_dim3A_3 : vector<16xi32>
        %get3A_216 = arith.index_cast %add3A_199 : i32 to index
        %get3A_217 = memref.load %arg13[%get3A_216] : memref<51xi32, #tpu.memory_space<smem>>
        %add3A_218 = arith.constant 1 : i32
        %add3A_219 = arith.addi %add3A_199, %add3A_218 : i32
        %get3A_220 = arith.index_cast %add3A_219 : i32 to index
        %get3A_221 = memref.load %arg13[%get3A_220] : memref<51xi32, #tpu.memory_space<smem>>
        %sub3A_222 = arith.subi %get3A_221, %get3A_217 : i32
        %add3A_223 = arith.constant 15 : i32
        %add3A_224 = arith.addi %sub3A_222, %add3A_223 : i32
        %shift_right_logical3A_225 = arith.constant 4 : i32
        %shift_right_logical3A_226 = arith.shrui %add3A_224, %shift_right_logical3A_225 : i32
        %while3A_227 = arith.constant 0 : i32
        %while3A_228 = arith.constant 0 : i32
        %while3A_229 = arith.subi %shift_right_logical3A_226, %while3A_228 : i32
        %while3A_230 = arith.addi %while3A_228, %while3A_229 : i32
        %while3A_231 = arith.constant 1 : i32
        %while3A_232 = arith.divsi %while3A_229, %while3A_231 : i32
        %while3A_233 = arith.muli %while3A_232, %while3A_231 : i32
        %while3A_234 = arith.addi %while3A_228, %while3A_233 : i32
        %while3A_235 = arith.constant 1 : i32
        scf.for %while3A_415 = %while3A_228 to %while3A_234 step %while3A_235  : i32 {
          %mul3A_416 = arith.constant 16 : i32
          %mul3A_417 = arith.muli %while3A_415, %mul3A_416 : i32
          %add3A_418 = arith.addi %get3A_217, %mul3A_417 : i32
          %add3A_419 = vector.broadcast %add3A_418 : i32 to vector<16xi32>
          %add3A_420 = arith.addi %add3A_419, %iota3A : vector<16xi32>
          %lt3A_421 = vector.broadcast %get3A_221 : i32 to vector<16xi32>
          %lt3A_422 = arith.cmpi slt, %add3A_420, %lt3A_421 : vector<16xi32>
          %gather3A = tpu.vector_load_idx %arg10[%add3A_420] masked %lt3A_422 : memref<4112xi32, #tpu.memory_space<vmem>>[vector<16xi32>], vector<16xi32>, vector<16xi1>
          %gather3A_423 = tpu.vector_load_idx %arg11[%add3A_420] masked %lt3A_422 : memref<4112xi32, #tpu.memory_space<vmem>>[vector<16xi32>], vector<16xi32>, vector<16xi1>
          %add3A_424 = arith.constant 0 : i32
          %add3A_425 = vector.broadcast %add3A_424 : i32 to vector<16xi32>
          %add3A_426 = arith.addi %add3A_425, %broadcast_in_dim3A_3 : vector<16xi32>
          %mul3A_427 = arith.constant 2048 : i32
          %mul3A_428 = arith.muli %add3A_199, %mul3A_427 : i32
          %sub3A_429 = vector.broadcast %mul3A_428 : i32 to vector<16xi32>
          %sub3A_430 = arith.subi %gather3A_423, %sub3A_429 : vector<16xi32>
          %gather3A_431 = tpu.vector_load_idx %arg7[%add3A_215, %add3A_426, %sub3A_430] masked %lt3A_422 : memref<4x8x2048xf32, #tpu.memory_space<vmem>>[vector<16xi32>, vector<16xi32>, vector<16xi32>], vector<16xf32>, vector<16xi1>
          tpu.vector_store_idx %arg9[%add3A_426, %gather3A], %gather3A_431 masked %lt3A_422 : memref<8x4096xf32, #tpu.memory_space<vmem>>[vector<16xi32>, vector<16xi32>], vector<16xf32>, vector<16xi1>
          %add3A_432 = arith.constant 1 : i32
          %add3A_433 = vector.broadcast %add3A_432 : i32 to vector<16xi32>
          %add3A_434 = arith.addi %add3A_433, %broadcast_in_dim3A_3 : vector<16xi32>
          %mul3A_435 = arith.constant 2048 : i32
          %mul3A_436 = arith.muli %add3A_199, %mul3A_435 : i32
          %sub3A_437 = vector.broadcast %mul3A_436 : i32 to vector<16xi32>
          %sub3A_438 = arith.subi %gather3A_423, %sub3A_437 : vector<16xi32>
          %gather3A_439 = tpu.vector_load_idx %arg7[%add3A_215, %add3A_434, %sub3A_438] masked %lt3A_422 : memref<4x8x2048xf32, #tpu.memory_space<vmem>>[vector<16xi32>, vector<16xi32>, vector<16xi32>], vector<16xf32>, vector<16xi1>
          tpu.vector_store_idx %arg9[%add3A_434, %gather3A], %gather3A_439 masked %lt3A_422 : memref<8x4096xf32, #tpu.memory_space<vmem>>[vector<16xi32>, vector<16xi32>], vector<16xf32>, vector<16xi1>
          %add3A_440 = arith.constant 2 : i32
          %add3A_441 = vector.broadcast %add3A_440 : i32 to vector<16xi32>
          %add3A_442 = arith.addi %add3A_441, %broadcast_in_dim3A_3 : vector<16xi32>
          %mul3A_443 = arith.constant 2048 : i32
          %mul3A_444 = arith.muli %add3A_199, %mul3A_443 : i32
          %sub3A_445 = vector.broadcast %mul3A_444 : i32 to vector<16xi32>
          %sub3A_446 = arith.subi %gather3A_423, %sub3A_445 : vector<16xi32>
          %gather3A_447 = tpu.vector_load_idx %arg7[%add3A_215, %add3A_442, %sub3A_446] masked %lt3A_422 : memref<4x8x2048xf32, #tpu.memory_space<vmem>>[vector<16xi32>, vector<16xi32>, vector<16xi32>], vector<16xf32>, vector<16xi1>
          tpu.vector_store_idx %arg9[%add3A_442, %gather3A], %gather3A_447 masked %lt3A_422 : memref<8x4096xf32, #tpu.memory_space<vmem>>[vector<16xi32>, vector<16xi32>], vector<16xf32>, vector<16xi1>
          %add3A_448 = arith.constant 3 : i32
          %add3A_449 = vector.broadcast %add3A_448 : i32 to vector<16xi32>
          %add3A_450 = arith.addi %add3A_449, %broadcast_in_dim3A_3 : vector<16xi32>
          %mul3A_451 = arith.constant 2048 : i32
          %mul3A_452 = arith.muli %add3A_199, %mul3A_451 : i32
          %sub3A_453 = vector.broadcast %mul3A_452 : i32 to vector<16xi32>
          %sub3A_454 = arith.subi %gather3A_423, %sub3A_453 : vector<16xi32>
          %gather3A_455 = tpu.vector_load_idx %arg7[%add3A_215, %add3A_450, %sub3A_454] masked %lt3A_422 : memref<4x8x2048xf32, #tpu.memory_space<vmem>>[vector<16xi32>, vector<16xi32>, vector<16xi32>], vector<16xf32>, vector<16xi1>
          tpu.vector_store_idx %arg9[%add3A_450, %gather3A], %gather3A_455 masked %lt3A_422 : memref<8x4096xf32, #tpu.memory_space<vmem>>[vector<16xi32>, vector<16xi32>], vector<16xf32>, vector<16xi1>
          %add3A_456 = arith.constant 4 : i32
          %add3A_457 = vector.broadcast %add3A_456 : i32 to vector<16xi32>
          %add3A_458 = arith.addi %add3A_457, %broadcast_in_dim3A_3 : vector<16xi32>
          %mul3A_459 = arith.constant 2048 : i32
          %mul3A_460 = arith.muli %add3A_199, %mul3A_459 : i32
          %sub3A_461 = vector.broadcast %mul3A_460 : i32 to vector<16xi32>
          %sub3A_462 = arith.subi %gather3A_423, %sub3A_461 : vector<16xi32>
          %gather3A_463 = tpu.vector_load_idx %arg7[%add3A_215, %add3A_458, %sub3A_462] masked %lt3A_422 : memref<4x8x2048xf32, #tpu.memory_space<vmem>>[vector<16xi32>, vector<16xi32>, vector<16xi32>], vector<16xf32>, vector<16xi1>
          tpu.vector_store_idx %arg9[%add3A_458, %gather3A], %gather3A_463 masked %lt3A_422 : memref<8x4096xf32, #tpu.memory_space<vmem>>[vector<16xi32>, vector<16xi32>], vector<16xf32>, vector<16xi1>
          %add3A_464 = arith.constant 5 : i32
          %add3A_465 = vector.broadcast %add3A_464 : i32 to vector<16xi32>
          %add3A_466 = arith.addi %add3A_465, %broadcast_in_dim3A_3 : vector<16xi32>
          %mul3A_467 = arith.constant 2048 : i32
          %mul3A_468 = arith.muli %add3A_199, %mul3A_467 : i32
          %sub3A_469 = vector.broadcast %mul3A_468 : i32 to vector<16xi32>
          %sub3A_470 = arith.subi %gather3A_423, %sub3A_469 : vector<16xi32>
          %gather3A_471 = tpu.vector_load_idx %arg7[%add3A_215, %add3A_466, %sub3A_470] masked %lt3A_422 : memref<4x8x2048xf32, #tpu.memory_space<vmem>>[vector<16xi32>, vector<16xi32>, vector<16xi32>], vector<16xf32>, vector<16xi1>
          tpu.vector_store_idx %arg9[%add3A_466, %gather3A], %gather3A_471 masked %lt3A_422 : memref<8x4096xf32, #tpu.memory_space<vmem>>[vector<16xi32>, vector<16xi32>], vector<16xf32>, vector<16xi1>
          %add3A_472 = arith.constant 6 : i32
          %add3A_473 = vector.broadcast %add3A_472 : i32 to vector<16xi32>
          %add3A_474 = arith.addi %add3A_473, %broadcast_in_dim3A_3 : vector<16xi32>
          %mul3A_475 = arith.constant 2048 : i32
          %mul3A_476 = arith.muli %add3A_199, %mul3A_475 : i32
          %sub3A_477 = vector.broadcast %mul3A_476 : i32 to vector<16xi32>
          %sub3A_478 = arith.subi %gather3A_423, %sub3A_477 : vector<16xi32>
          %gather3A_479 = tpu.vector_load_idx %arg7[%add3A_215, %add3A_474, %sub3A_478] masked %lt3A_422 : memref<4x8x2048xf32, #tpu.memory_space<vmem>>[vector<16xi32>, vector<16xi32>, vector<16xi32>], vector<16xf32>, vector<16xi1>
          tpu.vector_store_idx %arg9[%add3A_474, %gather3A], %gather3A_479 masked %lt3A_422 : memref<8x4096xf32, #tpu.memory_space<vmem>>[vector<16xi32>, vector<16xi32>], vector<16xf32>, vector<16xi1>
          %add3A_480 = arith.constant 7 : i32
          %add3A_481 = vector.broadcast %add3A_480 : i32 to vector<16xi32>
          %add3A_482 = arith.addi %add3A_481, %broadcast_in_dim3A_3 : vector<16xi32>
          %mul3A_483 = arith.constant 2048 : i32
          %mul3A_484 = arith.muli %add3A_199, %mul3A_483 : i32
          %sub3A_485 = vector.broadcast %mul3A_484 : i32 to vector<16xi32>
          %sub3A_486 = arith.subi %gather3A_423, %sub3A_485 : vector<16xi32>
          %gather3A_487 = tpu.vector_load_idx %arg7[%add3A_215, %add3A_482, %sub3A_486] masked %lt3A_422 : memref<4x8x2048xf32, #tpu.memory_space<vmem>>[vector<16xi32>, vector<16xi32>, vector<16xi32>], vector<16xf32>, vector<16xi1>
          tpu.vector_store_idx %arg9[%add3A_482, %gather3A], %gather3A_487 masked %lt3A_422 : memref<8x4096xf32, #tpu.memory_space<vmem>>[vector<16xi32>, vector<16xi32>], vector<16xf32>, vector<16xi1>
        }
        %while3A_236 = arith.constant 1 : i32
        scf.for %while3A_415 = %while3A_234 to %while3A_230 step %while3A_236  : i32 {
          %mul3A_416 = arith.constant 16 : i32
          %mul3A_417 = arith.muli %while3A_415, %mul3A_416 : i32
          %add3A_418 = arith.addi %get3A_217, %mul3A_417 : i32
          %add3A_419 = vector.broadcast %add3A_418 : i32 to vector<16xi32>
          %add3A_420 = arith.addi %add3A_419, %iota3A : vector<16xi32>
          %lt3A_421 = vector.broadcast %get3A_221 : i32 to vector<16xi32>
          %lt3A_422 = arith.cmpi slt, %add3A_420, %lt3A_421 : vector<16xi32>
          %gather3A = tpu.vector_load_idx %arg10[%add3A_420] masked %lt3A_422 : memref<4112xi32, #tpu.memory_space<vmem>>[vector<16xi32>], vector<16xi32>, vector<16xi1>
          %gather3A_423 = tpu.vector_load_idx %arg11[%add3A_420] masked %lt3A_422 : memref<4112xi32, #tpu.memory_space<vmem>>[vector<16xi32>], vector<16xi32>, vector<16xi1>
          %add3A_424 = arith.constant 0 : i32
          %add3A_425 = vector.broadcast %add3A_424 : i32 to vector<16xi32>
          %add3A_426 = arith.addi %add3A_425, %broadcast_in_dim3A_3 : vector<16xi32>
          %mul3A_427 = arith.constant 2048 : i32
          %mul3A_428 = arith.muli %add3A_199, %mul3A_427 : i32
          %sub3A_429 = vector.broadcast %mul3A_428 : i32 to vector<16xi32>
          %sub3A_430 = arith.subi %gather3A_423, %sub3A_429 : vector<16xi32>
          %gather3A_431 = tpu.vector_load_idx %arg7[%add3A_215, %add3A_426, %sub3A_430] masked %lt3A_422 : memref<4x8x2048xf32, #tpu.memory_space<vmem>>[vector<16xi32>, vector<16xi32>, vector<16xi32>], vector<16xf32>, vector<16xi1>
          tpu.vector_store_idx %arg9[%add3A_426, %gather3A], %gather3A_431 masked %lt3A_422 : memref<8x4096xf32, #tpu.memory_space<vmem>>[vector<16xi32>, vector<16xi32>], vector<16xf32>, vector<16xi1>
          %add3A_432 = arith.constant 1 : i32
          %add3A_433 = vector.broadcast %add3A_432 : i32 to vector<16xi32>
          %add3A_434 = arith.addi %add3A_433, %broadcast_in_dim3A_3 : vector<16xi32>
          %mul3A_435 = arith.constant 2048 : i32
          %mul3A_436 = arith.muli %add3A_199, %mul3A_435 : i32
          %sub3A_437 = vector.broadcast %mul3A_436 : i32 to vector<16xi32>
          %sub3A_438 = arith.subi %gather3A_423, %sub3A_437 : vector<16xi32>
          %gather3A_439 = tpu.vector_load_idx %arg7[%add3A_215, %add3A_434, %sub3A_438] masked %lt3A_422 : memref<4x8x2048xf32, #tpu.memory_space<vmem>>[vector<16xi32>, vector<16xi32>, vector<16xi32>], vector<16xf32>, vector<16xi1>
          tpu.vector_store_idx %arg9[%add3A_434, %gather3A], %gather3A_439 masked %lt3A_422 : memref<8x4096xf32, #tpu.memory_space<vmem>>[vector<16xi32>, vector<16xi32>], vector<16xf32>, vector<16xi1>
          %add3A_440 = arith.constant 2 : i32
          %add3A_441 = vector.broadcast %add3A_440 : i32 to vector<16xi32>
          %add3A_442 = arith.addi %add3A_441, %broadcast_in_dim3A_3 : vector<16xi32>
          %mul3A_443 = arith.constant 2048 : i32
          %mul3A_444 = arith.muli %add3A_199, %mul3A_443 : i32
          %sub3A_445 = vector.broadcast %mul3A_444 : i32 to vector<16xi32>
          %sub3A_446 = arith.subi %gather3A_423, %sub3A_445 : vector<16xi32>
          %gather3A_447 = tpu.vector_load_idx %arg7[%add3A_215, %add3A_442, %sub3A_446] masked %lt3A_422 : memref<4x8x2048xf32, #tpu.memory_space<vmem>>[vector<16xi32>, vector<16xi32>, vector<16xi32>], vector<16xf32>, vector<16xi1>
          tpu.vector_store_idx %arg9[%add3A_442, %gather3A], %gather3A_447 masked %lt3A_422 : memref<8x4096xf32, #tpu.memory_space<vmem>>[vector<16xi32>, vector<16xi32>], vector<16xf32>, vector<16xi1>
          %add3A_448 = arith.constant 3 : i32
          %add3A_449 = vector.broadcast %add3A_448 : i32 to vector<16xi32>
          %add3A_450 = arith.addi %add3A_449, %broadcast_in_dim3A_3 : vector<16xi32>
          %mul3A_451 = arith.constant 2048 : i32
          %mul3A_452 = arith.muli %add3A_199, %mul3A_451 : i32
          %sub3A_453 = vector.broadcast %mul3A_452 : i32 to vector<16xi32>
          %sub3A_454 = arith.subi %gather3A_423, %sub3A_453 : vector<16xi32>
          %gather3A_455 = tpu.vector_load_idx %arg7[%add3A_215, %add3A_450, %sub3A_454] masked %lt3A_422 : memref<4x8x2048xf32, #tpu.memory_space<vmem>>[vector<16xi32>, vector<16xi32>, vector<16xi32>], vector<16xf32>, vector<16xi1>
          tpu.vector_store_idx %arg9[%add3A_450, %gather3A], %gather3A_455 masked %lt3A_422 : memref<8x4096xf32, #tpu.memory_space<vmem>>[vector<16xi32>, vector<16xi32>], vector<16xf32>, vector<16xi1>
          %add3A_456 = arith.constant 4 : i32
          %add3A_457 = vector.broadcast %add3A_456 : i32 to vector<16xi32>
          %add3A_458 = arith.addi %add3A_457, %broadcast_in_dim3A_3 : vector<16xi32>
          %mul3A_459 = arith.constant 2048 : i32
          %mul3A_460 = arith.muli %add3A_199, %mul3A_459 : i32
          %sub3A_461 = vector.broadcast %mul3A_460 : i32 to vector<16xi32>
          %sub3A_462 = arith.subi %gather3A_423, %sub3A_461 : vector<16xi32>
          %gather3A_463 = tpu.vector_load_idx %arg7[%add3A_215, %add3A_458, %sub3A_462] masked %lt3A_422 : memref<4x8x2048xf32, #tpu.memory_space<vmem>>[vector<16xi32>, vector<16xi32>, vector<16xi32>], vector<16xf32>, vector<16xi1>
          tpu.vector_store_idx %arg9[%add3A_458, %gather3A], %gather3A_463 masked %lt3A_422 : memref<8x4096xf32, #tpu.memory_space<vmem>>[vector<16xi32>, vector<16xi32>], vector<16xf32>, vector<16xi1>
          %add3A_464 = arith.constant 5 : i32
          %add3A_465 = vector.broadcast %add3A_464 : i32 to vector<16xi32>
          %add3A_466 = arith.addi %add3A_465, %broadcast_in_dim3A_3 : vector<16xi32>
          %mul3A_467 = arith.constant 2048 : i32
          %mul3A_468 = arith.muli %add3A_199, %mul3A_467 : i32
          %sub3A_469 = vector.broadcast %mul3A_468 : i32 to vector<16xi32>
          %sub3A_470 = arith.subi %gather3A_423, %sub3A_469 : vector<16xi32>
          %gather3A_471 = tpu.vector_load_idx %arg7[%add3A_215, %add3A_466, %sub3A_470] masked %lt3A_422 : memref<4x8x2048xf32, #tpu.memory_space<vmem>>[vector<16xi32>, vector<16xi32>, vector<16xi32>], vector<16xf32>, vector<16xi1>
          tpu.vector_store_idx %arg9[%add3A_466, %gather3A], %gather3A_471 masked %lt3A_422 : memref<8x4096xf32, #tpu.memory_space<vmem>>[vector<16xi32>, vector<16xi32>], vector<16xf32>, vector<16xi1>
          %add3A_472 = arith.constant 6 : i32
          %add3A_473 = vector.broadcast %add3A_472 : i32 to vector<16xi32>
          %add3A_474 = arith.addi %add3A_473, %broadcast_in_dim3A_3 : vector<16xi32>
          %mul3A_475 = arith.constant 2048 : i32
          %mul3A_476 = arith.muli %add3A_199, %mul3A_475 : i32
          %sub3A_477 = vector.broadcast %mul3A_476 : i32 to vector<16xi32>
          %sub3A_478 = arith.subi %gather3A_423, %sub3A_477 : vector<16xi32>
          %gather3A_479 = tpu.vector_load_idx %arg7[%add3A_215, %add3A_474, %sub3A_478] masked %lt3A_422 : memref<4x8x2048xf32, #tpu.memory_space<vmem>>[vector<16xi32>, vector<16xi32>, vector<16xi32>], vector<16xf32>, vector<16xi1>
          tpu.vector_store_idx %arg9[%add3A_474, %gather3A], %gather3A_479 masked %lt3A_422 : memref<8x4096xf32, #tpu.memory_space<vmem>>[vector<16xi32>, vector<16xi32>], vector<16xf32>, vector<16xi1>
          %add3A_480 = arith.constant 7 : i32
          %add3A_481 = vector.broadcast %add3A_480 : i32 to vector<16xi32>
          %add3A_482 = arith.addi %add3A_481, %broadcast_in_dim3A_3 : vector<16xi32>
          %mul3A_483 = arith.constant 2048 : i32
          %mul3A_484 = arith.muli %add3A_199, %mul3A_483 : i32
          %sub3A_485 = vector.broadcast %mul3A_484 : i32 to vector<16xi32>
          %sub3A_486 = arith.subi %gather3A_423, %sub3A_485 : vector<16xi32>
          %gather3A_487 = tpu.vector_load_idx %arg7[%add3A_215, %add3A_482, %sub3A_486] masked %lt3A_422 : memref<4x8x2048xf32, #tpu.memory_space<vmem>>[vector<16xi32>, vector<16xi32>, vector<16xi32>], vector<16xf32>, vector<16xi1>
          tpu.vector_store_idx %arg9[%add3A_482, %gather3A], %gather3A_487 masked %lt3A_422 : memref<8x4096xf32, #tpu.memory_space<vmem>>[vector<16xi32>, vector<16xi32>], vector<16xf32>, vector<16xi1>
        }
        %add3A_237 = arith.constant 4 : i32
        %add3A_238 = arith.addi %add3A_199, %add3A_237 : i32
        %lt3A_239 = arith.constant 48 : i32
        %lt3A_240 = arith.cmpi slt, %add3A_238, %lt3A_239 : i32
        %convert_element_type3A_241 = arith.extui %lt3A_240 : i1 to i32
        %cond3A_242 = arith.constant 0 : i32
        %cond3A_243 = arith.cmpi ne, %convert_element_type3A_241, %cond3A_242 : i32
        scf.if %cond3A_243 {
          %add3A_415 = arith.constant 4 : i32
          %add3A_416 = arith.addi %add3A_199, %add3A_415 : i32
          %mul3A_417 = arith.constant 2048 : i32
          %mul3A_418 = arith.muli %add3A_416, %mul3A_417 : i32
          %multiple_of3A_419 = tpu.assume_multiple %mul3A_418, 128 : i32
          %dma_start3A_420 = arith.constant 0 : i32
          %dma_start3A_421 = arith.constant 0 : i32
          %dma_start3A_422 = arith.constant 0 : i32
          %dma_start3A_423 = tpu.memref_slice %arg7[%dma_start3A_420, %dma_start3A_421, %dma_start3A_422] : memref<4x8x2048xf32, #tpu.memory_space<vmem>> -> memref<1x8x2048xf32, #tpu.memory_space<vmem>>
          %dma_start3A_424 = tpu.memref_squeeze %dma_start3A_423 : memref<1x8x2048xf32, #tpu.memory_space<vmem>> -> memref<8x2048xf32, #tpu.memory_space<vmem>>
          %dma_start3A_425 = tpu.memref_slice %arg3[%multiple_of3A_47, %multiple_of3A_419] : memref<416x100000xf32, #tpu.memory_space<hbm>> -> memref<8x2048xf32, #tpu.memory_space<hbm>>
          %dma_start3A_426 = arith.constant 0 : i32
          %dma_start3A_427 = arith.constant 0 : i32
          %dma_start3A_428 = tpu.memref_slice %arg7[%dma_start3A_420, %dma_start3A_426, %dma_start3A_427] : memref<4x8x2048xf32, #tpu.memory_space<vmem>> -> memref<1x8x2048xf32, #tpu.memory_space<vmem>>
          %dma_start3A_429 = tpu.memref_squeeze %dma_start3A_428 : memref<1x8x2048xf32, #tpu.memory_space<vmem>> -> memref<8x2048xf32, #tpu.memory_space<vmem>>
          %dma_start3A_430 = tpu.memref_slice %arg3[%multiple_of3A_47, %multiple_of3A_419] : memref<416x100000xf32, #tpu.memory_space<hbm>> -> memref<8x2048xf32, #tpu.memory_space<hbm>>
          tpu.enqueue_dma source(%dma_start3A_430 : memref<8x2048xf32, #tpu.memory_space<hbm>>) target(%dma_start3A_429 : memref<8x2048xf32, #tpu.memory_space<vmem>>) target_semaphore(%arg14 : memref<!tpu.dma_semaphore, #tpu.memory_space<semaphore_mem>>)
        } else {
        }
        %add3A_244 = arith.constant 4 : i32
        %add3A_245 = arith.addi %add3A_199, %add3A_244 : i32
        %eq3A = arith.constant 48 : i32
        %eq3A_246 = arith.cmpi eq, %add3A_245, %eq3A : i32
        %convert_element_type3A_247 = arith.extui %eq3A_246 : i1 to i32
        %cond3A_248 = arith.constant 0 : i32
        %cond3A_249 = arith.cmpi ne, %convert_element_type3A_247, %cond3A_248 : i32
        scf.if %cond3A_249 {
          %multiple_of3A_415 = arith.constant 98304 : i32
          %multiple_of3A_416 = tpu.assume_multiple %multiple_of3A_415, 128 : i32
          %dma_start3A_417 = arith.constant 0 : i32
          %dma_start3A_418 = arith.constant 0 : i32
          %dma_start3A_419 = arith.constant 0 : i32
          %dma_start3A_420 = tpu.memref_slice %arg7[%dma_start3A_417, %dma_start3A_418, %dma_start3A_419] : memref<4x8x2048xf32, #tpu.memory_space<vmem>> -> memref<1x8x1664xf32, #tpu.memory_space<vmem>>
          %dma_start3A_421 = tpu.memref_squeeze %dma_start3A_420 : memref<1x8x1664xf32, #tpu.memory_space<vmem>> -> memref<8x1664xf32, #tpu.memory_space<vmem>>
          %dma_start3A_422 = tpu.memref_slice %arg3[%multiple_of3A_47, %multiple_of3A_416] : memref<416x100000xf32, #tpu.memory_space<hbm>> -> memref<8x1664xf32, #tpu.memory_space<hbm>>
          %dma_start3A_423 = arith.constant 0 : i32
          %dma_start3A_424 = arith.constant 0 : i32
          %dma_start3A_425 = tpu.memref_slice %arg7[%dma_start3A_417, %dma_start3A_423, %dma_start3A_424] : memref<4x8x2048xf32, #tpu.memory_space<vmem>> -> memref<1x8x1664xf32, #tpu.memory_space<vmem>>
          %dma_start3A_426 = tpu.memref_squeeze %dma_start3A_425 : memref<1x8x1664xf32, #tpu.memory_space<vmem>> -> memref<8x1664xf32, #tpu.memory_space<vmem>>
          %dma_start3A_427 = tpu.memref_slice %arg3[%multiple_of3A_47, %multiple_of3A_416] : memref<416x100000xf32, #tpu.memory_space<hbm>> -> memref<8x1664xf32, #tpu.memory_space<hbm>>
          tpu.enqueue_dma source(%dma_start3A_427 : memref<8x1664xf32, #tpu.memory_space<hbm>>) target(%dma_start3A_426 : memref<8x1664xf32, #tpu.memory_space<vmem>>) target_semaphore(%arg14 : memref<!tpu.dma_semaphore, #tpu.memory_space<semaphore_mem>>)
        } else {
        }
        %mul3A_250 = arith.constant 4 : i32
        %mul3A_251 = arith.muli %scan3A_195, %mul3A_250 : i32
        %add3A_252 = arith.constant 1 : i32
        %add3A_253 = arith.addi %mul3A_251, %add3A_252 : i32
        %dma_wait3A_254 = arith.constant 1 : i32
        %dma_wait3A_255 = arith.constant 0 : i32
        %dma_wait3A_256 = arith.constant 0 : i32
        %dma_wait3A_257 = tpu.memref_slice %arg7[%dma_wait3A_254, %dma_wait3A_255, %dma_wait3A_256] : memref<4x8x2048xf32, #tpu.memory_space<vmem>> -> memref<1x8x2048xf32, #tpu.memory_space<vmem>>
        %dma_wait3A_258 = tpu.memref_squeeze %dma_wait3A_257 : memref<1x8x2048xf32, #tpu.memory_space<vmem>> -> memref<8x2048xf32, #tpu.memory_space<vmem>>
        %dma_wait3A_259 = arith.constant 0 : i32
        %dma_wait3A_260 = tpu.memref_slice %arg3[%multiple_of3A_47, %dma_wait3A_259] : memref<416x100000xf32, #tpu.memory_space<hbm>> -> memref<8x2048xf32, #tpu.memory_space<hbm>>
        %dma_wait3A_261 = arith.constant 0 : i32
        %dma_wait3A_262 = arith.constant 0 : i32
        %dma_wait3A_263 = tpu.memref_slice %arg7[%dma_wait3A_254, %dma_wait3A_261, %dma_wait3A_262] : memref<4x8x2048xf32, #tpu.memory_space<vmem>> -> memref<1x8x2048xf32, #tpu.memory_space<vmem>>
        %dma_wait3A_264 = tpu.memref_squeeze %dma_wait3A_263 : memref<1x8x2048xf32, #tpu.memory_space<vmem>> -> memref<8x2048xf32, #tpu.memory_space<vmem>>
        %dma_wait3A_265 = arith.constant 0 : i32
        %dma_wait3A_266 = tpu.memref_slice %arg3[%multiple_of3A_47, %dma_wait3A_265] : memref<416x100000xf32, #tpu.memory_space<hbm>> -> memref<8x2048xf32, #tpu.memory_space<hbm>>
        tpu.wait_dma2 semaphore(%arg15 : memref<!tpu.dma_semaphore, #tpu.memory_space<semaphore_mem>>) src(%dma_wait3A_266 : memref<8x2048xf32, #tpu.memory_space<hbm>>) dst(%dma_wait3A_264 : memref<8x2048xf32, #tpu.memory_space<vmem>>)
        %add3A_267 = arith.constant 1 : i32
        %add3A_268 = vector.broadcast %add3A_267 : i32 to vector<16xi32>
        %add3A_269 = arith.addi %add3A_268, %broadcast_in_dim3A_3 : vector<16xi32>
        %get3A_270 = arith.index_cast %add3A_253 : i32 to index
        %get3A_271 = memref.load %arg13[%get3A_270] : memref<51xi32, #tpu.memory_space<smem>>
        %add3A_272 = arith.constant 1 : i32
        %add3A_273 = arith.addi %add3A_253, %add3A_272 : i32
        %get3A_274 = arith.index_cast %add3A_273 : i32 to index
        %get3A_275 = memref.load %arg13[%get3A_274] : memref<51xi32, #tpu.memory_space<smem>>
        %sub3A_276 = arith.subi %get3A_275, %get3A_271 : i32
        %add3A_277 = arith.constant 15 : i32
        %add3A_278 = arith.addi %sub3A_276, %add3A_277 : i32
        %shift_right_logical3A_279 = arith.constant 4 : i32
        %shift_right_logical3A_280 = arith.shrui %add3A_278, %shift_right_logical3A_279 : i32
        %while3A_281 = arith.constant 0 : i32
        %while3A_282 = arith.constant 0 : i32
        %while3A_283 = arith.subi %shift_right_logical3A_280, %while3A_282 : i32
        %while3A_284 = arith.addi %while3A_282, %while3A_283 : i32
        %while3A_285 = arith.constant 1 : i32
        %while3A_286 = arith.divsi %while3A_283, %while3A_285 : i32
        %while3A_287 = arith.muli %while3A_286, %while3A_285 : i32
        %while3A_288 = arith.addi %while3A_282, %while3A_287 : i32
        %while3A_289 = arith.constant 1 : i32
        scf.for %while3A_415 = %while3A_282 to %while3A_288 step %while3A_289  : i32 {
          %mul3A_416 = arith.constant 16 : i32
          %mul3A_417 = arith.muli %while3A_415, %mul3A_416 : i32
          %add3A_418 = arith.addi %get3A_271, %mul3A_417 : i32
          %add3A_419 = vector.broadcast %add3A_418 : i32 to vector<16xi32>
          %add3A_420 = arith.addi %add3A_419, %iota3A : vector<16xi32>
          %lt3A_421 = vector.broadcast %get3A_275 : i32 to vector<16xi32>
          %lt3A_422 = arith.cmpi slt, %add3A_420, %lt3A_421 : vector<16xi32>
          %gather3A = tpu.vector_load_idx %arg10[%add3A_420] masked %lt3A_422 : memref<4112xi32, #tpu.memory_space<vmem>>[vector<16xi32>], vector<16xi32>, vector<16xi1>
          %gather3A_423 = tpu.vector_load_idx %arg11[%add3A_420] masked %lt3A_422 : memref<4112xi32, #tpu.memory_space<vmem>>[vector<16xi32>], vector<16xi32>, vector<16xi1>
          %add3A_424 = arith.constant 0 : i32
          %add3A_425 = vector.broadcast %add3A_424 : i32 to vector<16xi32>
          %add3A_426 = arith.addi %add3A_425, %broadcast_in_dim3A_3 : vector<16xi32>
          %mul3A_427 = arith.constant 2048 : i32
          %mul3A_428 = arith.muli %add3A_253, %mul3A_427 : i32
          %sub3A_429 = vector.broadcast %mul3A_428 : i32 to vector<16xi32>
          %sub3A_430 = arith.subi %gather3A_423, %sub3A_429 : vector<16xi32>
          %gather3A_431 = tpu.vector_load_idx %arg7[%add3A_269, %add3A_426, %sub3A_430] masked %lt3A_422 : memref<4x8x2048xf32, #tpu.memory_space<vmem>>[vector<16xi32>, vector<16xi32>, vector<16xi32>], vector<16xf32>, vector<16xi1>
          tpu.vector_store_idx %arg9[%add3A_426, %gather3A], %gather3A_431 masked %lt3A_422 : memref<8x4096xf32, #tpu.memory_space<vmem>>[vector<16xi32>, vector<16xi32>], vector<16xf32>, vector<16xi1>
          %add3A_432 = arith.constant 1 : i32
          %add3A_433 = vector.broadcast %add3A_432 : i32 to vector<16xi32>
          %add3A_434 = arith.addi %add3A_433, %broadcast_in_dim3A_3 : vector<16xi32>
          %mul3A_435 = arith.constant 2048 : i32
          %mul3A_436 = arith.muli %add3A_253, %mul3A_435 : i32
          %sub3A_437 = vector.broadcast %mul3A_436 : i32 to vector<16xi32>
          %sub3A_438 = arith.subi %gather3A_423, %sub3A_437 : vector<16xi32>
          %gather3A_439 = tpu.vector_load_idx %arg7[%add3A_269, %add3A_434, %sub3A_438] masked %lt3A_422 : memref<4x8x2048xf32, #tpu.memory_space<vmem>>[vector<16xi32>, vector<16xi32>, vector<16xi32>], vector<16xf32>, vector<16xi1>
          tpu.vector_store_idx %arg9[%add3A_434, %gather3A], %gather3A_439 masked %lt3A_422 : memref<8x4096xf32, #tpu.memory_space<vmem>>[vector<16xi32>, vector<16xi32>], vector<16xf32>, vector<16xi1>
          %add3A_440 = arith.constant 2 : i32
          %add3A_441 = vector.broadcast %add3A_440 : i32 to vector<16xi32>
          %add3A_442 = arith.addi %add3A_441, %broadcast_in_dim3A_3 : vector<16xi32>
          %mul3A_443 = arith.constant 2048 : i32
          %mul3A_444 = arith.muli %add3A_253, %mul3A_443 : i32
          %sub3A_445 = vector.broadcast %mul3A_444 : i32 to vector<16xi32>
          %sub3A_446 = arith.subi %gather3A_423, %sub3A_445 : vector<16xi32>
          %gather3A_447 = tpu.vector_load_idx %arg7[%add3A_269, %add3A_442, %sub3A_446] masked %lt3A_422 : memref<4x8x2048xf32, #tpu.memory_space<vmem>>[vector<16xi32>, vector<16xi32>, vector<16xi32>], vector<16xf32>, vector<16xi1>
          tpu.vector_store_idx %arg9[%add3A_442, %gather3A], %gather3A_447 masked %lt3A_422 : memref<8x4096xf32, #tpu.memory_space<vmem>>[vector<16xi32>, vector<16xi32>], vector<16xf32>, vector<16xi1>
          %add3A_448 = arith.constant 3 : i32
          %add3A_449 = vector.broadcast %add3A_448 : i32 to vector<16xi32>
          %add3A_450 = arith.addi %add3A_449, %broadcast_in_dim3A_3 : vector<16xi32>
          %mul3A_451 = arith.constant 2048 : i32
          %mul3A_452 = arith.muli %add3A_253, %mul3A_451 : i32
          %sub3A_453 = vector.broadcast %mul3A_452 : i32 to vector<16xi32>
          %sub3A_454 = arith.subi %gather3A_423, %sub3A_453 : vector<16xi32>
          %gather3A_455 = tpu.vector_load_idx %arg7[%add3A_269, %add3A_450, %sub3A_454] masked %lt3A_422 : memref<4x8x2048xf32, #tpu.memory_space<vmem>>[vector<16xi32>, vector<16xi32>, vector<16xi32>], vector<16xf32>, vector<16xi1>
          tpu.vector_store_idx %arg9[%add3A_450, %gather3A], %gather3A_455 masked %lt3A_422 : memref<8x4096xf32, #tpu.memory_space<vmem>>[vector<16xi32>, vector<16xi32>], vector<16xf32>, vector<16xi1>
          %add3A_456 = arith.constant 4 : i32
          %add3A_457 = vector.broadcast %add3A_456 : i32 to vector<16xi32>
          %add3A_458 = arith.addi %add3A_457, %broadcast_in_dim3A_3 : vector<16xi32>
          %mul3A_459 = arith.constant 2048 : i32
          %mul3A_460 = arith.muli %add3A_253, %mul3A_459 : i32
          %sub3A_461 = vector.broadcast %mul3A_460 : i32 to vector<16xi32>
          %sub3A_462 = arith.subi %gather3A_423, %sub3A_461 : vector<16xi32>
          %gather3A_463 = tpu.vector_load_idx %arg7[%add3A_269, %add3A_458, %sub3A_462] masked %lt3A_422 : memref<4x8x2048xf32, #tpu.memory_space<vmem>>[vector<16xi32>, vector<16xi32>, vector<16xi32>], vector<16xf32>, vector<16xi1>
          tpu.vector_store_idx %arg9[%add3A_458, %gather3A], %gather3A_463 masked %lt3A_422 : memref<8x4096xf32, #tpu.memory_space<vmem>>[vector<16xi32>, vector<16xi32>], vector<16xf32>, vector<16xi1>
          %add3A_464 = arith.constant 5 : i32
          %add3A_465 = vector.broadcast %add3A_464 : i32 to vector<16xi32>
          %add3A_466 = arith.addi %add3A_465, %broadcast_in_dim3A_3 : vector<16xi32>
          %mul3A_467 = arith.constant 2048 : i32
          %mul3A_468 = arith.muli %add3A_253, %mul3A_467 : i32
          %sub3A_469 = vector.broadcast %mul3A_468 : i32 to vector<16xi32>
          %sub3A_470 = arith.subi %gather3A_423, %sub3A_469 : vector<16xi32>
          %gather3A_471 = tpu.vector_load_idx %arg7[%add3A_269, %add3A_466, %sub3A_470] masked %lt3A_422 : memref<4x8x2048xf32, #tpu.memory_space<vmem>>[vector<16xi32>, vector<16xi32>, vector<16xi32>], vector<16xf32>, vector<16xi1>
          tpu.vector_store_idx %arg9[%add3A_466, %gather3A], %gather3A_471 masked %lt3A_422 : memref<8x4096xf32, #tpu.memory_space<vmem>>[vector<16xi32>, vector<16xi32>], vector<16xf32>, vector<16xi1>
          %add3A_472 = arith.constant 6 : i32
          %add3A_473 = vector.broadcast %add3A_472 : i32 to vector<16xi32>
          %add3A_474 = arith.addi %add3A_473, %broadcast_in_dim3A_3 : vector<16xi32>
          %mul3A_475 = arith.constant 2048 : i32
          %mul3A_476 = arith.muli %add3A_253, %mul3A_475 : i32
          %sub3A_477 = vector.broadcast %mul3A_476 : i32 to vector<16xi32>
          %sub3A_478 = arith.subi %gather3A_423, %sub3A_477 : vector<16xi32>
          %gather3A_479 = tpu.vector_load_idx %arg7[%add3A_269, %add3A_474, %sub3A_478] masked %lt3A_422 : memref<4x8x2048xf32, #tpu.memory_space<vmem>>[vector<16xi32>, vector<16xi32>, vector<16xi32>], vector<16xf32>, vector<16xi1>
          tpu.vector_store_idx %arg9[%add3A_474, %gather3A], %gather3A_479 masked %lt3A_422 : memref<8x4096xf32, #tpu.memory_space<vmem>>[vector<16xi32>, vector<16xi32>], vector<16xf32>, vector<16xi1>
          %add3A_480 = arith.constant 7 : i32
          %add3A_481 = vector.broadcast %add3A_480 : i32 to vector<16xi32>
          %add3A_482 = arith.addi %add3A_481, %broadcast_in_dim3A_3 : vector<16xi32>
          %mul3A_483 = arith.constant 2048 : i32
          %mul3A_484 = arith.muli %add3A_253, %mul3A_483 : i32
          %sub3A_485 = vector.broadcast %mul3A_484 : i32 to vector<16xi32>
          %sub3A_486 = arith.subi %gather3A_423, %sub3A_485 : vector<16xi32>
          %gather3A_487 = tpu.vector_load_idx %arg7[%add3A_269, %add3A_482, %sub3A_486] masked %lt3A_422 : memref<4x8x2048xf32, #tpu.memory_space<vmem>>[vector<16xi32>, vector<16xi32>, vector<16xi32>], vector<16xf32>, vector<16xi1>
          tpu.vector_store_idx %arg9[%add3A_482, %gather3A], %gather3A_487 masked %lt3A_422 : memref<8x4096xf32, #tpu.memory_space<vmem>>[vector<16xi32>, vector<16xi32>], vector<16xf32>, vector<16xi1>
        }
        %while3A_290 = arith.constant 1 : i32
        scf.for %while3A_415 = %while3A_288 to %while3A_284 step %while3A_290  : i32 {
          %mul3A_416 = arith.constant 16 : i32
          %mul3A_417 = arith.muli %while3A_415, %mul3A_416 : i32
          %add3A_418 = arith.addi %get3A_271, %mul3A_417 : i32
          %add3A_419 = vector.broadcast %add3A_418 : i32 to vector<16xi32>
          %add3A_420 = arith.addi %add3A_419, %iota3A : vector<16xi32>
          %lt3A_421 = vector.broadcast %get3A_275 : i32 to vector<16xi32>
          %lt3A_422 = arith.cmpi slt, %add3A_420, %lt3A_421 : vector<16xi32>
          %gather3A = tpu.vector_load_idx %arg10[%add3A_420] masked %lt3A_422 : memref<4112xi32, #tpu.memory_space<vmem>>[vector<16xi32>], vector<16xi32>, vector<16xi1>
          %gather3A_423 = tpu.vector_load_idx %arg11[%add3A_420] masked %lt3A_422 : memref<4112xi32, #tpu.memory_space<vmem>>[vector<16xi32>], vector<16xi32>, vector<16xi1>
          %add3A_424 = arith.constant 0 : i32
          %add3A_425 = vector.broadcast %add3A_424 : i32 to vector<16xi32>
          %add3A_426 = arith.addi %add3A_425, %broadcast_in_dim3A_3 : vector<16xi32>
          %mul3A_427 = arith.constant 2048 : i32
          %mul3A_428 = arith.muli %add3A_253, %mul3A_427 : i32
          %sub3A_429 = vector.broadcast %mul3A_428 : i32 to vector<16xi32>
          %sub3A_430 = arith.subi %gather3A_423, %sub3A_429 : vector<16xi32>
          %gather3A_431 = tpu.vector_load_idx %arg7[%add3A_269, %add3A_426, %sub3A_430] masked %lt3A_422 : memref<4x8x2048xf32, #tpu.memory_space<vmem>>[vector<16xi32>, vector<16xi32>, vector<16xi32>], vector<16xf32>, vector<16xi1>
          tpu.vector_store_idx %arg9[%add3A_426, %gather3A], %gather3A_431 masked %lt3A_422 : memref<8x4096xf32, #tpu.memory_space<vmem>>[vector<16xi32>, vector<16xi32>], vector<16xf32>, vector<16xi1>
          %add3A_432 = arith.constant 1 : i32
          %add3A_433 = vector.broadcast %add3A_432 : i32 to vector<16xi32>
          %add3A_434 = arith.addi %add3A_433, %broadcast_in_dim3A_3 : vector<16xi32>
          %mul3A_435 = arith.constant 2048 : i32
          %mul3A_436 = arith.muli %add3A_253, %mul3A_435 : i32
          %sub3A_437 = vector.broadcast %mul3A_436 : i32 to vector<16xi32>
          %sub3A_438 = arith.subi %gather3A_423, %sub3A_437 : vector<16xi32>
          %gather3A_439 = tpu.vector_load_idx %arg7[%add3A_269, %add3A_434, %sub3A_438] masked %lt3A_422 : memref<4x8x2048xf32, #tpu.memory_space<vmem>>[vector<16xi32>, vector<16xi32>, vector<16xi32>], vector<16xf32>, vector<16xi1>
          tpu.vector_store_idx %arg9[%add3A_434, %gather3A], %gather3A_439 masked %lt3A_422 : memref<8x4096xf32, #tpu.memory_space<vmem>>[vector<16xi32>, vector<16xi32>], vector<16xf32>, vector<16xi1>
          %add3A_440 = arith.constant 2 : i32
          %add3A_441 = vector.broadcast %add3A_440 : i32 to vector<16xi32>
          %add3A_442 = arith.addi %add3A_441, %broadcast_in_dim3A_3 : vector<16xi32>
          %mul3A_443 = arith.constant 2048 : i32
          %mul3A_444 = arith.muli %add3A_253, %mul3A_443 : i32
          %sub3A_445 = vector.broadcast %mul3A_444 : i32 to vector<16xi32>
          %sub3A_446 = arith.subi %gather3A_423, %sub3A_445 : vector<16xi32>
          %gather3A_447 = tpu.vector_load_idx %arg7[%add3A_269, %add3A_442, %sub3A_446] masked %lt3A_422 : memref<4x8x2048xf32, #tpu.memory_space<vmem>>[vector<16xi32>, vector<16xi32>, vector<16xi32>], vector<16xf32>, vector<16xi1>
          tpu.vector_store_idx %arg9[%add3A_442, %gather3A], %gather3A_447 masked %lt3A_422 : memref<8x4096xf32, #tpu.memory_space<vmem>>[vector<16xi32>, vector<16xi32>], vector<16xf32>, vector<16xi1>
          %add3A_448 = arith.constant 3 : i32
          %add3A_449 = vector.broadcast %add3A_448 : i32 to vector<16xi32>
          %add3A_450 = arith.addi %add3A_449, %broadcast_in_dim3A_3 : vector<16xi32>
          %mul3A_451 = arith.constant 2048 : i32
          %mul3A_452 = arith.muli %add3A_253, %mul3A_451 : i32
          %sub3A_453 = vector.broadcast %mul3A_452 : i32 to vector<16xi32>
          %sub3A_454 = arith.subi %gather3A_423, %sub3A_453 : vector<16xi32>
          %gather3A_455 = tpu.vector_load_idx %arg7[%add3A_269, %add3A_450, %sub3A_454] masked %lt3A_422 : memref<4x8x2048xf32, #tpu.memory_space<vmem>>[vector<16xi32>, vector<16xi32>, vector<16xi32>], vector<16xf32>, vector<16xi1>
          tpu.vector_store_idx %arg9[%add3A_450, %gather3A], %gather3A_455 masked %lt3A_422 : memref<8x4096xf32, #tpu.memory_space<vmem>>[vector<16xi32>, vector<16xi32>], vector<16xf32>, vector<16xi1>
          %add3A_456 = arith.constant 4 : i32
          %add3A_457 = vector.broadcast %add3A_456 : i32 to vector<16xi32>
          %add3A_458 = arith.addi %add3A_457, %broadcast_in_dim3A_3 : vector<16xi32>
          %mul3A_459 = arith.constant 2048 : i32
          %mul3A_460 = arith.muli %add3A_253, %mul3A_459 : i32
          %sub3A_461 = vector.broadcast %mul3A_460 : i32 to vector<16xi32>
          %sub3A_462 = arith.subi %gather3A_423, %sub3A_461 : vector<16xi32>
          %gather3A_463 = tpu.vector_load_idx %arg7[%add3A_269, %add3A_458, %sub3A_462] masked %lt3A_422 : memref<4x8x2048xf32, #tpu.memory_space<vmem>>[vector<16xi32>, vector<16xi32>, vector<16xi32>], vector<16xf32>, vector<16xi1>
          tpu.vector_store_idx %arg9[%add3A_458, %gather3A], %gather3A_463 masked %lt3A_422 : memref<8x4096xf32, #tpu.memory_space<vmem>>[vector<16xi32>, vector<16xi32>], vector<16xf32>, vector<16xi1>
          %add3A_464 = arith.constant 5 : i32
          %add3A_465 = vector.broadcast %add3A_464 : i32 to vector<16xi32>
          %add3A_466 = arith.addi %add3A_465, %broadcast_in_dim3A_3 : vector<16xi32>
          %mul3A_467 = arith.constant 2048 : i32
          %mul3A_468 = arith.muli %add3A_253, %mul3A_467 : i32
          %sub3A_469 = vector.broadcast %mul3A_468 : i32 to vector<16xi32>
          %sub3A_470 = arith.subi %gather3A_423, %sub3A_469 : vector<16xi32>
          %gather3A_471 = tpu.vector_load_idx %arg7[%add3A_269, %add3A_466, %sub3A_470] masked %lt3A_422 : memref<4x8x2048xf32, #tpu.memory_space<vmem>>[vector<16xi32>, vector<16xi32>, vector<16xi32>], vector<16xf32>, vector<16xi1>
          tpu.vector_store_idx %arg9[%add3A_466, %gather3A], %gather3A_471 masked %lt3A_422 : memref<8x4096xf32, #tpu.memory_space<vmem>>[vector<16xi32>, vector<16xi32>], vector<16xf32>, vector<16xi1>
          %add3A_472 = arith.constant 6 : i32
          %add3A_473 = vector.broadcast %add3A_472 : i32 to vector<16xi32>
          %add3A_474 = arith.addi %add3A_473, %broadcast_in_dim3A_3 : vector<16xi32>
          %mul3A_475 = arith.constant 2048 : i32
          %mul3A_476 = arith.muli %add3A_253, %mul3A_475 : i32
          %sub3A_477 = vector.broadcast %mul3A_476 : i32 to vector<16xi32>
          %sub3A_478 = arith.subi %gather3A_423, %sub3A_477 : vector<16xi32>
          %gather3A_479 = tpu.vector_load_idx %arg7[%add3A_269, %add3A_474, %sub3A_478] masked %lt3A_422 : memref<4x8x2048xf32, #tpu.memory_space<vmem>>[vector<16xi32>, vector<16xi32>, vector<16xi32>], vector<16xf32>, vector<16xi1>
          tpu.vector_store_idx %arg9[%add3A_474, %gather3A], %gather3A_479 masked %lt3A_422 : memref<8x4096xf32, #tpu.memory_space<vmem>>[vector<16xi32>, vector<16xi32>], vector<16xf32>, vector<16xi1>
          %add3A_480 = arith.constant 7 : i32
          %add3A_481 = vector.broadcast %add3A_480 : i32 to vector<16xi32>
          %add3A_482 = arith.addi %add3A_481, %broadcast_in_dim3A_3 : vector<16xi32>
          %mul3A_483 = arith.constant 2048 : i32
          %mul3A_484 = arith.muli %add3A_253, %mul3A_483 : i32
          %sub3A_485 = vector.broadcast %mul3A_484 : i32 to vector<16xi32>
          %sub3A_486 = arith.subi %gather3A_423, %sub3A_485 : vector<16xi32>
          %gather3A_487 = tpu.vector_load_idx %arg7[%add3A_269, %add3A_482, %sub3A_486] masked %lt3A_422 : memref<4x8x2048xf32, #tpu.memory_space<vmem>>[vector<16xi32>, vector<16xi32>, vector<16xi32>], vector<16xf32>, vector<16xi1>
          tpu.vector_store_idx %arg9[%add3A_482, %gather3A], %gather3A_487 masked %lt3A_422 : memref<8x4096xf32, #tpu.memory_space<vmem>>[vector<16xi32>, vector<16xi32>], vector<16xf32>, vector<16xi1>
        }
        %add3A_291 = arith.constant 4 : i32
        %add3A_292 = arith.addi %add3A_253, %add3A_291 : i32
        %lt3A_293 = arith.constant 48 : i32
        %lt3A_294 = arith.cmpi slt, %add3A_292, %lt3A_293 : i32
        %convert_element_type3A_295 = arith.extui %lt3A_294 : i1 to i32
        %cond3A_296 = arith.constant 0 : i32
        %cond3A_297 = arith.cmpi ne, %convert_element_type3A_295, %cond3A_296 : i32
        scf.if %cond3A_297 {
          %add3A_415 = arith.constant 4 : i32
          %add3A_416 = arith.addi %add3A_253, %add3A_415 : i32
          %mul3A_417 = arith.constant 2048 : i32
          %mul3A_418 = arith.muli %add3A_416, %mul3A_417 : i32
          %multiple_of3A_419 = tpu.assume_multiple %mul3A_418, 128 : i32
          %dma_start3A_420 = arith.constant 1 : i32
          %dma_start3A_421 = arith.constant 0 : i32
          %dma_start3A_422 = arith.constant 0 : i32
          %dma_start3A_423 = tpu.memref_slice %arg7[%dma_start3A_420, %dma_start3A_421, %dma_start3A_422] : memref<4x8x2048xf32, #tpu.memory_space<vmem>> -> memref<1x8x2048xf32, #tpu.memory_space<vmem>>
          %dma_start3A_424 = tpu.memref_squeeze %dma_start3A_423 : memref<1x8x2048xf32, #tpu.memory_space<vmem>> -> memref<8x2048xf32, #tpu.memory_space<vmem>>
          %dma_start3A_425 = tpu.memref_slice %arg3[%multiple_of3A_47, %multiple_of3A_419] : memref<416x100000xf32, #tpu.memory_space<hbm>> -> memref<8x2048xf32, #tpu.memory_space<hbm>>
          %dma_start3A_426 = arith.constant 0 : i32
          %dma_start3A_427 = arith.constant 0 : i32
          %dma_start3A_428 = tpu.memref_slice %arg7[%dma_start3A_420, %dma_start3A_426, %dma_start3A_427] : memref<4x8x2048xf32, #tpu.memory_space<vmem>> -> memref<1x8x2048xf32, #tpu.memory_space<vmem>>
          %dma_start3A_429 = tpu.memref_squeeze %dma_start3A_428 : memref<1x8x2048xf32, #tpu.memory_space<vmem>> -> memref<8x2048xf32, #tpu.memory_space<vmem>>
          %dma_start3A_430 = tpu.memref_slice %arg3[%multiple_of3A_47, %multiple_of3A_419] : memref<416x100000xf32, #tpu.memory_space<hbm>> -> memref<8x2048xf32, #tpu.memory_space<hbm>>
          tpu.enqueue_dma source(%dma_start3A_430 : memref<8x2048xf32, #tpu.memory_space<hbm>>) target(%dma_start3A_429 : memref<8x2048xf32, #tpu.memory_space<vmem>>) target_semaphore(%arg15 : memref<!tpu.dma_semaphore, #tpu.memory_space<semaphore_mem>>)
        } else {
        }
        %add3A_298 = arith.constant 4 : i32
        %add3A_299 = arith.addi %add3A_253, %add3A_298 : i32
        %eq3A_300 = arith.constant 48 : i32
        %eq3A_301 = arith.cmpi eq, %add3A_299, %eq3A_300 : i32
        %convert_element_type3A_302 = arith.extui %eq3A_301 : i1 to i32
        %cond3A_303 = arith.constant 0 : i32
        %cond3A_304 = arith.cmpi ne, %convert_element_type3A_302, %cond3A_303 : i32
        scf.if %cond3A_304 {
          %multiple_of3A_415 = arith.constant 98304 : i32
          %multiple_of3A_416 = tpu.assume_multiple %multiple_of3A_415, 128 : i32
          %dma_start3A_417 = arith.constant 1 : i32
          %dma_start3A_418 = arith.constant 0 : i32
          %dma_start3A_419 = arith.constant 0 : i32
          %dma_start3A_420 = tpu.memref_slice %arg7[%dma_start3A_417, %dma_start3A_418, %dma_start3A_419] : memref<4x8x2048xf32, #tpu.memory_space<vmem>> -> memref<1x8x1664xf32, #tpu.memory_space<vmem>>
          %dma_start3A_421 = tpu.memref_squeeze %dma_start3A_420 : memref<1x8x1664xf32, #tpu.memory_space<vmem>> -> memref<8x1664xf32, #tpu.memory_space<vmem>>
          %dma_start3A_422 = tpu.memref_slice %arg3[%multiple_of3A_47, %multiple_of3A_416] : memref<416x100000xf32, #tpu.memory_space<hbm>> -> memref<8x1664xf32, #tpu.memory_space<hbm>>
          %dma_start3A_423 = arith.constant 0 : i32
          %dma_start3A_424 = arith.constant 0 : i32
          %dma_start3A_425 = tpu.memref_slice %arg7[%dma_start3A_417, %dma_start3A_423, %dma_start3A_424] : memref<4x8x2048xf32, #tpu.memory_space<vmem>> -> memref<1x8x1664xf32, #tpu.memory_space<vmem>>
          %dma_start3A_426 = tpu.memref_squeeze %dma_start3A_425 : memref<1x8x1664xf32, #tpu.memory_space<vmem>> -> memref<8x1664xf32, #tpu.memory_space<vmem>>
          %dma_start3A_427 = tpu.memref_slice %arg3[%multiple_of3A_47, %multiple_of3A_416] : memref<416x100000xf32, #tpu.memory_space<hbm>> -> memref<8x1664xf32, #tpu.memory_space<hbm>>
          tpu.enqueue_dma source(%dma_start3A_427 : memref<8x1664xf32, #tpu.memory_space<hbm>>) target(%dma_start3A_426 : memref<8x1664xf32, #tpu.memory_space<vmem>>) target_semaphore(%arg15 : memref<!tpu.dma_semaphore, #tpu.memory_space<semaphore_mem>>)
        } else {
        }
        %mul3A_305 = arith.constant 4 : i32
        %mul3A_306 = arith.muli %scan3A_195, %mul3A_305 : i32
        %add3A_307 = arith.constant 2 : i32
        %add3A_308 = arith.addi %mul3A_306, %add3A_307 : i32
        %dma_wait3A_309 = arith.constant 2 : i32
        %dma_wait3A_310 = arith.constant 0 : i32
        %dma_wait3A_311 = arith.constant 0 : i32
        %dma_wait3A_312 = tpu.memref_slice %arg7[%dma_wait3A_309, %dma_wait3A_310, %dma_wait3A_311] : memref<4x8x2048xf32, #tpu.memory_space<vmem>> -> memref<1x8x2048xf32, #tpu.memory_space<vmem>>
        %dma_wait3A_313 = tpu.memref_squeeze %dma_wait3A_312 : memref<1x8x2048xf32, #tpu.memory_space<vmem>> -> memref<8x2048xf32, #tpu.memory_space<vmem>>
        %dma_wait3A_314 = arith.constant 0 : i32
        %dma_wait3A_315 = tpu.memref_slice %arg3[%multiple_of3A_47, %dma_wait3A_314] : memref<416x100000xf32, #tpu.memory_space<hbm>> -> memref<8x2048xf32, #tpu.memory_space<hbm>>
        %dma_wait3A_316 = arith.constant 0 : i32
        %dma_wait3A_317 = arith.constant 0 : i32
        %dma_wait3A_318 = tpu.memref_slice %arg7[%dma_wait3A_309, %dma_wait3A_316, %dma_wait3A_317] : memref<4x8x2048xf32, #tpu.memory_space<vmem>> -> memref<1x8x2048xf32, #tpu.memory_space<vmem>>
        %dma_wait3A_319 = tpu.memref_squeeze %dma_wait3A_318 : memref<1x8x2048xf32, #tpu.memory_space<vmem>> -> memref<8x2048xf32, #tpu.memory_space<vmem>>
        %dma_wait3A_320 = arith.constant 0 : i32
        %dma_wait3A_321 = tpu.memref_slice %arg3[%multiple_of3A_47, %dma_wait3A_320] : memref<416x100000xf32, #tpu.memory_space<hbm>> -> memref<8x2048xf32, #tpu.memory_space<hbm>>
        tpu.wait_dma2 semaphore(%arg16 : memref<!tpu.dma_semaphore, #tpu.memory_space<semaphore_mem>>) src(%dma_wait3A_321 : memref<8x2048xf32, #tpu.memory_space<hbm>>) dst(%dma_wait3A_319 : memref<8x2048xf32, #tpu.memory_space<vmem>>)
        %add3A_322 = arith.constant 2 : i32
        %add3A_323 = vector.broadcast %add3A_322 : i32 to vector<16xi32>
        %add3A_324 = arith.addi %add3A_323, %broadcast_in_dim3A_3 : vector<16xi32>
        %get3A_325 = arith.index_cast %add3A_308 : i32 to index
        %get3A_326 = memref.load %arg13[%get3A_325] : memref<51xi32, #tpu.memory_space<smem>>
        %add3A_327 = arith.constant 1 : i32
        %add3A_328 = arith.addi %add3A_308, %add3A_327 : i32
        %get3A_329 = arith.index_cast %add3A_328 : i32 to index
        %get3A_330 = memref.load %arg13[%get3A_329] : memref<51xi32, #tpu.memory_space<smem>>
        %sub3A_331 = arith.subi %get3A_330, %get3A_326 : i32
        %add3A_332 = arith.constant 15 : i32
        %add3A_333 = arith.addi %sub3A_331, %add3A_332 : i32
        %shift_right_logical3A_334 = arith.constant 4 : i32
        %shift_right_logical3A_335 = arith.shrui %add3A_333, %shift_right_logical3A_334 : i32
        %while3A_336 = arith.constant 0 : i32
        %while3A_337 = arith.constant 0 : i32
        %while3A_338 = arith.subi %shift_right_logical3A_335, %while3A_337 : i32
        %while3A_339 = arith.addi %while3A_337, %while3A_338 : i32
        %while3A_340 = arith.constant 1 : i32
        %while3A_341 = arith.divsi %while3A_338, %while3A_340 : i32
        %while3A_342 = arith.muli %while3A_341, %while3A_340 : i32
        %while3A_343 = arith.addi %while3A_337, %while3A_342 : i32
        %while3A_344 = arith.constant 1 : i32
        scf.for %while3A_415 = %while3A_337 to %while3A_343 step %while3A_344  : i32 {
          %mul3A_416 = arith.constant 16 : i32
          %mul3A_417 = arith.muli %while3A_415, %mul3A_416 : i32
          %add3A_418 = arith.addi %get3A_326, %mul3A_417 : i32
          %add3A_419 = vector.broadcast %add3A_418 : i32 to vector<16xi32>
          %add3A_420 = arith.addi %add3A_419, %iota3A : vector<16xi32>
          %lt3A_421 = vector.broadcast %get3A_330 : i32 to vector<16xi32>
          %lt3A_422 = arith.cmpi slt, %add3A_420, %lt3A_421 : vector<16xi32>
          %gather3A = tpu.vector_load_idx %arg10[%add3A_420] masked %lt3A_422 : memref<4112xi32, #tpu.memory_space<vmem>>[vector<16xi32>], vector<16xi32>, vector<16xi1>
          %gather3A_423 = tpu.vector_load_idx %arg11[%add3A_420] masked %lt3A_422 : memref<4112xi32, #tpu.memory_space<vmem>>[vector<16xi32>], vector<16xi32>, vector<16xi1>
          %add3A_424 = arith.constant 0 : i32
          %add3A_425 = vector.broadcast %add3A_424 : i32 to vector<16xi32>
          %add3A_426 = arith.addi %add3A_425, %broadcast_in_dim3A_3 : vector<16xi32>
          %mul3A_427 = arith.constant 2048 : i32
          %mul3A_428 = arith.muli %add3A_308, %mul3A_427 : i32
          %sub3A_429 = vector.broadcast %mul3A_428 : i32 to vector<16xi32>
          %sub3A_430 = arith.subi %gather3A_423, %sub3A_429 : vector<16xi32>
          %gather3A_431 = tpu.vector_load_idx %arg7[%add3A_324, %add3A_426, %sub3A_430] masked %lt3A_422 : memref<4x8x2048xf32, #tpu.memory_space<vmem>>[vector<16xi32>, vector<16xi32>, vector<16xi32>], vector<16xf32>, vector<16xi1>
          tpu.vector_store_idx %arg9[%add3A_426, %gather3A], %gather3A_431 masked %lt3A_422 : memref<8x4096xf32, #tpu.memory_space<vmem>>[vector<16xi32>, vector<16xi32>], vector<16xf32>, vector<16xi1>
          %add3A_432 = arith.constant 1 : i32
          %add3A_433 = vector.broadcast %add3A_432 : i32 to vector<16xi32>
          %add3A_434 = arith.addi %add3A_433, %broadcast_in_dim3A_3 : vector<16xi32>
          %mul3A_435 = arith.constant 2048 : i32
          %mul3A_436 = arith.muli %add3A_308, %mul3A_435 : i32
          %sub3A_437 = vector.broadcast %mul3A_436 : i32 to vector<16xi32>
          %sub3A_438 = arith.subi %gather3A_423, %sub3A_437 : vector<16xi32>
          %gather3A_439 = tpu.vector_load_idx %arg7[%add3A_324, %add3A_434, %sub3A_438] masked %lt3A_422 : memref<4x8x2048xf32, #tpu.memory_space<vmem>>[vector<16xi32>, vector<16xi32>, vector<16xi32>], vector<16xf32>, vector<16xi1>
          tpu.vector_store_idx %arg9[%add3A_434, %gather3A], %gather3A_439 masked %lt3A_422 : memref<8x4096xf32, #tpu.memory_space<vmem>>[vector<16xi32>, vector<16xi32>], vector<16xf32>, vector<16xi1>
          %add3A_440 = arith.constant 2 : i32
          %add3A_441 = vector.broadcast %add3A_440 : i32 to vector<16xi32>
          %add3A_442 = arith.addi %add3A_441, %broadcast_in_dim3A_3 : vector<16xi32>
          %mul3A_443 = arith.constant 2048 : i32
          %mul3A_444 = arith.muli %add3A_308, %mul3A_443 : i32
          %sub3A_445 = vector.broadcast %mul3A_444 : i32 to vector<16xi32>
          %sub3A_446 = arith.subi %gather3A_423, %sub3A_445 : vector<16xi32>
          %gather3A_447 = tpu.vector_load_idx %arg7[%add3A_324, %add3A_442, %sub3A_446] masked %lt3A_422 : memref<4x8x2048xf32, #tpu.memory_space<vmem>>[vector<16xi32>, vector<16xi32>, vector<16xi32>], vector<16xf32>, vector<16xi1>
          tpu.vector_store_idx %arg9[%add3A_442, %gather3A], %gather3A_447 masked %lt3A_422 : memref<8x4096xf32, #tpu.memory_space<vmem>>[vector<16xi32>, vector<16xi32>], vector<16xf32>, vector<16xi1>
          %add3A_448 = arith.constant 3 : i32
          %add3A_449 = vector.broadcast %add3A_448 : i32 to vector<16xi32>
          %add3A_450 = arith.addi %add3A_449, %broadcast_in_dim3A_3 : vector<16xi32>
          %mul3A_451 = arith.constant 2048 : i32
          %mul3A_452 = arith.muli %add3A_308, %mul3A_451 : i32
          %sub3A_453 = vector.broadcast %mul3A_452 : i32 to vector<16xi32>
          %sub3A_454 = arith.subi %gather3A_423, %sub3A_453 : vector<16xi32>
          %gather3A_455 = tpu.vector_load_idx %arg7[%add3A_324, %add3A_450, %sub3A_454] masked %lt3A_422 : memref<4x8x2048xf32, #tpu.memory_space<vmem>>[vector<16xi32>, vector<16xi32>, vector<16xi32>], vector<16xf32>, vector<16xi1>
          tpu.vector_store_idx %arg9[%add3A_450, %gather3A], %gather3A_455 masked %lt3A_422 : memref<8x4096xf32, #tpu.memory_space<vmem>>[vector<16xi32>, vector<16xi32>], vector<16xf32>, vector<16xi1>
          %add3A_456 = arith.constant 4 : i32
          %add3A_457 = vector.broadcast %add3A_456 : i32 to vector<16xi32>
          %add3A_458 = arith.addi %add3A_457, %broadcast_in_dim3A_3 : vector<16xi32>
          %mul3A_459 = arith.constant 2048 : i32
          %mul3A_460 = arith.muli %add3A_308, %mul3A_459 : i32
          %sub3A_461 = vector.broadcast %mul3A_460 : i32 to vector<16xi32>
          %sub3A_462 = arith.subi %gather3A_423, %sub3A_461 : vector<16xi32>
          %gather3A_463 = tpu.vector_load_idx %arg7[%add3A_324, %add3A_458, %sub3A_462] masked %lt3A_422 : memref<4x8x2048xf32, #tpu.memory_space<vmem>>[vector<16xi32>, vector<16xi32>, vector<16xi32>], vector<16xf32>, vector<16xi1>
          tpu.vector_store_idx %arg9[%add3A_458, %gather3A], %gather3A_463 masked %lt3A_422 : memref<8x4096xf32, #tpu.memory_space<vmem>>[vector<16xi32>, vector<16xi32>], vector<16xf32>, vector<16xi1>
          %add3A_464 = arith.constant 5 : i32
          %add3A_465 = vector.broadcast %add3A_464 : i32 to vector<16xi32>
          %add3A_466 = arith.addi %add3A_465, %broadcast_in_dim3A_3 : vector<16xi32>
          %mul3A_467 = arith.constant 2048 : i32
          %mul3A_468 = arith.muli %add3A_308, %mul3A_467 : i32
          %sub3A_469 = vector.broadcast %mul3A_468 : i32 to vector<16xi32>
          %sub3A_470 = arith.subi %gather3A_423, %sub3A_469 : vector<16xi32>
          %gather3A_471 = tpu.vector_load_idx %arg7[%add3A_324, %add3A_466, %sub3A_470] masked %lt3A_422 : memref<4x8x2048xf32, #tpu.memory_space<vmem>>[vector<16xi32>, vector<16xi32>, vector<16xi32>], vector<16xf32>, vector<16xi1>
          tpu.vector_store_idx %arg9[%add3A_466, %gather3A], %gather3A_471 masked %lt3A_422 : memref<8x4096xf32, #tpu.memory_space<vmem>>[vector<16xi32>, vector<16xi32>], vector<16xf32>, vector<16xi1>
          %add3A_472 = arith.constant 6 : i32
          %add3A_473 = vector.broadcast %add3A_472 : i32 to vector<16xi32>
          %add3A_474 = arith.addi %add3A_473, %broadcast_in_dim3A_3 : vector<16xi32>
          %mul3A_475 = arith.constant 2048 : i32
          %mul3A_476 = arith.muli %add3A_308, %mul3A_475 : i32
          %sub3A_477 = vector.broadcast %mul3A_476 : i32 to vector<16xi32>
          %sub3A_478 = arith.subi %gather3A_423, %sub3A_477 : vector<16xi32>
          %gather3A_479 = tpu.vector_load_idx %arg7[%add3A_324, %add3A_474, %sub3A_478] masked %lt3A_422 : memref<4x8x2048xf32, #tpu.memory_space<vmem>>[vector<16xi32>, vector<16xi32>, vector<16xi32>], vector<16xf32>, vector<16xi1>
          tpu.vector_store_idx %arg9[%add3A_474, %gather3A], %gather3A_479 masked %lt3A_422 : memref<8x4096xf32, #tpu.memory_space<vmem>>[vector<16xi32>, vector<16xi32>], vector<16xf32>, vector<16xi1>
          %add3A_480 = arith.constant 7 : i32
          %add3A_481 = vector.broadcast %add3A_480 : i32 to vector<16xi32>
          %add3A_482 = arith.addi %add3A_481, %broadcast_in_dim3A_3 : vector<16xi32>
          %mul3A_483 = arith.constant 2048 : i32
          %mul3A_484 = arith.muli %add3A_308, %mul3A_483 : i32
          %sub3A_485 = vector.broadcast %mul3A_484 : i32 to vector<16xi32>
          %sub3A_486 = arith.subi %gather3A_423, %sub3A_485 : vector<16xi32>
          %gather3A_487 = tpu.vector_load_idx %arg7[%add3A_324, %add3A_482, %sub3A_486] masked %lt3A_422 : memref<4x8x2048xf32, #tpu.memory_space<vmem>>[vector<16xi32>, vector<16xi32>, vector<16xi32>], vector<16xf32>, vector<16xi1>
          tpu.vector_store_idx %arg9[%add3A_482, %gather3A], %gather3A_487 masked %lt3A_422 : memref<8x4096xf32, #tpu.memory_space<vmem>>[vector<16xi32>, vector<16xi32>], vector<16xf32>, vector<16xi1>
        }
        %while3A_345 = arith.constant 1 : i32
        scf.for %while3A_415 = %while3A_343 to %while3A_339 step %while3A_345  : i32 {
          %mul3A_416 = arith.constant 16 : i32
          %mul3A_417 = arith.muli %while3A_415, %mul3A_416 : i32
          %add3A_418 = arith.addi %get3A_326, %mul3A_417 : i32
          %add3A_419 = vector.broadcast %add3A_418 : i32 to vector<16xi32>
          %add3A_420 = arith.addi %add3A_419, %iota3A : vector<16xi32>
          %lt3A_421 = vector.broadcast %get3A_330 : i32 to vector<16xi32>
          %lt3A_422 = arith.cmpi slt, %add3A_420, %lt3A_421 : vector<16xi32>
          %gather3A = tpu.vector_load_idx %arg10[%add3A_420] masked %lt3A_422 : memref<4112xi32, #tpu.memory_space<vmem>>[vector<16xi32>], vector<16xi32>, vector<16xi1>
          %gather3A_423 = tpu.vector_load_idx %arg11[%add3A_420] masked %lt3A_422 : memref<4112xi32, #tpu.memory_space<vmem>>[vector<16xi32>], vector<16xi32>, vector<16xi1>
          %add3A_424 = arith.constant 0 : i32
          %add3A_425 = vector.broadcast %add3A_424 : i32 to vector<16xi32>
          %add3A_426 = arith.addi %add3A_425, %broadcast_in_dim3A_3 : vector<16xi32>
          %mul3A_427 = arith.constant 2048 : i32
          %mul3A_428 = arith.muli %add3A_308, %mul3A_427 : i32
          %sub3A_429 = vector.broadcast %mul3A_428 : i32 to vector<16xi32>
          %sub3A_430 = arith.subi %gather3A_423, %sub3A_429 : vector<16xi32>
          %gather3A_431 = tpu.vector_load_idx %arg7[%add3A_324, %add3A_426, %sub3A_430] masked %lt3A_422 : memref<4x8x2048xf32, #tpu.memory_space<vmem>>[vector<16xi32>, vector<16xi32>, vector<16xi32>], vector<16xf32>, vector<16xi1>
          tpu.vector_store_idx %arg9[%add3A_426, %gather3A], %gather3A_431 masked %lt3A_422 : memref<8x4096xf32, #tpu.memory_space<vmem>>[vector<16xi32>, vector<16xi32>], vector<16xf32>, vector<16xi1>
          %add3A_432 = arith.constant 1 : i32
          %add3A_433 = vector.broadcast %add3A_432 : i32 to vector<16xi32>
          %add3A_434 = arith.addi %add3A_433, %broadcast_in_dim3A_3 : vector<16xi32>
          %mul3A_435 = arith.constant 2048 : i32
          %mul3A_436 = arith.muli %add3A_308, %mul3A_435 : i32
          %sub3A_437 = vector.broadcast %mul3A_436 : i32 to vector<16xi32>
          %sub3A_438 = arith.subi %gather3A_423, %sub3A_437 : vector<16xi32>
          %gather3A_439 = tpu.vector_load_idx %arg7[%add3A_324, %add3A_434, %sub3A_438] masked %lt3A_422 : memref<4x8x2048xf32, #tpu.memory_space<vmem>>[vector<16xi32>, vector<16xi32>, vector<16xi32>], vector<16xf32>, vector<16xi1>
          tpu.vector_store_idx %arg9[%add3A_434, %gather3A], %gather3A_439 masked %lt3A_422 : memref<8x4096xf32, #tpu.memory_space<vmem>>[vector<16xi32>, vector<16xi32>], vector<16xf32>, vector<16xi1>
          %add3A_440 = arith.constant 2 : i32
          %add3A_441 = vector.broadcast %add3A_440 : i32 to vector<16xi32>
          %add3A_442 = arith.addi %add3A_441, %broadcast_in_dim3A_3 : vector<16xi32>
          %mul3A_443 = arith.constant 2048 : i32
          %mul3A_444 = arith.muli %add3A_308, %mul3A_443 : i32
          %sub3A_445 = vector.broadcast %mul3A_444 : i32 to vector<16xi32>
          %sub3A_446 = arith.subi %gather3A_423, %sub3A_445 : vector<16xi32>
          %gather3A_447 = tpu.vector_load_idx %arg7[%add3A_324, %add3A_442, %sub3A_446] masked %lt3A_422 : memref<4x8x2048xf32, #tpu.memory_space<vmem>>[vector<16xi32>, vector<16xi32>, vector<16xi32>], vector<16xf32>, vector<16xi1>
          tpu.vector_store_idx %arg9[%add3A_442, %gather3A], %gather3A_447 masked %lt3A_422 : memref<8x4096xf32, #tpu.memory_space<vmem>>[vector<16xi32>, vector<16xi32>], vector<16xf32>, vector<16xi1>
          %add3A_448 = arith.constant 3 : i32
          %add3A_449 = vector.broadcast %add3A_448 : i32 to vector<16xi32>
          %add3A_450 = arith.addi %add3A_449, %broadcast_in_dim3A_3 : vector<16xi32>
          %mul3A_451 = arith.constant 2048 : i32
          %mul3A_452 = arith.muli %add3A_308, %mul3A_451 : i32
          %sub3A_453 = vector.broadcast %mul3A_452 : i32 to vector<16xi32>
          %sub3A_454 = arith.subi %gather3A_423, %sub3A_453 : vector<16xi32>
          %gather3A_455 = tpu.vector_load_idx %arg7[%add3A_324, %add3A_450, %sub3A_454] masked %lt3A_422 : memref<4x8x2048xf32, #tpu.memory_space<vmem>>[vector<16xi32>, vector<16xi32>, vector<16xi32>], vector<16xf32>, vector<16xi1>
          tpu.vector_store_idx %arg9[%add3A_450, %gather3A], %gather3A_455 masked %lt3A_422 : memref<8x4096xf32, #tpu.memory_space<vmem>>[vector<16xi32>, vector<16xi32>], vector<16xf32>, vector<16xi1>
          %add3A_456 = arith.constant 4 : i32
          %add3A_457 = vector.broadcast %add3A_456 : i32 to vector<16xi32>
          %add3A_458 = arith.addi %add3A_457, %broadcast_in_dim3A_3 : vector<16xi32>
          %mul3A_459 = arith.constant 2048 : i32
          %mul3A_460 = arith.muli %add3A_308, %mul3A_459 : i32
          %sub3A_461 = vector.broadcast %mul3A_460 : i32 to vector<16xi32>
          %sub3A_462 = arith.subi %gather3A_423, %sub3A_461 : vector<16xi32>
          %gather3A_463 = tpu.vector_load_idx %arg7[%add3A_324, %add3A_458, %sub3A_462] masked %lt3A_422 : memref<4x8x2048xf32, #tpu.memory_space<vmem>>[vector<16xi32>, vector<16xi32>, vector<16xi32>], vector<16xf32>, vector<16xi1>
          tpu.vector_store_idx %arg9[%add3A_458, %gather3A], %gather3A_463 masked %lt3A_422 : memref<8x4096xf32, #tpu.memory_space<vmem>>[vector<16xi32>, vector<16xi32>], vector<16xf32>, vector<16xi1>
          %add3A_464 = arith.constant 5 : i32
          %add3A_465 = vector.broadcast %add3A_464 : i32 to vector<16xi32>
          %add3A_466 = arith.addi %add3A_465, %broadcast_in_dim3A_3 : vector<16xi32>
          %mul3A_467 = arith.constant 2048 : i32
          %mul3A_468 = arith.muli %add3A_308, %mul3A_467 : i32
          %sub3A_469 = vector.broadcast %mul3A_468 : i32 to vector<16xi32>
          %sub3A_470 = arith.subi %gather3A_423, %sub3A_469 : vector<16xi32>
          %gather3A_471 = tpu.vector_load_idx %arg7[%add3A_324, %add3A_466, %sub3A_470] masked %lt3A_422 : memref<4x8x2048xf32, #tpu.memory_space<vmem>>[vector<16xi32>, vector<16xi32>, vector<16xi32>], vector<16xf32>, vector<16xi1>
          tpu.vector_store_idx %arg9[%add3A_466, %gather3A], %gather3A_471 masked %lt3A_422 : memref<8x4096xf32, #tpu.memory_space<vmem>>[vector<16xi32>, vector<16xi32>], vector<16xf32>, vector<16xi1>
          %add3A_472 = arith.constant 6 : i32
          %add3A_473 = vector.broadcast %add3A_472 : i32 to vector<16xi32>
          %add3A_474 = arith.addi %add3A_473, %broadcast_in_dim3A_3 : vector<16xi32>
          %mul3A_475 = arith.constant 2048 : i32
          %mul3A_476 = arith.muli %add3A_308, %mul3A_475 : i32
          %sub3A_477 = vector.broadcast %mul3A_476 : i32 to vector<16xi32>
          %sub3A_478 = arith.subi %gather3A_423, %sub3A_477 : vector<16xi32>
          %gather3A_479 = tpu.vector_load_idx %arg7[%add3A_324, %add3A_474, %sub3A_478] masked %lt3A_422 : memref<4x8x2048xf32, #tpu.memory_space<vmem>>[vector<16xi32>, vector<16xi32>, vector<16xi32>], vector<16xf32>, vector<16xi1>
          tpu.vector_store_idx %arg9[%add3A_474, %gather3A], %gather3A_479 masked %lt3A_422 : memref<8x4096xf32, #tpu.memory_space<vmem>>[vector<16xi32>, vector<16xi32>], vector<16xf32>, vector<16xi1>
          %add3A_480 = arith.constant 7 : i32
          %add3A_481 = vector.broadcast %add3A_480 : i32 to vector<16xi32>
          %add3A_482 = arith.addi %add3A_481, %broadcast_in_dim3A_3 : vector<16xi32>
          %mul3A_483 = arith.constant 2048 : i32
          %mul3A_484 = arith.muli %add3A_308, %mul3A_483 : i32
          %sub3A_485 = vector.broadcast %mul3A_484 : i32 to vector<16xi32>
          %sub3A_486 = arith.subi %gather3A_423, %sub3A_485 : vector<16xi32>
          %gather3A_487 = tpu.vector_load_idx %arg7[%add3A_324, %add3A_482, %sub3A_486] masked %lt3A_422 : memref<4x8x2048xf32, #tpu.memory_space<vmem>>[vector<16xi32>, vector<16xi32>, vector<16xi32>], vector<16xf32>, vector<16xi1>
          tpu.vector_store_idx %arg9[%add3A_482, %gather3A], %gather3A_487 masked %lt3A_422 : memref<8x4096xf32, #tpu.memory_space<vmem>>[vector<16xi32>, vector<16xi32>], vector<16xf32>, vector<16xi1>
        }
        %add3A_346 = arith.constant 4 : i32
        %add3A_347 = arith.addi %add3A_308, %add3A_346 : i32
        %lt3A_348 = arith.constant 48 : i32
        %lt3A_349 = arith.cmpi slt, %add3A_347, %lt3A_348 : i32
        %convert_element_type3A_350 = arith.extui %lt3A_349 : i1 to i32
        %cond3A_351 = arith.constant 0 : i32
        %cond3A_352 = arith.cmpi ne, %convert_element_type3A_350, %cond3A_351 : i32
        scf.if %cond3A_352 {
          %add3A_415 = arith.constant 4 : i32
          %add3A_416 = arith.addi %add3A_308, %add3A_415 : i32
          %mul3A_417 = arith.constant 2048 : i32
          %mul3A_418 = arith.muli %add3A_416, %mul3A_417 : i32
          %multiple_of3A_419 = tpu.assume_multiple %mul3A_418, 128 : i32
          %dma_start3A_420 = arith.constant 2 : i32
          %dma_start3A_421 = arith.constant 0 : i32
          %dma_start3A_422 = arith.constant 0 : i32
          %dma_start3A_423 = tpu.memref_slice %arg7[%dma_start3A_420, %dma_start3A_421, %dma_start3A_422] : memref<4x8x2048xf32, #tpu.memory_space<vmem>> -> memref<1x8x2048xf32, #tpu.memory_space<vmem>>
          %dma_start3A_424 = tpu.memref_squeeze %dma_start3A_423 : memref<1x8x2048xf32, #tpu.memory_space<vmem>> -> memref<8x2048xf32, #tpu.memory_space<vmem>>
          %dma_start3A_425 = tpu.memref_slice %arg3[%multiple_of3A_47, %multiple_of3A_419] : memref<416x100000xf32, #tpu.memory_space<hbm>> -> memref<8x2048xf32, #tpu.memory_space<hbm>>
          %dma_start3A_426 = arith.constant 0 : i32
          %dma_start3A_427 = arith.constant 0 : i32
          %dma_start3A_428 = tpu.memref_slice %arg7[%dma_start3A_420, %dma_start3A_426, %dma_start3A_427] : memref<4x8x2048xf32, #tpu.memory_space<vmem>> -> memref<1x8x2048xf32, #tpu.memory_space<vmem>>
          %dma_start3A_429 = tpu.memref_squeeze %dma_start3A_428 : memref<1x8x2048xf32, #tpu.memory_space<vmem>> -> memref<8x2048xf32, #tpu.memory_space<vmem>>
          %dma_start3A_430 = tpu.memref_slice %arg3[%multiple_of3A_47, %multiple_of3A_419] : memref<416x100000xf32, #tpu.memory_space<hbm>> -> memref<8x2048xf32, #tpu.memory_space<hbm>>
          tpu.enqueue_dma source(%dma_start3A_430 : memref<8x2048xf32, #tpu.memory_space<hbm>>) target(%dma_start3A_429 : memref<8x2048xf32, #tpu.memory_space<vmem>>) target_semaphore(%arg16 : memref<!tpu.dma_semaphore, #tpu.memory_space<semaphore_mem>>)
        } else {
        }
        %add3A_353 = arith.constant 4 : i32
        %add3A_354 = arith.addi %add3A_308, %add3A_353 : i32
        %eq3A_355 = arith.constant 48 : i32
        %eq3A_356 = arith.cmpi eq, %add3A_354, %eq3A_355 : i32
        %convert_element_type3A_357 = arith.extui %eq3A_356 : i1 to i32
        %cond3A_358 = arith.constant 0 : i32
        %cond3A_359 = arith.cmpi ne, %convert_element_type3A_357, %cond3A_358 : i32
        scf.if %cond3A_359 {
          %multiple_of3A_415 = arith.constant 98304 : i32
          %multiple_of3A_416 = tpu.assume_multiple %multiple_of3A_415, 128 : i32
          %dma_start3A_417 = arith.constant 2 : i32
          %dma_start3A_418 = arith.constant 0 : i32
          %dma_start3A_419 = arith.constant 0 : i32
          %dma_start3A_420 = tpu.memref_slice %arg7[%dma_start3A_417, %dma_start3A_418, %dma_start3A_419] : memref<4x8x2048xf32, #tpu.memory_space<vmem>> -> memref<1x8x1664xf32, #tpu.memory_space<vmem>>
          %dma_start3A_421 = tpu.memref_squeeze %dma_start3A_420 : memref<1x8x1664xf32, #tpu.memory_space<vmem>> -> memref<8x1664xf32, #tpu.memory_space<vmem>>
          %dma_start3A_422 = tpu.memref_slice %arg3[%multiple_of3A_47, %multiple_of3A_416] : memref<416x100000xf32, #tpu.memory_space<hbm>> -> memref<8x1664xf32, #tpu.memory_space<hbm>>
          %dma_start3A_423 = arith.constant 0 : i32
          %dma_start3A_424 = arith.constant 0 : i32
          %dma_start3A_425 = tpu.memref_slice %arg7[%dma_start3A_417, %dma_start3A_423, %dma_start3A_424] : memref<4x8x2048xf32, #tpu.memory_space<vmem>> -> memref<1x8x1664xf32, #tpu.memory_space<vmem>>
          %dma_start3A_426 = tpu.memref_squeeze %dma_start3A_425 : memref<1x8x1664xf32, #tpu.memory_space<vmem>> -> memref<8x1664xf32, #tpu.memory_space<vmem>>
          %dma_start3A_427 = tpu.memref_slice %arg3[%multiple_of3A_47, %multiple_of3A_416] : memref<416x100000xf32, #tpu.memory_space<hbm>> -> memref<8x1664xf32, #tpu.memory_space<hbm>>
          tpu.enqueue_dma source(%dma_start3A_427 : memref<8x1664xf32, #tpu.memory_space<hbm>>) target(%dma_start3A_426 : memref<8x1664xf32, #tpu.memory_space<vmem>>) target_semaphore(%arg16 : memref<!tpu.dma_semaphore, #tpu.memory_space<semaphore_mem>>)
        } else {
        }
        %mul3A_360 = arith.constant 4 : i32
        %mul3A_361 = arith.muli %scan3A_195, %mul3A_360 : i32
        %add3A_362 = arith.constant 3 : i32
        %add3A_363 = arith.addi %mul3A_361, %add3A_362 : i32
        %dma_wait3A_364 = arith.constant 3 : i32
        %dma_wait3A_365 = arith.constant 0 : i32
        %dma_wait3A_366 = arith.constant 0 : i32
        %dma_wait3A_367 = tpu.memref_slice %arg7[%dma_wait3A_364, %dma_wait3A_365, %dma_wait3A_366] : memref<4x8x2048xf32, #tpu.memory_space<vmem>> -> memref<1x8x2048xf32, #tpu.memory_space<vmem>>
        %dma_wait3A_368 = tpu.memref_squeeze %dma_wait3A_367 : memref<1x8x2048xf32, #tpu.memory_space<vmem>> -> memref<8x2048xf32, #tpu.memory_space<vmem>>
        %dma_wait3A_369 = arith.constant 0 : i32
        %dma_wait3A_370 = tpu.memref_slice %arg3[%multiple_of3A_47, %dma_wait3A_369] : memref<416x100000xf32, #tpu.memory_space<hbm>> -> memref<8x2048xf32, #tpu.memory_space<hbm>>
        %dma_wait3A_371 = arith.constant 0 : i32
        %dma_wait3A_372 = arith.constant 0 : i32
        %dma_wait3A_373 = tpu.memref_slice %arg7[%dma_wait3A_364, %dma_wait3A_371, %dma_wait3A_372] : memref<4x8x2048xf32, #tpu.memory_space<vmem>> -> memref<1x8x2048xf32, #tpu.memory_space<vmem>>
        %dma_wait3A_374 = tpu.memref_squeeze %dma_wait3A_373 : memref<1x8x2048xf32, #tpu.memory_space<vmem>> -> memref<8x2048xf32, #tpu.memory_space<vmem>>
        %dma_wait3A_375 = arith.constant 0 : i32
        %dma_wait3A_376 = tpu.memref_slice %arg3[%multiple_of3A_47, %dma_wait3A_375] : memref<416x100000xf32, #tpu.memory_space<hbm>> -> memref<8x2048xf32, #tpu.memory_space<hbm>>
        tpu.wait_dma2 semaphore(%arg17 : memref<!tpu.dma_semaphore, #tpu.memory_space<semaphore_mem>>) src(%dma_wait3A_376 : memref<8x2048xf32, #tpu.memory_space<hbm>>) dst(%dma_wait3A_374 : memref<8x2048xf32, #tpu.memory_space<vmem>>)
        %add3A_377 = arith.constant 3 : i32
        %add3A_378 = vector.broadcast %add3A_377 : i32 to vector<16xi32>
        %add3A_379 = arith.addi %add3A_378, %broadcast_in_dim3A_3 : vector<16xi32>
        %get3A_380 = arith.index_cast %add3A_363 : i32 to index
        %get3A_381 = memref.load %arg13[%get3A_380] : memref<51xi32, #tpu.memory_space<smem>>
        %add3A_382 = arith.constant 1 : i32
        %add3A_383 = arith.addi %add3A_363, %add3A_382 : i32
        %get3A_384 = arith.index_cast %add3A_383 : i32 to index
        %get3A_385 = memref.load %arg13[%get3A_384] : memref<51xi32, #tpu.memory_space<smem>>
        %sub3A_386 = arith.subi %get3A_385, %get3A_381 : i32
        %add3A_387 = arith.constant 15 : i32
        %add3A_388 = arith.addi %sub3A_386, %add3A_387 : i32
        %shift_right_logical3A_389 = arith.constant 4 : i32
        %shift_right_logical3A_390 = arith.shrui %add3A_388, %shift_right_logical3A_389 : i32
        %while3A_391 = arith.constant 0 : i32
        %while3A_392 = arith.constant 0 : i32
        %while3A_393 = arith.subi %shift_right_logical3A_390, %while3A_392 : i32
        %while3A_394 = arith.addi %while3A_392, %while3A_393 : i32
        %while3A_395 = arith.constant 1 : i32
        %while3A_396 = arith.divsi %while3A_393, %while3A_395 : i32
        %while3A_397 = arith.muli %while3A_396, %while3A_395 : i32
        %while3A_398 = arith.addi %while3A_392, %while3A_397 : i32
        %while3A_399 = arith.constant 1 : i32
        scf.for %while3A_415 = %while3A_392 to %while3A_398 step %while3A_399  : i32 {
          %mul3A_416 = arith.constant 16 : i32
          %mul3A_417 = arith.muli %while3A_415, %mul3A_416 : i32
          %add3A_418 = arith.addi %get3A_381, %mul3A_417 : i32
          %add3A_419 = vector.broadcast %add3A_418 : i32 to vector<16xi32>
          %add3A_420 = arith.addi %add3A_419, %iota3A : vector<16xi32>
          %lt3A_421 = vector.broadcast %get3A_385 : i32 to vector<16xi32>
          %lt3A_422 = arith.cmpi slt, %add3A_420, %lt3A_421 : vector<16xi32>
          %gather3A = tpu.vector_load_idx %arg10[%add3A_420] masked %lt3A_422 : memref<4112xi32, #tpu.memory_space<vmem>>[vector<16xi32>], vector<16xi32>, vector<16xi1>
          %gather3A_423 = tpu.vector_load_idx %arg11[%add3A_420] masked %lt3A_422 : memref<4112xi32, #tpu.memory_space<vmem>>[vector<16xi32>], vector<16xi32>, vector<16xi1>
          %add3A_424 = arith.constant 0 : i32
          %add3A_425 = vector.broadcast %add3A_424 : i32 to vector<16xi32>
          %add3A_426 = arith.addi %add3A_425, %broadcast_in_dim3A_3 : vector<16xi32>
          %mul3A_427 = arith.constant 2048 : i32
          %mul3A_428 = arith.muli %add3A_363, %mul3A_427 : i32
          %sub3A_429 = vector.broadcast %mul3A_428 : i32 to vector<16xi32>
          %sub3A_430 = arith.subi %gather3A_423, %sub3A_429 : vector<16xi32>
          %gather3A_431 = tpu.vector_load_idx %arg7[%add3A_379, %add3A_426, %sub3A_430] masked %lt3A_422 : memref<4x8x2048xf32, #tpu.memory_space<vmem>>[vector<16xi32>, vector<16xi32>, vector<16xi32>], vector<16xf32>, vector<16xi1>
          tpu.vector_store_idx %arg9[%add3A_426, %gather3A], %gather3A_431 masked %lt3A_422 : memref<8x4096xf32, #tpu.memory_space<vmem>>[vector<16xi32>, vector<16xi32>], vector<16xf32>, vector<16xi1>
          %add3A_432 = arith.constant 1 : i32
          %add3A_433 = vector.broadcast %add3A_432 : i32 to vector<16xi32>
          %add3A_434 = arith.addi %add3A_433, %broadcast_in_dim3A_3 : vector<16xi32>
          %mul3A_435 = arith.constant 2048 : i32
          %mul3A_436 = arith.muli %add3A_363, %mul3A_435 : i32
          %sub3A_437 = vector.broadcast %mul3A_436 : i32 to vector<16xi32>
          %sub3A_438 = arith.subi %gather3A_423, %sub3A_437 : vector<16xi32>
          %gather3A_439 = tpu.vector_load_idx %arg7[%add3A_379, %add3A_434, %sub3A_438] masked %lt3A_422 : memref<4x8x2048xf32, #tpu.memory_space<vmem>>[vector<16xi32>, vector<16xi32>, vector<16xi32>], vector<16xf32>, vector<16xi1>
          tpu.vector_store_idx %arg9[%add3A_434, %gather3A], %gather3A_439 masked %lt3A_422 : memref<8x4096xf32, #tpu.memory_space<vmem>>[vector<16xi32>, vector<16xi32>], vector<16xf32>, vector<16xi1>
          %add3A_440 = arith.constant 2 : i32
          %add3A_441 = vector.broadcast %add3A_440 : i32 to vector<16xi32>
          %add3A_442 = arith.addi %add3A_441, %broadcast_in_dim3A_3 : vector<16xi32>
          %mul3A_443 = arith.constant 2048 : i32
          %mul3A_444 = arith.muli %add3A_363, %mul3A_443 : i32
          %sub3A_445 = vector.broadcast %mul3A_444 : i32 to vector<16xi32>
          %sub3A_446 = arith.subi %gather3A_423, %sub3A_445 : vector<16xi32>
          %gather3A_447 = tpu.vector_load_idx %arg7[%add3A_379, %add3A_442, %sub3A_446] masked %lt3A_422 : memref<4x8x2048xf32, #tpu.memory_space<vmem>>[vector<16xi32>, vector<16xi32>, vector<16xi32>], vector<16xf32>, vector<16xi1>
          tpu.vector_store_idx %arg9[%add3A_442, %gather3A], %gather3A_447 masked %lt3A_422 : memref<8x4096xf32, #tpu.memory_space<vmem>>[vector<16xi32>, vector<16xi32>], vector<16xf32>, vector<16xi1>
          %add3A_448 = arith.constant 3 : i32
          %add3A_449 = vector.broadcast %add3A_448 : i32 to vector<16xi32>
          %add3A_450 = arith.addi %add3A_449, %broadcast_in_dim3A_3 : vector<16xi32>
          %mul3A_451 = arith.constant 2048 : i32
          %mul3A_452 = arith.muli %add3A_363, %mul3A_451 : i32
          %sub3A_453 = vector.broadcast %mul3A_452 : i32 to vector<16xi32>
          %sub3A_454 = arith.subi %gather3A_423, %sub3A_453 : vector<16xi32>
          %gather3A_455 = tpu.vector_load_idx %arg7[%add3A_379, %add3A_450, %sub3A_454] masked %lt3A_422 : memref<4x8x2048xf32, #tpu.memory_space<vmem>>[vector<16xi32>, vector<16xi32>, vector<16xi32>], vector<16xf32>, vector<16xi1>
          tpu.vector_store_idx %arg9[%add3A_450, %gather3A], %gather3A_455 masked %lt3A_422 : memref<8x4096xf32, #tpu.memory_space<vmem>>[vector<16xi32>, vector<16xi32>], vector<16xf32>, vector<16xi1>
          %add3A_456 = arith.constant 4 : i32
          %add3A_457 = vector.broadcast %add3A_456 : i32 to vector<16xi32>
          %add3A_458 = arith.addi %add3A_457, %broadcast_in_dim3A_3 : vector<16xi32>
          %mul3A_459 = arith.constant 2048 : i32
          %mul3A_460 = arith.muli %add3A_363, %mul3A_459 : i32
          %sub3A_461 = vector.broadcast %mul3A_460 : i32 to vector<16xi32>
          %sub3A_462 = arith.subi %gather3A_423, %sub3A_461 : vector<16xi32>
          %gather3A_463 = tpu.vector_load_idx %arg7[%add3A_379, %add3A_458, %sub3A_462] masked %lt3A_422 : memref<4x8x2048xf32, #tpu.memory_space<vmem>>[vector<16xi32>, vector<16xi32>, vector<16xi32>], vector<16xf32>, vector<16xi1>
          tpu.vector_store_idx %arg9[%add3A_458, %gather3A], %gather3A_463 masked %lt3A_422 : memref<8x4096xf32, #tpu.memory_space<vmem>>[vector<16xi32>, vector<16xi32>], vector<16xf32>, vector<16xi1>
          %add3A_464 = arith.constant 5 : i32
          %add3A_465 = vector.broadcast %add3A_464 : i32 to vector<16xi32>
          %add3A_466 = arith.addi %add3A_465, %broadcast_in_dim3A_3 : vector<16xi32>
          %mul3A_467 = arith.constant 2048 : i32
          %mul3A_468 = arith.muli %add3A_363, %mul3A_467 : i32
          %sub3A_469 = vector.broadcast %mul3A_468 : i32 to vector<16xi32>
          %sub3A_470 = arith.subi %gather3A_423, %sub3A_469 : vector<16xi32>
          %gather3A_471 = tpu.vector_load_idx %arg7[%add3A_379, %add3A_466, %sub3A_470] masked %lt3A_422 : memref<4x8x2048xf32, #tpu.memory_space<vmem>>[vector<16xi32>, vector<16xi32>, vector<16xi32>], vector<16xf32>, vector<16xi1>
          tpu.vector_store_idx %arg9[%add3A_466, %gather3A], %gather3A_471 masked %lt3A_422 : memref<8x4096xf32, #tpu.memory_space<vmem>>[vector<16xi32>, vector<16xi32>], vector<16xf32>, vector<16xi1>
          %add3A_472 = arith.constant 6 : i32
          %add3A_473 = vector.broadcast %add3A_472 : i32 to vector<16xi32>
          %add3A_474 = arith.addi %add3A_473, %broadcast_in_dim3A_3 : vector<16xi32>
          %mul3A_475 = arith.constant 2048 : i32
          %mul3A_476 = arith.muli %add3A_363, %mul3A_475 : i32
          %sub3A_477 = vector.broadcast %mul3A_476 : i32 to vector<16xi32>
          %sub3A_478 = arith.subi %gather3A_423, %sub3A_477 : vector<16xi32>
          %gather3A_479 = tpu.vector_load_idx %arg7[%add3A_379, %add3A_474, %sub3A_478] masked %lt3A_422 : memref<4x8x2048xf32, #tpu.memory_space<vmem>>[vector<16xi32>, vector<16xi32>, vector<16xi32>], vector<16xf32>, vector<16xi1>
          tpu.vector_store_idx %arg9[%add3A_474, %gather3A], %gather3A_479 masked %lt3A_422 : memref<8x4096xf32, #tpu.memory_space<vmem>>[vector<16xi32>, vector<16xi32>], vector<16xf32>, vector<16xi1>
          %add3A_480 = arith.constant 7 : i32
          %add3A_481 = vector.broadcast %add3A_480 : i32 to vector<16xi32>
          %add3A_482 = arith.addi %add3A_481, %broadcast_in_dim3A_3 : vector<16xi32>
          %mul3A_483 = arith.constant 2048 : i32
          %mul3A_484 = arith.muli %add3A_363, %mul3A_483 : i32
          %sub3A_485 = vector.broadcast %mul3A_484 : i32 to vector<16xi32>
          %sub3A_486 = arith.subi %gather3A_423, %sub3A_485 : vector<16xi32>
          %gather3A_487 = tpu.vector_load_idx %arg7[%add3A_379, %add3A_482, %sub3A_486] masked %lt3A_422 : memref<4x8x2048xf32, #tpu.memory_space<vmem>>[vector<16xi32>, vector<16xi32>, vector<16xi32>], vector<16xf32>, vector<16xi1>
          tpu.vector_store_idx %arg9[%add3A_482, %gather3A], %gather3A_487 masked %lt3A_422 : memref<8x4096xf32, #tpu.memory_space<vmem>>[vector<16xi32>, vector<16xi32>], vector<16xf32>, vector<16xi1>
        }
        %while3A_400 = arith.constant 1 : i32
        scf.for %while3A_415 = %while3A_398 to %while3A_394 step %while3A_400  : i32 {
          %mul3A_416 = arith.constant 16 : i32
          %mul3A_417 = arith.muli %while3A_415, %mul3A_416 : i32
          %add3A_418 = arith.addi %get3A_381, %mul3A_417 : i32
          %add3A_419 = vector.broadcast %add3A_418 : i32 to vector<16xi32>
          %add3A_420 = arith.addi %add3A_419, %iota3A : vector<16xi32>
          %lt3A_421 = vector.broadcast %get3A_385 : i32 to vector<16xi32>
          %lt3A_422 = arith.cmpi slt, %add3A_420, %lt3A_421 : vector<16xi32>
          %gather3A = tpu.vector_load_idx %arg10[%add3A_420] masked %lt3A_422 : memref<4112xi32, #tpu.memory_space<vmem>>[vector<16xi32>], vector<16xi32>, vector<16xi1>
          %gather3A_423 = tpu.vector_load_idx %arg11[%add3A_420] masked %lt3A_422 : memref<4112xi32, #tpu.memory_space<vmem>>[vector<16xi32>], vector<16xi32>, vector<16xi1>
          %add3A_424 = arith.constant 0 : i32
          %add3A_425 = vector.broadcast %add3A_424 : i32 to vector<16xi32>
          %add3A_426 = arith.addi %add3A_425, %broadcast_in_dim3A_3 : vector<16xi32>
          %mul3A_427 = arith.constant 2048 : i32
          %mul3A_428 = arith.muli %add3A_363, %mul3A_427 : i32
          %sub3A_429 = vector.broadcast %mul3A_428 : i32 to vector<16xi32>
          %sub3A_430 = arith.subi %gather3A_423, %sub3A_429 : vector<16xi32>
          %gather3A_431 = tpu.vector_load_idx %arg7[%add3A_379, %add3A_426, %sub3A_430] masked %lt3A_422 : memref<4x8x2048xf32, #tpu.memory_space<vmem>>[vector<16xi32>, vector<16xi32>, vector<16xi32>], vector<16xf32>, vector<16xi1>
          tpu.vector_store_idx %arg9[%add3A_426, %gather3A], %gather3A_431 masked %lt3A_422 : memref<8x4096xf32, #tpu.memory_space<vmem>>[vector<16xi32>, vector<16xi32>], vector<16xf32>, vector<16xi1>
          %add3A_432 = arith.constant 1 : i32
          %add3A_433 = vector.broadcast %add3A_432 : i32 to vector<16xi32>
          %add3A_434 = arith.addi %add3A_433, %broadcast_in_dim3A_3 : vector<16xi32>
          %mul3A_435 = arith.constant 2048 : i32
          %mul3A_436 = arith.muli %add3A_363, %mul3A_435 : i32
          %sub3A_437 = vector.broadcast %mul3A_436 : i32 to vector<16xi32>
          %sub3A_438 = arith.subi %gather3A_423, %sub3A_437 : vector<16xi32>
          %gather3A_439 = tpu.vector_load_idx %arg7[%add3A_379, %add3A_434, %sub3A_438] masked %lt3A_422 : memref<4x8x2048xf32, #tpu.memory_space<vmem>>[vector<16xi32>, vector<16xi32>, vector<16xi32>], vector<16xf32>, vector<16xi1>
          tpu.vector_store_idx %arg9[%add3A_434, %gather3A], %gather3A_439 masked %lt3A_422 : memref<8x4096xf32, #tpu.memory_space<vmem>>[vector<16xi32>, vector<16xi32>], vector<16xf32>, vector<16xi1>
          %add3A_440 = arith.constant 2 : i32
          %add3A_441 = vector.broadcast %add3A_440 : i32 to vector<16xi32>
          %add3A_442 = arith.addi %add3A_441, %broadcast_in_dim3A_3 : vector<16xi32>
          %mul3A_443 = arith.constant 2048 : i32
          %mul3A_444 = arith.muli %add3A_363, %mul3A_443 : i32
          %sub3A_445 = vector.broadcast %mul3A_444 : i32 to vector<16xi32>
          %sub3A_446 = arith.subi %gather3A_423, %sub3A_445 : vector<16xi32>
          %gather3A_447 = tpu.vector_load_idx %arg7[%add3A_379, %add3A_442, %sub3A_446] masked %lt3A_422 : memref<4x8x2048xf32, #tpu.memory_space<vmem>>[vector<16xi32>, vector<16xi32>, vector<16xi32>], vector<16xf32>, vector<16xi1>
          tpu.vector_store_idx %arg9[%add3A_442, %gather3A], %gather3A_447 masked %lt3A_422 : memref<8x4096xf32, #tpu.memory_space<vmem>>[vector<16xi32>, vector<16xi32>], vector<16xf32>, vector<16xi1>
          %add3A_448 = arith.constant 3 : i32
          %add3A_449 = vector.broadcast %add3A_448 : i32 to vector<16xi32>
          %add3A_450 = arith.addi %add3A_449, %broadcast_in_dim3A_3 : vector<16xi32>
          %mul3A_451 = arith.constant 2048 : i32
          %mul3A_452 = arith.muli %add3A_363, %mul3A_451 : i32
          %sub3A_453 = vector.broadcast %mul3A_452 : i32 to vector<16xi32>
          %sub3A_454 = arith.subi %gather3A_423, %sub3A_453 : vector<16xi32>
          %gather3A_455 = tpu.vector_load_idx %arg7[%add3A_379, %add3A_450, %sub3A_454] masked %lt3A_422 : memref<4x8x2048xf32, #tpu.memory_space<vmem>>[vector<16xi32>, vector<16xi32>, vector<16xi32>], vector<16xf32>, vector<16xi1>
          tpu.vector_store_idx %arg9[%add3A_450, %gather3A], %gather3A_455 masked %lt3A_422 : memref<8x4096xf32, #tpu.memory_space<vmem>>[vector<16xi32>, vector<16xi32>], vector<16xf32>, vector<16xi1>
          %add3A_456 = arith.constant 4 : i32
          %add3A_457 = vector.broadcast %add3A_456 : i32 to vector<16xi32>
          %add3A_458 = arith.addi %add3A_457, %broadcast_in_dim3A_3 : vector<16xi32>
          %mul3A_459 = arith.constant 2048 : i32
          %mul3A_460 = arith.muli %add3A_363, %mul3A_459 : i32
          %sub3A_461 = vector.broadcast %mul3A_460 : i32 to vector<16xi32>
          %sub3A_462 = arith.subi %gather3A_423, %sub3A_461 : vector<16xi32>
          %gather3A_463 = tpu.vector_load_idx %arg7[%add3A_379, %add3A_458, %sub3A_462] masked %lt3A_422 : memref<4x8x2048xf32, #tpu.memory_space<vmem>>[vector<16xi32>, vector<16xi32>, vector<16xi32>], vector<16xf32>, vector<16xi1>
          tpu.vector_store_idx %arg9[%add3A_458, %gather3A], %gather3A_463 masked %lt3A_422 : memref<8x4096xf32, #tpu.memory_space<vmem>>[vector<16xi32>, vector<16xi32>], vector<16xf32>, vector<16xi1>
          %add3A_464 = arith.constant 5 : i32
          %add3A_465 = vector.broadcast %add3A_464 : i32 to vector<16xi32>
          %add3A_466 = arith.addi %add3A_465, %broadcast_in_dim3A_3 : vector<16xi32>
          %mul3A_467 = arith.constant 2048 : i32
          %mul3A_468 = arith.muli %add3A_363, %mul3A_467 : i32
          %sub3A_469 = vector.broadcast %mul3A_468 : i32 to vector<16xi32>
          %sub3A_470 = arith.subi %gather3A_423, %sub3A_469 : vector<16xi32>
          %gather3A_471 = tpu.vector_load_idx %arg7[%add3A_379, %add3A_466, %sub3A_470] masked %lt3A_422 : memref<4x8x2048xf32, #tpu.memory_space<vmem>>[vector<16xi32>, vector<16xi32>, vector<16xi32>], vector<16xf32>, vector<16xi1>
          tpu.vector_store_idx %arg9[%add3A_466, %gather3A], %gather3A_471 masked %lt3A_422 : memref<8x4096xf32, #tpu.memory_space<vmem>>[vector<16xi32>, vector<16xi32>], vector<16xf32>, vector<16xi1>
          %add3A_472 = arith.constant 6 : i32
          %add3A_473 = vector.broadcast %add3A_472 : i32 to vector<16xi32>
          %add3A_474 = arith.addi %add3A_473, %broadcast_in_dim3A_3 : vector<16xi32>
          %mul3A_475 = arith.constant 2048 : i32
          %mul3A_476 = arith.muli %add3A_363, %mul3A_475 : i32
          %sub3A_477 = vector.broadcast %mul3A_476 : i32 to vector<16xi32>
          %sub3A_478 = arith.subi %gather3A_423, %sub3A_477 : vector<16xi32>
          %gather3A_479 = tpu.vector_load_idx %arg7[%add3A_379, %add3A_474, %sub3A_478] masked %lt3A_422 : memref<4x8x2048xf32, #tpu.memory_space<vmem>>[vector<16xi32>, vector<16xi32>, vector<16xi32>], vector<16xf32>, vector<16xi1>
          tpu.vector_store_idx %arg9[%add3A_474, %gather3A], %gather3A_479 masked %lt3A_422 : memref<8x4096xf32, #tpu.memory_space<vmem>>[vector<16xi32>, vector<16xi32>], vector<16xf32>, vector<16xi1>
          %add3A_480 = arith.constant 7 : i32
          %add3A_481 = vector.broadcast %add3A_480 : i32 to vector<16xi32>
          %add3A_482 = arith.addi %add3A_481, %broadcast_in_dim3A_3 : vector<16xi32>
          %mul3A_483 = arith.constant 2048 : i32
          %mul3A_484 = arith.muli %add3A_363, %mul3A_483 : i32
          %sub3A_485 = vector.broadcast %mul3A_484 : i32 to vector<16xi32>
          %sub3A_486 = arith.subi %gather3A_423, %sub3A_485 : vector<16xi32>
          %gather3A_487 = tpu.vector_load_idx %arg7[%add3A_379, %add3A_482, %sub3A_486] masked %lt3A_422 : memref<4x8x2048xf32, #tpu.memory_space<vmem>>[vector<16xi32>, vector<16xi32>, vector<16xi32>], vector<16xf32>, vector<16xi1>
          tpu.vector_store_idx %arg9[%add3A_482, %gather3A], %gather3A_487 masked %lt3A_422 : memref<8x4096xf32, #tpu.memory_space<vmem>>[vector<16xi32>, vector<16xi32>], vector<16xf32>, vector<16xi1>
        }
        %add3A_401 = arith.constant 4 : i32
        %add3A_402 = arith.addi %add3A_363, %add3A_401 : i32
        %lt3A_403 = arith.constant 48 : i32
        %lt3A_404 = arith.cmpi slt, %add3A_402, %lt3A_403 : i32
        %convert_element_type3A_405 = arith.extui %lt3A_404 : i1 to i32
        %cond3A_406 = arith.constant 0 : i32
        %cond3A_407 = arith.cmpi ne, %convert_element_type3A_405, %cond3A_406 : i32
        scf.if %cond3A_407 {
          %add3A_415 = arith.constant 4 : i32
          %add3A_416 = arith.addi %add3A_363, %add3A_415 : i32
          %mul3A_417 = arith.constant 2048 : i32
          %mul3A_418 = arith.muli %add3A_416, %mul3A_417 : i32
          %multiple_of3A_419 = tpu.assume_multiple %mul3A_418, 128 : i32
          %dma_start3A_420 = arith.constant 3 : i32
          %dma_start3A_421 = arith.constant 0 : i32
          %dma_start3A_422 = arith.constant 0 : i32
          %dma_start3A_423 = tpu.memref_slice %arg7[%dma_start3A_420, %dma_start3A_421, %dma_start3A_422] : memref<4x8x2048xf32, #tpu.memory_space<vmem>> -> memref<1x8x2048xf32, #tpu.memory_space<vmem>>
          %dma_start3A_424 = tpu.memref_squeeze %dma_start3A_423 : memref<1x8x2048xf32, #tpu.memory_space<vmem>> -> memref<8x2048xf32, #tpu.memory_space<vmem>>
          %dma_start3A_425 = tpu.memref_slice %arg3[%multiple_of3A_47, %multiple_of3A_419] : memref<416x100000xf32, #tpu.memory_space<hbm>> -> memref<8x2048xf32, #tpu.memory_space<hbm>>
          %dma_start3A_426 = arith.constant 0 : i32
          %dma_start3A_427 = arith.constant 0 : i32
          %dma_start3A_428 = tpu.memref_slice %arg7[%dma_start3A_420, %dma_start3A_426, %dma_start3A_427] : memref<4x8x2048xf32, #tpu.memory_space<vmem>> -> memref<1x8x2048xf32, #tpu.memory_space<vmem>>
          %dma_start3A_429 = tpu.memref_squeeze %dma_start3A_428 : memref<1x8x2048xf32, #tpu.memory_space<vmem>> -> memref<8x2048xf32, #tpu.memory_space<vmem>>
          %dma_start3A_430 = tpu.memref_slice %arg3[%multiple_of3A_47, %multiple_of3A_419] : memref<416x100000xf32, #tpu.memory_space<hbm>> -> memref<8x2048xf32, #tpu.memory_space<hbm>>
          tpu.enqueue_dma source(%dma_start3A_430 : memref<8x2048xf32, #tpu.memory_space<hbm>>) target(%dma_start3A_429 : memref<8x2048xf32, #tpu.memory_space<vmem>>) target_semaphore(%arg17 : memref<!tpu.dma_semaphore, #tpu.memory_space<semaphore_mem>>)
        } else {
        }
        %add3A_408 = arith.constant 4 : i32
        %add3A_409 = arith.addi %add3A_363, %add3A_408 : i32
        %eq3A_410 = arith.constant 48 : i32
        %eq3A_411 = arith.cmpi eq, %add3A_409, %eq3A_410 : i32
        %convert_element_type3A_412 = arith.extui %eq3A_411 : i1 to i32
        %cond3A_413 = arith.constant 0 : i32
        %cond3A_414 = arith.cmpi ne, %convert_element_type3A_412, %cond3A_413 : i32
        scf.if %cond3A_414 {
          %multiple_of3A_415 = arith.constant 98304 : i32
          %multiple_of3A_416 = tpu.assume_multiple %multiple_of3A_415, 128 : i32
          %dma_start3A_417 = arith.constant 3 : i32
          %dma_start3A_418 = arith.constant 0 : i32
          %dma_start3A_419 = arith.constant 0 : i32
          %dma_start3A_420 = tpu.memref_slice %arg7[%dma_start3A_417, %dma_start3A_418, %dma_start3A_419] : memref<4x8x2048xf32, #tpu.memory_space<vmem>> -> memref<1x8x1664xf32, #tpu.memory_space<vmem>>
          %dma_start3A_421 = tpu.memref_squeeze %dma_start3A_420 : memref<1x8x1664xf32, #tpu.memory_space<vmem>> -> memref<8x1664xf32, #tpu.memory_space<vmem>>
          %dma_start3A_422 = tpu.memref_slice %arg3[%multiple_of3A_47, %multiple_of3A_416] : memref<416x100000xf32, #tpu.memory_space<hbm>> -> memref<8x1664xf32, #tpu.memory_space<hbm>>
          %dma_start3A_423 = arith.constant 0 : i32
          %dma_start3A_424 = arith.constant 0 : i32
          %dma_start3A_425 = tpu.memref_slice %arg7[%dma_start3A_417, %dma_start3A_423, %dma_start3A_424] : memref<4x8x2048xf32, #tpu.memory_space<vmem>> -> memref<1x8x1664xf32, #tpu.memory_space<vmem>>
          %dma_start3A_426 = tpu.memref_squeeze %dma_start3A_425 : memref<1x8x1664xf32, #tpu.memory_space<vmem>> -> memref<8x1664xf32, #tpu.memory_space<vmem>>
          %dma_start3A_427 = tpu.memref_slice %arg3[%multiple_of3A_47, %multiple_of3A_416] : memref<416x100000xf32, #tpu.memory_space<hbm>> -> memref<8x1664xf32, #tpu.memory_space<hbm>>
          tpu.enqueue_dma source(%dma_start3A_427 : memref<8x1664xf32, #tpu.memory_space<hbm>>) target(%dma_start3A_426 : memref<8x1664xf32, #tpu.memory_space<vmem>>) target_semaphore(%arg17 : memref<!tpu.dma_semaphore, #tpu.memory_space<semaphore_mem>>)
        } else {
        }
      }
      %scan3A_130 = arith.constant 12 : i32
      %dma_wait3A_131 = arith.constant 0 : i32
      %dma_wait3A_132 = arith.constant 0 : i32
      %dma_wait3A_133 = arith.constant 0 : i32
      %dma_wait3A_134 = tpu.memref_slice %arg7[%dma_wait3A_131, %dma_wait3A_132, %dma_wait3A_133] : memref<4x8x2048xf32, #tpu.memory_space<vmem>> -> memref<1x8x1664xf32, #tpu.memory_space<vmem>>
      %dma_wait3A_135 = tpu.memref_squeeze %dma_wait3A_134 : memref<1x8x1664xf32, #tpu.memory_space<vmem>> -> memref<8x1664xf32, #tpu.memory_space<vmem>>
      %dma_wait3A_136 = arith.constant 0 : i32
      %dma_wait3A_137 = tpu.memref_slice %arg3[%multiple_of3A_47, %dma_wait3A_136] : memref<416x100000xf32, #tpu.memory_space<hbm>> -> memref<8x1664xf32, #tpu.memory_space<hbm>>
      %dma_wait3A_138 = arith.constant 0 : i32
      %dma_wait3A_139 = arith.constant 0 : i32
      %dma_wait3A_140 = tpu.memref_slice %arg7[%dma_wait3A_131, %dma_wait3A_138, %dma_wait3A_139] : memref<4x8x2048xf32, #tpu.memory_space<vmem>> -> memref<1x8x1664xf32, #tpu.memory_space<vmem>>
      %dma_wait3A_141 = tpu.memref_squeeze %dma_wait3A_140 : memref<1x8x1664xf32, #tpu.memory_space<vmem>> -> memref<8x1664xf32, #tpu.memory_space<vmem>>
      %dma_wait3A_142 = arith.constant 0 : i32
      %dma_wait3A_143 = tpu.memref_slice %arg3[%multiple_of3A_47, %dma_wait3A_142] : memref<416x100000xf32, #tpu.memory_space<hbm>> -> memref<8x1664xf32, #tpu.memory_space<hbm>>
      tpu.wait_dma2 semaphore(%arg14 : memref<!tpu.dma_semaphore, #tpu.memory_space<semaphore_mem>>) src(%dma_wait3A_143 : memref<8x1664xf32, #tpu.memory_space<hbm>>) dst(%dma_wait3A_141 : memref<8x1664xf32, #tpu.memory_space<vmem>>)
      %add3A_144 = arith.constant 0 : i32
      %add3A_145 = vector.broadcast %add3A_144 : i32 to vector<16xi32>
      %add3A_146 = arith.addi %add3A_145, %broadcast_in_dim3A_3 : vector<16xi32>
      %get3A = arith.constant 48 : i32
      %get3A_147 = arith.index_cast %get3A : i32 to index
      %get3A_148 = memref.load %arg13[%get3A_147] : memref<51xi32, #tpu.memory_space<smem>>
      %get3A_149 = arith.constant 49 : i32
      %get3A_150 = arith.index_cast %get3A_149 : i32 to index
      %get3A_151 = memref.load %arg13[%get3A_150] : memref<51xi32, #tpu.memory_space<smem>>
      %sub3A_152 = arith.subi %get3A_151, %get3A_148 : i32
      %add3A_153 = arith.constant 15 : i32
      %add3A_154 = arith.addi %sub3A_152, %add3A_153 : i32
      %shift_right_logical3A = arith.constant 4 : i32
      %shift_right_logical3A_155 = arith.shrui %add3A_154, %shift_right_logical3A : i32
      %while3A = arith.constant 0 : i32
      %while3A_156 = arith.constant 0 : i32
      %while3A_157 = arith.subi %shift_right_logical3A_155, %while3A_156 : i32
      %while3A_158 = arith.addi %while3A_156, %while3A_157 : i32
      %while3A_159 = arith.constant 1 : i32
      %while3A_160 = arith.divsi %while3A_157, %while3A_159 : i32
      %while3A_161 = arith.muli %while3A_160, %while3A_159 : i32
      %while3A_162 = arith.addi %while3A_156, %while3A_161 : i32
      %while3A_163 = arith.constant 1 : i32
      scf.for %while3A_195 = %while3A_156 to %while3A_162 step %while3A_163  : i32 {
        %mul3A_196 = arith.constant 16 : i32
        %mul3A_197 = arith.muli %while3A_195, %mul3A_196 : i32
        %add3A_198 = arith.addi %get3A_148, %mul3A_197 : i32
        %add3A_199 = vector.broadcast %add3A_198 : i32 to vector<16xi32>
        %add3A_200 = arith.addi %add3A_199, %iota3A : vector<16xi32>
        %lt3A_201 = vector.broadcast %get3A_151 : i32 to vector<16xi32>
        %lt3A_202 = arith.cmpi slt, %add3A_200, %lt3A_201 : vector<16xi32>
        %gather3A = tpu.vector_load_idx %arg10[%add3A_200] masked %lt3A_202 : memref<4112xi32, #tpu.memory_space<vmem>>[vector<16xi32>], vector<16xi32>, vector<16xi1>
        %gather3A_203 = tpu.vector_load_idx %arg11[%add3A_200] masked %lt3A_202 : memref<4112xi32, #tpu.memory_space<vmem>>[vector<16xi32>], vector<16xi32>, vector<16xi1>
        %add3A_204 = arith.constant 0 : i32
        %add3A_205 = vector.broadcast %add3A_204 : i32 to vector<16xi32>
        %add3A_206 = arith.addi %add3A_205, %broadcast_in_dim3A_3 : vector<16xi32>
        %sub3A_207 = arith.constant 98304 : i32
        %sub3A_208 = vector.broadcast %sub3A_207 : i32 to vector<16xi32>
        %sub3A_209 = arith.subi %gather3A_203, %sub3A_208 : vector<16xi32>
        %gather3A_210 = tpu.vector_load_idx %arg7[%add3A_146, %add3A_206, %sub3A_209] masked %lt3A_202 : memref<4x8x2048xf32, #tpu.memory_space<vmem>>[vector<16xi32>, vector<16xi32>, vector<16xi32>], vector<16xf32>, vector<16xi1>
        tpu.vector_store_idx %arg9[%add3A_206, %gather3A], %gather3A_210 masked %lt3A_202 : memref<8x4096xf32, #tpu.memory_space<vmem>>[vector<16xi32>, vector<16xi32>], vector<16xf32>, vector<16xi1>
        %add3A_211 = arith.constant 1 : i32
        %add3A_212 = vector.broadcast %add3A_211 : i32 to vector<16xi32>
        %add3A_213 = arith.addi %add3A_212, %broadcast_in_dim3A_3 : vector<16xi32>
        %sub3A_214 = arith.constant 98304 : i32
        %sub3A_215 = vector.broadcast %sub3A_214 : i32 to vector<16xi32>
        %sub3A_216 = arith.subi %gather3A_203, %sub3A_215 : vector<16xi32>
        %gather3A_217 = tpu.vector_load_idx %arg7[%add3A_146, %add3A_213, %sub3A_216] masked %lt3A_202 : memref<4x8x2048xf32, #tpu.memory_space<vmem>>[vector<16xi32>, vector<16xi32>, vector<16xi32>], vector<16xf32>, vector<16xi1>
        tpu.vector_store_idx %arg9[%add3A_213, %gather3A], %gather3A_217 masked %lt3A_202 : memref<8x4096xf32, #tpu.memory_space<vmem>>[vector<16xi32>, vector<16xi32>], vector<16xf32>, vector<16xi1>
        %add3A_218 = arith.constant 2 : i32
        %add3A_219 = vector.broadcast %add3A_218 : i32 to vector<16xi32>
        %add3A_220 = arith.addi %add3A_219, %broadcast_in_dim3A_3 : vector<16xi32>
        %sub3A_221 = arith.constant 98304 : i32
        %sub3A_222 = vector.broadcast %sub3A_221 : i32 to vector<16xi32>
        %sub3A_223 = arith.subi %gather3A_203, %sub3A_222 : vector<16xi32>
        %gather3A_224 = tpu.vector_load_idx %arg7[%add3A_146, %add3A_220, %sub3A_223] masked %lt3A_202 : memref<4x8x2048xf32, #tpu.memory_space<vmem>>[vector<16xi32>, vector<16xi32>, vector<16xi32>], vector<16xf32>, vector<16xi1>
        tpu.vector_store_idx %arg9[%add3A_220, %gather3A], %gather3A_224 masked %lt3A_202 : memref<8x4096xf32, #tpu.memory_space<vmem>>[vector<16xi32>, vector<16xi32>], vector<16xf32>, vector<16xi1>
        %add3A_225 = arith.constant 3 : i32
        %add3A_226 = vector.broadcast %add3A_225 : i32 to vector<16xi32>
        %add3A_227 = arith.addi %add3A_226, %broadcast_in_dim3A_3 : vector<16xi32>
        %sub3A_228 = arith.constant 98304 : i32
        %sub3A_229 = vector.broadcast %sub3A_228 : i32 to vector<16xi32>
        %sub3A_230 = arith.subi %gather3A_203, %sub3A_229 : vector<16xi32>
        %gather3A_231 = tpu.vector_load_idx %arg7[%add3A_146, %add3A_227, %sub3A_230] masked %lt3A_202 : memref<4x8x2048xf32, #tpu.memory_space<vmem>>[vector<16xi32>, vector<16xi32>, vector<16xi32>], vector<16xf32>, vector<16xi1>
        tpu.vector_store_idx %arg9[%add3A_227, %gather3A], %gather3A_231 masked %lt3A_202 : memref<8x4096xf32, #tpu.memory_space<vmem>>[vector<16xi32>, vector<16xi32>], vector<16xf32>, vector<16xi1>
        %add3A_232 = arith.constant 4 : i32
        %add3A_233 = vector.broadcast %add3A_232 : i32 to vector<16xi32>
        %add3A_234 = arith.addi %add3A_233, %broadcast_in_dim3A_3 : vector<16xi32>
        %sub3A_235 = arith.constant 98304 : i32
        %sub3A_236 = vector.broadcast %sub3A_235 : i32 to vector<16xi32>
        %sub3A_237 = arith.subi %gather3A_203, %sub3A_236 : vector<16xi32>
        %gather3A_238 = tpu.vector_load_idx %arg7[%add3A_146, %add3A_234, %sub3A_237] masked %lt3A_202 : memref<4x8x2048xf32, #tpu.memory_space<vmem>>[vector<16xi32>, vector<16xi32>, vector<16xi32>], vector<16xf32>, vector<16xi1>
        tpu.vector_store_idx %arg9[%add3A_234, %gather3A], %gather3A_238 masked %lt3A_202 : memref<8x4096xf32, #tpu.memory_space<vmem>>[vector<16xi32>, vector<16xi32>], vector<16xf32>, vector<16xi1>
        %add3A_239 = arith.constant 5 : i32
        %add3A_240 = vector.broadcast %add3A_239 : i32 to vector<16xi32>
        %add3A_241 = arith.addi %add3A_240, %broadcast_in_dim3A_3 : vector<16xi32>
        %sub3A_242 = arith.constant 98304 : i32
        %sub3A_243 = vector.broadcast %sub3A_242 : i32 to vector<16xi32>
        %sub3A_244 = arith.subi %gather3A_203, %sub3A_243 : vector<16xi32>
        %gather3A_245 = tpu.vector_load_idx %arg7[%add3A_146, %add3A_241, %sub3A_244] masked %lt3A_202 : memref<4x8x2048xf32, #tpu.memory_space<vmem>>[vector<16xi32>, vector<16xi32>, vector<16xi32>], vector<16xf32>, vector<16xi1>
        tpu.vector_store_idx %arg9[%add3A_241, %gather3A], %gather3A_245 masked %lt3A_202 : memref<8x4096xf32, #tpu.memory_space<vmem>>[vector<16xi32>, vector<16xi32>], vector<16xf32>, vector<16xi1>
        %add3A_246 = arith.constant 6 : i32
        %add3A_247 = vector.broadcast %add3A_246 : i32 to vector<16xi32>
        %add3A_248 = arith.addi %add3A_247, %broadcast_in_dim3A_3 : vector<16xi32>
        %sub3A_249 = arith.constant 98304 : i32
        %sub3A_250 = vector.broadcast %sub3A_249 : i32 to vector<16xi32>
        %sub3A_251 = arith.subi %gather3A_203, %sub3A_250 : vector<16xi32>
        %gather3A_252 = tpu.vector_load_idx %arg7[%add3A_146, %add3A_248, %sub3A_251] masked %lt3A_202 : memref<4x8x2048xf32, #tpu.memory_space<vmem>>[vector<16xi32>, vector<16xi32>, vector<16xi32>], vector<16xf32>, vector<16xi1>
        tpu.vector_store_idx %arg9[%add3A_248, %gather3A], %gather3A_252 masked %lt3A_202 : memref<8x4096xf32, #tpu.memory_space<vmem>>[vector<16xi32>, vector<16xi32>], vector<16xf32>, vector<16xi1>
        %add3A_253 = arith.constant 7 : i32
        %add3A_254 = vector.broadcast %add3A_253 : i32 to vector<16xi32>
        %add3A_255 = arith.addi %add3A_254, %broadcast_in_dim3A_3 : vector<16xi32>
        %sub3A_256 = arith.constant 98304 : i32
        %sub3A_257 = vector.broadcast %sub3A_256 : i32 to vector<16xi32>
        %sub3A_258 = arith.subi %gather3A_203, %sub3A_257 : vector<16xi32>
        %gather3A_259 = tpu.vector_load_idx %arg7[%add3A_146, %add3A_255, %sub3A_258] masked %lt3A_202 : memref<4x8x2048xf32, #tpu.memory_space<vmem>>[vector<16xi32>, vector<16xi32>, vector<16xi32>], vector<16xf32>, vector<16xi1>
        tpu.vector_store_idx %arg9[%add3A_255, %gather3A], %gather3A_259 masked %lt3A_202 : memref<8x4096xf32, #tpu.memory_space<vmem>>[vector<16xi32>, vector<16xi32>], vector<16xf32>, vector<16xi1>
      }
      %while3A_164 = arith.constant 1 : i32
      scf.for %while3A_195 = %while3A_162 to %while3A_158 step %while3A_164  : i32 {
        %mul3A_196 = arith.constant 16 : i32
        %mul3A_197 = arith.muli %while3A_195, %mul3A_196 : i32
        %add3A_198 = arith.addi %get3A_148, %mul3A_197 : i32
        %add3A_199 = vector.broadcast %add3A_198 : i32 to vector<16xi32>
        %add3A_200 = arith.addi %add3A_199, %iota3A : vector<16xi32>
        %lt3A_201 = vector.broadcast %get3A_151 : i32 to vector<16xi32>
        %lt3A_202 = arith.cmpi slt, %add3A_200, %lt3A_201 : vector<16xi32>
        %gather3A = tpu.vector_load_idx %arg10[%add3A_200] masked %lt3A_202 : memref<4112xi32, #tpu.memory_space<vmem>>[vector<16xi32>], vector<16xi32>, vector<16xi1>
        %gather3A_203 = tpu.vector_load_idx %arg11[%add3A_200] masked %lt3A_202 : memref<4112xi32, #tpu.memory_space<vmem>>[vector<16xi32>], vector<16xi32>, vector<16xi1>
        %add3A_204 = arith.constant 0 : i32
        %add3A_205 = vector.broadcast %add3A_204 : i32 to vector<16xi32>
        %add3A_206 = arith.addi %add3A_205, %broadcast_in_dim3A_3 : vector<16xi32>
        %sub3A_207 = arith.constant 98304 : i32
        %sub3A_208 = vector.broadcast %sub3A_207 : i32 to vector<16xi32>
        %sub3A_209 = arith.subi %gather3A_203, %sub3A_208 : vector<16xi32>
        %gather3A_210 = tpu.vector_load_idx %arg7[%add3A_146, %add3A_206, %sub3A_209] masked %lt3A_202 : memref<4x8x2048xf32, #tpu.memory_space<vmem>>[vector<16xi32>, vector<16xi32>, vector<16xi32>], vector<16xf32>, vector<16xi1>
        tpu.vector_store_idx %arg9[%add3A_206, %gather3A], %gather3A_210 masked %lt3A_202 : memref<8x4096xf32, #tpu.memory_space<vmem>>[vector<16xi32>, vector<16xi32>], vector<16xf32>, vector<16xi1>
        %add3A_211 = arith.constant 1 : i32
        %add3A_212 = vector.broadcast %add3A_211 : i32 to vector<16xi32>
        %add3A_213 = arith.addi %add3A_212, %broadcast_in_dim3A_3 : vector<16xi32>
        %sub3A_214 = arith.constant 98304 : i32
        %sub3A_215 = vector.broadcast %sub3A_214 : i32 to vector<16xi32>
        %sub3A_216 = arith.subi %gather3A_203, %sub3A_215 : vector<16xi32>
        %gather3A_217 = tpu.vector_load_idx %arg7[%add3A_146, %add3A_213, %sub3A_216] masked %lt3A_202 : memref<4x8x2048xf32, #tpu.memory_space<vmem>>[vector<16xi32>, vector<16xi32>, vector<16xi32>], vector<16xf32>, vector<16xi1>
        tpu.vector_store_idx %arg9[%add3A_213, %gather3A], %gather3A_217 masked %lt3A_202 : memref<8x4096xf32, #tpu.memory_space<vmem>>[vector<16xi32>, vector<16xi32>], vector<16xf32>, vector<16xi1>
        %add3A_218 = arith.constant 2 : i32
        %add3A_219 = vector.broadcast %add3A_218 : i32 to vector<16xi32>
        %add3A_220 = arith.addi %add3A_219, %broadcast_in_dim3A_3 : vector<16xi32>
        %sub3A_221 = arith.constant 98304 : i32
        %sub3A_222 = vector.broadcast %sub3A_221 : i32 to vector<16xi32>
        %sub3A_223 = arith.subi %gather3A_203, %sub3A_222 : vector<16xi32>
        %gather3A_224 = tpu.vector_load_idx %arg7[%add3A_146, %add3A_220, %sub3A_223] masked %lt3A_202 : memref<4x8x2048xf32, #tpu.memory_space<vmem>>[vector<16xi32>, vector<16xi32>, vector<16xi32>], vector<16xf32>, vector<16xi1>
        tpu.vector_store_idx %arg9[%add3A_220, %gather3A], %gather3A_224 masked %lt3A_202 : memref<8x4096xf32, #tpu.memory_space<vmem>>[vector<16xi32>, vector<16xi32>], vector<16xf32>, vector<16xi1>
        %add3A_225 = arith.constant 3 : i32
        %add3A_226 = vector.broadcast %add3A_225 : i32 to vector<16xi32>
        %add3A_227 = arith.addi %add3A_226, %broadcast_in_dim3A_3 : vector<16xi32>
        %sub3A_228 = arith.constant 98304 : i32
        %sub3A_229 = vector.broadcast %sub3A_228 : i32 to vector<16xi32>
        %sub3A_230 = arith.subi %gather3A_203, %sub3A_229 : vector<16xi32>
        %gather3A_231 = tpu.vector_load_idx %arg7[%add3A_146, %add3A_227, %sub3A_230] masked %lt3A_202 : memref<4x8x2048xf32, #tpu.memory_space<vmem>>[vector<16xi32>, vector<16xi32>, vector<16xi32>], vector<16xf32>, vector<16xi1>
        tpu.vector_store_idx %arg9[%add3A_227, %gather3A], %gather3A_231 masked %lt3A_202 : memref<8x4096xf32, #tpu.memory_space<vmem>>[vector<16xi32>, vector<16xi32>], vector<16xf32>, vector<16xi1>
        %add3A_232 = arith.constant 4 : i32
        %add3A_233 = vector.broadcast %add3A_232 : i32 to vector<16xi32>
        %add3A_234 = arith.addi %add3A_233, %broadcast_in_dim3A_3 : vector<16xi32>
        %sub3A_235 = arith.constant 98304 : i32
        %sub3A_236 = vector.broadcast %sub3A_235 : i32 to vector<16xi32>
        %sub3A_237 = arith.subi %gather3A_203, %sub3A_236 : vector<16xi32>
        %gather3A_238 = tpu.vector_load_idx %arg7[%add3A_146, %add3A_234, %sub3A_237] masked %lt3A_202 : memref<4x8x2048xf32, #tpu.memory_space<vmem>>[vector<16xi32>, vector<16xi32>, vector<16xi32>], vector<16xf32>, vector<16xi1>
        tpu.vector_store_idx %arg9[%add3A_234, %gather3A], %gather3A_238 masked %lt3A_202 : memref<8x4096xf32, #tpu.memory_space<vmem>>[vector<16xi32>, vector<16xi32>], vector<16xf32>, vector<16xi1>
        %add3A_239 = arith.constant 5 : i32
        %add3A_240 = vector.broadcast %add3A_239 : i32 to vector<16xi32>
        %add3A_241 = arith.addi %add3A_240, %broadcast_in_dim3A_3 : vector<16xi32>
        %sub3A_242 = arith.constant 98304 : i32
        %sub3A_243 = vector.broadcast %sub3A_242 : i32 to vector<16xi32>
        %sub3A_244 = arith.subi %gather3A_203, %sub3A_243 : vector<16xi32>
        %gather3A_245 = tpu.vector_load_idx %arg7[%add3A_146, %add3A_241, %sub3A_244] masked %lt3A_202 : memref<4x8x2048xf32, #tpu.memory_space<vmem>>[vector<16xi32>, vector<16xi32>, vector<16xi32>], vector<16xf32>, vector<16xi1>
        tpu.vector_store_idx %arg9[%add3A_241, %gather3A], %gather3A_245 masked %lt3A_202 : memref<8x4096xf32, #tpu.memory_space<vmem>>[vector<16xi32>, vector<16xi32>], vector<16xf32>, vector<16xi1>
        %add3A_246 = arith.constant 6 : i32
        %add3A_247 = vector.broadcast %add3A_246 : i32 to vector<16xi32>
        %add3A_248 = arith.addi %add3A_247, %broadcast_in_dim3A_3 : vector<16xi32>
        %sub3A_249 = arith.constant 98304 : i32
        %sub3A_250 = vector.broadcast %sub3A_249 : i32 to vector<16xi32>
        %sub3A_251 = arith.subi %gather3A_203, %sub3A_250 : vector<16xi32>
        %gather3A_252 = tpu.vector_load_idx %arg7[%add3A_146, %add3A_248, %sub3A_251] masked %lt3A_202 : memref<4x8x2048xf32, #tpu.memory_space<vmem>>[vector<16xi32>, vector<16xi32>, vector<16xi32>], vector<16xf32>, vector<16xi1>
        tpu.vector_store_idx %arg9[%add3A_248, %gather3A], %gather3A_252 masked %lt3A_202 : memref<8x4096xf32, #tpu.memory_space<vmem>>[vector<16xi32>, vector<16xi32>], vector<16xf32>, vector<16xi1>
        %add3A_253 = arith.constant 7 : i32
        %add3A_254 = vector.broadcast %add3A_253 : i32 to vector<16xi32>
        %add3A_255 = arith.addi %add3A_254, %broadcast_in_dim3A_3 : vector<16xi32>
        %sub3A_256 = arith.constant 98304 : i32
        %sub3A_257 = vector.broadcast %sub3A_256 : i32 to vector<16xi32>
        %sub3A_258 = arith.subi %gather3A_203, %sub3A_257 : vector<16xi32>
        %gather3A_259 = tpu.vector_load_idx %arg7[%add3A_146, %add3A_255, %sub3A_258] masked %lt3A_202 : memref<4x8x2048xf32, #tpu.memory_space<vmem>>[vector<16xi32>, vector<16xi32>, vector<16xi32>], vector<16xf32>, vector<16xi1>
        tpu.vector_store_idx %arg9[%add3A_255, %gather3A], %gather3A_259 masked %lt3A_202 : memref<8x4096xf32, #tpu.memory_space<vmem>>[vector<16xi32>, vector<16xi32>], vector<16xf32>, vector<16xi1>
      }
      %get3A_165 = arith.constant 49 : i32
      %get3A_166 = arith.index_cast %get3A_165 : i32 to index
      %get3A_167 = memref.load %arg13[%get3A_166] : memref<51xi32, #tpu.memory_space<smem>>
      %get3A_168 = arith.constant 50 : i32
      %get3A_169 = arith.index_cast %get3A_168 : i32 to index
      %get3A_170 = memref.load %arg13[%get3A_169] : memref<51xi32, #tpu.memory_space<smem>>
      %sub3A_171 = arith.subi %get3A_170, %get3A_167 : i32
      %add3A_172 = arith.constant 15 : i32
      %add3A_173 = arith.addi %sub3A_171, %add3A_172 : i32
      %shift_right_logical3A_174 = arith.constant 4 : i32
      %shift_right_logical3A_175 = arith.shrui %add3A_173, %shift_right_logical3A_174 : i32
      %while3A_176 = arith.constant 0 : i32
      %while3A_177 = arith.constant 0 : i32
      %while3A_178 = arith.subi %shift_right_logical3A_175, %while3A_177 : i32
      %while3A_179 = arith.addi %while3A_177, %while3A_178 : i32
      %while3A_180 = arith.constant 1 : i32
      %while3A_181 = arith.divsi %while3A_178, %while3A_180 : i32
      %while3A_182 = arith.muli %while3A_181, %while3A_180 : i32
      %while3A_183 = arith.addi %while3A_177, %while3A_182 : i32
      %while3A_184 = arith.constant 1 : i32
      scf.for %while3A_195 = %while3A_177 to %while3A_183 step %while3A_184  : i32 {
        %mul3A_196 = arith.constant 16 : i32
        %mul3A_197 = arith.muli %while3A_195, %mul3A_196 : i32
        %add3A_198 = arith.addi %get3A_167, %mul3A_197 : i32
        %add3A_199 = vector.broadcast %add3A_198 : i32 to vector<16xi32>
        %add3A_200 = arith.addi %add3A_199, %iota3A : vector<16xi32>
        %lt3A_201 = vector.broadcast %get3A_170 : i32 to vector<16xi32>
        %lt3A_202 = arith.cmpi slt, %add3A_200, %lt3A_201 : vector<16xi32>
        %gather3A = tpu.vector_load_idx %arg10[%add3A_200] masked %lt3A_202 : memref<4112xi32, #tpu.memory_space<vmem>>[vector<16xi32>], vector<16xi32>, vector<16xi1>
        %gather3A_203 = tpu.vector_load_idx %arg11[%add3A_200] masked %lt3A_202 : memref<4112xi32, #tpu.memory_space<vmem>>[vector<16xi32>], vector<16xi32>, vector<16xi1>
        %add3A_204 = arith.constant 0 : i32
        %add3A_205 = vector.broadcast %add3A_204 : i32 to vector<16xi32>
        %add3A_206 = arith.addi %add3A_205, %broadcast_in_dim3A_3 : vector<16xi32>
        %sub3A_207 = arith.constant 99968 : i32
        %sub3A_208 = vector.broadcast %sub3A_207 : i32 to vector<16xi32>
        %sub3A_209 = arith.subi %gather3A_203, %sub3A_208 : vector<16xi32>
        %gather3A_210 = tpu.vector_load_idx %arg8[%add3A_206, %sub3A_209] masked %lt3A_202 : memref<8x128xf32, #tpu.memory_space<vmem>>[vector<16xi32>, vector<16xi32>], vector<16xf32>, vector<16xi1>
        tpu.vector_store_idx %arg9[%add3A_206, %gather3A], %gather3A_210 masked %lt3A_202 : memref<8x4096xf32, #tpu.memory_space<vmem>>[vector<16xi32>, vector<16xi32>], vector<16xf32>, vector<16xi1>
        %add3A_211 = arith.constant 1 : i32
        %add3A_212 = vector.broadcast %add3A_211 : i32 to vector<16xi32>
        %add3A_213 = arith.addi %add3A_212, %broadcast_in_dim3A_3 : vector<16xi32>
        %sub3A_214 = arith.constant 99968 : i32
        %sub3A_215 = vector.broadcast %sub3A_214 : i32 to vector<16xi32>
        %sub3A_216 = arith.subi %gather3A_203, %sub3A_215 : vector<16xi32>
        %gather3A_217 = tpu.vector_load_idx %arg8[%add3A_213, %sub3A_216] masked %lt3A_202 : memref<8x128xf32, #tpu.memory_space<vmem>>[vector<16xi32>, vector<16xi32>], vector<16xf32>, vector<16xi1>
        tpu.vector_store_idx %arg9[%add3A_213, %gather3A], %gather3A_217 masked %lt3A_202 : memref<8x4096xf32, #tpu.memory_space<vmem>>[vector<16xi32>, vector<16xi32>], vector<16xf32>, vector<16xi1>
        %add3A_218 = arith.constant 2 : i32
        %add3A_219 = vector.broadcast %add3A_218 : i32 to vector<16xi32>
        %add3A_220 = arith.addi %add3A_219, %broadcast_in_dim3A_3 : vector<16xi32>
        %sub3A_221 = arith.constant 99968 : i32
        %sub3A_222 = vector.broadcast %sub3A_221 : i32 to vector<16xi32>
        %sub3A_223 = arith.subi %gather3A_203, %sub3A_222 : vector<16xi32>
        %gather3A_224 = tpu.vector_load_idx %arg8[%add3A_220, %sub3A_223] masked %lt3A_202 : memref<8x128xf32, #tpu.memory_space<vmem>>[vector<16xi32>, vector<16xi32>], vector<16xf32>, vector<16xi1>
        tpu.vector_store_idx %arg9[%add3A_220, %gather3A], %gather3A_224 masked %lt3A_202 : memref<8x4096xf32, #tpu.memory_space<vmem>>[vector<16xi32>, vector<16xi32>], vector<16xf32>, vector<16xi1>
        %add3A_225 = arith.constant 3 : i32
        %add3A_226 = vector.broadcast %add3A_225 : i32 to vector<16xi32>
        %add3A_227 = arith.addi %add3A_226, %broadcast_in_dim3A_3 : vector<16xi32>
        %sub3A_228 = arith.constant 99968 : i32
        %sub3A_229 = vector.broadcast %sub3A_228 : i32 to vector<16xi32>
        %sub3A_230 = arith.subi %gather3A_203, %sub3A_229 : vector<16xi32>
        %gather3A_231 = tpu.vector_load_idx %arg8[%add3A_227, %sub3A_230] masked %lt3A_202 : memref<8x128xf32, #tpu.memory_space<vmem>>[vector<16xi32>, vector<16xi32>], vector<16xf32>, vector<16xi1>
        tpu.vector_store_idx %arg9[%add3A_227, %gather3A], %gather3A_231 masked %lt3A_202 : memref<8x4096xf32, #tpu.memory_space<vmem>>[vector<16xi32>, vector<16xi32>], vector<16xf32>, vector<16xi1>
        %add3A_232 = arith.constant 4 : i32
        %add3A_233 = vector.broadcast %add3A_232 : i32 to vector<16xi32>
        %add3A_234 = arith.addi %add3A_233, %broadcast_in_dim3A_3 : vector<16xi32>
        %sub3A_235 = arith.constant 99968 : i32
        %sub3A_236 = vector.broadcast %sub3A_235 : i32 to vector<16xi32>
        %sub3A_237 = arith.subi %gather3A_203, %sub3A_236 : vector<16xi32>
        %gather3A_238 = tpu.vector_load_idx %arg8[%add3A_234, %sub3A_237] masked %lt3A_202 : memref<8x128xf32, #tpu.memory_space<vmem>>[vector<16xi32>, vector<16xi32>], vector<16xf32>, vector<16xi1>
        tpu.vector_store_idx %arg9[%add3A_234, %gather3A], %gather3A_238 masked %lt3A_202 : memref<8x4096xf32, #tpu.memory_space<vmem>>[vector<16xi32>, vector<16xi32>], vector<16xf32>, vector<16xi1>
        %add3A_239 = arith.constant 5 : i32
        %add3A_240 = vector.broadcast %add3A_239 : i32 to vector<16xi32>
        %add3A_241 = arith.addi %add3A_240, %broadcast_in_dim3A_3 : vector<16xi32>
        %sub3A_242 = arith.constant 99968 : i32
        %sub3A_243 = vector.broadcast %sub3A_242 : i32 to vector<16xi32>
        %sub3A_244 = arith.subi %gather3A_203, %sub3A_243 : vector<16xi32>
        %gather3A_245 = tpu.vector_load_idx %arg8[%add3A_241, %sub3A_244] masked %lt3A_202 : memref<8x128xf32, #tpu.memory_space<vmem>>[vector<16xi32>, vector<16xi32>], vector<16xf32>, vector<16xi1>
        tpu.vector_store_idx %arg9[%add3A_241, %gather3A], %gather3A_245 masked %lt3A_202 : memref<8x4096xf32, #tpu.memory_space<vmem>>[vector<16xi32>, vector<16xi32>], vector<16xf32>, vector<16xi1>
        %add3A_246 = arith.constant 6 : i32
        %add3A_247 = vector.broadcast %add3A_246 : i32 to vector<16xi32>
        %add3A_248 = arith.addi %add3A_247, %broadcast_in_dim3A_3 : vector<16xi32>
        %sub3A_249 = arith.constant 99968 : i32
        %sub3A_250 = vector.broadcast %sub3A_249 : i32 to vector<16xi32>
        %sub3A_251 = arith.subi %gather3A_203, %sub3A_250 : vector<16xi32>
        %gather3A_252 = tpu.vector_load_idx %arg8[%add3A_248, %sub3A_251] masked %lt3A_202 : memref<8x128xf32, #tpu.memory_space<vmem>>[vector<16xi32>, vector<16xi32>], vector<16xf32>, vector<16xi1>
        tpu.vector_store_idx %arg9[%add3A_248, %gather3A], %gather3A_252 masked %lt3A_202 : memref<8x4096xf32, #tpu.memory_space<vmem>>[vector<16xi32>, vector<16xi32>], vector<16xf32>, vector<16xi1>
        %add3A_253 = arith.constant 7 : i32
        %add3A_254 = vector.broadcast %add3A_253 : i32 to vector<16xi32>
        %add3A_255 = arith.addi %add3A_254, %broadcast_in_dim3A_3 : vector<16xi32>
        %sub3A_256 = arith.constant 99968 : i32
        %sub3A_257 = vector.broadcast %sub3A_256 : i32 to vector<16xi32>
        %sub3A_258 = arith.subi %gather3A_203, %sub3A_257 : vector<16xi32>
        %gather3A_259 = tpu.vector_load_idx %arg8[%add3A_255, %sub3A_258] masked %lt3A_202 : memref<8x128xf32, #tpu.memory_space<vmem>>[vector<16xi32>, vector<16xi32>], vector<16xf32>, vector<16xi1>
        tpu.vector_store_idx %arg9[%add3A_255, %gather3A], %gather3A_259 masked %lt3A_202 : memref<8x4096xf32, #tpu.memory_space<vmem>>[vector<16xi32>, vector<16xi32>], vector<16xf32>, vector<16xi1>
      }
      %while3A_185 = arith.constant 1 : i32
      scf.for %while3A_195 = %while3A_183 to %while3A_179 step %while3A_185  : i32 {
        %mul3A_196 = arith.constant 16 : i32
        %mul3A_197 = arith.muli %while3A_195, %mul3A_196 : i32
        %add3A_198 = arith.addi %get3A_167, %mul3A_197 : i32
        %add3A_199 = vector.broadcast %add3A_198 : i32 to vector<16xi32>
        %add3A_200 = arith.addi %add3A_199, %iota3A : vector<16xi32>
        %lt3A_201 = vector.broadcast %get3A_170 : i32 to vector<16xi32>
        %lt3A_202 = arith.cmpi slt, %add3A_200, %lt3A_201 : vector<16xi32>
        %gather3A = tpu.vector_load_idx %arg10[%add3A_200] masked %lt3A_202 : memref<4112xi32, #tpu.memory_space<vmem>>[vector<16xi32>], vector<16xi32>, vector<16xi1>
        %gather3A_203 = tpu.vector_load_idx %arg11[%add3A_200] masked %lt3A_202 : memref<4112xi32, #tpu.memory_space<vmem>>[vector<16xi32>], vector<16xi32>, vector<16xi1>
        %add3A_204 = arith.constant 0 : i32
        %add3A_205 = vector.broadcast %add3A_204 : i32 to vector<16xi32>
        %add3A_206 = arith.addi %add3A_205, %broadcast_in_dim3A_3 : vector<16xi32>
        %sub3A_207 = arith.constant 99968 : i32
        %sub3A_208 = vector.broadcast %sub3A_207 : i32 to vector<16xi32>
        %sub3A_209 = arith.subi %gather3A_203, %sub3A_208 : vector<16xi32>
        %gather3A_210 = tpu.vector_load_idx %arg8[%add3A_206, %sub3A_209] masked %lt3A_202 : memref<8x128xf32, #tpu.memory_space<vmem>>[vector<16xi32>, vector<16xi32>], vector<16xf32>, vector<16xi1>
        tpu.vector_store_idx %arg9[%add3A_206, %gather3A], %gather3A_210 masked %lt3A_202 : memref<8x4096xf32, #tpu.memory_space<vmem>>[vector<16xi32>, vector<16xi32>], vector<16xf32>, vector<16xi1>
        %add3A_211 = arith.constant 1 : i32
        %add3A_212 = vector.broadcast %add3A_211 : i32 to vector<16xi32>
        %add3A_213 = arith.addi %add3A_212, %broadcast_in_dim3A_3 : vector<16xi32>
        %sub3A_214 = arith.constant 99968 : i32
        %sub3A_215 = vector.broadcast %sub3A_214 : i32 to vector<16xi32>
        %sub3A_216 = arith.subi %gather3A_203, %sub3A_215 : vector<16xi32>
        %gather3A_217 = tpu.vector_load_idx %arg8[%add3A_213, %sub3A_216] masked %lt3A_202 : memref<8x128xf32, #tpu.memory_space<vmem>>[vector<16xi32>, vector<16xi32>], vector<16xf32>, vector<16xi1>
        tpu.vector_store_idx %arg9[%add3A_213, %gather3A], %gather3A_217 masked %lt3A_202 : memref<8x4096xf32, #tpu.memory_space<vmem>>[vector<16xi32>, vector<16xi32>], vector<16xf32>, vector<16xi1>
        %add3A_218 = arith.constant 2 : i32
        %add3A_219 = vector.broadcast %add3A_218 : i32 to vector<16xi32>
        %add3A_220 = arith.addi %add3A_219, %broadcast_in_dim3A_3 : vector<16xi32>
        %sub3A_221 = arith.constant 99968 : i32
        %sub3A_222 = vector.broadcast %sub3A_221 : i32 to vector<16xi32>
        %sub3A_223 = arith.subi %gather3A_203, %sub3A_222 : vector<16xi32>
        %gather3A_224 = tpu.vector_load_idx %arg8[%add3A_220, %sub3A_223] masked %lt3A_202 : memref<8x128xf32, #tpu.memory_space<vmem>>[vector<16xi32>, vector<16xi32>], vector<16xf32>, vector<16xi1>
        tpu.vector_store_idx %arg9[%add3A_220, %gather3A], %gather3A_224 masked %lt3A_202 : memref<8x4096xf32, #tpu.memory_space<vmem>>[vector<16xi32>, vector<16xi32>], vector<16xf32>, vector<16xi1>
        %add3A_225 = arith.constant 3 : i32
        %add3A_226 = vector.broadcast %add3A_225 : i32 to vector<16xi32>
        %add3A_227 = arith.addi %add3A_226, %broadcast_in_dim3A_3 : vector<16xi32>
        %sub3A_228 = arith.constant 99968 : i32
        %sub3A_229 = vector.broadcast %sub3A_228 : i32 to vector<16xi32>
        %sub3A_230 = arith.subi %gather3A_203, %sub3A_229 : vector<16xi32>
        %gather3A_231 = tpu.vector_load_idx %arg8[%add3A_227, %sub3A_230] masked %lt3A_202 : memref<8x128xf32, #tpu.memory_space<vmem>>[vector<16xi32>, vector<16xi32>], vector<16xf32>, vector<16xi1>
        tpu.vector_store_idx %arg9[%add3A_227, %gather3A], %gather3A_231 masked %lt3A_202 : memref<8x4096xf32, #tpu.memory_space<vmem>>[vector<16xi32>, vector<16xi32>], vector<16xf32>, vector<16xi1>
        %add3A_232 = arith.constant 4 : i32
        %add3A_233 = vector.broadcast %add3A_232 : i32 to vector<16xi32>
        %add3A_234 = arith.addi %add3A_233, %broadcast_in_dim3A_3 : vector<16xi32>
        %sub3A_235 = arith.constant 99968 : i32
        %sub3A_236 = vector.broadcast %sub3A_235 : i32 to vector<16xi32>
        %sub3A_237 = arith.subi %gather3A_203, %sub3A_236 : vector<16xi32>
        %gather3A_238 = tpu.vector_load_idx %arg8[%add3A_234, %sub3A_237] masked %lt3A_202 : memref<8x128xf32, #tpu.memory_space<vmem>>[vector<16xi32>, vector<16xi32>], vector<16xf32>, vector<16xi1>
        tpu.vector_store_idx %arg9[%add3A_234, %gather3A], %gather3A_238 masked %lt3A_202 : memref<8x4096xf32, #tpu.memory_space<vmem>>[vector<16xi32>, vector<16xi32>], vector<16xf32>, vector<16xi1>
        %add3A_239 = arith.constant 5 : i32
        %add3A_240 = vector.broadcast %add3A_239 : i32 to vector<16xi32>
        %add3A_241 = arith.addi %add3A_240, %broadcast_in_dim3A_3 : vector<16xi32>
        %sub3A_242 = arith.constant 99968 : i32
        %sub3A_243 = vector.broadcast %sub3A_242 : i32 to vector<16xi32>
        %sub3A_244 = arith.subi %gather3A_203, %sub3A_243 : vector<16xi32>
        %gather3A_245 = tpu.vector_load_idx %arg8[%add3A_241, %sub3A_244] masked %lt3A_202 : memref<8x128xf32, #tpu.memory_space<vmem>>[vector<16xi32>, vector<16xi32>], vector<16xf32>, vector<16xi1>
        tpu.vector_store_idx %arg9[%add3A_241, %gather3A], %gather3A_245 masked %lt3A_202 : memref<8x4096xf32, #tpu.memory_space<vmem>>[vector<16xi32>, vector<16xi32>], vector<16xf32>, vector<16xi1>
        %add3A_246 = arith.constant 6 : i32
        %add3A_247 = vector.broadcast %add3A_246 : i32 to vector<16xi32>
        %add3A_248 = arith.addi %add3A_247, %broadcast_in_dim3A_3 : vector<16xi32>
        %sub3A_249 = arith.constant 99968 : i32
        %sub3A_250 = vector.broadcast %sub3A_249 : i32 to vector<16xi32>
        %sub3A_251 = arith.subi %gather3A_203, %sub3A_250 : vector<16xi32>
        %gather3A_252 = tpu.vector_load_idx %arg8[%add3A_248, %sub3A_251] masked %lt3A_202 : memref<8x128xf32, #tpu.memory_space<vmem>>[vector<16xi32>, vector<16xi32>], vector<16xf32>, vector<16xi1>
        tpu.vector_store_idx %arg9[%add3A_248, %gather3A], %gather3A_252 masked %lt3A_202 : memref<8x4096xf32, #tpu.memory_space<vmem>>[vector<16xi32>, vector<16xi32>], vector<16xf32>, vector<16xi1>
        %add3A_253 = arith.constant 7 : i32
        %add3A_254 = vector.broadcast %add3A_253 : i32 to vector<16xi32>
        %add3A_255 = arith.addi %add3A_254, %broadcast_in_dim3A_3 : vector<16xi32>
        %sub3A_256 = arith.constant 99968 : i32
        %sub3A_257 = vector.broadcast %sub3A_256 : i32 to vector<16xi32>
        %sub3A_258 = arith.subi %gather3A_203, %sub3A_257 : vector<16xi32>
        %gather3A_259 = tpu.vector_load_idx %arg8[%add3A_255, %sub3A_258] masked %lt3A_202 : memref<8x128xf32, #tpu.memory_space<vmem>>[vector<16xi32>, vector<16xi32>], vector<16xf32>, vector<16xi1>
        tpu.vector_store_idx %arg9[%add3A_255, %gather3A], %gather3A_259 masked %lt3A_202 : memref<8x4096xf32, #tpu.memory_space<vmem>>[vector<16xi32>, vector<16xi32>], vector<16xf32>, vector<16xi1>
      }
      %mul3A_186 = arith.constant 8 : i32
      %mul3A_187 = arith.muli %mul3A_186, %div3A_41 : i32
      %multiple_of3A_188 = tpu.assume_multiple %mul3A_187, 8 : i32
      %dma_start3A_189 = arith.constant 0 : i32
      %dma_start3A_190 = tpu.memref_slice %arg5[%rem3A_39, %multiple_of3A_188, %dma_start3A_189] : memref<26x16x4096xf32, #tpu.memory_space<hbm>> -> memref<1x8x4096xf32, #tpu.memory_space<hbm>>
      %dma_start3A_191 = tpu.memref_squeeze %dma_start3A_190 : memref<1x8x4096xf32, #tpu.memory_space<hbm>> -> memref<8x4096xf32, #tpu.memory_space<hbm>>
      %dma_start3A_192 = arith.constant 0 : i32
      %dma_start3A_193 = tpu.memref_slice %arg5[%rem3A_39, %multiple_of3A_188, %dma_start3A_192] : memref<26x16x4096xf32, #tpu.memory_space<hbm>> -> memref<1x8x4096xf32, #tpu.memory_space<hbm>>
      %dma_start3A_194 = tpu.memref_squeeze %dma_start3A_193 : memref<1x8x4096xf32, #tpu.memory_space<hbm>> -> memref<8x4096xf32, #tpu.memory_space<hbm>>
      tpu.enqueue_dma source(%arg9 : memref<8x4096xf32, #tpu.memory_space<vmem>>) target(%dma_start3A_194 : memref<8x4096xf32, #tpu.memory_space<hbm>>) target_semaphore(%arg18 : memref<!tpu.dma_semaphore, #tpu.memory_space<semaphore_mem>>)
    } else {
    }
    %add3A_15 = arith.constant 32 : i32
    %add3A_16 = arith.addi %add3A, %add3A_15 : i32
    %lt3A_17 = arith.constant 52 : i32
    %lt3A_18 = arith.cmpi slt, %add3A_16, %lt3A_17 : i32
    %convert_element_type3A_19 = arith.extui %lt3A_18 : i1 to i32
    %cond3A_20 = arith.constant 0 : i32
    %cond3A_21 = arith.cmpi ne, %convert_element_type3A_19, %cond3A_20 : i32
    scf.if %cond3A_21 {
      %add3A_28 = arith.constant 32 : i32
      %add3A_29 = arith.addi %add3A, %add3A_28 : i32
      %rem3A = arith.constant 26 : i32
      %rem3A_30 = arith.remsi %add3A_29, %rem3A : i32
      %div3A = arith.constant 26 : i32
      %div3A_31 = arith.divsi %add3A_29, %div3A : i32
      %mul3A_32 = arith.constant 8 : i32
      %mul3A_33 = arith.muli %mul3A_32, %div3A_31 : i32
      %multiple_of3A = tpu.assume_multiple %mul3A_33, 8 : i32
      %dma_wait3A = arith.constant 0 : i32
      %dma_wait3A_34 = tpu.memref_slice %arg5[%rem3A_30, %multiple_of3A, %dma_wait3A] : memref<26x16x4096xf32, #tpu.memory_space<hbm>> -> memref<1x8x4096xf32, #tpu.memory_space<hbm>>
      %dma_wait3A_35 = tpu.memref_squeeze %dma_wait3A_34 : memref<1x8x4096xf32, #tpu.memory_space<hbm>> -> memref<8x4096xf32, #tpu.memory_space<hbm>>
      %dma_wait3A_36 = arith.constant 0 : i32
      %dma_wait3A_37 = tpu.memref_slice %arg5[%rem3A_30, %multiple_of3A, %dma_wait3A_36] : memref<26x16x4096xf32, #tpu.memory_space<hbm>> -> memref<1x8x4096xf32, #tpu.memory_space<hbm>>
      %dma_wait3A_38 = tpu.memref_squeeze %dma_wait3A_37 : memref<1x8x4096xf32, #tpu.memory_space<hbm>> -> memref<8x4096xf32, #tpu.memory_space<hbm>>
      tpu.wait_dma2 semaphore(%arg18 : memref<!tpu.dma_semaphore, #tpu.memory_space<semaphore_mem>>) src(%dma_wait3A_38 : memref<8x4096xf32, #tpu.memory_space<hbm>>) dst(%arg9 : memref<8x4096xf32, #tpu.memory_space<vmem>>)
    } else {
    }
    %add3A_22 = arith.constant 32 : i32
    %add3A_23 = arith.addi %add3A, %add3A_22 : i32
    %ge3A = arith.constant 52 : i32
    %ge3A_24 = arith.cmpi sge, %add3A_23, %ge3A : i32
    %convert_element_type3A_25 = arith.extui %ge3A_24 : i1 to i32
    %cond3A_26 = arith.constant 0 : i32
    %cond3A_27 = arith.cmpi ne, %convert_element_type3A_25, %cond3A_26 : i32
    scf.if %cond3A_27 {
      %rem3A = arith.constant 26 : i32
      %rem3A_28 = arith.remsi %add3A, %rem3A : i32
      %div3A = arith.constant 26 : i32
      %div3A_29 = arith.divsi %add3A, %div3A : i32
      %mul3A_30 = arith.constant 8 : i32
      %mul3A_31 = arith.muli %mul3A_30, %div3A_29 : i32
      %multiple_of3A = tpu.assume_multiple %mul3A_31, 8 : i32
      %dma_wait3A = arith.constant 0 : i32
      %dma_wait3A_32 = tpu.memref_slice %arg5[%rem3A_28, %multiple_of3A, %dma_wait3A] : memref<26x16x4096xf32, #tpu.memory_space<hbm>> -> memref<1x8x4096xf32, #tpu.memory_space<hbm>>
      %dma_wait3A_33 = tpu.memref_squeeze %dma_wait3A_32 : memref<1x8x4096xf32, #tpu.memory_space<hbm>> -> memref<8x4096xf32, #tpu.memory_space<hbm>>
      %dma_wait3A_34 = arith.constant 0 : i32
      %dma_wait3A_35 = tpu.memref_slice %arg5[%rem3A_28, %multiple_of3A, %dma_wait3A_34] : memref<26x16x4096xf32, #tpu.memory_space<hbm>> -> memref<1x8x4096xf32, #tpu.memory_space<hbm>>
      %dma_wait3A_36 = tpu.memref_squeeze %dma_wait3A_35 : memref<1x8x4096xf32, #tpu.memory_space<hbm>> -> memref<8x4096xf32, #tpu.memory_space<hbm>>
      tpu.wait_dma2 semaphore(%arg18 : memref<!tpu.dma_semaphore, #tpu.memory_space<semaphore_mem>>) src(%dma_wait3A_36 : memref<8x4096xf32, #tpu.memory_space<hbm>>) dst(%arg9 : memref<8x4096xf32, #tpu.memory_space<vmem>>)
    } else {
    }
    return
  }
}

</mosaic_0001>

<sc_bundles>
// kernel: kernel.3.cloned.1.call-start
scs
__scs_entry_jumppad:
0x0: {  	(pc) =	sbr.rel $0x88, $3  }
0x1: {  	(tag) =	ssettag $0x0;
	lr =	simm.s32 $0x1  }
0x2: {  	[smem:$0x3F9F] =	sst lr;
	_ =	strace $0xD0000000  }
0x3: {  	_ = 	snop  }
0x4: {  	_ = 	snop  }
0x5: {  	_ = 	snop  }
0x6: {  	_ = 	snop  }
0x7: {  	_ = 	snop  }
__scs_overlays_trampoline_lowered:
0x8: {  	[smem:$0x3FAE] =	sst s0  }
0x9: {  	[smem:$0x3FAF] =	sst s1  }
0xa: {  	[smem:$0x3FB0] =	sst s2  }
0xb: {  	[smem:$0x3FB1] =	sst s3  }
0xc: {  	[smem:$0x3FB2] =	sst s4  }
0xd: {  	[smem:$0x3FB3] =	sst s5  }
0xe: {  	[smem:$0x3FB4] =	sst s6  }
0xf: {  	[smem:$0x3FB5] =	sst s7  }
0x10: {  	[smem:$0x3FB6] =	sst s8  }
0x11: {  	[smem:$0x3FB7] =	sst s9;
	s0 =	simm.s32 @!p0 $0x0  }
0x12: {  	s1 =	sld [smem:$0x3F9D];
	s0 =	simm.s32 @p0 $0x1  }
0x13: {  	[smem:$0x3FB8] =	sst s0;
	s0 =	simm.s32 @!p1 $0x0  }
0x14: {  	s2 =	sld [smem:$0x3F9C];
	s0 =	simm.s32 @p1 $0x1  }
0x15: {  	[smem:$0x3FB9] =	sst s0;
	s0 =	simm.s32 @!p2 $0x0  }
0x16: {  	s3 =	sld [smem:$0x3FDB];
	s0 =	simm.s32 @p2 $0x1  }
0x17: {  	s4 =	simm.s32 $0x1BF5;
	[smem:$0x3FBB] =	sst s0  }
0x18: {  	s0 =	sld [smem:$0x3F9E];
	_ =	swait.ge [sflag:s4], $0x0  }
0x19: {  	s7 =	sld [smem:$0x3F9F]  }
0x1a: {  	s8 =	sadd.s32 $0xFFFFE003, lr  }
0x1b: {  	s9 =	sadd.s32 $0xFFFFFEF7, lr;
	s5 =	simm.s32 $0xFFFFFFFF;
	p2 =	slt.u32 s8, $0xFFFFF086  }
0x1c: {  	p1 =	slt.u32 s9, $0xF7A;
	s5 =	simm.s32 @!p2 $0x0  }
0x1d: {  	s5 =	simm.s32 @p1 $0x1;
	p0 =	seq.s32 s7, s2  }
0x1e: {  	s7 =	smul.u32 @!p0 $0xF7A, s2;
	p2 =	seq.s32 @!p0 s5, $0x0  }
0x1f: {  	s9 =	smul.u32 $0xF7A, s1;
	s8 =	simm.s32 @!p0 $0x1BF5;
	p2 =	por !p2, p0  }
0x20: {  	[sflag:s8] =	ssyncset.s32 @!p0 $0xFFFFF086;
	s6 =	sadd.s32 @!p0 s3, s7;
	s7 =	simm.s32 @!p0 $0x108  }
0x21: {  	s3 =	sadd.s32 s3, s9;
	s6 =	sadd.s32 @!p0 $0x88, s6;
	s7 =	simm.s32 @p2 $0x1082  }
0x22: {  	[simem:s7], [sflag:s8] =	dma.local @!p0 [hbm:s6], $0xF7A  }
0x23: {  	s9 =	sor.u32 $0xD0000000, s2;
	s6 =	simm.s32 $0x108;
	_ =	swait.ge @!p0 [sflag:s8], $0x0  }
0x24: {  	s3 =	sadd.s32 $0x88, s3;
	s6 =	simm.s32 @!p1 $0x1082;
	[sflag:s4] =	ssyncset.s32 $0xFFFFF086  }
0x25: {  	[simem:s6], [sflag:s4] =	dma.local [hbm:s3], $0xF7A  }
0x26: {  	[smem:$0x3F9F] =	sst s1;
	(tag) =	ssettag s2;
	_ =	strace s9  }
0x27: {  	s1 =	sld [smem:$0x3FAF]  }
0x28: {  	s2 =	sld [smem:$0x3FB0]  }
0x29: {  	s4 =	sld [smem:$0x3FB2]  }
0x2a: {  	p0 =	seq.s32 s5, $0x0;
	s5 =	sld [smem:$0x3FB3]  }
0x2b: {  	s6 =	sld [smem:$0x3FB4]  }
0x2c: {  	s7 =	sld [smem:$0x3FB5]  }
0x2d: {  	s3 =	simm.s32 $0x108;
	s8 =	sld [smem:$0x3FB6]  }
0x2e: {  	s3 =	simm.s32 @!p0 $0x1082;
	s9 =	sld [smem:$0x3FB7]  }
0x2f: {  	lr =	sadd.s32 s0, s3;
	s0 =	sld [smem:$0x3FAE]  }
0x30: {  	s3 =	sld [smem:$0x3FB1]  }
0x31: {  	[smem:$0x3FBA] =	sst s10  }
0x32: {  	s10 =	sld [smem:$0x3FB8];
	_ =	sdelay $0x3  }
0x33: {  	p0 =	seq.s32 s10, $0x1;
	s10 =	sld [smem:$0x3FBA];
	_ =	sdelay $0x3  }
0x34: {  	[smem:$0x3FBA] =	sst s10  }
0x35: {  	s10 =	sld [smem:$0x3FB9];
	_ =	sdelay $0x3  }
0x36: {  	p1 =	seq.s32 s10, $0x1;
	s10 =	sld [smem:$0x3FBA];
	_ =	sdelay $0x3  }
0x37: {  	[smem:$0x3FBA] =	sst s10  }
0x38: {  	s10 =	sld [smem:$0x3FBB]  }
0x39: {  	_ = 	snop;
	(pc) =	sbr.ind lr, $3  }
0x3a: {  	_ = 	snop  }
0x3b: {  	_ = 	snop  }
0x3c: {  	p2 =	seq.s32 s10, $0x1;
	s10 =	sld [smem:$0x3FBA]  }
0x3d: {  	_ =	shalt  }
0x3e: {  	_ =	shalt  }
0x3f: {  	_ =	shalt  }
0x40: {  	_ =	shalt  }
0x41: {  	_ =	shalt  }
0x42: {  	_ =	shalt  }
0x43: {  	_ =	shalt  }
0x44: {  	_ =	shalt  }
0x45: {  	_ =	shalt  }
0x46: {  	_ =	shalt  }
0x47: {  	_ =	shalt  }
0x48: {  	_ =	shalt  }
0x49: {  	_ =	shalt  }
0x4a: {  	_ =	shalt  }
0x4b: {  	_ =	shalt  }
0x4c: {  	_ =	shalt  }
0x4d: {  	_ =	shalt  }
0x4e: {  	_ =	shalt  }
0x4f: {  	_ =	shalt  }
0x50: {  	_ =	shalt  }
0x51: {  	_ =	shalt  }
0x52: {  	_ =	shalt  }
0x53: {  	_ =	shalt  }
0x54: {  	_ =	shalt  }
0x55: {  	_ =	shalt  }
0x56: {  	_ =	shalt  }
0x57: {  	_ =	shalt  }
0x58: {  	_ =	shalt  }
0x59: {  	_ =	shalt  }
0x5a: {  	_ =	shalt  }
0x5b: {  	_ =	shalt  }
0x5c: {  	_ =	shalt  }
0x5d: {  	_ =	shalt  }
0x5e: {  	_ =	shalt  }
0x5f: {  	_ =	shalt  }
0x60: {  	_ =	shalt  }
0x61: {  	_ =	shalt  }
0x62: {  	_ =	shalt  }
0x63: {  	_ =	shalt  }
0x64: {  	_ =	shalt  }
0x65: {  	_ =	shalt  }
0x66: {  	_ =	shalt  }
0x67: {  	_ =	shalt  }
0x68: {  	_ =	shalt  }
0x69: {  	_ =	shalt  }
0x6a: {  	_ =	shalt  }
0x6b: {  	_ =	shalt  }
0x6c: {  	_ =	shalt  }
0x6d: {  	_ =	shalt  }
0x6e: {  	_ =	shalt  }
0x6f: {  	_ =	shalt  }
0x70: {  	_ =	shalt  }
0x71: {  	_ =	shalt  }
0x72: {  	_ =	shalt  }
0x73: {  	_ =	shalt  }
0x74: {  	_ =	shalt  }
0x75: {  	_ =	shalt  }
0x76: {  	_ =	shalt  }
0x77: {  	_ =	shalt  }
0x78: {  	_ =	shalt  }
0x79: {  	_ =	shalt  }
0x7a: {  	_ =	shalt  }
0x7b: {  	_ =	shalt  }
0x7c: {  	_ =	shalt  }
0x7d: {  	_ =	shalt  }
0x7e: {  	_ =	shalt  }
0x7f: {  	_ =	shalt  }
0x80: {  	_ =	shalt  }
0x81: {  	_ =	shalt  }
0x82: {  	_ =	shalt  }
0x83: {  	_ =	shalt  }
0x84: {  	_ =	shalt  }
0x85: {  	_ =	shalt  }
0x86: {  	_ =	shalt  }
0x87: {  	_ =	shalt  }
.Lfunc_end0:
.L_simem_size_0:
called_computation_lowered:
.L_overlay_start_0:
0x88: {  	s2 =	sld [smem:$0x3FD9]  }
0x89: {  	s3 =	sld [smem:$0x3FFE];
	_ =	sdelay $0x1  }
0x8a: {  	s1 =	srdreg.scid  }
0x8b: {  	s0 =	sand.u32 $0x1, s1  }
0x8c: {  	s17 =	sshll.u32 s0, $0xA;
	s2 =	sadd.s32 s3, s2  }
0x8d: {  	s2 =	sadd.s32 s2, s17  }
0x8e: {  	[smem:$0x3FC6] =	sst s2  }
0x8f: {  	_ = 	snop  }
0x90: {  	s2 =	sld [smem:$0x3FC8]  }
0x91: {  	s18 =	sld [smem:$0x3FD0];
	(tm) =	ssettm $0x1  }
0x92: {  	s4 =	sld [smem:$0x3FFB];
	_ =	sdelay $0x3  }
0x93: {  	_ =	strace s4  }
0x94: {  	s4 =	sld [smem:$0x3FFC];
	_ =	sdelay $0x3  }
0x95: {  	_ =	strace s4  }
0x96: {  	s4 =	sld [smem:$0x3FFD];
	_ =	sdelay $0x3  }
0x97: {  	_ =	strace s4  }
0x98: {  	_ =	strace $0x8FFFFFFF  }
0x99: {  	s19 =	sld [smem:$0x3FDB];
	_ =	sdelay $0x1  }
0x9a: {  	s5 =	simm.s32 $_scs_section_size  }
0x9b: {  	s6 =	simm.s32 $_size__tile_overlayer_lowered;
	s7 =	simm.s32 $_tile_overlayer_lowered  }
0x9c: {  	s22 =	simm.s32 $0x1BFF;
	s21 =	sshll.u32 s7, $0x1;
	s4 =	sadd.s32 s5, s19  }
0x9d: {  	s8 =	simm.s32 $0x0;
	s20 =	sshll.u32 s6, $0x1;
	s6 =	sadd.s32 s21, s4  }
0x9e: {  	[timem:s8], [sflag:s22] =	dma.local [hbm:s6], s20  }
0x9f: {  	_ =	swait.ge [sflag:s22], s20  }
0xa0: {  	s5 =	ssub.s32 $0x0, s20;
	[sflag:s22] =	ssyncset.done $0x0  }
0xa1: {  	[sflag:s22] =	ssyncadd.s32 s5;
	_ =	sdelay $0x1  }
0xa2: {  	s23 =	simm.s32 $0x1B8B  }
0xa3: {  	_ =	swait.ge [sflag:s23], $0x1  }
0xa4: {  	[sflag:s23] =	ssyncset.done $0x0  }
0xa5: {  	s25 =	simm.s32 $0x1B8E;
	s24 =	sld [smem:$0x3FFE];
	[sflag:s23] =	ssyncadd.s32 $0xFFFFFFFF  }
0xa6: {  	s26 =	simm.s32 $execute0_lowered;
	[smem:$0x3FD2] =	sst s25  }
0xa7: {  	s6 =	sshll.u32 s26, $0x1;
	_ =	strace $0x80000046;
	[dreg:$0x1] =	wrdreg $0xFFFFFFFF  }
0xa8: {  	s28 =	simm.s32 $_size_execute0_lowered;
	s4 =	sadd.s32 s4, s6;
	[dreg:$0x0] =	wrdreg $0x0  }
0xa9: {  	s6 =	sshll.u32 s28, $0x1;
	[dreg:$0x2] =	wrdreg s4  }
0xaa: {  	[dreg:$0x3] =	wrdreg s6  }
0xab: {  	[dreg:$0x4] =	wrdreg $0xC0  }
0xac: {  	_ =	task [dreg:s8], $0x5FFFF  }
0xad: {  	[dreg:$0x1] =	wrdreg $0xFFFFFFFF  }
0xae: {  	[dreg:$0x0] =	wrdreg $0x60  }
0xaf: {  	[dreg:$0x2] =	wrdreg s24  }
0xb0: {  	[dreg:$0x3] =	wrdreg s2  }
0xb1: {  	[dreg:$0x4] =	wrdreg s18  }
0xb2: {  	[dreg:$0x5] =	wrdreg $0x9  }
0xb3: {  	_ =	task.clear_ibuf [dreg:s8], $0x6FFFF;
	_ =	strace $0x90000046  }
0xb4: {  	s29 =	simm.s32 $0x9;
	_ =	strace $0x80000048  }
0xb5: {  	_ =	swait.ge [sflag:s29], $0x1  }
0xb6: {  	[sflag:s29] =	ssyncadd.s32 $0xFFFFFFFF  }
0xb7: {  	_ =	strace $0x90000048  }
0xb8: {  	_ =	sfence  }
0xb9: {  	s30 =	sld [smem:$0x0];
	_ =	sdelay $0x2  }
0xba: {  	s31 =	sshll.u32 s1, $0xD;
	s1 =	sshrl.u32 s1, $0x2  }
0xbb: {  	s3 =	sand.u32 $0x4000, s31;
	s1 =	sadd.s32 s1, s30  }
0xbc: {  	s0 =	sor.u32 s3, s0;
	s1 =	sshll.u32 s1, $0x11  }
0xbd: {  	s0 =	sor.u32 s1, s0  }
0xbe: {  	s0 =	sadd.s32 $0x8F2B, s0  }
0xbf: {  	[sflag:s0] =	ssyncadd.remote.s32 $0x1  }
0xc0: {  	_ =	sfence.sel $0xFFFF  }
0xc1: {  	[dreg:$0x0] =	wrdreg $0xFFFFFFFF;
	(pc) =	sbr.abs _section_cstart, $3  }
0xc2: {  	[dreg:$0x1] =	wrdreg $0xFFFFFFFF  }
0xc3: {  	_ =	task.clear_ibuf [dreg:s8], $0x2FFFF;
	_ =	strace $0x9FFFFFFF  }
0xc4: {  	(tm) =	ssettm $0x7FFFFFFF  }
0xc5: {  	_ =	shalt  }
tec
execute0_lowered:
.L_overlay_start_1:
0x0: {  	(tag) =	ssettag $0x1  }
0x1: {  	s2 =	rddreg [dreg:$0x0]  }
0x2: {  	s0 =	srdreg.scid;
	s1 =	rddreg [dreg:$0x1]  }
0x3: {  	s18 =	stileid.u32;
	s5 =	rddreg [dreg:$0x2];
	s17 =	simm.s32 $0x1000  }
0x4: {  	s16 =	simm.s32 $0x1000;
	s0 =	sand.u32 $0x1, s0;
	s3 =	sshll.u32 s18, $0x1  }
0x5: {  	s31 =	simm.s32 $0x3;
	s4 =	sor.u32 s0, s3;
	p0 =	slt.u32 s3, $0x1A  }
0x6: {  	s3 =	simm.s32 $0x8;
	s0 =	ssub.s32 $0x2, s0;
	s6 =	sadd.s32 $0xFFFFFFE6, s4  }
0x7: {  	s8 =	sor.u32 $0x20, s4;
	s12 =	sshrl.u32 s0, $0x1;
	s6 =	smov.u32 @p0 s4  }
0x8: {  	p0 =	sgt.u32 s18, $0xC;
	s4 =	sand.u32 $0xFF, s8;
	s0 =	ssub.s32 s0, s12  }
0x9: {  	s7 =	sshll.u32 s6, $0x4;
	s3 =	simm.s32 @!p0 $0x0;
	s10 =	smul.u32 $0x4F, s4  }
0xa: {  	s22 =	sshll.u32 s6, $0x9;
	s6 =	sshll.u32 s6, $0xD;
	s17 =	simm.s32 @!p0 $0x0  }
0xb: {  	s0 =	smax.u32 s0, $0x1;
	p0 =	sgt.u32 s18, $0x9;
	s18 =	simm.s32 $0x2  }
0xc: {  	s7 =	sor.u32 s3, s7;
	s3 =	simm.s32 $0x0;
	s26 =	sadd.s32 s5, s17  }
0xd: {  	s9 =	sshrl.u32 s7, $0x3;
	[smem:$0x7FF] =	sst s3;
	s10 =	sshrl.u32 s10, $0xB  }
0xe: {  	s7 =	sshll.u32 s7, $0x4;
	s6 =	sadd.s32 s6, s26;
	s4 =	smul.u32 $0xC3800, s9  }
0xf: {  	_ =	strace $0x80000047;
	s9 =	sadd.s32 $0x400, s2;
	[dreg:$0xa] =	wrdreg s6  }
0x10: {  	s10 =	smul.u32 $0x1A, s10;
	s2 =	sadd.s32 $0x4400, s2;
	[dreg:$0x12] =	wrdreg s0  }
0x11: {  	s0 =	simm.s32 $0xD000;
	s7 =	sadd.s32 s2, s7;
	s11 =	sshrl.u32 s4, $0x3  }
0x12: {  	s8 =	ssub.s32 s8, s10;
	s10 =	sadd.s32 s9, s22;
	[dreg:$0x9] =	wrdreg s7  }
0x13: {  	s12 =	sadd.s32 $0x14000, s4;
	s13 =	sadd.s32 s1, s11;
	[dreg:$0x8] =	wrdreg s10  }
0x14: {  	s15 =	sadd.s32 $0x1C000, s4;
	s11 =	sadd.s32 $0x800, s13;
	[dreg:$0x4] =	wrdreg s13  }
0x15: {  	s7 =	simm.s32 $0x0;
	s20 =	sadd.s32 $0x1000, s13;
	[dreg:$0x5] =	wrdreg s11  }
0x16: {  	s8 =	sand.u32 $0xFF, s8;
	s21 =	sadd.s32 $0x1800, s13;
	[dreg:$0x6] =	wrdreg s20  }
0x17: {  	s23 =	sshll.u32 s8, $0x4;
	s22 =	sshll.u32 s8, $0xD;
	[dreg:$0x7] =	wrdreg s21  }
0x18: {  	s24 =	sor.u32 $0x8, s23;
	s11 =	sadd.s32 $0x18000, s13;
	s13 =	sadd.s32 $0x18000, s4  }
0x19: {  	s20 =	sshll.u32 s8, $0x9;
	s5 =	sadd.s32 s22, s5;
	s22 =	simm.s32 $0x19400  }
0x1a: {  	s25 =	sshrl.u32 s24, $0x3;
	s6 =	sadd.s32 s9, s20;
	s24 =	sshll.u32 s24, $0x4  }
0x1b: {  	s26 =	sadd.s32 $0x1000, s5;
	s14 =	smul.u32 $0xC3800, s25;
	[dreg:$0xc] =	wrdreg s6  }
0x1c: {  	s20 =	simm.s32 $0x11000;
	s2 =	sadd.s32 s2, s24;
	[dreg:$0x11] =	wrdreg s26  }
0x1d: {  	s24 =	simm.s32 $0x1;
	s6 =	simm.s32 $0x11400;
	s30 =	sshrl.u32 s14, $0x3  }
0x1e: {  	[dreg:$0xf] =	wrdreg s2;
	s2 =	simm.s32 $0x4;
	s19 =	sadd.s32 s1, s30  }
.Ltmp0:
0x1f: {  	s30 =	sadd.s32 $0x1C000, s14;
	[dreg:$0xb] =	wrdreg s19;
	(pc) =	sbr.rel .LBB2_1-.Ltmp0, $4  }
0x20: {  	s28 =	sadd.s32 $0x14000, s14;
	s21 =	sadd.s32 $0x800, s19;
	[dreg:$0x13] =	wrdreg s30  }
0x21: {  	s29 =	sadd.s32 $0x18000, s14;
	s23 =	sadd.s32 $0x1000, s19;
	[dreg:$0xd] =	wrdreg s21  }
0x22: {  	v0 =	vlaneseq.u32;
	s25 =	sadd.s32 $0x1800, s19;
	s26 =	sadd.s32 $0x18000, s19;
	[dreg:$0xe] =	wrdreg s23  }
0x23: {  	v1 =	vimm.s32 $0x0;
	v3 =	vimm.s32 $0x1;
	v2 =	vor.u32 $0x310, v0;
	[dreg:$0x10] =	wrdreg s25;
	s21 =	simm.s32 $0x1B500;
	s23 =	simm.s32 $0x1A480  }
.LBB2_92:
0x24: {  	_ = 	snop  }
.LBB2_95:
0x25: {  	_ =	sdelay $0x4  }
0x26: {  	[tilespmem:v7+s6+$0x0] =	vst.idx.msk @p1 vm0, v6  }
0x27: {  	v4 =	vld.idx.msk [tilespmem:v5+s23+$0x0], vm1;
	_ =	sdelay $0x2  }
0x28: {  	v5 =	vld.idx.msk [tilespmem:v5+s22+$0x0], vm1;
	_ =	sdelay $0x1  }
0x29: {  	v51 =	vadd.s32 $0xFFFE7980, v4;
	_ =	sdelay $0x2  }
0x2a: {  	v52 =	vshll.u32 v5, $0x3  }
0x2b: {  	v5 =	vand.u32 $0x7F, v5;
	v7 =	vand.u32 $0xFFFFFC00, v52  }
0x2c: {  	v5 =	vor.u32 v5, v7;
	v6 =	vld.idx.msk [tilespmem:v51+s20+$0x0], vm1  }
0x2d: {  	v53 =	vadd.s32 $0xFFFE7A00, v4;
	_ =	sdelay $0x3  }
0x2e: {  	[tilespmem:v5+s6+$0x0] =	vst.idx.msk vm1, v6  }
0x2f: {  	v54 =	vor.u32 $0x80, v5;
	v6 =	vld.idx.msk [tilespmem:v53+s20+$0x0], vm1  }
0x30: {  	v8 =	vadd.s32 $0xFFFE7A80, v4;
	_ =	sdelay $0x3  }
0x31: {  	[tilespmem:v54+s6+$0x0] =	vst.idx.msk vm1, v6  }
0x32: {  	v55 =	vor.u32 $0x100, v5;
	v6 =	vld.idx.msk [tilespmem:v8+s20+$0x0], vm1  }
0x33: {  	v56 =	vadd.s32 $0xFFFE7B00, v4;
	_ =	sdelay $0x3  }
0x34: {  	[tilespmem:v55+s6+$0x0] =	vst.idx.msk vm1, v6  }
0x35: {  	v57 =	vor.u32 $0x180, v5;
	v6 =	vld.idx.msk [tilespmem:v56+s20+$0x0], vm1  }
0x36: {  	v58 =	vadd.s32 $0xFFFE7B80, v4;
	_ =	sdelay $0x3  }
0x37: {  	[tilespmem:v57+s6+$0x0] =	vst.idx.msk vm1, v6  }
0x38: {  	v59 =	vor.u32 $0x200, v5;
	v6 =	vld.idx.msk [tilespmem:v58+s20+$0x0], vm1  }
0x39: {  	v60 =	vadd.s32 $0xFFFE7C00, v4;
	_ =	sdelay $0x3  }
0x3a: {  	[tilespmem:v59+s6+$0x0] =	vst.idx.msk vm1, v6  }
0x3b: {  	v61 =	vor.u32 $0x280, v5;
	v6 =	vld.idx.msk [tilespmem:v60+s20+$0x0], vm1  }
0x3c: {  	v62 =	vadd.s32 $0xFFFE7C80, v4;
	_ =	sdelay $0x3  }
0x3d: {  	[tilespmem:v61+s6+$0x0] =	vst.idx.msk vm1, v6  }
0x3e: {  	v63 =	vor.u32 $0x300, v5;
	v6 =	vld.idx.msk [tilespmem:v62+s20+$0x0], vm1  }
0x3f: {  	v4 =	vadd.s32 $0xFFFE7D00, v4;
	_ =	sdelay $0x3  }
0x40: {  	[tilespmem:v63+s6+$0x0] =	vst.idx.msk vm1, v6  }
0x41: {  	v5 =	vor.u32 $0x380, v5;
	v4 =	vld.idx.msk [tilespmem:v4+s20+$0x0], vm1;
	_ =	sdelay $0x4  }
0x42: {  	vm15 =	vmmov vm1;
	[tilespmem:v5+s6+$0x0] =	vst.idx.msk vm1, v4  }
.LBB2_96:
0x43: {  	s5 =	rddreg [dreg:$0x11];
	s30 =	simm.s32 $0x5  }
0x44: {  	[hbm4b:s5+s3] =	stream.linear.scatter [tilespmem:s6], [sflag:$0x5], $0x8000, $0x38;
	[tilespmem:$0x1B880] =	vst v63  }
0x45: {  	_ =	swait.ge [sflag:s30], $0x8000  }
0x46: {  	[sflag:s30] =	ssyncset.done $0x0  }
0x47: {  	s7 =	rddreg [dreg:$0x14];
	[sflag:s30] =	ssyncadd.s32 $0xFFFF8000  }
.LBB2_97:
0x48: {  	s7 =	sadd.s32 $0x1, s7;
	s5 =	rddreg [dreg:$0x12]  }
0x49: {  	p1 =	sne.s32 s7, s5  }
.Ltmp1:
0x4a: {  	_ = 	snop;
	(pc) =	sbr.rel @!p1 .LBB2_98-.Ltmp1, $1  }
0x4b: {  	_ =	sdelay $0x3  }
.LBB2_1:
0x4c: {  	[dreg:$0x14] =	wrdreg s7  }
0x4d: {  	s5 =	rddreg [dreg:$0x4]  }
0x4e: {  	[tilespmem:s16], [sflag:$0x1] =	stream.linear.gather [hbm4b:s5+s3], $0x4000, $0x38;
	[tilespmem:$0x1B880] =	vst v63  }
0x4f: {  	s7 =	rddreg [dreg:$0x5];
	s8 =	simm.s32 $0x5000  }
0x50: {  	[tilespmem:s8], [sflag:$0x2] =	stream.linear.gather [hbm4b:s7+s3], $0x4000, $0x38;
	[tilespmem:$0x1B880] =	vst v63  }
0x51: {  	s9 =	rddreg [dreg:$0x6];
	s10 =	simm.s32 $0x9000  }
0x52: {  	[tilespmem:s10], [sflag:$0x3] =	stream.linear.gather [hbm4b:s9+s3], $0x4000, $0x38;
	[tilespmem:$0x1B880] =	vst v63  }
0x53: {  	s17 =	rddreg [dreg:$0x7]  }
0x54: {  	[tilespmem:s0], [sflag:$0x4] =	stream.linear.gather [hbm4b:s17+s3], $0x4000, $0x38;
	[tilespmem:$0x1B880] =	vst v63  }
0x55: {  	s19 =	rddreg [dreg:$0x8];
	s25 =	simm.s32 $0x6  }
0x56: {  	[tilespmem:s3], [sflag:$0x6] =	stream.linear.gather [hbm4b:s19+s3], $0x1000, $0x38;
	[tilespmem:$0x1B880] =	vst v63  }
0x57: {  	_ =	swait.ge [sflag:s25], $0x1000  }
0x58: {  	[sflag:s25] =	ssyncset.done $0x0  }
0x59: {  	s30 =	rddreg [dreg:$0x9];
	[sflag:s25] =	ssyncadd.s32 $0xFFFFF000  }
0x5a: {  	[tilespmem:s20], [sflag:$0x6] =	stream.linear.gather [hbm4b:s30+s3], $0x400, $0x38;
	[tilespmem:$0x1B880] =	vst v63  }
0x5b: {  	_ =	swait.ge [sflag:s25], $0x400  }
0x5c: {  	[sflag:s25] =	ssyncset.done $0x0  }
0x5d: {  	s5 =	simm.s32 $0x40;
	s7 =	simm.s32 $0x0;
	[sflag:s25] =	ssyncadd.s32 $0xFFFFFC00  }
.LBB2_2:
0x5e: {  	p1 =	sne.s32 s5, $0xC80;
	[tilespmem:s7+$0x1B500] =	vst v1;
	s7 =	smov.u32 s5;
	s5 =	sadd.s32 $0x40, s5  }
.Ltmp2:
0x5f: {  	(pc) =	sbr.rel @p1 .LBB2_2-.Ltmp2, $2  }
0x60: {  	_ =	sdelay $0x2  }
0x61: {  	s7 =	sshra.s32 s7, $0x2  }
0x62: {  	s5 =	simm.s32 $0x0  }
0x63: {  	s8 =	sand.u32 $0x3E00, s5  }
0x64: {  	s9 =	sand.u32 $0x70, s5;
	s8 =	sshrl.u32 s8, $0x2  }
0x65: {  	[tilespmem:s7+$0x1B500] =	vst v1;
	s25 =	sor.u32 s9, s8  }
0x66: {  	v4 =	vld [tilespmem:s25+$0x0];
	_ =	sdelay $0x4  }
0x67: {  	v5 =	vshrl.u32 v4, $0x7  }
0x68: {  	v5 =	vand.u32 $0x1FFFFF0, v5  }
0x69: {  	vm0 =	vgt.s32 v4, $0x1867F;
	v4 =	vor.u32 v0, v5  }
0x6a: {  	v4 =	vsel vm0, v2, v4;
	_ =	sdelay $0x1  }
0x6b: {  	s30 =	simm.s32 $0x40;
	s7 =	simm.s32 $0x10  }
0x6c: {  	s10 =	sand.u32 $0x3E00, s30;
	s9 =	simm.s32 $0x80;
	s8 =	simm.s32 $0x1B500  }
.LBB2_4:
0x6d: {  	p1 =	sne.s32 s9, $0x3FC0;
	s17 =	sand.u32 $0x70, s7;
	s10 =	sshrl.u32 s10, $0x2  }
0x6e: {  	s10 =	sor.u32 s17, s10;
	[tilespmem:v4+s8+$0x0] =	vst.idx.add.s32.msk $0xffff, v3  }
0x6f: {  	v4 =	vld [tilespmem:s10+$0x0];
	_ =	sdelay $0x4  }
0x70: {  	v5 =	vshrl.u32 v4, $0x7  }
0x71: {  	v5 =	vand.u32 $0x1FFFFF0, v5  }
.Ltmp3:
0x72: {  	vm0 =	vgt.s32 v4, $0x1867F;
	v4 =	vor.u32 v0, v5;
	(pc) =	sbr.rel @p1 .LBB2_4-.Ltmp3, $3  }
0x73: {  	v4 =	vsel vm0, v2, v4;
	_ =	sdelay $0x1  }
0x74: {  	s7 =	sadd.s32 $0x10, s7  }
0x75: {  	s10 =	sand.u32 $0x3E00, s9;
	s9 =	sadd.s32 $0x40, s9  }
0x76: {  	_ =	sdelay $0x2  }
0x77: {  	s7 =	sand.u32 $0x70, s7;
	s9 =	sshrl.u32 s10, $0x2  }
0x78: {  	[tilespmem:v4+s8+$0x0] =	vst.idx.add.s32.msk $0xffff, v3;
	s7 =	sor.u32 s7, s9  }
0x79: {  	v4 =	vld [tilespmem:s7+$0x0];
	_ =	sdelay $0x4  }
0x7a: {  	v5 =	vshrl.u32 v4, $0x7  }
0x7b: {  	v5 =	vand.u32 $0x1FFFFF0, v5  }
0x7c: {  	vm0 =	vgt.s32 v4, $0x1867F;
	v4 =	vor.u32 v0, v5  }
0x7d: {  	v4 =	vsel vm0, v2, v4;
	_ =	sdelay $0x3  }
0x7e: {  	s25 =	simm.s32 $0x1B500  }
0x7f: {  	[tilespmem:v4+s25+$0x0] =	vst.idx.add.s32.msk $0xffff, v3  }
0x80: {  	v4 =	vld [tilespmem:s25+$0x0];
	_ =	sdelay $0x4  }
0x81: {  	(xrf0) =	vadd.scan.msk.s32 $0xffff, v4;
	_ =	sdelay $0x5  }
0x82: {  	v5, _, _ =	vpop (xrf0)  }
0x83: {  	(v2sf) =	vpush v5, $0xF  }
0x84: {  	v4 =	vsub.s32 s5, v4  }
0x85: {  	v4 =	vadd.s32 v5, v4  }
0x86: {  	s30 =	simm.s32 $0x0;
	s7 =	simm.s32 $0x1B510;
	[tilespmem:s25+$0x0] =	vst v4  }
0x87: {  	s8 =	simm.s32 $0x4;
	[smem:s30] =	sst s5;
	s9 =	simm.s32 $0x8;
	v4 =	vld [tilespmem:s7+$0x0]  }
.LBB2_6:
0x88: {  	p1 =	sne.s32 s9, $0xC4;
	_ =	sdelay $0x3  }
0x89: {  	(xrf0) =	vadd.scan.msk.s32 $0xffff, v4;
	_ =	sdelay $0x5  }
0x8a: {  	v5, _, _ =	vpop (xrf0);
	s10 =	spop (v2sf)  }
.Ltmp4:
0x8b: {  	s8 =	sshra.s32 s8, $0x2;
	(v2sf) =	vpush v5, $0xF;
	s5 =	sadd.s32 s5, s10;
	(pc) =	sbr.rel @p1 .LBB2_6-.Ltmp4, $4  }
0x8c: {  	[smem:s8] =	sst s5;
	v4 =	vsub.s32 s5, v4;
	s8 =	smov.u32 s9  }
0x8d: {  	v4 =	vadd.s32 v5, v4  }
0x8e: {  	[tilespmem:s7+$0x0] =	vst v4;
	s7 =	sadd.s32 $0x10, s7  }
0x8f: {  	s9 =	sadd.s32 $0x4, s9;
	v4 =	vld [tilespmem:s7+$0x0]  }
0x90: {  	_ =	sdelay $0x3  }
0x91: {  	(xrf0) =	vadd.scan.msk.s32 $0xffff, v4;
	_ =	sdelay $0x5  }
0x92: {  	v5, _, _ =	vpop (xrf0)  }
0x93: {  	(v2sf) =	vpush v5, $0xF;
	_ =	sdelay $0xc  }
0x94: {  	s9 =	spop (v2sf)  }
0x95: {  	s10 =	simm.s32 $0x0;
	s5 =	sadd.s32 s5, s9  }
0x96: {  	s8 =	sshra.s32 s8, $0x2;
	s25 =	sand.u32 $0x3E00, s10;
	v4 =	vsub.s32 s5, v4;
	s17 =	spop (v2sf)  }
0x97: {  	s30 =	sand.u32 $0x70, s10;
	[smem:s8] =	sst s5;
	v4 =	vadd.s32 v5, v4;
	s19 =	sadd.s32 s5, s17  }
0x98: {  	[tilespmem:s7+$0x0] =	vst v4;
	s7 =	simm.s32 $0x40;
	s5 =	sshrl.u32 s25, $0x2;
	[dreg:$0x15] =	wrdreg s19  }
0x99: {  	[smem:$0x32] =	sst s19;
	s8 =	sor.u32 s30, s5;
	s5 =	simm.s32 $0x0  }
.LBB2_8:
0x9a: {  	p1 =	sne.s32 s7, $0x3FC0;
	v4 =	vld [tilespmem:s8+$0x0];
	_ =	sdelay $0x4  }
0x9b: {  	v5 =	vshrl.u32 v4, $0x7  }
0x9c: {  	v5 =	vand.u32 $0x1FFFFF0, v5  }
0x9d: {  	vm0 =	vgt.s32 v4, $0x1867F;
	v5 =	vor.u32 v0, v5  }
0x9e: {  	v5 =	vsel vm0, v2, v5;
	_ =	sdelay $0x4  }
0x9f: {  	v6 =	vld.idx.msk [tilespmem:v5+s21+$0x0], $0xffff;
	_ =	sdelay $0x5  }
.Ltmp5:
0xa0: {  	(pc) =	sbr.rel @p1 .LBB2_8-.Ltmp5, $4  }
0xa1: {  	v7 =	vor.u32 s5, v0  }
0xa2: {  	s8 =	sand.u32 $0x3E00, s7;
	s5 =	sadd.s32 $0x10, s5;
	[tilespmem:v6+s22+$0x0] =	vst.idx.msk $0xffff, v7  }
0xa3: {  	s9 =	sand.u32 $0x70, s5;
	s8 =	sshrl.u32 s8, $0x2;
	[tilespmem:v6+s23+$0x0] =	vst.idx.msk $0xffff, v4  }
0xa4: {  	s7 =	sadd.s32 $0x40, s7;
	s8 =	sor.u32 s9, s8;
	[tilespmem:v5+s21+$0x0] =	vst.idx.add.s32.msk $0xffff, v3  }
0xa5: {  	v4 =	vld [tilespmem:s8+$0x0];
	_ =	sdelay $0x4  }
0xa6: {  	v5 =	vshrl.u32 v4, $0x7  }
0xa7: {  	v5 =	vand.u32 $0x1FFFFF0, v5  }
0xa8: {  	vm0 =	vgt.s32 v4, $0x1867F;
	v5 =	vor.u32 v0, v5  }
0xa9: {  	v5 =	vsel vm0, v2, v5;
	_ =	sdelay $0x4  }
0xaa: {  	v6 =	vld.idx.msk [tilespmem:v5+s21+$0x0], $0xffff;
	_ =	sdelay $0x6  }
0xab: {  	v7 =	vor.u32 s5, v0  }
0xac: {  	[tilespmem:v6+s22+$0x0] =	vst.idx.msk $0xffff, v7  }
0xad: {  	[tilespmem:v6+s23+$0x0] =	vst.idx.msk $0xffff, v4  }
0xae: {  	[tilespmem:v5+s21+$0x0] =	vst.idx.add.s32.msk $0xffff, v3  }
.LBB2_10:
0xaf: {  	_ =	swait.ge [sflag:s24], $0x4000  }
0xb0: {  	[sflag:s24] =	ssyncset.done $0x0  }
0xb1: {  	s25 =	sshll.u32 s10, $0x2;
	[sflag:s24] =	ssyncadd.s32 $0xFFFFC000  }
0xb2: {  	s19 =	sor.u32 $0x1, s25;
	s7 =	sld [smem:s25+$0x0]  }
0xb3: {  	s5 =	sld [smem:s19+$0x0];
	_ =	sdelay $0x2  }
0xb4: {  	s8 =	ssub.s32 s5, s7  }
0xb5: {  	s8 =	sadd.s32 $0xF, s8  }
0xb6: {  	s8 =	sshrl.u32 s8, $0x4  }
0xb7: {  	p1 =	seq.s32 s8, $0x0  }
.Ltmp6:
0xb8: {  	_ = 	snop;
	(pc) =	sbr.rel @p1 .LBB2_16-.Ltmp6, $1  }
0xb9: {  	_ =	sdelay $0x3  }
0xba: {  	p2 =	sne.s32 s8, $0x1  }
.Ltmp7:
0xbb: {  	_ = 	snop;
	(pc) =	sbr.rel @!p2 .LBB2_12-.Ltmp7, $3  }
0xbc: {  	_ =	sdelay $0x1  }
0xbd: {  	v5 =	vmov s5;
	s9 =	sshll.u32 s10, $0xD;
	v6 =	vadd.s32 s7, v0  }
0xbe: {  	s8 =	sadd.s32 $0xFFFFFFFF, s8;
	p1 =	por $0x0, $0x0;
	v4 =	vmov s9;
	vm1 =	vlt.s32 v6, v5  }
0xbf: {  	_ =	sdelay $0x4  }
0xc0: {  	v7 =	vld.idx.msk [tilespmem:v6+s23+$0x0], vm1;
	_ =	sdelay $0x4  }
0xc1: {  	v8 =	vsub.s32 v7, v4  }
0xc2: {  	v6 =	vld.idx.msk [tilespmem:v6+s22+$0x0], vm1;
	v8 =	vshll.u32 v8, $0x3  }
0xc3: {  	v7 =	vand.u32 $0x7F, v7;
	v8 =	vand.u32 $0xFFFFFC00, v8  }
0xc4: {  	v7 =	vor.u32 v7, v8;
	_ =	sdelay $0x2  }
0xc5: {  	v8 =	vshll.u32 v6, $0x3  }
0xc6: {  	v6 =	vand.u32 $0x7F, v6;
	v8 =	vand.u32 $0xFFFFFC00, v8  }
0xc7: {  	v8 =	vor.u32 v6, v8;
	v9 =	vld.idx.msk [tilespmem:v7+s16+$0x0], vm1  }
0xc8: {  	v6 =	vor.u32 $0x80, v7;
	_ =	sdelay $0x3  }
0xc9: {  	[tilespmem:v8+s6+$0x0] =	vst.idx.msk vm1, v9  }
0xca: {  	v9 =	vor.u32 $0x80, v8;
	v6 =	vld.idx.msk [tilespmem:v6+s16+$0x0], vm1  }
0xcb: {  	v10 =	vor.u32 $0x100, v7;
	_ =	sdelay $0x3  }
0xcc: {  	[tilespmem:v9+s6+$0x0] =	vst.idx.msk vm1, v6  }
0xcd: {  	v9 =	vor.u32 $0x100, v8;
	v6 =	vld.idx.msk [tilespmem:v10+s16+$0x0], vm1  }
0xce: {  	v10 =	vor.u32 $0x180, v7;
	_ =	sdelay $0x3  }
0xcf: {  	[tilespmem:v9+s6+$0x0] =	vst.idx.msk vm1, v6  }
0xd0: {  	v9 =	vor.u32 $0x180, v8;
	v6 =	vld.idx.msk [tilespmem:v10+s16+$0x0], vm1  }
0xd1: {  	v10 =	vor.u32 $0x200, v7;
	_ =	sdelay $0x3  }
0xd2: {  	[tilespmem:v9+s6+$0x0] =	vst.idx.msk vm1, v6  }
0xd3: {  	v9 =	vor.u32 $0x200, v8;
	v6 =	vld.idx.msk [tilespmem:v10+s16+$0x0], vm1  }
0xd4: {  	v10 =	vor.u32 $0x280, v7;
	_ =	sdelay $0x3  }
0xd5: {  	[tilespmem:v9+s6+$0x0] =	vst.idx.msk vm1, v6  }
0xd6: {  	v9 =	vor.u32 $0x280, v8;
	v6 =	vld.idx.msk [tilespmem:v10+s16+$0x0], vm1  }
0xd7: {  	v10 =	vor.u32 $0x300, v7;
	_ =	sdelay $0x3  }
0xd8: {  	[tilespmem:v9+s6+$0x0] =	vst.idx.msk vm1, v6  }
0xd9: {  	v9 =	vor.u32 $0x300, v8;
	v6 =	vld.idx.msk [tilespmem:v10+s16+$0x0], vm1  }
0xda: {  	p2 =	sne.s32 s8, $0x1;
	v7 =	vor.u32 $0x380, v7  }
.Ltmp8:
0xdb: {  	_ = 	snop;
	(pc) =	sbr.rel @!p2 .LBB2_15-.Ltmp8, $4  }
0xdc: {  	_ = 	snop  }
0xdd: {  	s7 =	sadd.s32 $0x10, s7  }
0xde: {  	vm0 =	vmmov vm1;
	[tilespmem:v9+s6+$0x0] =	vst.idx.msk vm1, v6;
	v6 =	vadd.s32 s7, v0  }
0xdf: {  	s8 =	sadd.s32 $0xFFFFFFFF, s8;
	p1 =	por $0x1, $0x1;
	v8 =	vor.u32 $0x380, v8;
	v7 =	vld.idx.msk [tilespmem:v7+s16+$0x0], vm1;
	vm1 =	vlt.s32 v6, v5  }
.LBB2_14:
0xe0: {  	_ =	sdelay $0x3  }
0xe1: {  	p2 =	sne.s32 s8, $0x1;
	s8 =	sadd.s32 $0xFFFFFFFF, s8;
	[tilespmem:v8+s6+$0x0] =	vst.idx.msk vm0, v7;
	vm0 =	vmmov vm1  }
0xe2: {  	v7 =	vld.idx.msk [tilespmem:v6+s23+$0x0], vm1;
	_ =	sdelay $0x5  }
0xe3: {  	v8 =	vsub.s32 v7, v4  }
0xe4: {  	v8 =	vshll.u32 v8, $0x3;
	v6 =	vld.idx.msk [tilespmem:v6+s22+$0x0], vm1  }
0xe5: {  	v7 =	vand.u32 $0x7F, v7;
	v8 =	vand.u32 $0xFFFFFC00, v8  }
0xe6: {  	v7 =	vor.u32 v7, v8;
	_ =	sdelay $0x3  }
0xe7: {  	v8 =	vshll.u32 v6, $0x3  }
0xe8: {  	v6 =	vand.u32 $0x7F, v6;
	v8 =	vand.u32 $0xFFFFFC00, v8;
	v9 =	vld.idx.msk [tilespmem:v7+s16+$0x0], vm1  }
0xe9: {  	v8 =	vor.u32 v6, v8  }
0xea: {  	v6 =	vor.u32 $0x80, v7;
	_ =	sdelay $0x3  }
0xeb: {  	[tilespmem:v8+s6+$0x0] =	vst.idx.msk vm1, v9  }
0xec: {  	v6 =	vld.idx.msk [tilespmem:v6+s16+$0x0], vm1  }
0xed: {  	v9 =	vor.u32 $0x80, v8  }
0xee: {  	v10 =	vor.u32 $0x100, v7;
	_ =	sdelay $0x3  }
0xef: {  	[tilespmem:v9+s6+$0x0] =	vst.idx.msk vm1, v6  }
0xf0: {  	v6 =	vld.idx.msk [tilespmem:v10+s16+$0x0], vm1  }
0xf1: {  	v9 =	vor.u32 $0x100, v8  }
0xf2: {  	v10 =	vor.u32 $0x180, v7;
	_ =	sdelay $0x3  }
0xf3: {  	[tilespmem:v9+s6+$0x0] =	vst.idx.msk vm0, v6  }
0xf4: {  	v6 =	vld.idx.msk [tilespmem:v10+s16+$0x0], vm0  }
0xf5: {  	v9 =	vor.u32 $0x180, v8  }
0xf6: {  	v10 =	vor.u32 $0x200, v7;
	_ =	sdelay $0x3  }
0xf7: {  	[tilespmem:v9+s6+$0x0] =	vst.idx.msk vm0, v6  }
0xf8: {  	v6 =	vld.idx.msk [tilespmem:v10+s16+$0x0], vm0  }
0xf9: {  	v9 =	vor.u32 $0x200, v8  }
0xfa: {  	v10 =	vor.u32 $0x280, v7;
	_ =	sdelay $0x3  }
0xfb: {  	[tilespmem:v9+s6+$0x0] =	vst.idx.msk vm0, v6  }
0xfc: {  	v6 =	vld.idx.msk [tilespmem:v10+s16+$0x0], vm0  }
0xfd: {  	v9 =	vor.u32 $0x280, v8  }
0xfe: {  	v10 =	vor.u32 $0x300, v7;
	_ =	sdelay $0x3  }
0xff: {  	[tilespmem:v9+s6+$0x0] =	vst.idx.msk vm0, v6  }
0x100: {  	v6 =	vld.idx.msk [tilespmem:v10+s16+$0x0], vm0  }
0x101: {  	v9 =	vor.u32 $0x300, v8  }
0x102: {  	v7 =	vor.u32 $0x380, v7;
	_ =	sdelay $0x1  }
.Ltmp9:
0x103: {  	(pc) =	sbr.rel @p2 .LBB2_14-.Ltmp9, $4  }
0x104: {  	_ = 	snop  }
0x105: {  	s7 =	sadd.s32 $0x10, s7;
	[tilespmem:v9+s6+$0x0] =	vst.idx.msk vm0, v6  }
0x106: {  	v6 =	vadd.s32 s7, v0;
	v7 =	vld.idx.msk [tilespmem:v7+s16+$0x0], vm0  }
0x107: {  	v8 =	vor.u32 $0x380, v8;
	vm1 =	vlt.s32 v6, v5  }
.LBB2_15:
0x108: {  	_ =	sdelay $0x4  }
0x109: {  	[tilespmem:v8+s6+$0x0] =	vst.idx.msk @p1 vm0, v7  }
0x10a: {  	v5 =	vld.idx.msk [tilespmem:v6+s23+$0x0], vm1;
	_ =	sdelay $0x4  }
0x10b: {  	v4 =	vsub.s32 v5, v4  }
0x10c: {  	v51 =	vld.idx.msk [tilespmem:v6+s22+$0x0], vm1;
	v4 =	vshll.u32 v4, $0x3  }
0x10d: {  	v5 =	vand.u32 $0x7F, v5;
	v4 =	vand.u32 $0xFFFFFC00, v4  }
0x10e: {  	v4 =	vor.u32 v5, v4;
	_ =	sdelay $0x2  }
0x10f: {  	v5 =	vshll.u32 v51, $0x3  }
0x110: {  	v6 =	vand.u32 $0x7F, v51;
	v5 =	vand.u32 $0xFFFFFC00, v5  }
0x111: {  	v5 =	vor.u32 v6, v5;
	v7 =	vld.idx.msk [tilespmem:v4+s16+$0x0], vm1  }
0x112: {  	v52 =	vor.u32 $0x80, v4;
	_ =	sdelay $0x3  }
0x113: {  	[tilespmem:v5+s6+$0x0] =	vst.idx.msk vm1, v7  }
0x114: {  	v53 =	vor.u32 $0x80, v5;
	v6 =	vld.idx.msk [tilespmem:v52+s16+$0x0], vm1  }
0x115: {  	v54 =	vor.u32 $0x100, v4;
	_ =	sdelay $0x3  }
0x116: {  	[tilespmem:v53+s6+$0x0] =	vst.idx.msk vm1, v6  }
0x117: {  	v55 =	vor.u32 $0x100, v5;
	v6 =	vld.idx.msk [tilespmem:v54+s16+$0x0], vm1  }
0x118: {  	v56 =	vor.u32 $0x180, v4;
	_ =	sdelay $0x3  }
0x119: {  	[tilespmem:v55+s6+$0x0] =	vst.idx.msk vm1, v6  }
0x11a: {  	v57 =	vor.u32 $0x180, v5;
	v6 =	vld.idx.msk [tilespmem:v56+s16+$0x0], vm1  }
0x11b: {  	v58 =	vor.u32 $0x200, v4;
	_ =	sdelay $0x3  }
0x11c: {  	[tilespmem:v57+s6+$0x0] =	vst.idx.msk vm1, v6  }
0x11d: {  	v59 =	vor.u32 $0x200, v5;
	v6 =	vld.idx.msk [tilespmem:v58+s16+$0x0], vm1  }
0x11e: {  	v60 =	vor.u32 $0x280, v4;
	_ =	sdelay $0x3  }
0x11f: {  	[tilespmem:v59+s6+$0x0] =	vst.idx.msk vm1, v6  }
0x120: {  	v61 =	vor.u32 $0x280, v5;
	v6 =	vld.idx.msk [tilespmem:v60+s16+$0x0], vm1  }
0x121: {  	v62 =	vor.u32 $0x300, v4;
	_ =	sdelay $0x3  }
0x122: {  	[tilespmem:v61+s6+$0x0] =	vst.idx.msk vm1, v6  }
0x123: {  	v63 =	vor.u32 $0x300, v5;
	v6 =	vld.idx.msk [tilespmem:v62+s16+$0x0], vm1  }
0x124: {  	v4 =	vor.u32 $0x380, v4;
	_ =	sdelay $0x3  }
0x125: {  	[tilespmem:v63+s6+$0x0] =	vst.idx.msk vm1, v6  }
0x126: {  	v5 =	vor.u32 $0x380, v5;
	v4 =	vld.idx.msk [tilespmem:v4+s16+$0x0], vm1;
	_ =	sdelay $0x4  }
0x127: {  	vm15 =	vmmov vm1;
	[tilespmem:v5+s6+$0x0] =	vst.idx.msk vm1, v4  }
.LBB2_16:
0x128: {  	s17 =	sadd.s32 $0x4, s25;
	p1 =	seq.s32 s10, $0xB  }
0x129: {  	s7 =	sshll.u32 @!p1 s17, $0xE  }
0x12a: {  	s7 =	sadd.s32 @!p1 s4, s7  }
0x12b: {  	s9 =	simm.s32 @!p1 $0x0;
	s7 =	sshrl.u32 @!p1 s7, $0x3  }
0x12c: {  	s8 =	simm.s32 @!p1 $0x1000;
	p2 =	sne.s32 s17, $0x30;
	s7 =	sadd.s32 @!p1 s1, s7  }
0x12d: {  	[tilespmem:s8], [sflag:$0x1] =	stream.linear.gather @!p1 [hbm4b:s7+s9], $0x4000, $0x38;
	[tilespmem:$0x1B880] =	vst v63  }
0x12e: {  	s7 =	simm.s32 @!p2 $0x0;
	s8 =	simm.s32 @!p2 $0x1000  }
0x12f: {  	[tilespmem:s8], [sflag:$0x1] =	stream.linear.gather @!p2 [hbm4b:s11+s7], $0x3400, $0x38;
	[tilespmem:$0x1B880] =	vst v63  }
0x130: {  	_ =	swait.ge [sflag:s18], $0x4000  }
0x131: {  	[sflag:s18] =	ssyncset.done $0x0  }
0x132: {  	s8 =	sor.u32 $0x2, s25;
	[sflag:s18] =	ssyncadd.s32 $0xFFFFC000  }
0x133: {  	s7 =	sld [smem:s8+$0x0];
	_ =	sdelay $0x2  }
0x134: {  	s30 =	ssub.s32 s7, s5  }
0x135: {  	s30 =	sadd.s32 $0xF, s30  }
0x136: {  	s30 =	sshrl.u32 s30, $0x4  }
0x137: {  	p2 =	seq.s32 s30, $0x0  }
.Ltmp10:
0x138: {  	_ = 	snop;
	(pc) =	sbr.rel @p2 .LBB2_22-.Ltmp10, $1  }
0x139: {  	_ =	sdelay $0x3  }
0x13a: {  	p3 =	sne.s32 s30, $0x1  }
.Ltmp11:
0x13b: {  	_ = 	snop;
	(pc) =	sbr.rel @!p3 .LBB2_18-.Ltmp11, $3  }
0x13c: {  	_ =	sdelay $0x1  }
0x13d: {  	v5 =	vmov s7;
	s19 =	sshll.u32 s19, $0xB;
	v6 =	vadd.s32 s5, v0  }
0x13e: {  	p2 =	por $0x0, $0x0;
	v4 =	vmov s19;
	s19 =	sadd.s32 $0xFFFFFFFF, s30;
	vm1 =	vlt.s32 v6, v5  }
0x13f: {  	_ =	sdelay $0x4  }
0x140: {  	v7 =	vld.idx.msk [tilespmem:v6+s23+$0x0], vm1;
	_ =	sdelay $0x4  }
0x141: {  	v8 =	vsub.s32 v7, v4  }
0x142: {  	v8 =	vshll.u32 v8, $0x3  }
0x143: {  	v6 =	vld.idx.msk [tilespmem:v6+s22+$0x0], vm1;
	v7 =	vand.u32 $0x7F, v7;
	v8 =	vand.u32 $0xFFFFFC00, v8  }
0x144: {  	v7 =	vor.u32 v7, v8  }
0x145: {  	v8 =	vadd.s32 $0x4000, v7;
	_ =	sdelay $0x2  }
0x146: {  	v9 =	vshll.u32 v6, $0x3  }
0x147: {  	v6 =	vand.u32 $0x7F, v6;
	v9 =	vand.u32 $0xFFFFFC00, v9  }
0x148: {  	v9 =	vor.u32 v6, v9;
	v8 =	vld.idx.msk [tilespmem:v8+s16+$0x0], vm1  }
0x149: {  	v6 =	vadd.s32 $0x4080, v7;
	_ =	sdelay $0x3  }
0x14a: {  	[tilespmem:v9+s6+$0x0] =	vst.idx.msk vm1, v8  }
0x14b: {  	v8 =	vor.u32 $0x80, v9;
	v6 =	vld.idx.msk [tilespmem:v6+s16+$0x0], vm1  }
0x14c: {  	v10 =	vadd.s32 $0x4100, v7;
	_ =	sdelay $0x3  }
0x14d: {  	[tilespmem:v8+s6+$0x0] =	vst.idx.msk vm1, v6  }
0x14e: {  	v8 =	vor.u32 $0x100, v9;
	v6 =	vld.idx.msk [tilespmem:v10+s16+$0x0], vm1  }
0x14f: {  	v10 =	vadd.s32 $0x4180, v7;
	_ =	sdelay $0x3  }
0x150: {  	[tilespmem:v8+s6+$0x0] =	vst.idx.msk vm1, v6  }
0x151: {  	v8 =	vor.u32 $0x180, v9;
	v6 =	vld.idx.msk [tilespmem:v10+s16+$0x0], vm1  }
0x152: {  	v10 =	vadd.s32 $0x4200, v7;
	_ =	sdelay $0x3  }
0x153: {  	[tilespmem:v8+s6+$0x0] =	vst.idx.msk vm1, v6  }
0x154: {  	v8 =	vor.u32 $0x200, v9;
	v6 =	vld.idx.msk [tilespmem:v10+s16+$0x0], vm1  }
0x155: {  	v10 =	vadd.s32 $0x4280, v7;
	_ =	sdelay $0x3  }
0x156: {  	[tilespmem:v8+s6+$0x0] =	vst.idx.msk vm1, v6  }
0x157: {  	v8 =	vor.u32 $0x280, v9;
	v6 =	vld.idx.msk [tilespmem:v10+s16+$0x0], vm1  }
0x158: {  	v10 =	vadd.s32 $0x4300, v7;
	_ =	sdelay $0x3  }
0x159: {  	[tilespmem:v8+s6+$0x0] =	vst.idx.msk vm1, v6  }
0x15a: {  	v8 =	vor.u32 $0x300, v9;
	v6 =	vld.idx.msk [tilespmem:v10+s16+$0x0], vm1  }
0x15b: {  	p3 =	sne.s32 s19, $0x1;
	v7 =	vadd.s32 $0x4380, v7  }
.Ltmp12:
0x15c: {  	_ = 	snop;
	(pc) =	sbr.rel @!p3 .LBB2_21-.Ltmp12, $4  }
0x15d: {  	_ = 	snop  }
0x15e: {  	s5 =	sadd.s32 $0x10, s5  }
0x15f: {  	vm0 =	vmmov vm1;
	[tilespmem:v8+s6+$0x0] =	vst.idx.msk vm1, v6;
	v6 =	vadd.s32 s5, v0  }
0x160: {  	s19 =	sadd.s32 $0xFFFFFFFF, s19;
	p2 =	por $0x1, $0x1;
	v8 =	vor.u32 $0x380, v9;
	v7 =	vld.idx.msk [tilespmem:v7+s16+$0x0], vm1;
	vm1 =	vlt.s32 v6, v5  }
.LBB2_20:
0x161: {  	_ =	sdelay $0x3  }
0x162: {  	p3 =	sne.s32 s19, $0x1;
	s19 =	sadd.s32 $0xFFFFFFFF, s19;
	[tilespmem:v8+s6+$0x0] =	vst.idx.msk vm0, v7;
	vm0 =	vmmov vm1  }
0x163: {  	v7 =	vld.idx.msk [tilespmem:v6+s23+$0x0], vm1;
	_ =	sdelay $0x5  }
0x164: {  	v8 =	vsub.s32 v7, v4  }
0x165: {  	v8 =	vshll.u32 v8, $0x3  }
0x166: {  	v7 =	vand.u32 $0x7F, v7;
	v8 =	vand.u32 $0xFFFFFC00, v8;
	v6 =	vld.idx.msk [tilespmem:v6+s22+$0x0], vm1  }
0x167: {  	v7 =	vor.u32 v7, v8  }
0x168: {  	v8 =	vadd.s32 $0x4000, v7;
	_ =	sdelay $0x3  }
0x169: {  	v9 =	vshll.u32 v6, $0x3  }
0x16a: {  	v6 =	vand.u32 $0x7F, v6;
	v9 =	vand.u32 $0xFFFFFC00, v9;
	v8 =	vld.idx.msk [tilespmem:v8+s16+$0x0], vm1  }
0x16b: {  	v9 =	vor.u32 v6, v9  }
0x16c: {  	v6 =	vadd.s32 $0x4080, v7;
	_ =	sdelay $0x3  }
0x16d: {  	[tilespmem:v9+s6+$0x0] =	vst.idx.msk vm1, v8  }
0x16e: {  	v6 =	vld.idx.msk [tilespmem:v6+s16+$0x0], vm1  }
0x16f: {  	v8 =	vor.u32 $0x80, v9  }
0x170: {  	v10 =	vadd.s32 $0x4100, v7;
	_ =	sdelay $0x3  }
0x171: {  	[tilespmem:v8+s6+$0x0] =	vst.idx.msk vm1, v6  }
0x172: {  	v6 =	vld.idx.msk [tilespmem:v10+s16+$0x0], vm1  }
0x173: {  	v8 =	vor.u32 $0x100, v9  }
0x174: {  	v10 =	vadd.s32 $0x4180, v7;
	_ =	sdelay $0x3  }
0x175: {  	[tilespmem:v8+s6+$0x0] =	vst.idx.msk vm0, v6  }
0x176: {  	v6 =	vld.idx.msk [tilespmem:v10+s16+$0x0], vm0  }
0x177: {  	v8 =	vor.u32 $0x180, v9  }
0x178: {  	v10 =	vadd.s32 $0x4200, v7;
	_ =	sdelay $0x3  }
0x179: {  	[tilespmem:v8+s6+$0x0] =	vst.idx.msk vm0, v6  }
0x17a: {  	v6 =	vld.idx.msk [tilespmem:v10+s16+$0x0], vm0  }
0x17b: {  	v8 =	vor.u32 $0x200, v9  }
0x17c: {  	v10 =	vadd.s32 $0x4280, v7;
	_ =	sdelay $0x3  }
0x17d: {  	[tilespmem:v8+s6+$0x0] =	vst.idx.msk vm0, v6  }
0x17e: {  	v6 =	vld.idx.msk [tilespmem:v10+s16+$0x0], vm0  }
0x17f: {  	v8 =	vor.u32 $0x280, v9  }
0x180: {  	v10 =	vadd.s32 $0x4300, v7;
	_ =	sdelay $0x3  }
0x181: {  	[tilespmem:v8+s6+$0x0] =	vst.idx.msk vm0, v6  }
0x182: {  	v6 =	vld.idx.msk [tilespmem:v10+s16+$0x0], vm0  }
0x183: {  	v8 =	vor.u32 $0x300, v9  }
0x184: {  	v7 =	vadd.s32 $0x4380, v7;
	_ =	sdelay $0x1  }
.Ltmp13:
0x185: {  	(pc) =	sbr.rel @p3 .LBB2_20-.Ltmp13, $4  }
0x186: {  	_ = 	snop  }
0x187: {  	s5 =	sadd.s32 $0x10, s5;
	[tilespmem:v8+s6+$0x0] =	vst.idx.msk vm0, v6  }
0x188: {  	v6 =	vadd.s32 s5, v0;
	v7 =	vld.idx.msk [tilespmem:v7+s16+$0x0], vm0  }
0x189: {  	v8 =	vor.u32 $0x380, v9;
	vm1 =	vlt.s32 v6, v5  }
.LBB2_21:
0x18a: {  	_ =	sdelay $0x4  }
0x18b: {  	[tilespmem:v8+s6+$0x0] =	vst.idx.msk @p2 vm0, v7  }
0x18c: {  	v5 =	vld.idx.msk [tilespmem:v6+s23+$0x0], vm1;
	_ =	sdelay $0x4  }
0x18d: {  	v4 =	vsub.s32 v5, v4  }
0x18e: {  	v4 =	vshll.u32 v4, $0x3  }
0x18f: {  	v50 =	vld.idx.msk [tilespmem:v6+s22+$0x0], vm1;
	v5 =	vand.u32 $0x7F, v5;
	v4 =	vand.u32 $0xFFFFFC00, v4  }
0x190: {  	v4 =	vor.u32 v5, v4  }
0x191: {  	v5 =	vadd.s32 $0x4000, v4;
	_ =	sdelay $0x2  }
0x192: {  	v51 =	vshll.u32 v50, $0x3  }
0x193: {  	v6 =	vand.u32 $0x7F, v50;
	v7 =	vand.u32 $0xFFFFFC00, v51  }
0x194: {  	v6 =	vor.u32 v6, v7;
	v5 =	vld.idx.msk [tilespmem:v5+s16+$0x0], vm1  }
0x195: {  	v52 =	vadd.s32 $0x4080, v4;
	_ =	sdelay $0x3  }
0x196: {  	[tilespmem:v6+s6+$0x0] =	vst.idx.msk vm1, v5  }
0x197: {  	v53 =	vor.u32 $0x80, v6;
	v5 =	vld.idx.msk [tilespmem:v52+s16+$0x0], vm1  }
0x198: {  	v54 =	vadd.s32 $0x4100, v4;
	_ =	sdelay $0x3  }
0x199: {  	[tilespmem:v53+s6+$0x0] =	vst.idx.msk vm1, v5  }
0x19a: {  	v55 =	vor.u32 $0x100, v6;
	v5 =	vld.idx.msk [tilespmem:v54+s16+$0x0], vm1  }
0x19b: {  	v56 =	vadd.s32 $0x4180, v4;
	_ =	sdelay $0x3  }
0x19c: {  	[tilespmem:v55+s6+$0x0] =	vst.idx.msk vm1, v5  }
0x19d: {  	v57 =	vor.u32 $0x180, v6;
	v5 =	vld.idx.msk [tilespmem:v56+s16+$0x0], vm1  }
0x19e: {  	v58 =	vadd.s32 $0x4200, v4;
	_ =	sdelay $0x3  }
0x19f: {  	[tilespmem:v57+s6+$0x0] =	vst.idx.msk vm1, v5  }
0x1a0: {  	v59 =	vor.u32 $0x200, v6;
	v5 =	vld.idx.msk [tilespmem:v58+s16+$0x0], vm1  }
0x1a1: {  	v60 =	vadd.s32 $0x4280, v4;
	_ =	sdelay $0x3  }
0x1a2: {  	[tilespmem:v59+s6+$0x0] =	vst.idx.msk vm1, v5  }
0x1a3: {  	v61 =	vor.u32 $0x280, v6;
	v5 =	vld.idx.msk [tilespmem:v60+s16+$0x0], vm1  }
0x1a4: {  	v62 =	vadd.s32 $0x4300, v4;
	_ =	sdelay $0x3  }
0x1a5: {  	[tilespmem:v61+s6+$0x0] =	vst.idx.msk vm1, v5  }
0x1a6: {  	v63 =	vor.u32 $0x300, v6;
	v5 =	vld.idx.msk [tilespmem:v62+s16+$0x0], vm1  }
0x1a7: {  	v4 =	vadd.s32 $0x4380, v4;
	_ =	sdelay $0x3  }
0x1a8: {  	[tilespmem:v63+s6+$0x0] =	vst.idx.msk vm1, v5  }
0x1a9: {  	v5 =	vor.u32 $0x380, v6;
	v4 =	vld.idx.msk [tilespmem:v4+s16+$0x0], vm1;
	_ =	sdelay $0x4  }
0x1aa: {  	vm15 =	vmmov vm1;
	[tilespmem:v5+s6+$0x0] =	vst.idx.msk vm1, v4  }
.LBB2_22:
0x1ab: {  	s19 =	sshll.u32 @!p1 s10, $0x10  }
0x1ac: {  	s5 =	sadd.s32 @!p1 s19, s12  }
0x1ad: {  	s5 =	sshrl.u32 @!p1 s5, $0x3  }
0x1ae: {  	s30 =	simm.s32 @!p1 $0x5000;
	s5 =	sadd.s32 @!p1 s1, s5  }
0x1af: {  	[tilespmem:s30], [sflag:$0x2] =	stream.linear.gather @!p1 [hbm4b:s5+s9], $0x4000, $0x38;
	[tilespmem:$0x1B880] =	vst v63  }
0x1b0: {  	_ =	swait.ge [sflag:s31], $0x4000  }
0x1b1: {  	[sflag:s31] =	ssyncset.done $0x0  }
0x1b2: {  	[sflag:s31] =	ssyncadd.s32 $0xFFFFC000  }
0x1b3: {  	s5 =	sld [smem:s25+$0x3];
	_ =	sdelay $0x2  }
0x1b4: {  	s30 =	ssub.s32 s5, s7  }
0x1b5: {  	s9 =	sadd.s32 $0xF, s30  }
0x1b6: {  	s9 =	sshrl.u32 s9, $0x4  }
0x1b7: {  	p2 =	seq.s32 s9, $0x0  }
.Ltmp14:
0x1b8: {  	_ = 	snop;
	(pc) =	sbr.rel @p2 .LBB2_28-.Ltmp14, $1  }
0x1b9: {  	_ =	sdelay $0x3  }
0x1ba: {  	p3 =	sne.s32 s9, $0x1  }
.Ltmp15:
0x1bb: {  	_ = 	snop;
	(pc) =	sbr.rel @!p3 .LBB2_24-.Ltmp15, $3  }
0x1bc: {  	_ =	sdelay $0x1  }
0x1bd: {  	v5 =	vmov s5;
	s8 =	sshll.u32 s8, $0xB;
	v6 =	vadd.s32 s7, v0  }
0x1be: {  	p2 =	por $0x0, $0x0;
	v4 =	vmov s8;
	s8 =	sadd.s32 $0xFFFFFFFF, s9;
	vm1 =	vlt.s32 v6, v5  }
0x1bf: {  	_ =	sdelay $0x4  }
0x1c0: {  	v7 =	vld.idx.msk [tilespmem:v6+s23+$0x0], vm1;
	_ =	sdelay $0x4  }
0x1c1: {  	v8 =	vsub.s32 v7, v4  }
0x1c2: {  	v8 =	vshll.u32 v8, $0x3  }
0x1c3: {  	v6 =	vld.idx.msk [tilespmem:v6+s22+$0x0], vm1;
	v7 =	vand.u32 $0x7F, v7;
	v8 =	vand.u32 $0xFFFFFC00, v8  }
0x1c4: {  	v7 =	vor.u32 v7, v8  }
0x1c5: {  	v8 =	vadd.s32 $0x8000, v7;
	_ =	sdelay $0x2  }
0x1c6: {  	v9 =	vshll.u32 v6, $0x3  }
0x1c7: {  	v6 =	vand.u32 $0x7F, v6;
	v9 =	vand.u32 $0xFFFFFC00, v9  }
0x1c8: {  	v9 =	vor.u32 v6, v9;
	v8 =	vld.idx.msk [tilespmem:v8+s16+$0x0], vm1  }
0x1c9: {  	v6 =	vadd.s32 $0x8080, v7;
	_ =	sdelay $0x3  }
0x1ca: {  	[tilespmem:v9+s6+$0x0] =	vst.idx.msk vm1, v8  }
0x1cb: {  	v8 =	vor.u32 $0x80, v9;
	v6 =	vld.idx.msk [tilespmem:v6+s16+$0x0], vm1  }
0x1cc: {  	v10 =	vadd.s32 $0x8100, v7;
	_ =	sdelay $0x3  }
0x1cd: {  	[tilespmem:v8+s6+$0x0] =	vst.idx.msk vm1, v6  }
0x1ce: {  	v8 =	vor.u32 $0x100, v9;
	v6 =	vld.idx.msk [tilespmem:v10+s16+$0x0], vm1  }
0x1cf: {  	v10 =	vadd.s32 $0x8180, v7;
	_ =	sdelay $0x3  }
0x1d0: {  	[tilespmem:v8+s6+$0x0] =	vst.idx.msk vm1, v6  }
0x1d1: {  	v8 =	vor.u32 $0x180, v9;
	v6 =	vld.idx.msk [tilespmem:v10+s16+$0x0], vm1  }
0x1d2: {  	v10 =	vadd.s32 $0x8200, v7;
	_ =	sdelay $0x3  }
0x1d3: {  	[tilespmem:v8+s6+$0x0] =	vst.idx.msk vm1, v6  }
0x1d4: {  	v8 =	vor.u32 $0x200, v9;
	v6 =	vld.idx.msk [tilespmem:v10+s16+$0x0], vm1  }
0x1d5: {  	v10 =	vadd.s32 $0x8280, v7;
	_ =	sdelay $0x3  }
0x1d6: {  	[tilespmem:v8+s6+$0x0] =	vst.idx.msk vm1, v6  }
0x1d7: {  	v8 =	vor.u32 $0x280, v9;
	v6 =	vld.idx.msk [tilespmem:v10+s16+$0x0], vm1  }
0x1d8: {  	v10 =	vadd.s32 $0x8300, v7;
	_ =	sdelay $0x3  }
0x1d9: {  	[tilespmem:v8+s6+$0x0] =	vst.idx.msk vm1, v6  }
0x1da: {  	v8 =	vor.u32 $0x300, v9;
	v6 =	vld.idx.msk [tilespmem:v10+s16+$0x0], vm1  }
0x1db: {  	p3 =	sne.s32 s8, $0x1;
	v7 =	vadd.s32 $0x8380, v7  }
.Ltmp16:
0x1dc: {  	_ = 	snop;
	(pc) =	sbr.rel @!p3 .LBB2_27-.Ltmp16, $4  }
0x1dd: {  	_ = 	snop  }
0x1de: {  	s7 =	sadd.s32 $0x10, s7  }
0x1df: {  	vm0 =	vmmov vm1;
	[tilespmem:v8+s6+$0x0] =	vst.idx.msk vm1, v6;
	v6 =	vadd.s32 s7, v0  }
0x1e0: {  	s8 =	sadd.s32 $0xFFFFFFFF, s8;
	p2 =	por $0x1, $0x1;
	v8 =	vor.u32 $0x380, v9;
	v7 =	vld.idx.msk [tilespmem:v7+s16+$0x0], vm1;
	vm1 =	vlt.s32 v6, v5  }
.LBB2_26:
0x1e1: {  	_ =	sdelay $0x3  }
0x1e2: {  	p3 =	sne.s32 s8, $0x1;
	s8 =	sadd.s32 $0xFFFFFFFF, s8;
	[tilespmem:v8+s6+$0x0] =	vst.idx.msk vm0, v7;
	vm0 =	vmmov vm1  }
0x1e3: {  	v7 =	vld.idx.msk [tilespmem:v6+s23+$0x0], vm1;
	_ =	sdelay $0x5  }
0x1e4: {  	v8 =	vsub.s32 v7, v4  }
0x1e5: {  	v8 =	vshll.u32 v8, $0x3  }
0x1e6: {  	v7 =	vand.u32 $0x7F, v7;
	v8 =	vand.u32 $0xFFFFFC00, v8;
	v6 =	vld.idx.msk [tilespmem:v6+s22+$0x0], vm1  }
0x1e7: {  	v7 =	vor.u32 v7, v8  }
0x1e8: {  	v8 =	vadd.s32 $0x8000, v7;
	_ =	sdelay $0x3  }
0x1e9: {  	v9 =	vshll.u32 v6, $0x3  }
0x1ea: {  	v6 =	vand.u32 $0x7F, v6;
	v9 =	vand.u32 $0xFFFFFC00, v9;
	v8 =	vld.idx.msk [tilespmem:v8+s16+$0x0], vm1  }
0x1eb: {  	v9 =	vor.u32 v6, v9  }
0x1ec: {  	v6 =	vadd.s32 $0x8080, v7;
	_ =	sdelay $0x3  }
0x1ed: {  	[tilespmem:v9+s6+$0x0] =	vst.idx.msk vm1, v8  }
0x1ee: {  	v6 =	vld.idx.msk [tilespmem:v6+s16+$0x0], vm1  }
0x1ef: {  	v8 =	vor.u32 $0x80, v9  }
0x1f0: {  	v10 =	vadd.s32 $0x8100, v7;
	_ =	sdelay $0x3  }
0x1f1: {  	[tilespmem:v8+s6+$0x0] =	vst.idx.msk vm1, v6  }
0x1f2: {  	v6 =	vld.idx.msk [tilespmem:v10+s16+$0x0], vm1  }
0x1f3: {  	v8 =	vor.u32 $0x100, v9  }
0x1f4: {  	v10 =	vadd.s32 $0x8180, v7;
	_ =	sdelay $0x3  }
0x1f5: {  	[tilespmem:v8+s6+$0x0] =	vst.idx.msk vm0, v6  }
0x1f6: {  	v6 =	vld.idx.msk [tilespmem:v10+s16+$0x0], vm0  }
0x1f7: {  	v8 =	vor.u32 $0x180, v9  }
0x1f8: {  	v10 =	vadd.s32 $0x8200, v7;
	_ =	sdelay $0x3  }
0x1f9: {  	[tilespmem:v8+s6+$0x0] =	vst.idx.msk vm0, v6  }
0x1fa: {  	v6 =	vld.idx.msk [tilespmem:v10+s16+$0x0], vm0  }
0x1fb: {  	v8 =	vor.u32 $0x200, v9  }
0x1fc: {  	v10 =	vadd.s32 $0x8280, v7;
	_ =	sdelay $0x3  }
0x1fd: {  	[tilespmem:v8+s6+$0x0] =	vst.idx.msk vm0, v6  }
0x1fe: {  	v6 =	vld.idx.msk [tilespmem:v10+s16+$0x0], vm0  }
0x1ff: {  	v8 =	vor.u32 $0x280, v9  }
0x200: {  	v10 =	vadd.s32 $0x8300, v7;
	_ =	sdelay $0x3  }
0x201: {  	[tilespmem:v8+s6+$0x0] =	vst.idx.msk vm0, v6  }
0x202: {  	v6 =	vld.idx.msk [tilespmem:v10+s16+$0x0], vm0  }
0x203: {  	v8 =	vor.u32 $0x300, v9  }
0x204: {  	v7 =	vadd.s32 $0x8380, v7;
	_ =	sdelay $0x1  }
.Ltmp17:
0x205: {  	(pc) =	sbr.rel @p3 .LBB2_26-.Ltmp17, $4  }
0x206: {  	_ = 	snop  }
0x207: {  	s7 =	sadd.s32 $0x10, s7;
	[tilespmem:v8+s6+$0x0] =	vst.idx.msk vm0, v6  }
0x208: {  	v6 =	vadd.s32 s7, v0;
	v7 =	vld.idx.msk [tilespmem:v7+s16+$0x0], vm0  }
0x209: {  	v8 =	vor.u32 $0x380, v9;
	vm1 =	vlt.s32 v6, v5  }
.LBB2_27:
0x20a: {  	_ =	sdelay $0x4  }
0x20b: {  	[tilespmem:v8+s6+$0x0] =	vst.idx.msk @p2 vm0, v7  }
0x20c: {  	v5 =	vld.idx.msk [tilespmem:v6+s23+$0x0], vm1;
	_ =	sdelay $0x4  }
0x20d: {  	v4 =	vsub.s32 v5, v4  }
0x20e: {  	v4 =	vshll.u32 v4, $0x3  }
0x20f: {  	v50 =	vld.idx.msk [tilespmem:v6+s22+$0x0], vm1;
	v5 =	vand.u32 $0x7F, v5;
	v4 =	vand.u32 $0xFFFFFC00, v4  }
0x210: {  	v4 =	vor.u32 v5, v4  }
0x211: {  	v5 =	vadd.s32 $0x8000, v4;
	_ =	sdelay $0x2  }
0x212: {  	v51 =	vshll.u32 v50, $0x3  }
0x213: {  	v6 =	vand.u32 $0x7F, v50;
	v7 =	vand.u32 $0xFFFFFC00, v51  }
0x214: {  	v6 =	vor.u32 v6, v7;
	v5 =	vld.idx.msk [tilespmem:v5+s16+$0x0], vm1  }
0x215: {  	v52 =	vadd.s32 $0x8080, v4;
	_ =	sdelay $0x3  }
0x216: {  	[tilespmem:v6+s6+$0x0] =	vst.idx.msk vm1, v5  }
0x217: {  	v53 =	vor.u32 $0x80, v6;
	v5 =	vld.idx.msk [tilespmem:v52+s16+$0x0], vm1  }
0x218: {  	v54 =	vadd.s32 $0x8100, v4;
	_ =	sdelay $0x3  }
0x219: {  	[tilespmem:v53+s6+$0x0] =	vst.idx.msk vm1, v5  }
0x21a: {  	v55 =	vor.u32 $0x100, v6;
	v5 =	vld.idx.msk [tilespmem:v54+s16+$0x0], vm1  }
0x21b: {  	v56 =	vadd.s32 $0x8180, v4;
	_ =	sdelay $0x3  }
0x21c: {  	[tilespmem:v55+s6+$0x0] =	vst.idx.msk vm1, v5  }
0x21d: {  	v57 =	vor.u32 $0x180, v6;
	v5 =	vld.idx.msk [tilespmem:v56+s16+$0x0], vm1  }
0x21e: {  	v58 =	vadd.s32 $0x8200, v4;
	_ =	sdelay $0x3  }
0x21f: {  	[tilespmem:v57+s6+$0x0] =	vst.idx.msk vm1, v5  }
0x220: {  	v59 =	vor.u32 $0x200, v6;
	v5 =	vld.idx.msk [tilespmem:v58+s16+$0x0], vm1  }
0x221: {  	v60 =	vadd.s32 $0x8280, v4;
	_ =	sdelay $0x3  }
0x222: {  	[tilespmem:v59+s6+$0x0] =	vst.idx.msk vm1, v5  }
0x223: {  	v61 =	vor.u32 $0x280, v6;
	v5 =	vld.idx.msk [tilespmem:v60+s16+$0x0], vm1  }
0x224: {  	v62 =	vadd.s32 $0x8300, v4;
	_ =	sdelay $0x3  }
0x225: {  	[tilespmem:v61+s6+$0x0] =	vst.idx.msk vm1, v5  }
0x226: {  	v63 =	vor.u32 $0x300, v6;
	v5 =	vld.idx.msk [tilespmem:v62+s16+$0x0], vm1  }
0x227: {  	v4 =	vadd.s32 $0x8380, v4;
	_ =	sdelay $0x3  }
0x228: {  	[tilespmem:v63+s6+$0x0] =	vst.idx.msk vm1, v5  }
0x229: {  	v5 =	vor.u32 $0x380, v6;
	v4 =	vld.idx.msk [tilespmem:v4+s16+$0x0], vm1;
	_ =	sdelay $0x4  }
0x22a: {  	vm15 =	vmmov vm1;
	[tilespmem:v5+s6+$0x0] =	vst.idx.msk vm1, v4  }
.LBB2_28:
0x22b: {  	s7 =	sadd.s32 @!p1 s19, s13  }
0x22c: {  	s7 =	sshrl.u32 @!p1 s7, $0x3  }
0x22d: {  	s8 =	simm.s32 @!p1 $0x0;
	s9 =	simm.s32 @!p1 $0x9000;
	s7 =	sadd.s32 @!p1 s1, s7  }
0x22e: {  	[tilespmem:s9], [sflag:$0x3] =	stream.linear.gather @!p1 [hbm4b:s7+s8], $0x4000, $0x38;
	[tilespmem:$0x1B880] =	vst v63  }
0x22f: {  	_ =	swait.ge [sflag:s2], $0x4000  }
0x230: {  	[sflag:s2] =	ssyncset.done $0x0  }
0x231: {  	[sflag:s2] =	ssyncadd.s32 $0xFFFFC000  }
0x232: {  	s8 =	sld [smem:s17+$0x0];
	_ =	sdelay $0x2  }
0x233: {  	s30 =	ssub.s32 s8, s5  }
0x234: {  	s7 =	sadd.s32 $0xF, s30  }
0x235: {  	s7 =	sshrl.u32 s7, $0x4  }
0x236: {  	p2 =	seq.s32 s7, $0x0  }
.Ltmp18:
0x237: {  	_ = 	snop;
	(pc) =	sbr.rel @p2 .LBB2_34-.Ltmp18, $1  }
0x238: {  	_ =	sdelay $0x3  }
0x239: {  	p3 =	sne.s32 s7, $0x1  }
.Ltmp19:
0x23a: {  	_ = 	snop;
	(pc) =	sbr.rel @!p3 .LBB2_30-.Ltmp19, $4  }
0x23b: {  	_ = 	snop  }
0x23c: {  	s9 =	sshll.u32 s10, $0xD  }
0x23d: {  	v5 =	vmov s8;
	v6 =	vadd.s32 s5, v0;
	s30 =	sor.u32 $0x1800, s9  }
0x23e: {  	s7 =	sadd.s32 $0xFFFFFFFF, s7;
	p2 =	por $0x0, $0x0;
	vm1 =	vlt.s32 v6, v5;
	v4 =	vmov s30  }
0x23f: {  	_ =	sdelay $0x4  }
0x240: {  	v7 =	vld.idx.msk [tilespmem:v6+s23+$0x0], vm1;
	_ =	sdelay $0x4  }
0x241: {  	v8 =	vsub.s32 v7, v4  }
0x242: {  	v8 =	vshll.u32 v8, $0x3  }
0x243: {  	v6 =	vld.idx.msk [tilespmem:v6+s22+$0x0], vm1;
	v7 =	vand.u32 $0x7F, v7;
	v8 =	vand.u32 $0xFFFFFC00, v8  }
0x244: {  	v7 =	vor.u32 v7, v8  }
0x245: {  	v8 =	vadd.s32 $0xC000, v7;
	_ =	sdelay $0x2  }
0x246: {  	v9 =	vshll.u32 v6, $0x3  }
0x247: {  	v6 =	vand.u32 $0x7F, v6;
	v9 =	vand.u32 $0xFFFFFC00, v9  }
0x248: {  	v9 =	vor.u32 v6, v9;
	v8 =	vld.idx.msk [tilespmem:v8+s16+$0x0], vm1  }
0x249: {  	v6 =	vadd.s32 $0xC080, v7;
	_ =	sdelay $0x3  }
0x24a: {  	[tilespmem:v9+s6+$0x0] =	vst.idx.msk vm1, v8  }
0x24b: {  	v8 =	vor.u32 $0x80, v9;
	v6 =	vld.idx.msk [tilespmem:v6+s16+$0x0], vm1  }
0x24c: {  	v10 =	vadd.s32 $0xC100, v7;
	_ =	sdelay $0x3  }
0x24d: {  	[tilespmem:v8+s6+$0x0] =	vst.idx.msk vm1, v6  }
0x24e: {  	v8 =	vor.u32 $0x100, v9;
	v6 =	vld.idx.msk [tilespmem:v10+s16+$0x0], vm1  }
0x24f: {  	v10 =	vadd.s32 $0xC180, v7;
	_ =	sdelay $0x3  }
0x250: {  	[tilespmem:v8+s6+$0x0] =	vst.idx.msk vm1, v6  }
0x251: {  	v8 =	vor.u32 $0x180, v9;
	v6 =	vld.idx.msk [tilespmem:v10+s16+$0x0], vm1  }
0x252: {  	v10 =	vadd.s32 $0xC200, v7;
	_ =	sdelay $0x3  }
0x253: {  	[tilespmem:v8+s6+$0x0] =	vst.idx.msk vm1, v6  }
0x254: {  	v8 =	vor.u32 $0x200, v9;
	v6 =	vld.idx.msk [tilespmem:v10+s16+$0x0], vm1  }
0x255: {  	v10 =	vadd.s32 $0xC280, v7;
	_ =	sdelay $0x3  }
0x256: {  	[tilespmem:v8+s6+$0x0] =	vst.idx.msk vm1, v6  }
0x257: {  	v8 =	vor.u32 $0x280, v9;
	v6 =	vld.idx.msk [tilespmem:v10+s16+$0x0], vm1  }
0x258: {  	v10 =	vadd.s32 $0xC300, v7;
	_ =	sdelay $0x3  }
0x259: {  	[tilespmem:v8+s6+$0x0] =	vst.idx.msk vm1, v6  }
0x25a: {  	v8 =	vor.u32 $0x300, v9;
	v6 =	vld.idx.msk [tilespmem:v10+s16+$0x0], vm1  }
0x25b: {  	p3 =	sne.s32 s7, $0x1;
	v7 =	vadd.s32 $0xC380, v7  }
.Ltmp20:
0x25c: {  	_ = 	snop;
	(pc) =	sbr.rel @!p3 .LBB2_33-.Ltmp20, $4  }
0x25d: {  	_ = 	snop  }
0x25e: {  	s5 =	sadd.s32 $0x10, s5  }
0x25f: {  	vm0 =	vmmov vm1;
	[tilespmem:v8+s6+$0x0] =	vst.idx.msk vm1, v6;
	v6 =	vadd.s32 s5, v0  }
0x260: {  	s7 =	sadd.s32 $0xFFFFFFFF, s7;
	p2 =	por $0x1, $0x1;
	v8 =	vor.u32 $0x380, v9;
	v7 =	vld.idx.msk [tilespmem:v7+s16+$0x0], vm1;
	vm1 =	vlt.s32 v6, v5  }
.LBB2_32:
0x261: {  	_ =	sdelay $0x3  }
0x262: {  	p3 =	sne.s32 s7, $0x1;
	s7 =	sadd.s32 $0xFFFFFFFF, s7;
	[tilespmem:v8+s6+$0x0] =	vst.idx.msk vm0, v7;
	vm0 =	vmmov vm1  }
0x263: {  	v7 =	vld.idx.msk [tilespmem:v6+s23+$0x0], vm1;
	_ =	sdelay $0x5  }
0x264: {  	v8 =	vsub.s32 v7, v4  }
0x265: {  	v8 =	vshll.u32 v8, $0x3  }
0x266: {  	v7 =	vand.u32 $0x7F, v7;
	v8 =	vand.u32 $0xFFFFFC00, v8;
	v6 =	vld.idx.msk [tilespmem:v6+s22+$0x0], vm1  }
0x267: {  	v7 =	vor.u32 v7, v8  }
0x268: {  	v8 =	vadd.s32 $0xC000, v7;
	_ =	sdelay $0x3  }
0x269: {  	v9 =	vshll.u32 v6, $0x3  }
0x26a: {  	v6 =	vand.u32 $0x7F, v6;
	v9 =	vand.u32 $0xFFFFFC00, v9;
	v8 =	vld.idx.msk [tilespmem:v8+s16+$0x0], vm1  }
0x26b: {  	v9 =	vor.u32 v6, v9  }
0x26c: {  	v6 =	vadd.s32 $0xC080, v7;
	_ =	sdelay $0x3  }
0x26d: {  	[tilespmem:v9+s6+$0x0] =	vst.idx.msk vm1, v8  }
0x26e: {  	v6 =	vld.idx.msk [tilespmem:v6+s16+$0x0], vm1  }
0x26f: {  	v8 =	vor.u32 $0x80, v9  }
0x270: {  	v10 =	vadd.s32 $0xC100, v7;
	_ =	sdelay $0x3  }
0x271: {  	[tilespmem:v8+s6+$0x0] =	vst.idx.msk vm1, v6  }
0x272: {  	v6 =	vld.idx.msk [tilespmem:v10+s16+$0x0], vm1  }
0x273: {  	v8 =	vor.u32 $0x100, v9  }
0x274: {  	v10 =	vadd.s32 $0xC180, v7;
	_ =	sdelay $0x3  }
0x275: {  	[tilespmem:v8+s6+$0x0] =	vst.idx.msk vm0, v6  }
0x276: {  	v6 =	vld.idx.msk [tilespmem:v10+s16+$0x0], vm0  }
0x277: {  	v8 =	vor.u32 $0x180, v9  }
0x278: {  	v10 =	vadd.s32 $0xC200, v7;
	_ =	sdelay $0x3  }
0x279: {  	[tilespmem:v8+s6+$0x0] =	vst.idx.msk vm0, v6  }
0x27a: {  	v6 =	vld.idx.msk [tilespmem:v10+s16+$0x0], vm0  }
0x27b: {  	v8 =	vor.u32 $0x200, v9  }
0x27c: {  	v10 =	vadd.s32 $0xC280, v7;
	_ =	sdelay $0x3  }
0x27d: {  	[tilespmem:v8+s6+$0x0] =	vst.idx.msk vm0, v6  }
0x27e: {  	v6 =	vld.idx.msk [tilespmem:v10+s16+$0x0], vm0  }
0x27f: {  	v8 =	vor.u32 $0x280, v9  }
0x280: {  	v10 =	vadd.s32 $0xC300, v7;
	_ =	sdelay $0x3  }
0x281: {  	[tilespmem:v8+s6+$0x0] =	vst.idx.msk vm0, v6  }
0x282: {  	v6 =	vld.idx.msk [tilespmem:v10+s16+$0x0], vm0  }
0x283: {  	v8 =	vor.u32 $0x300, v9  }
0x284: {  	v7 =	vadd.s32 $0xC380, v7;
	_ =	sdelay $0x1  }
.Ltmp21:
0x285: {  	(pc) =	sbr.rel @p3 .LBB2_32-.Ltmp21, $4  }
0x286: {  	_ = 	snop  }
0x287: {  	s5 =	sadd.s32 $0x10, s5;
	[tilespmem:v8+s6+$0x0] =	vst.idx.msk vm0, v6  }
0x288: {  	v6 =	vadd.s32 s5, v0;
	v7 =	vld.idx.msk [tilespmem:v7+s16+$0x0], vm0  }
0x289: {  	v8 =	vor.u32 $0x380, v9;
	vm1 =	vlt.s32 v6, v5  }
.LBB2_33:
0x28a: {  	_ =	sdelay $0x4  }
0x28b: {  	[tilespmem:v8+s6+$0x0] =	vst.idx.msk @p2 vm0, v7  }
0x28c: {  	v5 =	vld.idx.msk [tilespmem:v6+s23+$0x0], vm1;
	_ =	sdelay $0x4  }
0x28d: {  	v4 =	vsub.s32 v5, v4  }
0x28e: {  	v4 =	vshll.u32 v4, $0x3  }
0x28f: {  	v50 =	vld.idx.msk [tilespmem:v6+s22+$0x0], vm1;
	v5 =	vand.u32 $0x7F, v5;
	v4 =	vand.u32 $0xFFFFFC00, v4  }
0x290: {  	v4 =	vor.u32 v5, v4  }
0x291: {  	v5 =	vadd.s32 $0xC000, v4;
	_ =	sdelay $0x2  }
0x292: {  	v51 =	vshll.u32 v50, $0x3  }
0x293: {  	v6 =	vand.u32 $0x7F, v50;
	v7 =	vand.u32 $0xFFFFFC00, v51  }
0x294: {  	v6 =	vor.u32 v6, v7;
	v5 =	vld.idx.msk [tilespmem:v5+s16+$0x0], vm1  }
0x295: {  	v52 =	vadd.s32 $0xC080, v4;
	_ =	sdelay $0x3  }
0x296: {  	[tilespmem:v6+s6+$0x0] =	vst.idx.msk vm1, v5  }
0x297: {  	v53 =	vor.u32 $0x80, v6;
	v5 =	vld.idx.msk [tilespmem:v52+s16+$0x0], vm1  }
0x298: {  	v54 =	vadd.s32 $0xC100, v4;
	_ =	sdelay $0x3  }
0x299: {  	[tilespmem:v53+s6+$0x0] =	vst.idx.msk vm1, v5  }
0x29a: {  	v55 =	vor.u32 $0x100, v6;
	v5 =	vld.idx.msk [tilespmem:v54+s16+$0x0], vm1  }
0x29b: {  	v56 =	vadd.s32 $0xC180, v4;
	_ =	sdelay $0x3  }
0x29c: {  	[tilespmem:v55+s6+$0x0] =	vst.idx.msk vm1, v5  }
0x29d: {  	v57 =	vor.u32 $0x180, v6;
	v5 =	vld.idx.msk [tilespmem:v56+s16+$0x0], vm1  }
0x29e: {  	v58 =	vadd.s32 $0xC200, v4;
	_ =	sdelay $0x3  }
0x29f: {  	[tilespmem:v57+s6+$0x0] =	vst.idx.msk vm1, v5  }
0x2a0: {  	v59 =	vor.u32 $0x200, v6;
	v5 =	vld.idx.msk [tilespmem:v58+s16+$0x0], vm1  }
0x2a1: {  	v60 =	vadd.s32 $0xC280, v4;
	_ =	sdelay $0x3  }
0x2a2: {  	[tilespmem:v59+s6+$0x0] =	vst.idx.msk vm1, v5  }
0x2a3: {  	v61 =	vor.u32 $0x280, v6;
	v5 =	vld.idx.msk [tilespmem:v60+s16+$0x0], vm1  }
0x2a4: {  	v62 =	vadd.s32 $0xC300, v4;
	_ =	sdelay $0x3  }
0x2a5: {  	[tilespmem:v61+s6+$0x0] =	vst.idx.msk vm1, v5  }
0x2a6: {  	v63 =	vor.u32 $0x300, v6;
	v5 =	vld.idx.msk [tilespmem:v62+s16+$0x0], vm1  }
0x2a7: {  	v4 =	vadd.s32 $0xC380, v4;
	_ =	sdelay $0x3  }
0x2a8: {  	[tilespmem:v63+s6+$0x0] =	vst.idx.msk vm1, v5  }
0x2a9: {  	v5 =	vor.u32 $0x380, v6;
	v4 =	vld.idx.msk [tilespmem:v4+s16+$0x0], vm1;
	_ =	sdelay $0x4  }
0x2aa: {  	vm15 =	vmmov vm1;
	[tilespmem:v5+s6+$0x0] =	vst.idx.msk vm1, v4  }
.LBB2_34:
.Ltmp22:
0x2ab: {  	(pc) =	sbr.rel @p1 .LBB2_36-.Ltmp22, $1  }
0x2ac: {  	_ =	sdelay $0x3  }
.Ltmp23:
0x2ad: {  	s5 =	sshll.u32 s10, $0x10;
	(pc) =	sbr.rel .LBB2_10-.Ltmp23, $4  }
0x2ae: {  	s5 =	sadd.s32 s5, s15  }
0x2af: {  	s5 =	sshrl.u32 s5, $0x3  }
0x2b0: {  	s10 =	sadd.s32 $0x1, s10;
	s5 =	sadd.s32 s1, s5  }
0x2b1: {  	[tilespmem:s0], [sflag:$0x4] =	stream.linear.gather [hbm4b:s5+s3], $0x4000, $0x38;
	[tilespmem:$0x1B880] =	vst v63  }
.LBB2_12:
.Ltmp24:
0x2b2: {  	(pc) =	sbr.rel .LBB2_15-.Ltmp24, $2  }
0x2b3: {  	_ =	sdelay $0x2  }
0x2b4: {  	_ = 	snop  }
.LBB2_18:
.Ltmp25:
0x2b5: {  	(pc) =	sbr.rel .LBB2_21-.Ltmp25, $2  }
0x2b6: {  	_ =	sdelay $0x2  }
0x2b7: {  	_ = 	snop  }
.LBB2_24:
.Ltmp26:
0x2b8: {  	(pc) =	sbr.rel .LBB2_27-.Ltmp26, $2  }
0x2b9: {  	_ =	sdelay $0x2  }
0x2ba: {  	_ = 	snop  }
.LBB2_30:
.Ltmp27:
0x2bb: {  	(pc) =	sbr.rel .LBB2_33-.Ltmp27, $2  }
0x2bc: {  	_ =	sdelay $0x2  }
0x2bd: {  	_ = 	snop  }
.LBB2_36:
0x2be: {  	_ =	swait.ge [sflag:s24], $0x3400  }
0x2bf: {  	[sflag:s24] =	ssyncset.done $0x0  }
0x2c0: {  	[sflag:s24] =	ssyncadd.s32 $0xFFFFCC00  }
0x2c1: {  	s7 =	sld [smem:$0x30]  }
0x2c2: {  	s5 =	sld [smem:$0x31];
	_ =	sdelay $0x2  }
0x2c3: {  	s8 =	ssub.s32 s5, s7  }
0x2c4: {  	s8 =	sadd.s32 $0xF, s8  }
0x2c5: {  	s8 =	sshrl.u32 s8, $0x4  }
0x2c6: {  	p1 =	seq.s32 s8, $0x0  }
.Ltmp28:
0x2c7: {  	_ = 	snop;
	(pc) =	sbr.rel @p1 .LBB2_42-.Ltmp28, $1  }
0x2c8: {  	_ =	sdelay $0x3  }
0x2c9: {  	p2 =	sne.s32 s8, $0x1  }
.Ltmp29:
0x2ca: {  	_ = 	snop;
	(pc) =	sbr.rel @!p2 .LBB2_38-.Ltmp29, $3  }
0x2cb: {  	_ =	sdelay $0x1  }
0x2cc: {  	v4 =	vmov s5;
	v5 =	vadd.s32 s7, v0  }
0x2cd: {  	s8 =	sadd.s32 $0xFFFFFFFF, s8;
	p1 =	por $0x0, $0x0;
	vm1 =	vlt.s32 v5, v4  }
0x2ce: {  	_ =	sdelay $0x4  }
0x2cf: {  	v6 =	vld.idx.msk [tilespmem:v5+s23+$0x0], vm1;
	_ =	sdelay $0x4  }
0x2d0: {  	v7 =	vshll.u32 v6, $0x3  }
0x2d1: {  	v5 =	vld.idx.msk [tilespmem:v5+s22+$0x0], vm1;
	v6 =	vand.u32 $0x7F, v6;
	v7 =	vand.u32 $0xFFFFFC00, v7  }
0x2d2: {  	v6 =	vor.u32 v6, v7  }
0x2d3: {  	v7 =	vadd.s32 $0xFFF40000, v6;
	_ =	sdelay $0x2  }
0x2d4: {  	v8 =	vshll.u32 v5, $0x3  }
0x2d5: {  	v5 =	vand.u32 $0x7F, v5;
	v8 =	vand.u32 $0xFFFFFC00, v8  }
0x2d6: {  	v8 =	vor.u32 v5, v8;
	v7 =	vld.idx.msk [tilespmem:v7+s16+$0x0], vm1  }
0x2d7: {  	v5 =	vadd.s32 $0xFFF40080, v6;
	_ =	sdelay $0x3  }
0x2d8: {  	[tilespmem:v8+s6+$0x0] =	vst.idx.msk vm1, v7  }
0x2d9: {  	v7 =	vor.u32 $0x80, v8;
	v5 =	vld.idx.msk [tilespmem:v5+s16+$0x0], vm1  }
0x2da: {  	v9 =	vadd.s32 $0xFFF40100, v6;
	_ =	sdelay $0x3  }
0x2db: {  	[tilespmem:v7+s6+$0x0] =	vst.idx.msk vm1, v5  }
0x2dc: {  	v7 =	vor.u32 $0x100, v8;
	v5 =	vld.idx.msk [tilespmem:v9+s16+$0x0], vm1  }
0x2dd: {  	v60 =	vadd.s32 $0xFFF40180, v6;
	_ =	sdelay $0x3  }
0x2de: {  	[tilespmem:v7+s6+$0x0] =	vst.idx.msk vm1, v5  }
0x2df: {  	v7 =	vor.u32 $0x180, v8;
	v5 =	vld.idx.msk [tilespmem:v60+s16+$0x0], vm1  }
0x2e0: {  	v61 =	vadd.s32 $0xFFF40200, v6;
	_ =	sdelay $0x3  }
0x2e1: {  	[tilespmem:v7+s6+$0x0] =	vst.idx.msk vm1, v5  }
0x2e2: {  	v7 =	vor.u32 $0x200, v8;
	v5 =	vld.idx.msk [tilespmem:v61+s16+$0x0], vm1  }
0x2e3: {  	v62 =	vadd.s32 $0xFFF40280, v6;
	_ =	sdelay $0x3  }
0x2e4: {  	[tilespmem:v7+s6+$0x0] =	vst.idx.msk vm1, v5  }
0x2e5: {  	v7 =	vor.u32 $0x280, v8;
	v5 =	vld.idx.msk [tilespmem:v62+s16+$0x0], vm1  }
0x2e6: {  	v63 =	vadd.s32 $0xFFF40300, v6;
	_ =	sdelay $0x3  }
0x2e7: {  	[tilespmem:v7+s6+$0x0] =	vst.idx.msk vm1, v5  }
0x2e8: {  	v7 =	vor.u32 $0x300, v8;
	v5 =	vld.idx.msk [tilespmem:v63+s16+$0x0], vm1  }
0x2e9: {  	p2 =	sne.s32 s8, $0x1;
	v6 =	vadd.s32 $0xFFF40380, v6  }
.Ltmp30:
0x2ea: {  	_ = 	snop;
	(pc) =	sbr.rel @!p2 .LBB2_41-.Ltmp30, $4  }
0x2eb: {  	_ = 	snop  }
0x2ec: {  	s7 =	sadd.s32 $0x10, s7  }
0x2ed: {  	vm0 =	vmmov vm1;
	[tilespmem:v7+s6+$0x0] =	vst.idx.msk vm1, v5;
	v5 =	vadd.s32 s7, v0  }
0x2ee: {  	s8 =	sadd.s32 $0xFFFFFFFF, s8;
	p1 =	por $0x1, $0x1;
	v7 =	vor.u32 $0x380, v8;
	v6 =	vld.idx.msk [tilespmem:v6+s16+$0x0], vm1;
	vm1 =	vlt.s32 v5, v4  }
.LBB2_40:
0x2ef: {  	_ =	sdelay $0x3  }
0x2f0: {  	p2 =	sne.s32 s8, $0x1;
	s8 =	sadd.s32 $0xFFFFFFFF, s8;
	[tilespmem:v7+s6+$0x0] =	vst.idx.msk vm0, v6;
	vm0 =	vmmov vm1  }
0x2f1: {  	v6 =	vld.idx.msk [tilespmem:v5+s23+$0x0], vm1;
	_ =	sdelay $0x5  }
0x2f2: {  	v7 =	vshll.u32 v6, $0x3  }
0x2f3: {  	v6 =	vand.u32 $0x7F, v6;
	v7 =	vand.u32 $0xFFFFFC00, v7;
	v5 =	vld.idx.msk [tilespmem:v5+s22+$0x0], vm1  }
0x2f4: {  	v6 =	vor.u32 v6, v7  }
0x2f5: {  	v7 =	vadd.s32 $0xFFF40000, v6;
	_ =	sdelay $0x3  }
0x2f6: {  	v8 =	vshll.u32 v5, $0x3  }
0x2f7: {  	v5 =	vand.u32 $0x7F, v5;
	v8 =	vand.u32 $0xFFFFFC00, v8;
	v7 =	vld.idx.msk [tilespmem:v7+s16+$0x0], vm1  }
0x2f8: {  	v8 =	vor.u32 v5, v8  }
0x2f9: {  	v5 =	vadd.s32 $0xFFF40080, v6;
	_ =	sdelay $0x3  }
0x2fa: {  	[tilespmem:v8+s6+$0x0] =	vst.idx.msk vm1, v7  }
0x2fb: {  	v5 =	vld.idx.msk [tilespmem:v5+s16+$0x0], vm1  }
0x2fc: {  	v7 =	vor.u32 $0x80, v8  }
0x2fd: {  	v9 =	vadd.s32 $0xFFF40100, v6;
	_ =	sdelay $0x3  }
0x2fe: {  	[tilespmem:v7+s6+$0x0] =	vst.idx.msk vm1, v5  }
0x2ff: {  	v5 =	vld.idx.msk [tilespmem:v9+s16+$0x0], vm1  }
0x300: {  	v7 =	vor.u32 $0x100, v8  }
0x301: {  	v9 =	vadd.s32 $0xFFF40180, v6;
	_ =	sdelay $0x3  }
0x302: {  	[tilespmem:v7+s6+$0x0] =	vst.idx.msk vm0, v5  }
0x303: {  	v5 =	vld.idx.msk [tilespmem:v9+s16+$0x0], vm0  }
0x304: {  	v7 =	vor.u32 $0x180, v8  }
0x305: {  	v9 =	vadd.s32 $0xFFF40200, v6;
	_ =	sdelay $0x3  }
0x306: {  	[tilespmem:v7+s6+$0x0] =	vst.idx.msk vm0, v5  }
0x307: {  	v5 =	vld.idx.msk [tilespmem:v9+s16+$0x0], vm0  }
0x308: {  	v7 =	vor.u32 $0x200, v8  }
0x309: {  	v9 =	vadd.s32 $0xFFF40280, v6;
	_ =	sdelay $0x3  }
0x30a: {  	[tilespmem:v7+s6+$0x0] =	vst.idx.msk vm0, v5  }
0x30b: {  	v5 =	vld.idx.msk [tilespmem:v9+s16+$0x0], vm0  }
0x30c: {  	v7 =	vor.u32 $0x280, v8  }
0x30d: {  	v9 =	vadd.s32 $0xFFF40300, v6;
	_ =	sdelay $0x3  }
0x30e: {  	[tilespmem:v7+s6+$0x0] =	vst.idx.msk vm0, v5  }
0x30f: {  	v5 =	vld.idx.msk [tilespmem:v9+s16+$0x0], vm0  }
0x310: {  	v7 =	vor.u32 $0x300, v8  }
0x311: {  	v6 =	vadd.s32 $0xFFF40380, v6;
	_ =	sdelay $0x1  }
.Ltmp31:
0x312: {  	(pc) =	sbr.rel @p2 .LBB2_40-.Ltmp31, $4  }
0x313: {  	_ = 	snop  }
0x314: {  	s7 =	sadd.s32 $0x10, s7;
	[tilespmem:v7+s6+$0x0] =	vst.idx.msk vm0, v5  }
0x315: {  	v5 =	vadd.s32 s7, v0;
	v6 =	vld.idx.msk [tilespmem:v6+s16+$0x0], vm0  }
0x316: {  	v7 =	vor.u32 $0x380, v8;
	vm1 =	vlt.s32 v5, v4  }
.LBB2_41:
0x317: {  	_ =	sdelay $0x4  }
0x318: {  	[tilespmem:v7+s6+$0x0] =	vst.idx.msk @p1 vm0, v6  }
0x319: {  	v4 =	vld.idx.msk [tilespmem:v5+s23+$0x0], vm1;
	_ =	sdelay $0x4  }
0x31a: {  	v51 =	vshll.u32 v4, $0x3  }
0x31b: {  	v5 =	vld.idx.msk [tilespmem:v5+s22+$0x0], vm1;
	v4 =	vand.u32 $0x7F, v4;
	v6 =	vand.u32 $0xFFFFFC00, v51  }
0x31c: {  	v4 =	vor.u32 v4, v6  }
0x31d: {  	v6 =	vadd.s32 $0xFFF40000, v4;
	_ =	sdelay $0x2  }
0x31e: {  	v52 =	vshll.u32 v5, $0x3  }
0x31f: {  	v5 =	vand.u32 $0x7F, v5;
	v7 =	vand.u32 $0xFFFFFC00, v52  }
0x320: {  	v5 =	vor.u32 v5, v7;
	v6 =	vld.idx.msk [tilespmem:v6+s16+$0x0], vm1  }
0x321: {  	v53 =	vadd.s32 $0xFFF40080, v4;
	_ =	sdelay $0x3  }
0x322: {  	[tilespmem:v5+s6+$0x0] =	vst.idx.msk vm1, v6  }
0x323: {  	v54 =	vor.u32 $0x80, v5;
	v6 =	vld.idx.msk [tilespmem:v53+s16+$0x0], vm1  }
0x324: {  	v8 =	vadd.s32 $0xFFF40100, v4;
	_ =	sdelay $0x3  }
0x325: {  	[tilespmem:v54+s6+$0x0] =	vst.idx.msk vm1, v6  }
0x326: {  	v55 =	vor.u32 $0x100, v5;
	v6 =	vld.idx.msk [tilespmem:v8+s16+$0x0], vm1  }
0x327: {  	v56 =	vadd.s32 $0xFFF40180, v4;
	_ =	sdelay $0x3  }
0x328: {  	[tilespmem:v55+s6+$0x0] =	vst.idx.msk vm1, v6  }
0x329: {  	v57 =	vor.u32 $0x180, v5;
	v6 =	vld.idx.msk [tilespmem:v56+s16+$0x0], vm1  }
0x32a: {  	v58 =	vadd.s32 $0xFFF40200, v4;
	_ =	sdelay $0x3  }
0x32b: {  	[tilespmem:v57+s6+$0x0] =	vst.idx.msk vm1, v6  }
0x32c: {  	v59 =	vor.u32 $0x200, v5;
	v6 =	vld.idx.msk [tilespmem:v58+s16+$0x0], vm1  }
0x32d: {  	v60 =	vadd.s32 $0xFFF40280, v4;
	_ =	sdelay $0x3  }
0x32e: {  	[tilespmem:v59+s6+$0x0] =	vst.idx.msk vm1, v6  }
0x32f: {  	v61 =	vor.u32 $0x280, v5;
	v6 =	vld.idx.msk [tilespmem:v60+s16+$0x0], vm1  }
0x330: {  	v62 =	vadd.s32 $0xFFF40300, v4;
	_ =	sdelay $0x3  }
0x331: {  	[tilespmem:v61+s6+$0x0] =	vst.idx.msk vm1, v6  }
0x332: {  	v63 =	vor.u32 $0x300, v5;
	v6 =	vld.idx.msk [tilespmem:v62+s16+$0x0], vm1  }
0x333: {  	v4 =	vadd.s32 $0xFFF40380, v4;
	_ =	sdelay $0x3  }
0x334: {  	[tilespmem:v63+s6+$0x0] =	vst.idx.msk vm1, v6  }
0x335: {  	v5 =	vor.u32 $0x380, v5;
	v4 =	vld.idx.msk [tilespmem:v4+s16+$0x0], vm1;
	_ =	sdelay $0x4  }
0x336: {  	vm15 =	vmmov vm1;
	[tilespmem:v5+s6+$0x0] =	vst.idx.msk vm1, v4  }
.LBB2_42:
0x337: {  	s8 =	rddreg [dreg:$0x15]  }
0x338: {  	s7 =	ssub.s32 s8, s5  }
0x339: {  	s7 =	sadd.s32 $0xF, s7  }
0x33a: {  	s7 =	sshrl.u32 s7, $0x4  }
0x33b: {  	p1 =	seq.s32 s7, $0x0  }
.Ltmp32:
0x33c: {  	_ = 	snop;
	(pc) =	sbr.rel @p1 .LBB2_48-.Ltmp32, $1  }
0x33d: {  	_ =	sdelay $0x3  }
0x33e: {  	p2 =	sne.s32 s7, $0x1  }
.Ltmp33:
0x33f: {  	_ = 	snop;
	(pc) =	sbr.rel @!p2 .LBB2_44-.Ltmp33, $3  }
0x340: {  	_ =	sdelay $0x1  }
0x341: {  	v4 =	vmov s8;
	v5 =	vadd.s32 s5, v0  }
0x342: {  	s7 =	sadd.s32 $0xFFFFFFFF, s7;
	p1 =	por $0x0, $0x0;
	vm1 =	vlt.s32 v5, v4  }
0x343: {  	_ =	sdelay $0x4  }
0x344: {  	v6 =	vld.idx.msk [tilespmem:v5+s23+$0x0], vm1;
	_ =	sdelay $0x2  }
0x345: {  	v5 =	vld.idx.msk [tilespmem:v5+s22+$0x0], vm1;
	_ =	sdelay $0x1  }
0x346: {  	v7 =	vadd.s32 $0xFFFE7980, v6;
	_ =	sdelay $0x2  }
0x347: {  	v8 =	vshll.u32 v5, $0x3  }
0x348: {  	v5 =	vand.u32 $0x7F, v5;
	v8 =	vand.u32 $0xFFFFFC00, v8  }
0x349: {  	v8 =	vor.u32 v5, v8;
	v7 =	vld.idx.msk [tilespmem:v7+s20+$0x0], vm1  }
0x34a: {  	v5 =	vadd.s32 $0xFFFE7A00, v6;
	_ =	sdelay $0x3  }
0x34b: {  	[tilespmem:v8+s6+$0x0] =	vst.idx.msk vm1, v7  }
0x34c: {  	v7 =	vor.u32 $0x80, v8;
	v5 =	vld.idx.msk [tilespmem:v5+s20+$0x0], vm1  }
0x34d: {  	v9 =	vadd.s32 $0xFFFE7A80, v6;
	_ =	sdelay $0x3  }
0x34e: {  	[tilespmem:v7+s6+$0x0] =	vst.idx.msk vm1, v5  }
0x34f: {  	v7 =	vor.u32 $0x100, v8;
	v5 =	vld.idx.msk [tilespmem:v9+s20+$0x0], vm1  }
0x350: {  	v60 =	vadd.s32 $0xFFFE7B00, v6;
	_ =	sdelay $0x3  }
0x351: {  	[tilespmem:v7+s6+$0x0] =	vst.idx.msk vm1, v5  }
0x352: {  	v7 =	vor.u32 $0x180, v8;
	v5 =	vld.idx.msk [tilespmem:v60+s20+$0x0], vm1  }
0x353: {  	v61 =	vadd.s32 $0xFFFE7B80, v6;
	_ =	sdelay $0x3  }
0x354: {  	[tilespmem:v7+s6+$0x0] =	vst.idx.msk vm1, v5  }
0x355: {  	v7 =	vor.u32 $0x200, v8;
	v5 =	vld.idx.msk [tilespmem:v61+s20+$0x0], vm1  }
0x356: {  	v62 =	vadd.s32 $0xFFFE7C00, v6;
	_ =	sdelay $0x3  }
0x357: {  	[tilespmem:v7+s6+$0x0] =	vst.idx.msk vm1, v5  }
0x358: {  	v7 =	vor.u32 $0x280, v8;
	v5 =	vld.idx.msk [tilespmem:v62+s20+$0x0], vm1  }
0x359: {  	v63 =	vadd.s32 $0xFFFE7C80, v6;
	_ =	sdelay $0x3  }
0x35a: {  	[tilespmem:v7+s6+$0x0] =	vst.idx.msk vm1, v5  }
0x35b: {  	v7 =	vor.u32 $0x300, v8;
	v5 =	vld.idx.msk [tilespmem:v63+s20+$0x0], vm1  }
0x35c: {  	p2 =	sne.s32 s7, $0x1;
	v6 =	vadd.s32 $0xFFFE7D00, v6  }
.Ltmp34:
0x35d: {  	_ = 	snop;
	(pc) =	sbr.rel @!p2 .LBB2_47-.Ltmp34, $4  }
0x35e: {  	_ = 	snop  }
0x35f: {  	s5 =	sadd.s32 $0x10, s5  }
0x360: {  	vm0 =	vmmov vm1;
	[tilespmem:v7+s6+$0x0] =	vst.idx.msk vm1, v5;
	v5 =	vadd.s32 s5, v0  }
0x361: {  	s7 =	sadd.s32 $0xFFFFFFFF, s7;
	p1 =	por $0x1, $0x1;
	v7 =	vor.u32 $0x380, v8;
	v6 =	vld.idx.msk [tilespmem:v6+s20+$0x0], vm1;
	vm1 =	vlt.s32 v5, v4  }
.LBB2_46:
0x362: {  	_ =	sdelay $0x3  }
0x363: {  	p2 =	sne.s32 s7, $0x1;
	s7 =	sadd.s32 $0xFFFFFFFF, s7;
	[tilespmem:v7+s6+$0x0] =	vst.idx.msk vm0, v6;
	vm0 =	vmmov vm1  }
0x364: {  	v6 =	vld.idx.msk [tilespmem:v5+s23+$0x0], vm1;
	_ =	sdelay $0x3  }
0x365: {  	v5 =	vld.idx.msk [tilespmem:v5+s22+$0x0], vm1;
	_ =	sdelay $0x1  }
0x366: {  	v7 =	vadd.s32 $0xFFFE7980, v6;
	_ =	sdelay $0x3  }
0x367: {  	v8 =	vshll.u32 v5, $0x3  }
0x368: {  	v5 =	vand.u32 $0x7F, v5;
	v8 =	vand.u32 $0xFFFFFC00, v8;
	v7 =	vld.idx.msk [tilespmem:v7+s20+$0x0], vm1  }
0x369: {  	v8 =	vor.u32 v5, v8  }
0x36a: {  	v5 =	vadd.s32 $0xFFFE7A00, v6;
	_ =	sdelay $0x3  }
0x36b: {  	[tilespmem:v8+s6+$0x0] =	vst.idx.msk vm1, v7  }
0x36c: {  	v5 =	vld.idx.msk [tilespmem:v5+s20+$0x0], vm1  }
0x36d: {  	v7 =	vor.u32 $0x80, v8  }
0x36e: {  	v9 =	vadd.s32 $0xFFFE7A80, v6;
	_ =	sdelay $0x3  }
0x36f: {  	[tilespmem:v7+s6+$0x0] =	vst.idx.msk vm1, v5  }
0x370: {  	v5 =	vld.idx.msk [tilespmem:v9+s20+$0x0], vm1  }
0x371: {  	v7 =	vor.u32 $0x100, v8  }
0x372: {  	v9 =	vadd.s32 $0xFFFE7B00, v6;
	_ =	sdelay $0x3  }
0x373: {  	[tilespmem:v7+s6+$0x0] =	vst.idx.msk vm1, v5  }
0x374: {  	v5 =	vld.idx.msk [tilespmem:v9+s20+$0x0], vm0  }
0x375: {  	v7 =	vor.u32 $0x180, v8  }
0x376: {  	v9 =	vadd.s32 $0xFFFE7B80, v6;
	_ =	sdelay $0x3  }
0x377: {  	[tilespmem:v7+s6+$0x0] =	vst.idx.msk vm0, v5  }
0x378: {  	v5 =	vld.idx.msk [tilespmem:v9+s20+$0x0], vm0  }
0x379: {  	v7 =	vor.u32 $0x200, v8  }
0x37a: {  	v9 =	vadd.s32 $0xFFFE7C00, v6;
	_ =	sdelay $0x3  }
0x37b: {  	[tilespmem:v7+s6+$0x0] =	vst.idx.msk vm0, v5  }
0x37c: {  	v5 =	vld.idx.msk [tilespmem:v9+s20+$0x0], vm0  }
0x37d: {  	v7 =	vor.u32 $0x280, v8  }
0x37e: {  	v9 =	vadd.s32 $0xFFFE7C80, v6;
	_ =	sdelay $0x3  }
0x37f: {  	[tilespmem:v7+s6+$0x0] =	vst.idx.msk vm0, v5  }
0x380: {  	v5 =	vld.idx.msk [tilespmem:v9+s20+$0x0], vm0  }
0x381: {  	v7 =	vor.u32 $0x300, v8  }
0x382: {  	v6 =	vadd.s32 $0xFFFE7D00, v6;
	_ =	sdelay $0x1  }
.Ltmp35:
0x383: {  	(pc) =	sbr.rel @p2 .LBB2_46-.Ltmp35, $4  }
0x384: {  	_ = 	snop  }
0x385: {  	s5 =	sadd.s32 $0x10, s5;
	[tilespmem:v7+s6+$0x0] =	vst.idx.msk vm0, v5  }
0x386: {  	v5 =	vadd.s32 s5, v0;
	v6 =	vld.idx.msk [tilespmem:v6+s20+$0x0], vm0  }
0x387: {  	v7 =	vor.u32 $0x380, v8;
	vm1 =	vlt.s32 v5, v4  }
.LBB2_47:
0x388: {  	_ =	sdelay $0x4  }
0x389: {  	[tilespmem:v7+s6+$0x0] =	vst.idx.msk @p1 vm0, v6  }
0x38a: {  	v4 =	vld.idx.msk [tilespmem:v5+s23+$0x0], vm1;
	_ =	sdelay $0x2  }
0x38b: {  	v5 =	vld.idx.msk [tilespmem:v5+s22+$0x0], vm1;
	_ =	sdelay $0x1  }
0x38c: {  	v51 =	vadd.s32 $0xFFFE7980, v4;
	_ =	sdelay $0x2  }
0x38d: {  	v52 =	vshll.u32 v5, $0x3  }
0x38e: {  	v5 =	vand.u32 $0x7F, v5;
	v7 =	vand.u32 $0xFFFFFC00, v52  }
0x38f: {  	v5 =	vor.u32 v5, v7;
	v6 =	vld.idx.msk [tilespmem:v51+s20+$0x0], vm1  }
0x390: {  	v53 =	vadd.s32 $0xFFFE7A00, v4;
	_ =	sdelay $0x3  }
0x391: {  	[tilespmem:v5+s6+$0x0] =	vst.idx.msk vm1, v6  }
0x392: {  	v54 =	vor.u32 $0x80, v5;
	v6 =	vld.idx.msk [tilespmem:v53+s20+$0x0], vm1  }
0x393: {  	v8 =	vadd.s32 $0xFFFE7A80, v4;
	_ =	sdelay $0x3  }
0x394: {  	[tilespmem:v54+s6+$0x0] =	vst.idx.msk vm1, v6  }
0x395: {  	v55 =	vor.u32 $0x100, v5;
	v6 =	vld.idx.msk [tilespmem:v8+s20+$0x0], vm1  }
0x396: {  	v56 =	vadd.s32 $0xFFFE7B00, v4;
	_ =	sdelay $0x3  }
0x397: {  	[tilespmem:v55+s6+$0x0] =	vst.idx.msk vm1, v6  }
0x398: {  	v57 =	vor.u32 $0x180, v5;
	v6 =	vld.idx.msk [tilespmem:v56+s20+$0x0], vm1  }
0x399: {  	v58 =	vadd.s32 $0xFFFE7B80, v4;
	_ =	sdelay $0x3  }
0x39a: {  	[tilespmem:v57+s6+$0x0] =	vst.idx.msk vm1, v6  }
0x39b: {  	v59 =	vor.u32 $0x200, v5;
	v6 =	vld.idx.msk [tilespmem:v58+s20+$0x0], vm1  }
0x39c: {  	v60 =	vadd.s32 $0xFFFE7C00, v4;
	_ =	sdelay $0x3  }
0x39d: {  	[tilespmem:v59+s6+$0x0] =	vst.idx.msk vm1, v6  }
0x39e: {  	v61 =	vor.u32 $0x280, v5;
	v6 =	vld.idx.msk [tilespmem:v60+s20+$0x0], vm1  }
0x39f: {  	v62 =	vadd.s32 $0xFFFE7C80, v4;
	_ =	sdelay $0x3  }
0x3a0: {  	[tilespmem:v61+s6+$0x0] =	vst.idx.msk vm1, v6  }
0x3a1: {  	v63 =	vor.u32 $0x300, v5;
	v6 =	vld.idx.msk [tilespmem:v62+s20+$0x0], vm1  }
0x3a2: {  	v4 =	vadd.s32 $0xFFFE7D00, v4;
	_ =	sdelay $0x3  }
0x3a3: {  	[tilespmem:v63+s6+$0x0] =	vst.idx.msk vm1, v6  }
0x3a4: {  	v5 =	vor.u32 $0x380, v5;
	v4 =	vld.idx.msk [tilespmem:v4+s20+$0x0], vm1;
	_ =	sdelay $0x4  }
0x3a5: {  	vm15 =	vmmov vm1;
	[tilespmem:v5+s6+$0x0] =	vst.idx.msk vm1, v4  }
.LBB2_48:
.Ltmp36:
0x3a6: {  	s5 =	rddreg [dreg:$0xa];
	s30 =	simm.s32 $0x5;
	(pc) =	sbr.rel @p0 .LBB2_97-.Ltmp36, $4  }
0x3a7: {  	[hbm4b:s5+s3] =	stream.linear.scatter [tilespmem:s6], [sflag:$0x5], $0x8000, $0x38;
	[tilespmem:$0x1B880] =	vst v63  }
0x3a8: {  	_ =	swait.ge [sflag:s30], $0x8000  }
0x3a9: {  	[sflag:s30] =	ssyncset.done $0x0  }
0x3aa: {  	s7 =	rddreg [dreg:$0x14];
	[sflag:s30] =	ssyncadd.s32 $0xFFFF8000  }
0x3ab: {  	s5 =	simm.s32 $0x0;
	s7 =	rddreg [dreg:$0xb]  }
0x3ac: {  	[tilespmem:s16], [sflag:$0x1] =	stream.linear.gather [hbm4b:s7+s5], $0x4000, $0x38;
	[tilespmem:$0x1B880] =	vst v63  }
0x3ad: {  	s30 =	rddreg [dreg:$0xd];
	s8 =	simm.s32 $0x5000  }
0x3ae: {  	[tilespmem:s8], [sflag:$0x2] =	stream.linear.gather [hbm4b:s30+s5], $0x4000, $0x38;
	[tilespmem:$0x1B880] =	vst v63  }
0x3af: {  	s9 =	rddreg [dreg:$0xe];
	s10 =	simm.s32 $0x9000  }
0x3b0: {  	[tilespmem:s10], [sflag:$0x3] =	stream.linear.gather [hbm4b:s9+s5], $0x4000, $0x38;
	[tilespmem:$0x1B880] =	vst v63  }
0x3b1: {  	s17 =	rddreg [dreg:$0x10]  }
0x3b2: {  	[tilespmem:s0], [sflag:$0x4] =	stream.linear.gather [hbm4b:s17+s5], $0x4000, $0x38;
	[tilespmem:$0x1B880] =	vst v63  }
0x3b3: {  	s19 =	rddreg [dreg:$0xc];
	s25 =	simm.s32 $0x6  }
0x3b4: {  	[tilespmem:s5], [sflag:$0x6] =	stream.linear.gather [hbm4b:s19+s5], $0x1000, $0x38;
	[tilespmem:$0x1B880] =	vst v63  }
0x3b5: {  	_ =	swait.ge [sflag:s25], $0x1000  }
0x3b6: {  	[sflag:s25] =	ssyncset.done $0x0  }
0x3b7: {  	s30 =	rddreg [dreg:$0xf];
	[sflag:s25] =	ssyncadd.s32 $0xFFFFF000  }
0x3b8: {  	[tilespmem:s20], [sflag:$0x6] =	stream.linear.gather [hbm4b:s30+s5], $0x400, $0x38;
	[tilespmem:$0x1B880] =	vst v63  }
0x3b9: {  	_ =	swait.ge [sflag:s25], $0x400  }
0x3ba: {  	[sflag:s25] =	ssyncset.done $0x0  }
0x3bb: {  	s7 =	simm.s32 $0x40;
	s8 =	simm.s32 $0x0;
	[sflag:s25] =	ssyncadd.s32 $0xFFFFFC00  }
.LBB2_50:
0x3bc: {  	p1 =	sne.s32 s7, $0xC80;
	[tilespmem:s8+$0x1B500] =	vst v1;
	s8 =	smov.u32 s7;
	s7 =	sadd.s32 $0x40, s7  }
.Ltmp37:
0x3bd: {  	(pc) =	sbr.rel @p1 .LBB2_50-.Ltmp37, $2  }
0x3be: {  	_ =	sdelay $0x2  }
0x3bf: {  	s8 =	sshra.s32 s8, $0x2  }
0x3c0: {  	[tilespmem:s8+$0x1B500] =	vst v1;
	s7 =	simm.s32 $0x0  }
.LBB2_52:
0x3c1: {  	s8 =	sand.u32 $0x3E00, s7  }
0x3c2: {  	s9 =	sand.u32 $0x70, s5;
	s8 =	sshrl.u32 s8, $0x2  }
0x3c3: {  	s8 =	sor.u32 s9, s8  }
0x3c4: {  	v4 =	vld [tilespmem:s8+$0x0];
	_ =	sdelay $0x4  }
0x3c5: {  	v5 =	vshrl.u32 v4, $0x7  }
0x3c6: {  	v5 =	vand.u32 $0x1FFFFF0, v5  }
0x3c7: {  	vm0 =	vgt.s32 v4, $0x1867F;
	v4 =	vor.u32 v0, v5  }
0x3c8: {  	p1 =	sne.s32 s7, $0x3FC0;
	v4 =	vsel vm0, v2, v4  }
.Ltmp38:
0x3c9: {  	_ = 	snop;
	(pc) =	sbr.rel @p1 .LBB2_52-.Ltmp38, $3  }
0x3ca: {  	_ =	sdelay $0x1  }
0x3cb: {  	s8 =	simm.s32 $0x1B500  }
0x3cc: {  	s5 =	sadd.s32 $0x10, s5;
	s7 =	sadd.s32 $0x40, s7;
	[tilespmem:v4+s8+$0x0] =	vst.idx.add.s32.msk $0xffff, v3  }
0x3cd: {  	v4 =	vld [tilespmem:s8+$0x0];
	_ =	sdelay $0x4  }
0x3ce: {  	(xrf0) =	vadd.scan.msk.s32 $0xffff, v4;
	_ =	sdelay $0x5  }
0x3cf: {  	v5, _, _ =	vpop (xrf0)  }
0x3d0: {  	s7 =	simm.s32 $0x0;
	(v2sf) =	vpush v5, $0xF  }
0x3d1: {  	v4 =	vsub.s32 s7, v4  }
0x3d2: {  	v4 =	vadd.s32 v5, v4  }
0x3d3: {  	s9 =	simm.s32 $0x0;
	s5 =	simm.s32 $0x1B510;
	[tilespmem:s8+$0x0] =	vst v4  }
0x3d4: {  	[smem:s9] =	sst s7;
	s9 =	simm.s32 $0x8;
	s8 =	simm.s32 $0x4;
	v4 =	vld [tilespmem:s5+$0x0]  }
.LBB2_54:
0x3d5: {  	p1 =	sne.s32 s9, $0xC4;
	_ =	sdelay $0x3  }
0x3d6: {  	(xrf0) =	vadd.scan.msk.s32 $0xffff, v4;
	_ =	sdelay $0x5  }
0x3d7: {  	v5, _, _ =	vpop (xrf0);
	s10 =	spop (v2sf)  }
.Ltmp39:
0x3d8: {  	s8 =	sshra.s32 s8, $0x2;
	(v2sf) =	vpush v5, $0xF;
	s7 =	sadd.s32 s7, s10;
	(pc) =	sbr.rel @p1 .LBB2_54-.Ltmp39, $4  }
0x3d9: {  	[smem:s8] =	sst s7;
	v4 =	vsub.s32 s7, v4;
	s8 =	smov.u32 s9  }
0x3da: {  	v4 =	vadd.s32 v5, v4  }
0x3db: {  	[tilespmem:s5+$0x0] =	vst v4;
	s5 =	sadd.s32 $0x10, s5  }
0x3dc: {  	s9 =	sadd.s32 $0x4, s9;
	v4 =	vld [tilespmem:s5+$0x0]  }
0x3dd: {  	_ =	sdelay $0x3  }
0x3de: {  	(xrf0) =	vadd.scan.msk.s32 $0xffff, v4;
	_ =	sdelay $0x5  }
0x3df: {  	v5, _, _ =	vpop (xrf0)  }
0x3e0: {  	(v2sf) =	vpush v5, $0xF;
	_ =	sdelay $0xc  }
0x3e1: {  	s9 =	spop (v2sf)  }
0x3e2: {  	s10 =	simm.s32 $0x0;
	s7 =	sadd.s32 s7, s9  }
0x3e3: {  	s8 =	sshra.s32 s8, $0x2;
	s25 =	sand.u32 $0x3E00, s10;
	v4 =	vsub.s32 s7, v4;
	s17 =	spop (v2sf)  }
0x3e4: {  	s30 =	sand.u32 $0x70, s10;
	[smem:s8] =	sst s7;
	v4 =	vadd.s32 v5, v4;
	s19 =	sadd.s32 s7, s17  }
0x3e5: {  	[tilespmem:s5+$0x0] =	vst v4;
	s5 =	simm.s32 $0x0;
	s7 =	sshrl.u32 s25, $0x2;
	[dreg:$0x16] =	wrdreg s19  }
0x3e6: {  	[smem:$0x32] =	sst s19;
	s8 =	sor.u32 s30, s7;
	s7 =	simm.s32 $0x40  }
.LBB2_56:
0x3e7: {  	p1 =	sne.s32 s7, $0x3FC0;
	v4 =	vld [tilespmem:s8+$0x0];
	_ =	sdelay $0x4  }
0x3e8: {  	v5 =	vshrl.u32 v4, $0x7  }
0x3e9: {  	v5 =	vand.u32 $0x1FFFFF0, v5  }
0x3ea: {  	vm0 =	vgt.s32 v4, $0x1867F;
	v5 =	vor.u32 v0, v5  }
0x3eb: {  	v5 =	vsel vm0, v2, v5;
	_ =	sdelay $0x4  }
0x3ec: {  	v6 =	vld.idx.msk [tilespmem:v5+s21+$0x0], $0xffff;
	_ =	sdelay $0x5  }
.Ltmp40:
0x3ed: {  	(pc) =	sbr.rel @p1 .LBB2_56-.Ltmp40, $4  }
0x3ee: {  	v7 =	vor.u32 s5, v0  }
0x3ef: {  	s8 =	sand.u32 $0x3E00, s7;
	s5 =	sadd.s32 $0x10, s5;
	[tilespmem:v6+s22+$0x0] =	vst.idx.msk $0xffff, v7  }
0x3f0: {  	s9 =	sand.u32 $0x70, s5;
	s8 =	sshrl.u32 s8, $0x2;
	[tilespmem:v6+s23+$0x0] =	vst.idx.msk $0xffff, v4  }
0x3f1: {  	s7 =	sadd.s32 $0x40, s7;
	s8 =	sor.u32 s9, s8;
	[tilespmem:v5+s21+$0x0] =	vst.idx.add.s32.msk $0xffff, v3  }
0x3f2: {  	v4 =	vld [tilespmem:s8+$0x0];
	_ =	sdelay $0x4  }
0x3f3: {  	v5 =	vshrl.u32 v4, $0x7  }
0x3f4: {  	v5 =	vand.u32 $0x1FFFFF0, v5  }
0x3f5: {  	vm0 =	vgt.s32 v4, $0x1867F;
	v5 =	vor.u32 v0, v5  }
0x3f6: {  	v5 =	vsel vm0, v2, v5;
	_ =	sdelay $0x4  }
0x3f7: {  	v6 =	vld.idx.msk [tilespmem:v5+s21+$0x0], $0xffff;
	_ =	sdelay $0x6  }
0x3f8: {  	v7 =	vor.u32 s5, v0  }
0x3f9: {  	[tilespmem:v6+s22+$0x0] =	vst.idx.msk $0xffff, v7  }
0x3fa: {  	[tilespmem:v6+s23+$0x0] =	vst.idx.msk $0xffff, v4  }
0x3fb: {  	[tilespmem:v5+s21+$0x0] =	vst.idx.add.s32.msk $0xffff, v3  }
.LBB2_58:
0x3fc: {  	_ =	swait.ge [sflag:s24], $0x4000  }
0x3fd: {  	[sflag:s24] =	ssyncset.done $0x0  }
0x3fe: {  	s25 =	sshll.u32 s10, $0x2;
	[sflag:s24] =	ssyncadd.s32 $0xFFFFC000  }
0x3ff: {  	s19 =	sor.u32 $0x1, s25;
	s7 =	sld [smem:s25+$0x0]  }
0x400: {  	s5 =	sld [smem:s19+$0x0];
	_ =	sdelay $0x2  }
0x401: {  	s8 =	ssub.s32 s5, s7  }
0x402: {  	s8 =	sadd.s32 $0xF, s8  }
0x403: {  	s8 =	sshrl.u32 s8, $0x4  }
0x404: {  	p1 =	seq.s32 s8, $0x0  }
.Ltmp41:
0x405: {  	_ = 	snop;
	(pc) =	sbr.rel @p1 .LBB2_64-.Ltmp41, $1  }
0x406: {  	_ =	sdelay $0x3  }
0x407: {  	p2 =	sne.s32 s8, $0x1  }
.Ltmp42:
0x408: {  	_ = 	snop;
	(pc) =	sbr.rel @!p2 .LBB2_60-.Ltmp42, $3  }
0x409: {  	_ =	sdelay $0x1  }
0x40a: {  	v5 =	vmov s5;
	s9 =	sshll.u32 s10, $0xD;
	v6 =	vadd.s32 s7, v0  }
0x40b: {  	s8 =	sadd.s32 $0xFFFFFFFF, s8;
	p1 =	por $0x0, $0x0;
	v4 =	vmov s9;
	vm1 =	vlt.s32 v6, v5  }
0x40c: {  	_ =	sdelay $0x4  }
0x40d: {  	v7 =	vld.idx.msk [tilespmem:v6+s23+$0x0], vm1;
	_ =	sdelay $0x4  }
0x40e: {  	v8 =	vsub.s32 v7, v4  }
0x40f: {  	v6 =	vld.idx.msk [tilespmem:v6+s22+$0x0], vm1;
	v8 =	vshll.u32 v8, $0x3  }
0x410: {  	v7 =	vand.u32 $0x7F, v7;
	v8 =	vand.u32 $0xFFFFFC00, v8  }
0x411: {  	v7 =	vor.u32 v7, v8;
	_ =	sdelay $0x2  }
0x412: {  	v8 =	vshll.u32 v6, $0x3  }
0x413: {  	v6 =	vand.u32 $0x7F, v6;
	v8 =	vand.u32 $0xFFFFFC00, v8  }
0x414: {  	v8 =	vor.u32 v6, v8;
	v9 =	vld.idx.msk [tilespmem:v7+s16+$0x0], vm1  }
0x415: {  	v6 =	vor.u32 $0x80, v7;
	_ =	sdelay $0x3  }
0x416: {  	[tilespmem:v8+s6+$0x0] =	vst.idx.msk vm1, v9  }
0x417: {  	v9 =	vor.u32 $0x80, v8;
	v6 =	vld.idx.msk [tilespmem:v6+s16+$0x0], vm1  }
0x418: {  	v10 =	vor.u32 $0x100, v7;
	_ =	sdelay $0x3  }
0x419: {  	[tilespmem:v9+s6+$0x0] =	vst.idx.msk vm1, v6  }
0x41a: {  	v9 =	vor.u32 $0x100, v8;
	v6 =	vld.idx.msk [tilespmem:v10+s16+$0x0], vm1  }
0x41b: {  	v10 =	vor.u32 $0x180, v7;
	_ =	sdelay $0x3  }
0x41c: {  	[tilespmem:v9+s6+$0x0] =	vst.idx.msk vm1, v6  }
0x41d: {  	v9 =	vor.u32 $0x180, v8;
	v6 =	vld.idx.msk [tilespmem:v10+s16+$0x0], vm1  }
0x41e: {  	v10 =	vor.u32 $0x200, v7;
	_ =	sdelay $0x3  }
0x41f: {  	[tilespmem:v9+s6+$0x0] =	vst.idx.msk vm1, v6  }
0x420: {  	v9 =	vor.u32 $0x200, v8;
	v6 =	vld.idx.msk [tilespmem:v10+s16+$0x0], vm1  }
0x421: {  	v10 =	vor.u32 $0x280, v7;
	_ =	sdelay $0x3  }
0x422: {  	[tilespmem:v9+s6+$0x0] =	vst.idx.msk vm1, v6  }
0x423: {  	v9 =	vor.u32 $0x280, v8;
	v6 =	vld.idx.msk [tilespmem:v10+s16+$0x0], vm1  }
0x424: {  	v10 =	vor.u32 $0x300, v7;
	_ =	sdelay $0x3  }
0x425: {  	[tilespmem:v9+s6+$0x0] =	vst.idx.msk vm1, v6  }
0x426: {  	v9 =	vor.u32 $0x300, v8;
	v6 =	vld.idx.msk [tilespmem:v10+s16+$0x0], vm1  }
0x427: {  	p2 =	sne.s32 s8, $0x1;
	v7 =	vor.u32 $0x380, v7  }
.Ltmp43:
0x428: {  	_ = 	snop;
	(pc) =	sbr.rel @!p2 .LBB2_63-.Ltmp43, $4  }
0x429: {  	_ = 	snop  }
0x42a: {  	s7 =	sadd.s32 $0x10, s7  }
0x42b: {  	vm0 =	vmmov vm1;
	[tilespmem:v9+s6+$0x0] =	vst.idx.msk vm1, v6;
	v6 =	vadd.s32 s7, v0  }
0x42c: {  	s8 =	sadd.s32 $0xFFFFFFFF, s8;
	p1 =	por $0x1, $0x1;
	v8 =	vor.u32 $0x380, v8;
	v7 =	vld.idx.msk [tilespmem:v7+s16+$0x0], vm1;
	vm1 =	vlt.s32 v6, v5  }
.LBB2_62:
0x42d: {  	_ =	sdelay $0x3  }
0x42e: {  	p2 =	sne.s32 s8, $0x1;
	s8 =	sadd.s32 $0xFFFFFFFF, s8;
	[tilespmem:v8+s6+$0x0] =	vst.idx.msk vm0, v7;
	vm0 =	vmmov vm1  }
0x42f: {  	v7 =	vld.idx.msk [tilespmem:v6+s23+$0x0], vm1;
	_ =	sdelay $0x5  }
0x430: {  	v8 =	vsub.s32 v7, v4  }
0x431: {  	v8 =	vshll.u32 v8, $0x3;
	v6 =	vld.idx.msk [tilespmem:v6+s22+$0x0], vm1  }
0x432: {  	v7 =	vand.u32 $0x7F, v7;
	v8 =	vand.u32 $0xFFFFFC00, v8  }
0x433: {  	v7 =	vor.u32 v7, v8;
	_ =	sdelay $0x3  }
0x434: {  	v8 =	vshll.u32 v6, $0x3  }
0x435: {  	v6 =	vand.u32 $0x7F, v6;
	v8 =	vand.u32 $0xFFFFFC00, v8;
	v9 =	vld.idx.msk [tilespmem:v7+s16+$0x0], vm1  }
0x436: {  	v8 =	vor.u32 v6, v8  }
0x437: {  	v6 =	vor.u32 $0x80, v7;
	_ =	sdelay $0x3  }
0x438: {  	[tilespmem:v8+s6+$0x0] =	vst.idx.msk vm1, v9  }
0x439: {  	v6 =	vld.idx.msk [tilespmem:v6+s16+$0x0], vm1  }
0x43a: {  	v9 =	vor.u32 $0x80, v8  }
0x43b: {  	v10 =	vor.u32 $0x100, v7;
	_ =	sdelay $0x3  }
0x43c: {  	[tilespmem:v9+s6+$0x0] =	vst.idx.msk vm1, v6  }
0x43d: {  	v6 =	vld.idx.msk [tilespmem:v10+s16+$0x0], vm1  }
0x43e: {  	v9 =	vor.u32 $0x100, v8  }
0x43f: {  	v10 =	vor.u32 $0x180, v7;
	_ =	sdelay $0x3  }
0x440: {  	[tilespmem:v9+s6+$0x0] =	vst.idx.msk vm0, v6  }
0x441: {  	v6 =	vld.idx.msk [tilespmem:v10+s16+$0x0], vm0  }
0x442: {  	v9 =	vor.u32 $0x180, v8  }
0x443: {  	v10 =	vor.u32 $0x200, v7;
	_ =	sdelay $0x3  }
0x444: {  	[tilespmem:v9+s6+$0x0] =	vst.idx.msk vm0, v6  }
0x445: {  	v6 =	vld.idx.msk [tilespmem:v10+s16+$0x0], vm0  }
0x446: {  	v9 =	vor.u32 $0x200, v8  }
0x447: {  	v10 =	vor.u32 $0x280, v7;
	_ =	sdelay $0x3  }
0x448: {  	[tilespmem:v9+s6+$0x0] =	vst.idx.msk vm0, v6  }
0x449: {  	v6 =	vld.idx.msk [tilespmem:v10+s16+$0x0], vm0  }
0x44a: {  	v9 =	vor.u32 $0x280, v8  }
0x44b: {  	v10 =	vor.u32 $0x300, v7;
	_ =	sdelay $0x3  }
0x44c: {  	[tilespmem:v9+s6+$0x0] =	vst.idx.msk vm0, v6  }
0x44d: {  	v6 =	vld.idx.msk [tilespmem:v10+s16+$0x0], vm0  }
0x44e: {  	v9 =	vor.u32 $0x300, v8  }
0x44f: {  	v7 =	vor.u32 $0x380, v7;
	_ =	sdelay $0x1  }
.Ltmp44:
0x450: {  	(pc) =	sbr.rel @p2 .LBB2_62-.Ltmp44, $4  }
0x451: {  	_ = 	snop  }
0x452: {  	s7 =	sadd.s32 $0x10, s7;
	[tilespmem:v9+s6+$0x0] =	vst.idx.msk vm0, v6  }
0x453: {  	v6 =	vadd.s32 s7, v0;
	v7 =	vld.idx.msk [tilespmem:v7+s16+$0x0], vm0  }
0x454: {  	v8 =	vor.u32 $0x380, v8;
	vm1 =	vlt.s32 v6, v5  }
.LBB2_63:
0x455: {  	_ =	sdelay $0x4  }
0x456: {  	[tilespmem:v8+s6+$0x0] =	vst.idx.msk @p1 vm0, v7  }
0x457: {  	v5 =	vld.idx.msk [tilespmem:v6+s23+$0x0], vm1;
	_ =	sdelay $0x4  }
0x458: {  	v4 =	vsub.s32 v5, v4  }
0x459: {  	v51 =	vld.idx.msk [tilespmem:v6+s22+$0x0], vm1;
	v4 =	vshll.u32 v4, $0x3  }
0x45a: {  	v5 =	vand.u32 $0x7F, v5;
	v4 =	vand.u32 $0xFFFFFC00, v4  }
0x45b: {  	v4 =	vor.u32 v5, v4;
	_ =	sdelay $0x2  }
0x45c: {  	v5 =	vshll.u32 v51, $0x3  }
0x45d: {  	v6 =	vand.u32 $0x7F, v51;
	v5 =	vand.u32 $0xFFFFFC00, v5  }
0x45e: {  	v5 =	vor.u32 v6, v5;
	v7 =	vld.idx.msk [tilespmem:v4+s16+$0x0], vm1  }
0x45f: {  	v52 =	vor.u32 $0x80, v4;
	_ =	sdelay $0x3  }
0x460: {  	[tilespmem:v5+s6+$0x0] =	vst.idx.msk vm1, v7  }
0x461: {  	v53 =	vor.u32 $0x80, v5;
	v6 =	vld.idx.msk [tilespmem:v52+s16+$0x0], vm1  }
0x462: {  	v54 =	vor.u32 $0x100, v4;
	_ =	sdelay $0x3  }
0x463: {  	[tilespmem:v53+s6+$0x0] =	vst.idx.msk vm1, v6  }
0x464: {  	v55 =	vor.u32 $0x100, v5;
	v6 =	vld.idx.msk [tilespmem:v54+s16+$0x0], vm1  }
0x465: {  	v56 =	vor.u32 $0x180, v4;
	_ =	sdelay $0x3  }
0x466: {  	[tilespmem:v55+s6+$0x0] =	vst.idx.msk vm1, v6  }
0x467: {  	v57 =	vor.u32 $0x180, v5;
	v6 =	vld.idx.msk [tilespmem:v56+s16+$0x0], vm1  }
0x468: {  	v58 =	vor.u32 $0x200, v4;
	_ =	sdelay $0x3  }
0x469: {  	[tilespmem:v57+s6+$0x0] =	vst.idx.msk vm1, v6  }
0x46a: {  	v59 =	vor.u32 $0x200, v5;
	v6 =	vld.idx.msk [tilespmem:v58+s16+$0x0], vm1  }
0x46b: {  	v60 =	vor.u32 $0x280, v4;
	_ =	sdelay $0x3  }
0x46c: {  	[tilespmem:v59+s6+$0x0] =	vst.idx.msk vm1, v6  }
0x46d: {  	v61 =	vor.u32 $0x280, v5;
	v6 =	vld.idx.msk [tilespmem:v60+s16+$0x0], vm1  }
0x46e: {  	v62 =	vor.u32 $0x300, v4;
	_ =	sdelay $0x3  }
0x46f: {  	[tilespmem:v61+s6+$0x0] =	vst.idx.msk vm1, v6  }
0x470: {  	v63 =	vor.u32 $0x300, v5;
	v6 =	vld.idx.msk [tilespmem:v62+s16+$0x0], vm1  }
0x471: {  	v4 =	vor.u32 $0x380, v4;
	_ =	sdelay $0x3  }
0x472: {  	[tilespmem:v63+s6+$0x0] =	vst.idx.msk vm1, v6  }
0x473: {  	v5 =	vor.u32 $0x380, v5;
	v4 =	vld.idx.msk [tilespmem:v4+s16+$0x0], vm1;
	_ =	sdelay $0x4  }
0x474: {  	vm15 =	vmmov vm1;
	[tilespmem:v5+s6+$0x0] =	vst.idx.msk vm1, v4  }
.LBB2_64:
0x475: {  	s17 =	sadd.s32 $0x4, s25;
	p1 =	seq.s32 s10, $0xB  }
0x476: {  	s7 =	sshll.u32 @!p1 s17, $0xE  }
0x477: {  	s7 =	sadd.s32 @!p1 s14, s7  }
0x478: {  	s9 =	simm.s32 @!p1 $0x0;
	s7 =	sshrl.u32 @!p1 s7, $0x3  }
0x479: {  	s8 =	simm.s32 @!p1 $0x1000;
	p2 =	sne.s32 s17, $0x30;
	s7 =	sadd.s32 @!p1 s1, s7  }
0x47a: {  	[tilespmem:s8], [sflag:$0x1] =	stream.linear.gather @!p1 [hbm4b:s7+s9], $0x4000, $0x38;
	[tilespmem:$0x1B880] =	vst v63  }
0x47b: {  	s7 =	simm.s32 @!p2 $0x0;
	s8 =	simm.s32 @!p2 $0x1000  }
0x47c: {  	[tilespmem:s8], [sflag:$0x1] =	stream.linear.gather @!p2 [hbm4b:s26+s7], $0x3400, $0x38;
	[tilespmem:$0x1B880] =	vst v63  }
0x47d: {  	_ =	swait.ge [sflag:s18], $0x4000  }
0x47e: {  	[sflag:s18] =	ssyncset.done $0x0  }
0x47f: {  	s8 =	sor.u32 $0x2, s25;
	[sflag:s18] =	ssyncadd.s32 $0xFFFFC000  }
0x480: {  	s7 =	sld [smem:s8+$0x0];
	_ =	sdelay $0x2  }
0x481: {  	s30 =	ssub.s32 s7, s5  }
0x482: {  	s30 =	sadd.s32 $0xF, s30  }
0x483: {  	s30 =	sshrl.u32 s30, $0x4  }
0x484: {  	p2 =	seq.s32 s30, $0x0  }
.Ltmp45:
0x485: {  	_ = 	snop;
	(pc) =	sbr.rel @p2 .LBB2_70-.Ltmp45, $1  }
0x486: {  	_ =	sdelay $0x3  }
0x487: {  	p3 =	sne.s32 s30, $0x1  }
.Ltmp46:
0x488: {  	_ = 	snop;
	(pc) =	sbr.rel @!p3 .LBB2_66-.Ltmp46, $3  }
0x489: {  	_ =	sdelay $0x1  }
0x48a: {  	v5 =	vmov s7;
	s19 =	sshll.u32 s19, $0xB;
	v6 =	vadd.s32 s5, v0  }
0x48b: {  	p2 =	por $0x0, $0x0;
	v4 =	vmov s19;
	s19 =	sadd.s32 $0xFFFFFFFF, s30;
	vm1 =	vlt.s32 v6, v5  }
0x48c: {  	_ =	sdelay $0x4  }
0x48d: {  	v7 =	vld.idx.msk [tilespmem:v6+s23+$0x0], vm1;
	_ =	sdelay $0x4  }
0x48e: {  	v8 =	vsub.s32 v7, v4  }
0x48f: {  	v8 =	vshll.u32 v8, $0x3  }
0x490: {  	v6 =	vld.idx.msk [tilespmem:v6+s22+$0x0], vm1;
	v7 =	vand.u32 $0x7F, v7;
	v8 =	vand.u32 $0xFFFFFC00, v8  }
0x491: {  	v7 =	vor.u32 v7, v8  }
0x492: {  	v8 =	vadd.s32 $0x4000, v7;
	_ =	sdelay $0x2  }
0x493: {  	v9 =	vshll.u32 v6, $0x3  }
0x494: {  	v6 =	vand.u32 $0x7F, v6;
	v9 =	vand.u32 $0xFFFFFC00, v9  }
0x495: {  	v9 =	vor.u32 v6, v9;
	v8 =	vld.idx.msk [tilespmem:v8+s16+$0x0], vm1  }
0x496: {  	v6 =	vadd.s32 $0x4080, v7;
	_ =	sdelay $0x3  }
0x497: {  	[tilespmem:v9+s6+$0x0] =	vst.idx.msk vm1, v8  }
0x498: {  	v8 =	vor.u32 $0x80, v9;
	v6 =	vld.idx.msk [tilespmem:v6+s16+$0x0], vm1  }
0x499: {  	v10 =	vadd.s32 $0x4100, v7;
	_ =	sdelay $0x3  }
0x49a: {  	[tilespmem:v8+s6+$0x0] =	vst.idx.msk vm1, v6  }
0x49b: {  	v8 =	vor.u32 $0x100, v9;
	v6 =	vld.idx.msk [tilespmem:v10+s16+$0x0], vm1  }
0x49c: {  	v10 =	vadd.s32 $0x4180, v7;
	_ =	sdelay $0x3  }
0x49d: {  	[tilespmem:v8+s6+$0x0] =	vst.idx.msk vm1, v6  }
0x49e: {  	v8 =	vor.u32 $0x180, v9;
	v6 =	vld.idx.msk [tilespmem:v10+s16+$0x0], vm1  }
0x49f: {  	v10 =	vadd.s32 $0x4200, v7;
	_ =	sdelay $0x3  }
0x4a0: {  	[tilespmem:v8+s6+$0x0] =	vst.idx.msk vm1, v6  }
0x4a1: {  	v8 =	vor.u32 $0x200, v9;
	v6 =	vld.idx.msk [tilespmem:v10+s16+$0x0], vm1  }
0x4a2: {  	v10 =	vadd.s32 $0x4280, v7;
	_ =	sdelay $0x3  }
0x4a3: {  	[tilespmem:v8+s6+$0x0] =	vst.idx.msk vm1, v6  }
0x4a4: {  	v8 =	vor.u32 $0x280, v9;
	v6 =	vld.idx.msk [tilespmem:v10+s16+$0x0], vm1  }
0x4a5: {  	v10 =	vadd.s32 $0x4300, v7;
	_ =	sdelay $0x3  }
0x4a6: {  	[tilespmem:v8+s6+$0x0] =	vst.idx.msk vm1, v6  }
0x4a7: {  	v8 =	vor.u32 $0x300, v9;
	v6 =	vld.idx.msk [tilespmem:v10+s16+$0x0], vm1  }
0x4a8: {  	p3 =	sne.s32 s19, $0x1;
	v7 =	vadd.s32 $0x4380, v7  }
.Ltmp47:
0x4a9: {  	_ = 	snop;
	(pc) =	sbr.rel @!p3 .LBB2_69-.Ltmp47, $4  }
0x4aa: {  	_ = 	snop  }
0x4ab: {  	s5 =	sadd.s32 $0x10, s5  }
0x4ac: {  	vm0 =	vmmov vm1;
	[tilespmem:v8+s6+$0x0] =	vst.idx.msk vm1, v6;
	v6 =	vadd.s32 s5, v0  }
0x4ad: {  	s19 =	sadd.s32 $0xFFFFFFFF, s19;
	p2 =	por $0x1, $0x1;
	v8 =	vor.u32 $0x380, v9;
	v7 =	vld.idx.msk [tilespmem:v7+s16+$0x0], vm1;
	vm1 =	vlt.s32 v6, v5  }
.LBB2_68:
0x4ae: {  	_ =	sdelay $0x3  }
0x4af: {  	p3 =	sne.s32 s19, $0x1;
	s19 =	sadd.s32 $0xFFFFFFFF, s19;
	[tilespmem:v8+s6+$0x0] =	vst.idx.msk vm0, v7;
	vm0 =	vmmov vm1  }
0x4b0: {  	v7 =	vld.idx.msk [tilespmem:v6+s23+$0x0], vm1;
	_ =	sdelay $0x5  }
0x4b1: {  	v8 =	vsub.s32 v7, v4  }
0x4b2: {  	v8 =	vshll.u32 v8, $0x3  }
0x4b3: {  	v7 =	vand.u32 $0x7F, v7;
	v8 =	vand.u32 $0xFFFFFC00, v8;
	v6 =	vld.idx.msk [tilespmem:v6+s22+$0x0], vm1  }
0x4b4: {  	v7 =	vor.u32 v7, v8  }
0x4b5: {  	v8 =	vadd.s32 $0x4000, v7;
	_ =	sdelay $0x3  }
0x4b6: {  	v9 =	vshll.u32 v6, $0x3  }
0x4b7: {  	v6 =	vand.u32 $0x7F, v6;
	v9 =	vand.u32 $0xFFFFFC00, v9;
	v8 =	vld.idx.msk [tilespmem:v8+s16+$0x0], vm1  }
0x4b8: {  	v9 =	vor.u32 v6, v9  }
0x4b9: {  	v6 =	vadd.s32 $0x4080, v7;
	_ =	sdelay $0x3  }
0x4ba: {  	[tilespmem:v9+s6+$0x0] =	vst.idx.msk vm1, v8  }
0x4bb: {  	v6 =	vld.idx.msk [tilespmem:v6+s16+$0x0], vm1  }
0x4bc: {  	v8 =	vor.u32 $0x80, v9  }
0x4bd: {  	v10 =	vadd.s32 $0x4100, v7;
	_ =	sdelay $0x3  }
0x4be: {  	[tilespmem:v8+s6+$0x0] =	vst.idx.msk vm1, v6  }
0x4bf: {  	v6 =	vld.idx.msk [tilespmem:v10+s16+$0x0], vm1  }
0x4c0: {  	v8 =	vor.u32 $0x100, v9  }
0x4c1: {  	v10 =	vadd.s32 $0x4180, v7;
	_ =	sdelay $0x3  }
0x4c2: {  	[tilespmem:v8+s6+$0x0] =	vst.idx.msk vm0, v6  }
0x4c3: {  	v6 =	vld.idx.msk [tilespmem:v10+s16+$0x0], vm0  }
0x4c4: {  	v8 =	vor.u32 $0x180, v9  }
0x4c5: {  	v10 =	vadd.s32 $0x4200, v7;
	_ =	sdelay $0x3  }
0x4c6: {  	[tilespmem:v8+s6+$0x0] =	vst.idx.msk vm0, v6  }
0x4c7: {  	v6 =	vld.idx.msk [tilespmem:v10+s16+$0x0], vm0  }
0x4c8: {  	v8 =	vor.u32 $0x200, v9  }
0x4c9: {  	v10 =	vadd.s32 $0x4280, v7;
	_ =	sdelay $0x3  }
0x4ca: {  	[tilespmem:v8+s6+$0x0] =	vst.idx.msk vm0, v6  }
0x4cb: {  	v6 =	vld.idx.msk [tilespmem:v10+s16+$0x0], vm0  }
0x4cc: {  	v8 =	vor.u32 $0x280, v9  }
0x4cd: {  	v10 =	vadd.s32 $0x4300, v7;
	_ =	sdelay $0x3  }
0x4ce: {  	[tilespmem:v8+s6+$0x0] =	vst.idx.msk vm0, v6  }
0x4cf: {  	v6 =	vld.idx.msk [tilespmem:v10+s16+$0x0], vm0  }
0x4d0: {  	v8 =	vor.u32 $0x300, v9  }
0x4d1: {  	v7 =	vadd.s32 $0x4380, v7;
	_ =	sdelay $0x1  }
.Ltmp48:
0x4d2: {  	(pc) =	sbr.rel @p3 .LBB2_68-.Ltmp48, $4  }
0x4d3: {  	_ = 	snop  }
0x4d4: {  	s5 =	sadd.s32 $0x10, s5;
	[tilespmem:v8+s6+$0x0] =	vst.idx.msk vm0, v6  }
0x4d5: {  	v6 =	vadd.s32 s5, v0;
	v7 =	vld.idx.msk [tilespmem:v7+s16+$0x0], vm0  }
0x4d6: {  	v8 =	vor.u32 $0x380, v9;
	vm1 =	vlt.s32 v6, v5  }
.LBB2_69:
0x4d7: {  	_ =	sdelay $0x4  }
0x4d8: {  	[tilespmem:v8+s6+$0x0] =	vst.idx.msk @p2 vm0, v7  }
0x4d9: {  	v5 =	vld.idx.msk [tilespmem:v6+s23+$0x0], vm1;
	_ =	sdelay $0x4  }
0x4da: {  	v4 =	vsub.s32 v5, v4  }
0x4db: {  	v4 =	vshll.u32 v4, $0x3  }
0x4dc: {  	v50 =	vld.idx.msk [tilespmem:v6+s22+$0x0], vm1;
	v5 =	vand.u32 $0x7F, v5;
	v4 =	vand.u32 $0xFFFFFC00, v4  }
0x4dd: {  	v4 =	vor.u32 v5, v4  }
0x4de: {  	v5 =	vadd.s32 $0x4000, v4;
	_ =	sdelay $0x2  }
0x4df: {  	v51 =	vshll.u32 v50, $0x3  }
0x4e0: {  	v6 =	vand.u32 $0x7F, v50;
	v7 =	vand.u32 $0xFFFFFC00, v51  }
0x4e1: {  	v6 =	vor.u32 v6, v7;
	v5 =	vld.idx.msk [tilespmem:v5+s16+$0x0], vm1  }
0x4e2: {  	v52 =	vadd.s32 $0x4080, v4;
	_ =	sdelay $0x3  }
0x4e3: {  	[tilespmem:v6+s6+$0x0] =	vst.idx.msk vm1, v5  }
0x4e4: {  	v53 =	vor.u32 $0x80, v6;
	v5 =	vld.idx.msk [tilespmem:v52+s16+$0x0], vm1  }
0x4e5: {  	v54 =	vadd.s32 $0x4100, v4;
	_ =	sdelay $0x3  }
0x4e6: {  	[tilespmem:v53+s6+$0x0] =	vst.idx.msk vm1, v5  }
0x4e7: {  	v55 =	vor.u32 $0x100, v6;
	v5 =	vld.idx.msk [tilespmem:v54+s16+$0x0], vm1  }
0x4e8: {  	v56 =	vadd.s32 $0x4180, v4;
	_ =	sdelay $0x3  }
0x4e9: {  	[tilespmem:v55+s6+$0x0] =	vst.idx.msk vm1, v5  }
0x4ea: {  	v57 =	vor.u32 $0x180, v6;
	v5 =	vld.idx.msk [tilespmem:v56+s16+$0x0], vm1  }
0x4eb: {  	v58 =	vadd.s32 $0x4200, v4;
	_ =	sdelay $0x3  }
0x4ec: {  	[tilespmem:v57+s6+$0x0] =	vst.idx.msk vm1, v5  }
0x4ed: {  	v59 =	vor.u32 $0x200, v6;
	v5 =	vld.idx.msk [tilespmem:v58+s16+$0x0], vm1  }
0x4ee: {  	v60 =	vadd.s32 $0x4280, v4;
	_ =	sdelay $0x3  }
0x4ef: {  	[tilespmem:v59+s6+$0x0] =	vst.idx.msk vm1, v5  }
0x4f0: {  	v61 =	vor.u32 $0x280, v6;
	v5 =	vld.idx.msk [tilespmem:v60+s16+$0x0], vm1  }
0x4f1: {  	v62 =	vadd.s32 $0x4300, v4;
	_ =	sdelay $0x3  }
0x4f2: {  	[tilespmem:v61+s6+$0x0] =	vst.idx.msk vm1, v5  }
0x4f3: {  	v63 =	vor.u32 $0x300, v6;
	v5 =	vld.idx.msk [tilespmem:v62+s16+$0x0], vm1  }
0x4f4: {  	v4 =	vadd.s32 $0x4380, v4;
	_ =	sdelay $0x3  }
0x4f5: {  	[tilespmem:v63+s6+$0x0] =	vst.idx.msk vm1, v5  }
0x4f6: {  	v5 =	vor.u32 $0x380, v6;
	v4 =	vld.idx.msk [tilespmem:v4+s16+$0x0], vm1;
	_ =	sdelay $0x4  }
0x4f7: {  	vm15 =	vmmov vm1;
	[tilespmem:v5+s6+$0x0] =	vst.idx.msk vm1, v4  }
.LBB2_70:
0x4f8: {  	s19 =	sshll.u32 @!p1 s10, $0x10  }
0x4f9: {  	s5 =	sadd.s32 @!p1 s19, s28  }
0x4fa: {  	s5 =	sshrl.u32 @!p1 s5, $0x3  }
0x4fb: {  	s30 =	simm.s32 @!p1 $0x5000;
	s5 =	sadd.s32 @!p1 s1, s5  }
0x4fc: {  	[tilespmem:s30], [sflag:$0x2] =	stream.linear.gather @!p1 [hbm4b:s5+s9], $0x4000, $0x38;
	[tilespmem:$0x1B880] =	vst v63  }
0x4fd: {  	_ =	swait.ge [sflag:s31], $0x4000  }
0x4fe: {  	[sflag:s31] =	ssyncset.done $0x0  }
0x4ff: {  	[sflag:s31] =	ssyncadd.s32 $0xFFFFC000  }
0x500: {  	s5 =	sld [smem:s25+$0x3];
	_ =	sdelay $0x2  }
0x501: {  	s30 =	ssub.s32 s5, s7  }
0x502: {  	s9 =	sadd.s32 $0xF, s30  }
0x503: {  	s9 =	sshrl.u32 s9, $0x4  }
0x504: {  	p2 =	seq.s32 s9, $0x0  }
.Ltmp49:
0x505: {  	_ = 	snop;
	(pc) =	sbr.rel @p2 .LBB2_76-.Ltmp49, $1  }
0x506: {  	_ =	sdelay $0x3  }
0x507: {  	p3 =	sne.s32 s9, $0x1  }
.Ltmp50:
0x508: {  	_ = 	snop;
	(pc) =	sbr.rel @!p3 .LBB2_72-.Ltmp50, $3  }
0x509: {  	_ =	sdelay $0x1  }
0x50a: {  	v5 =	vmov s5;
	s8 =	sshll.u32 s8, $0xB;
	v6 =	vadd.s32 s7, v0  }
0x50b: {  	p2 =	por $0x0, $0x0;
	v4 =	vmov s8;
	s8 =	sadd.s32 $0xFFFFFFFF, s9;
	vm1 =	vlt.s32 v6, v5  }
0x50c: {  	_ =	sdelay $0x4  }
0x50d: {  	v7 =	vld.idx.msk [tilespmem:v6+s23+$0x0], vm1;
	_ =	sdelay $0x4  }
0x50e: {  	v8 =	vsub.s32 v7, v4  }
0x50f: {  	v8 =	vshll.u32 v8, $0x3  }
0x510: {  	v6 =	vld.idx.msk [tilespmem:v6+s22+$0x0], vm1;
	v7 =	vand.u32 $0x7F, v7;
	v8 =	vand.u32 $0xFFFFFC00, v8  }
0x511: {  	v7 =	vor.u32 v7, v8  }
0x512: {  	v8 =	vadd.s32 $0x8000, v7;
	_ =	sdelay $0x2  }
0x513: {  	v9 =	vshll.u32 v6, $0x3  }
0x514: {  	v6 =	vand.u32 $0x7F, v6;
	v9 =	vand.u32 $0xFFFFFC00, v9  }
0x515: {  	v9 =	vor.u32 v6, v9;
	v8 =	vld.idx.msk [tilespmem:v8+s16+$0x0], vm1  }
0x516: {  	v6 =	vadd.s32 $0x8080, v7;
	_ =	sdelay $0x3  }
0x517: {  	[tilespmem:v9+s6+$0x0] =	vst.idx.msk vm1, v8  }
0x518: {  	v8 =	vor.u32 $0x80, v9;
	v6 =	vld.idx.msk [tilespmem:v6+s16+$0x0], vm1  }
0x519: {  	v10 =	vadd.s32 $0x8100, v7;
	_ =	sdelay $0x3  }
0x51a: {  	[tilespmem:v8+s6+$0x0] =	vst.idx.msk vm1, v6  }
0x51b: {  	v8 =	vor.u32 $0x100, v9;
	v6 =	vld.idx.msk [tilespmem:v10+s16+$0x0], vm1  }
0x51c: {  	v10 =	vadd.s32 $0x8180, v7;
	_ =	sdelay $0x3  }
0x51d: {  	[tilespmem:v8+s6+$0x0] =	vst.idx.msk vm1, v6  }
0x51e: {  	v8 =	vor.u32 $0x180, v9;
	v6 =	vld.idx.msk [tilespmem:v10+s16+$0x0], vm1  }
0x51f: {  	v10 =	vadd.s32 $0x8200, v7;
	_ =	sdelay $0x3  }
0x520: {  	[tilespmem:v8+s6+$0x0] =	vst.idx.msk vm1, v6  }
0x521: {  	v8 =	vor.u32 $0x200, v9;
	v6 =	vld.idx.msk [tilespmem:v10+s16+$0x0], vm1  }
0x522: {  	v10 =	vadd.s32 $0x8280, v7;
	_ =	sdelay $0x3  }
0x523: {  	[tilespmem:v8+s6+$0x0] =	vst.idx.msk vm1, v6  }
0x524: {  	v8 =	vor.u32 $0x280, v9;
	v6 =	vld.idx.msk [tilespmem:v10+s16+$0x0], vm1  }
0x525: {  	v10 =	vadd.s32 $0x8300, v7;
	_ =	sdelay $0x3  }
0x526: {  	[tilespmem:v8+s6+$0x0] =	vst.idx.msk vm1, v6  }
0x527: {  	v8 =	vor.u32 $0x300, v9;
	v6 =	vld.idx.msk [tilespmem:v10+s16+$0x0], vm1  }
0x528: {  	p3 =	sne.s32 s8, $0x1;
	v7 =	vadd.s32 $0x8380, v7  }
.Ltmp51:
0x529: {  	_ = 	snop;
	(pc) =	sbr.rel @!p3 .LBB2_75-.Ltmp51, $4  }
0x52a: {  	_ = 	snop  }
0x52b: {  	s7 =	sadd.s32 $0x10, s7  }
0x52c: {  	vm0 =	vmmov vm1;
	[tilespmem:v8+s6+$0x0] =	vst.idx.msk vm1, v6;
	v6 =	vadd.s32 s7, v0  }
0x52d: {  	s8 =	sadd.s32 $0xFFFFFFFF, s8;
	p2 =	por $0x1, $0x1;
	v8 =	vor.u32 $0x380, v9;
	v7 =	vld.idx.msk [tilespmem:v7+s16+$0x0], vm1;
	vm1 =	vlt.s32 v6, v5  }
.LBB2_74:
0x52e: {  	_ =	sdelay $0x3  }
0x52f: {  	p3 =	sne.s32 s8, $0x1;
	s8 =	sadd.s32 $0xFFFFFFFF, s8;
	[tilespmem:v8+s6+$0x0] =	vst.idx.msk vm0, v7;
	vm0 =	vmmov vm1  }
0x530: {  	v7 =	vld.idx.msk [tilespmem:v6+s23+$0x0], vm1;
	_ =	sdelay $0x5  }
0x531: {  	v8 =	vsub.s32 v7, v4  }
0x532: {  	v8 =	vshll.u32 v8, $0x3  }
0x533: {  	v7 =	vand.u32 $0x7F, v7;
	v8 =	vand.u32 $0xFFFFFC00, v8;
	v6 =	vld.idx.msk [tilespmem:v6+s22+$0x0], vm1  }
0x534: {  	v7 =	vor.u32 v7, v8  }
0x535: {  	v8 =	vadd.s32 $0x8000, v7;
	_ =	sdelay $0x3  }
0x536: {  	v9 =	vshll.u32 v6, $0x3  }
0x537: {  	v6 =	vand.u32 $0x7F, v6;
	v9 =	vand.u32 $0xFFFFFC00, v9;
	v8 =	vld.idx.msk [tilespmem:v8+s16+$0x0], vm1  }
0x538: {  	v9 =	vor.u32 v6, v9  }
0x539: {  	v6 =	vadd.s32 $0x8080, v7;
	_ =	sdelay $0x3  }
0x53a: {  	[tilespmem:v9+s6+$0x0] =	vst.idx.msk vm1, v8  }
0x53b: {  	v6 =	vld.idx.msk [tilespmem:v6+s16+$0x0], vm1  }
0x53c: {  	v8 =	vor.u32 $0x80, v9  }
0x53d: {  	v10 =	vadd.s32 $0x8100, v7;
	_ =	sdelay $0x3  }
0x53e: {  	[tilespmem:v8+s6+$0x0] =	vst.idx.msk vm1, v6  }
0x53f: {  	v6 =	vld.idx.msk [tilespmem:v10+s16+$0x0], vm1  }
0x540: {  	v8 =	vor.u32 $0x100, v9  }
0x541: {  	v10 =	vadd.s32 $0x8180, v7;
	_ =	sdelay $0x3  }
0x542: {  	[tilespmem:v8+s6+$0x0] =	vst.idx.msk vm0, v6  }
0x543: {  	v6 =	vld.idx.msk [tilespmem:v10+s16+$0x0], vm0  }
0x544: {  	v8 =	vor.u32 $0x180, v9  }
0x545: {  	v10 =	vadd.s32 $0x8200, v7;
	_ =	sdelay $0x3  }
0x546: {  	[tilespmem:v8+s6+$0x0] =	vst.idx.msk vm0, v6  }
0x547: {  	v6 =	vld.idx.msk [tilespmem:v10+s16+$0x0], vm0  }
0x548: {  	v8 =	vor.u32 $0x200, v9  }
0x549: {  	v10 =	vadd.s32 $0x8280, v7;
	_ =	sdelay $0x3  }
0x54a: {  	[tilespmem:v8+s6+$0x0] =	vst.idx.msk vm0, v6  }
0x54b: {  	v6 =	vld.idx.msk [tilespmem:v10+s16+$0x0], vm0  }
0x54c: {  	v8 =	vor.u32 $0x280, v9  }
0x54d: {  	v10 =	vadd.s32 $0x8300, v7;
	_ =	sdelay $0x3  }
0x54e: {  	[tilespmem:v8+s6+$0x0] =	vst.idx.msk vm0, v6  }
0x54f: {  	v6 =	vld.idx.msk [tilespmem:v10+s16+$0x0], vm0  }
0x550: {  	v8 =	vor.u32 $0x300, v9  }
0x551: {  	v7 =	vadd.s32 $0x8380, v7;
	_ =	sdelay $0x1  }
.Ltmp52:
0x552: {  	(pc) =	sbr.rel @p3 .LBB2_74-.Ltmp52, $4  }
0x553: {  	_ = 	snop  }
0x554: {  	s7 =	sadd.s32 $0x10, s7;
	[tilespmem:v8+s6+$0x0] =	vst.idx.msk vm0, v6  }
0x555: {  	v6 =	vadd.s32 s7, v0;
	v7 =	vld.idx.msk [tilespmem:v7+s16+$0x0], vm0  }
0x556: {  	v8 =	vor.u32 $0x380, v9;
	vm1 =	vlt.s32 v6, v5  }
.LBB2_75:
0x557: {  	_ =	sdelay $0x4  }
0x558: {  	[tilespmem:v8+s6+$0x0] =	vst.idx.msk @p2 vm0, v7  }
0x559: {  	v5 =	vld.idx.msk [tilespmem:v6+s23+$0x0], vm1;
	_ =	sdelay $0x4  }
0x55a: {  	v4 =	vsub.s32 v5, v4  }
0x55b: {  	v4 =	vshll.u32 v4, $0x3  }
0x55c: {  	v50 =	vld.idx.msk [tilespmem:v6+s22+$0x0], vm1;
	v5 =	vand.u32 $0x7F, v5;
	v4 =	vand.u32 $0xFFFFFC00, v4  }
0x55d: {  	v4 =	vor.u32 v5, v4  }
0x55e: {  	v5 =	vadd.s32 $0x8000, v4;
	_ =	sdelay $0x2  }
0x55f: {  	v51 =	vshll.u32 v50, $0x3  }
0x560: {  	v6 =	vand.u32 $0x7F, v50;
	v7 =	vand.u32 $0xFFFFFC00, v51  }
0x561: {  	v6 =	vor.u32 v6, v7;
	v5 =	vld.idx.msk [tilespmem:v5+s16+$0x0], vm1  }
0x562: {  	v52 =	vadd.s32 $0x8080, v4;
	_ =	sdelay $0x3  }
0x563: {  	[tilespmem:v6+s6+$0x0] =	vst.idx.msk vm1, v5  }
0x564: {  	v53 =	vor.u32 $0x80, v6;
	v5 =	vld.idx.msk [tilespmem:v52+s16+$0x0], vm1  }
0x565: {  	v54 =	vadd.s32 $0x8100, v4;
	_ =	sdelay $0x3  }
0x566: {  	[tilespmem:v53+s6+$0x0] =	vst.idx.msk vm1, v5  }
0x567: {  	v55 =	vor.u32 $0x100, v6;
	v5 =	vld.idx.msk [tilespmem:v54+s16+$0x0], vm1  }
0x568: {  	v56 =	vadd.s32 $0x8180, v4;
	_ =	sdelay $0x3  }
0x569: {  	[tilespmem:v55+s6+$0x0] =	vst.idx.msk vm1, v5  }
0x56a: {  	v57 =	vor.u32 $0x180, v6;
	v5 =	vld.idx.msk [tilespmem:v56+s16+$0x0], vm1  }
0x56b: {  	v58 =	vadd.s32 $0x8200, v4;
	_ =	sdelay $0x3  }
0x56c: {  	[tilespmem:v57+s6+$0x0] =	vst.idx.msk vm1, v5  }
0x56d: {  	v59 =	vor.u32 $0x200, v6;
	v5 =	vld.idx.msk [tilespmem:v58+s16+$0x0], vm1  }
0x56e: {  	v60 =	vadd.s32 $0x8280, v4;
	_ =	sdelay $0x3  }
0x56f: {  	[tilespmem:v59+s6+$0x0] =	vst.idx.msk vm1, v5  }
0x570: {  	v61 =	vor.u32 $0x280, v6;
	v5 =	vld.idx.msk [tilespmem:v60+s16+$0x0], vm1  }
0x571: {  	v62 =	vadd.s32 $0x8300, v4;
	_ =	sdelay $0x3  }
0x572: {  	[tilespmem:v61+s6+$0x0] =	vst.idx.msk vm1, v5  }
0x573: {  	v63 =	vor.u32 $0x300, v6;
	v5 =	vld.idx.msk [tilespmem:v62+s16+$0x0], vm1  }
0x574: {  	v4 =	vadd.s32 $0x8380, v4;
	_ =	sdelay $0x3  }
0x575: {  	[tilespmem:v63+s6+$0x0] =	vst.idx.msk vm1, v5  }
0x576: {  	v5 =	vor.u32 $0x380, v6;
	v4 =	vld.idx.msk [tilespmem:v4+s16+$0x0], vm1;
	_ =	sdelay $0x4  }
0x577: {  	vm15 =	vmmov vm1;
	[tilespmem:v5+s6+$0x0] =	vst.idx.msk vm1, v4  }
.LBB2_76:
0x578: {  	s7 =	sadd.s32 @!p1 s19, s29  }
0x579: {  	s7 =	sshrl.u32 @!p1 s7, $0x3  }
0x57a: {  	s8 =	simm.s32 @!p1 $0x0;
	s9 =	simm.s32 @!p1 $0x9000;
	s7 =	sadd.s32 @!p1 s1, s7  }
0x57b: {  	[tilespmem:s9], [sflag:$0x3] =	stream.linear.gather @!p1 [hbm4b:s7+s8], $0x4000, $0x38;
	[tilespmem:$0x1B880] =	vst v63  }
0x57c: {  	_ =	swait.ge [sflag:s2], $0x4000  }
0x57d: {  	[sflag:s2] =	ssyncset.done $0x0  }
0x57e: {  	[sflag:s2] =	ssyncadd.s32 $0xFFFFC000  }
0x57f: {  	s8 =	sld [smem:s17+$0x0];
	_ =	sdelay $0x2  }
0x580: {  	s30 =	ssub.s32 s8, s5  }
0x581: {  	s7 =	sadd.s32 $0xF, s30  }
0x582: {  	s7 =	sshrl.u32 s7, $0x4  }
0x583: {  	p2 =	seq.s32 s7, $0x0  }
.Ltmp53:
0x584: {  	_ = 	snop;
	(pc) =	sbr.rel @p2 .LBB2_82-.Ltmp53, $1  }
0x585: {  	_ =	sdelay $0x3  }
0x586: {  	p3 =	sne.s32 s7, $0x1  }
.Ltmp54:
0x587: {  	_ = 	snop;
	(pc) =	sbr.rel @!p3 .LBB2_78-.Ltmp54, $4  }
0x588: {  	_ = 	snop  }
0x589: {  	s9 =	sshll.u32 s10, $0xD  }
0x58a: {  	v5 =	vmov s8;
	v6 =	vadd.s32 s5, v0;
	s30 =	sor.u32 $0x1800, s9  }
0x58b: {  	s7 =	sadd.s32 $0xFFFFFFFF, s7;
	p2 =	por $0x0, $0x0;
	vm1 =	vlt.s32 v6, v5;
	v4 =	vmov s30  }
0x58c: {  	_ =	sdelay $0x4  }
0x58d: {  	v7 =	vld.idx.msk [tilespmem:v6+s23+$0x0], vm1;
	_ =	sdelay $0x4  }
0x58e: {  	v8 =	vsub.s32 v7, v4  }
0x58f: {  	v8 =	vshll.u32 v8, $0x3  }
0x590: {  	v6 =	vld.idx.msk [tilespmem:v6+s22+$0x0], vm1;
	v7 =	vand.u32 $0x7F, v7;
	v8 =	vand.u32 $0xFFFFFC00, v8  }
0x591: {  	v7 =	vor.u32 v7, v8  }
0x592: {  	v8 =	vadd.s32 $0xC000, v7;
	_ =	sdelay $0x2  }
0x593: {  	v9 =	vshll.u32 v6, $0x3  }
0x594: {  	v6 =	vand.u32 $0x7F, v6;
	v9 =	vand.u32 $0xFFFFFC00, v9  }
0x595: {  	v9 =	vor.u32 v6, v9;
	v8 =	vld.idx.msk [tilespmem:v8+s16+$0x0], vm1  }
0x596: {  	v6 =	vadd.s32 $0xC080, v7;
	_ =	sdelay $0x3  }
0x597: {  	[tilespmem:v9+s6+$0x0] =	vst.idx.msk vm1, v8  }
0x598: {  	v8 =	vor.u32 $0x80, v9;
	v6 =	vld.idx.msk [tilespmem:v6+s16+$0x0], vm1  }
0x599: {  	v10 =	vadd.s32 $0xC100, v7;
	_ =	sdelay $0x3  }
0x59a: {  	[tilespmem:v8+s6+$0x0] =	vst.idx.msk vm1, v6  }
0x59b: {  	v8 =	vor.u32 $0x100, v9;
	v6 =	vld.idx.msk [tilespmem:v10+s16+$0x0], vm1  }
0x59c: {  	v10 =	vadd.s32 $0xC180, v7;
	_ =	sdelay $0x3  }
0x59d: {  	[tilespmem:v8+s6+$0x0] =	vst.idx.msk vm1, v6  }
0x59e: {  	v8 =	vor.u32 $0x180, v9;
	v6 =	vld.idx.msk [tilespmem:v10+s16+$0x0], vm1  }
0x59f: {  	v10 =	vadd.s32 $0xC200, v7;
	_ =	sdelay $0x3  }
0x5a0: {  	[tilespmem:v8+s6+$0x0] =	vst.idx.msk vm1, v6  }
0x5a1: {  	v8 =	vor.u32 $0x200, v9;
	v6 =	vld.idx.msk [tilespmem:v10+s16+$0x0], vm1  }
0x5a2: {  	v10 =	vadd.s32 $0xC280, v7;
	_ =	sdelay $0x3  }
0x5a3: {  	[tilespmem:v8+s6+$0x0] =	vst.idx.msk vm1, v6  }
0x5a4: {  	v8 =	vor.u32 $0x280, v9;
	v6 =	vld.idx.msk [tilespmem:v10+s16+$0x0], vm1  }
0x5a5: {  	v10 =	vadd.s32 $0xC300, v7;
	_ =	sdelay $0x3  }
0x5a6: {  	[tilespmem:v8+s6+$0x0] =	vst.idx.msk vm1, v6  }
0x5a7: {  	v8 =	vor.u32 $0x300, v9;
	v6 =	vld.idx.msk [tilespmem:v10+s16+$0x0], vm1  }
0x5a8: {  	p3 =	sne.s32 s7, $0x1;
	v7 =	vadd.s32 $0xC380, v7  }
.Ltmp55:
0x5a9: {  	_ = 	snop;
	(pc) =	sbr.rel @!p3 .LBB2_81-.Ltmp55, $4  }
0x5aa: {  	_ = 	snop  }
0x5ab: {  	s5 =	sadd.s32 $0x10, s5  }
0x5ac: {  	vm0 =	vmmov vm1;
	[tilespmem:v8+s6+$0x0] =	vst.idx.msk vm1, v6;
	v6 =	vadd.s32 s5, v0  }
0x5ad: {  	s7 =	sadd.s32 $0xFFFFFFFF, s7;
	p2 =	por $0x1, $0x1;
	v8 =	vor.u32 $0x380, v9;
	v7 =	vld.idx.msk [tilespmem:v7+s16+$0x0], vm1;
	vm1 =	vlt.s32 v6, v5  }
.LBB2_80:
0x5ae: {  	_ =	sdelay $0x3  }
0x5af: {  	p3 =	sne.s32 s7, $0x1;
	s7 =	sadd.s32 $0xFFFFFFFF, s7;
	[tilespmem:v8+s6+$0x0] =	vst.idx.msk vm0, v7;
	vm0 =	vmmov vm1  }
0x5b0: {  	v7 =	vld.idx.msk [tilespmem:v6+s23+$0x0], vm1;
	_ =	sdelay $0x5  }
0x5b1: {  	v8 =	vsub.s32 v7, v4  }
0x5b2: {  	v8 =	vshll.u32 v8, $0x3  }
0x5b3: {  	v7 =	vand.u32 $0x7F, v7;
	v8 =	vand.u32 $0xFFFFFC00, v8;
	v6 =	vld.idx.msk [tilespmem:v6+s22+$0x0], vm1  }
0x5b4: {  	v7 =	vor.u32 v7, v8  }
0x5b5: {  	v8 =	vadd.s32 $0xC000, v7;
	_ =	sdelay $0x3  }
0x5b6: {  	v9 =	vshll.u32 v6, $0x3  }
0x5b7: {  	v6 =	vand.u32 $0x7F, v6;
	v9 =	vand.u32 $0xFFFFFC00, v9;
	v8 =	vld.idx.msk [tilespmem:v8+s16+$0x0], vm1  }
0x5b8: {  	v9 =	vor.u32 v6, v9  }
0x5b9: {  	v6 =	vadd.s32 $0xC080, v7;
	_ =	sdelay $0x3  }
0x5ba: {  	[tilespmem:v9+s6+$0x0] =	vst.idx.msk vm1, v8  }
0x5bb: {  	v6 =	vld.idx.msk [tilespmem:v6+s16+$0x0], vm1  }
0x5bc: {  	v8 =	vor.u32 $0x80, v9  }
0x5bd: {  	v10 =	vadd.s32 $0xC100, v7;
	_ =	sdelay $0x3  }
0x5be: {  	[tilespmem:v8+s6+$0x0] =	vst.idx.msk vm1, v6  }
0x5bf: {  	v6 =	vld.idx.msk [tilespmem:v10+s16+$0x0], vm1  }
0x5c0: {  	v8 =	vor.u32 $0x100, v9  }
0x5c1: {  	v10 =	vadd.s32 $0xC180, v7;
	_ =	sdelay $0x3  }
0x5c2: {  	[tilespmem:v8+s6+$0x0] =	vst.idx.msk vm0, v6  }
0x5c3: {  	v6 =	vld.idx.msk [tilespmem:v10+s16+$0x0], vm0  }
0x5c4: {  	v8 =	vor.u32 $0x180, v9  }
0x5c5: {  	v10 =	vadd.s32 $0xC200, v7;
	_ =	sdelay $0x3  }
0x5c6: {  	[tilespmem:v8+s6+$0x0] =	vst.idx.msk vm0, v6  }
0x5c7: {  	v6 =	vld.idx.msk [tilespmem:v10+s16+$0x0], vm0  }
0x5c8: {  	v8 =	vor.u32 $0x200, v9  }
0x5c9: {  	v10 =	vadd.s32 $0xC280, v7;
	_ =	sdelay $0x3  }
0x5ca: {  	[tilespmem:v8+s6+$0x0] =	vst.idx.msk vm0, v6  }
0x5cb: {  	v6 =	vld.idx.msk [tilespmem:v10+s16+$0x0], vm0  }
0x5cc: {  	v8 =	vor.u32 $0x280, v9  }
0x5cd: {  	v10 =	vadd.s32 $0xC300, v7;
	_ =	sdelay $0x3  }
0x5ce: {  	[tilespmem:v8+s6+$0x0] =	vst.idx.msk vm0, v6  }
0x5cf: {  	v6 =	vld.idx.msk [tilespmem:v10+s16+$0x0], vm0  }
0x5d0: {  	v8 =	vor.u32 $0x300, v9  }
0x5d1: {  	v7 =	vadd.s32 $0xC380, v7;
	_ =	sdelay $0x1  }
.Ltmp56:
0x5d2: {  	(pc) =	sbr.rel @p3 .LBB2_80-.Ltmp56, $4  }
0x5d3: {  	_ = 	snop  }
0x5d4: {  	s5 =	sadd.s32 $0x10, s5;
	[tilespmem:v8+s6+$0x0] =	vst.idx.msk vm0, v6  }
0x5d5: {  	v6 =	vadd.s32 s5, v0;
	v7 =	vld.idx.msk [tilespmem:v7+s16+$0x0], vm0  }
0x5d6: {  	v8 =	vor.u32 $0x380, v9;
	vm1 =	vlt.s32 v6, v5  }
.LBB2_81:
0x5d7: {  	_ =	sdelay $0x4  }
0x5d8: {  	[tilespmem:v8+s6+$0x0] =	vst.idx.msk @p2 vm0, v7  }
0x5d9: {  	v5 =	vld.idx.msk [tilespmem:v6+s23+$0x0], vm1;
	_ =	sdelay $0x4  }
0x5da: {  	v4 =	vsub.s32 v5, v4  }
0x5db: {  	v4 =	vshll.u32 v4, $0x3  }
0x5dc: {  	v50 =	vld.idx.msk [tilespmem:v6+s22+$0x0], vm1;
	v5 =	vand.u32 $0x7F, v5;
	v4 =	vand.u32 $0xFFFFFC00, v4  }
0x5dd: {  	v4 =	vor.u32 v5, v4  }
0x5de: {  	v5 =	vadd.s32 $0xC000, v4;
	_ =	sdelay $0x2  }
0x5df: {  	v51 =	vshll.u32 v50, $0x3  }
0x5e0: {  	v6 =	vand.u32 $0x7F, v50;
	v7 =	vand.u32 $0xFFFFFC00, v51  }
0x5e1: {  	v6 =	vor.u32 v6, v7;
	v5 =	vld.idx.msk [tilespmem:v5+s16+$0x0], vm1  }
0x5e2: {  	v52 =	vadd.s32 $0xC080, v4;
	_ =	sdelay $0x3  }
0x5e3: {  	[tilespmem:v6+s6+$0x0] =	vst.idx.msk vm1, v5  }
0x5e4: {  	v53 =	vor.u32 $0x80, v6;
	v5 =	vld.idx.msk [tilespmem:v52+s16+$0x0], vm1  }
0x5e5: {  	v54 =	vadd.s32 $0xC100, v4;
	_ =	sdelay $0x3  }
0x5e6: {  	[tilespmem:v53+s6+$0x0] =	vst.idx.msk vm1, v5  }
0x5e7: {  	v55 =	vor.u32 $0x100, v6;
	v5 =	vld.idx.msk [tilespmem:v54+s16+$0x0], vm1  }
0x5e8: {  	v56 =	vadd.s32 $0xC180, v4;
	_ =	sdelay $0x3  }
0x5e9: {  	[tilespmem:v55+s6+$0x0] =	vst.idx.msk vm1, v5  }
0x5ea: {  	v57 =	vor.u32 $0x180, v6;
	v5 =	vld.idx.msk [tilespmem:v56+s16+$0x0], vm1  }
0x5eb: {  	v58 =	vadd.s32 $0xC200, v4;
	_ =	sdelay $0x3  }
0x5ec: {  	[tilespmem:v57+s6+$0x0] =	vst.idx.msk vm1, v5  }
0x5ed: {  	v59 =	vor.u32 $0x200, v6;
	v5 =	vld.idx.msk [tilespmem:v58+s16+$0x0], vm1  }
0x5ee: {  	v60 =	vadd.s32 $0xC280, v4;
	_ =	sdelay $0x3  }
0x5ef: {  	[tilespmem:v59+s6+$0x0] =	vst.idx.msk vm1, v5  }
0x5f0: {  	v61 =	vor.u32 $0x280, v6;
	v5 =	vld.idx.msk [tilespmem:v60+s16+$0x0], vm1  }
0x5f1: {  	v62 =	vadd.s32 $0xC300, v4;
	_ =	sdelay $0x3  }
0x5f2: {  	[tilespmem:v61+s6+$0x0] =	vst.idx.msk vm1, v5  }
0x5f3: {  	v63 =	vor.u32 $0x300, v6;
	v5 =	vld.idx.msk [tilespmem:v62+s16+$0x0], vm1  }
0x5f4: {  	v4 =	vadd.s32 $0xC380, v4;
	_ =	sdelay $0x3  }
0x5f5: {  	[tilespmem:v63+s6+$0x0] =	vst.idx.msk vm1, v5  }
0x5f6: {  	v5 =	vor.u32 $0x380, v6;
	v4 =	vld.idx.msk [tilespmem:v4+s16+$0x0], vm1;
	_ =	sdelay $0x4  }
0x5f7: {  	vm15 =	vmmov vm1;
	[tilespmem:v5+s6+$0x0] =	vst.idx.msk vm1, v4  }
.LBB2_82:
.Ltmp57:
0x5f8: {  	(pc) =	sbr.rel @p1 .LBB2_84-.Ltmp57, $1  }
0x5f9: {  	_ =	sdelay $0x3  }
.Ltmp58:
0x5fa: {  	s5 =	sshll.u32 s10, $0x10;
	s7 =	rddreg [dreg:$0x13];
	(pc) =	sbr.rel .LBB2_58-.Ltmp58, $4  }
0x5fb: {  	s5 =	sadd.s32 s5, s7  }
0x5fc: {  	s5 =	sshrl.u32 s5, $0x3  }
0x5fd: {  	s10 =	sadd.s32 $0x1, s10;
	s5 =	sadd.s32 s1, s5  }
0x5fe: {  	[tilespmem:s0], [sflag:$0x4] =	stream.linear.gather [hbm4b:s5+s3], $0x4000, $0x38;
	[tilespmem:$0x1B880] =	vst v63  }
.LBB2_60:
.Ltmp59:
0x5ff: {  	(pc) =	sbr.rel .LBB2_63-.Ltmp59, $2  }
0x600: {  	_ =	sdelay $0x2  }
0x601: {  	_ = 	snop  }
.LBB2_66:
.Ltmp60:
0x602: {  	(pc) =	sbr.rel .LBB2_69-.Ltmp60, $2  }
0x603: {  	_ =	sdelay $0x2  }
0x604: {  	_ = 	snop  }
.LBB2_72:
.Ltmp61:
0x605: {  	(pc) =	sbr.rel .LBB2_75-.Ltmp61, $2  }
0x606: {  	_ =	sdelay $0x2  }
0x607: {  	_ = 	snop  }
.LBB2_78:
.Ltmp62:
0x608: {  	(pc) =	sbr.rel .LBB2_81-.Ltmp62, $2  }
0x609: {  	_ =	sdelay $0x2  }
0x60a: {  	_ = 	snop  }
.LBB2_84:
0x60b: {  	_ =	swait.ge [sflag:s24], $0x3400  }
0x60c: {  	[sflag:s24] =	ssyncset.done $0x0  }
0x60d: {  	[sflag:s24] =	ssyncadd.s32 $0xFFFFCC00  }
0x60e: {  	s7 =	sld [smem:$0x30]  }
0x60f: {  	s5 =	sld [smem:$0x31];
	_ =	sdelay $0x2  }
0x610: {  	s8 =	ssub.s32 s5, s7  }
0x611: {  	s8 =	sadd.s32 $0xF, s8  }
0x612: {  	s8 =	sshrl.u32 s8, $0x4  }
0x613: {  	p1 =	seq.s32 s8, $0x0  }
.Ltmp63:
0x614: {  	_ = 	snop;
	(pc) =	sbr.rel @p1 .LBB2_90-.Ltmp63, $1  }
0x615: {  	_ =	sdelay $0x3  }
0x616: {  	p2 =	sne.s32 s8, $0x1  }
.Ltmp64:
0x617: {  	_ = 	snop;
	(pc) =	sbr.rel @!p2 .LBB2_86-.Ltmp64, $3  }
0x618: {  	_ =	sdelay $0x1  }
0x619: {  	v4 =	vmov s5;
	v5 =	vadd.s32 s7, v0  }
0x61a: {  	s8 =	sadd.s32 $0xFFFFFFFF, s8;
	p1 =	por $0x0, $0x0;
	vm1 =	vlt.s32 v5, v4  }
0x61b: {  	_ =	sdelay $0x4  }
0x61c: {  	v6 =	vld.idx.msk [tilespmem:v5+s23+$0x0], vm1;
	_ =	sdelay $0x4  }
0x61d: {  	v7 =	vshll.u32 v6, $0x3  }
0x61e: {  	v5 =	vld.idx.msk [tilespmem:v5+s22+$0x0], vm1;
	v6 =	vand.u32 $0x7F, v6;
	v7 =	vand.u32 $0xFFFFFC00, v7  }
0x61f: {  	v6 =	vor.u32 v6, v7  }
0x620: {  	v7 =	vadd.s32 $0xFFF40000, v6;
	_ =	sdelay $0x2  }
0x621: {  	v8 =	vshll.u32 v5, $0x3  }
0x622: {  	v5 =	vand.u32 $0x7F, v5;
	v8 =	vand.u32 $0xFFFFFC00, v8  }
0x623: {  	v8 =	vor.u32 v5, v8;
	v7 =	vld.idx.msk [tilespmem:v7+s16+$0x0], vm1  }
0x624: {  	v5 =	vadd.s32 $0xFFF40080, v6;
	_ =	sdelay $0x3  }
0x625: {  	[tilespmem:v8+s6+$0x0] =	vst.idx.msk vm1, v7  }
0x626: {  	v7 =	vor.u32 $0x80, v8;
	v5 =	vld.idx.msk [tilespmem:v5+s16+$0x0], vm1  }
0x627: {  	v9 =	vadd.s32 $0xFFF40100, v6;
	_ =	sdelay $0x3  }
0x628: {  	[tilespmem:v7+s6+$0x0] =	vst.idx.msk vm1, v5  }
0x629: {  	v7 =	vor.u32 $0x100, v8;
	v5 =	vld.idx.msk [tilespmem:v9+s16+$0x0], vm1  }
0x62a: {  	v60 =	vadd.s32 $0xFFF40180, v6;
	_ =	sdelay $0x3  }
0x62b: {  	[tilespmem:v7+s6+$0x0] =	vst.idx.msk vm1, v5  }
0x62c: {  	v7 =	vor.u32 $0x180, v8;
	v5 =	vld.idx.msk [tilespmem:v60+s16+$0x0], vm1  }
0x62d: {  	v61 =	vadd.s32 $0xFFF40200, v6;
	_ =	sdelay $0x3  }
0x62e: {  	[tilespmem:v7+s6+$0x0] =	vst.idx.msk vm1, v5  }
0x62f: {  	v7 =	vor.u32 $0x200, v8;
	v5 =	vld.idx.msk [tilespmem:v61+s16+$0x0], vm1  }
0x630: {  	v62 =	vadd.s32 $0xFFF40280, v6;
	_ =	sdelay $0x3  }
0x631: {  	[tilespmem:v7+s6+$0x0] =	vst.idx.msk vm1, v5  }
0x632: {  	v7 =	vor.u32 $0x280, v8;
	v5 =	vld.idx.msk [tilespmem:v62+s16+$0x0], vm1  }
0x633: {  	v63 =	vadd.s32 $0xFFF40300, v6;
	_ =	sdelay $0x3  }
0x634: {  	[tilespmem:v7+s6+$0x0] =	vst.idx.msk vm1, v5  }
0x635: {  	v7 =	vor.u32 $0x300, v8;
	v5 =	vld.idx.msk [tilespmem:v63+s16+$0x0], vm1  }
0x636: {  	p2 =	sne.s32 s8, $0x1;
	v6 =	vadd.s32 $0xFFF40380, v6  }
.Ltmp65:
0x637: {  	_ = 	snop;
	(pc) =	sbr.rel @!p2 .LBB2_89-.Ltmp65, $4  }
0x638: {  	_ = 	snop  }
0x639: {  	s7 =	sadd.s32 $0x10, s7  }
0x63a: {  	vm0 =	vmmov vm1;
	[tilespmem:v7+s6+$0x0] =	vst.idx.msk vm1, v5;
	v5 =	vadd.s32 s7, v0  }
0x63b: {  	s8 =	sadd.s32 $0xFFFFFFFF, s8;
	p1 =	por $0x1, $0x1;
	v7 =	vor.u32 $0x380, v8;
	v6 =	vld.idx.msk [tilespmem:v6+s16+$0x0], vm1;
	vm1 =	vlt.s32 v5, v4  }
.LBB2_88:
0x63c: {  	_ =	sdelay $0x3  }
0x63d: {  	p2 =	sne.s32 s8, $0x1;
	s8 =	sadd.s32 $0xFFFFFFFF, s8;
	[tilespmem:v7+s6+$0x0] =	vst.idx.msk vm0, v6;
	vm0 =	vmmov vm1  }
0x63e: {  	v6 =	vld.idx.msk [tilespmem:v5+s23+$0x0], vm1;
	_ =	sdelay $0x5  }
0x63f: {  	v7 =	vshll.u32 v6, $0x3  }
0x640: {  	v6 =	vand.u32 $0x7F, v6;
	v7 =	vand.u32 $0xFFFFFC00, v7;
	v5 =	vld.idx.msk [tilespmem:v5+s22+$0x0], vm1  }
0x641: {  	v6 =	vor.u32 v6, v7  }
0x642: {  	v7 =	vadd.s32 $0xFFF40000, v6;
	_ =	sdelay $0x3  }
0x643: {  	v8 =	vshll.u32 v5, $0x3  }
0x644: {  	v5 =	vand.u32 $0x7F, v5;
	v8 =	vand.u32 $0xFFFFFC00, v8;
	v7 =	vld.idx.msk [tilespmem:v7+s16+$0x0], vm1  }
0x645: {  	v8 =	vor.u32 v5, v8  }
0x646: {  	v5 =	vadd.s32 $0xFFF40080, v6;
	_ =	sdelay $0x3  }
0x647: {  	[tilespmem:v8+s6+$0x0] =	vst.idx.msk vm1, v7  }
0x648: {  	v5 =	vld.idx.msk [tilespmem:v5+s16+$0x0], vm1  }
0x649: {  	v7 =	vor.u32 $0x80, v8  }
0x64a: {  	v9 =	vadd.s32 $0xFFF40100, v6;
	_ =	sdelay $0x3  }
0x64b: {  	[tilespmem:v7+s6+$0x0] =	vst.idx.msk vm1, v5  }
0x64c: {  	v5 =	vld.idx.msk [tilespmem:v9+s16+$0x0], vm1  }
0x64d: {  	v7 =	vor.u32 $0x100, v8  }
0x64e: {  	v9 =	vadd.s32 $0xFFF40180, v6;
	_ =	sdelay $0x3  }
0x64f: {  	[tilespmem:v7+s6+$0x0] =	vst.idx.msk vm0, v5  }
0x650: {  	v5 =	vld.idx.msk [tilespmem:v9+s16+$0x0], vm0  }
0x651: {  	v7 =	vor.u32 $0x180, v8  }
0x652: {  	v9 =	vadd.s32 $0xFFF40200, v6;
	_ =	sdelay $0x3  }
0x653: {  	[tilespmem:v7+s6+$0x0] =	vst.idx.msk vm0, v5  }
0x654: {  	v5 =	vld.idx.msk [tilespmem:v9+s16+$0x0], vm0  }
0x655: {  	v7 =	vor.u32 $0x200, v8  }
0x656: {  	v9 =	vadd.s32 $0xFFF40280, v6;
	_ =	sdelay $0x3  }
0x657: {  	[tilespmem:v7+s6+$0x0] =	vst.idx.msk vm0, v5  }
0x658: {  	v5 =	vld.idx.msk [tilespmem:v9+s16+$0x0], vm0  }
0x659: {  	v7 =	vor.u32 $0x280, v8  }
0x65a: {  	v9 =	vadd.s32 $0xFFF40300, v6;
	_ =	sdelay $0x3  }
0x65b: {  	[tilespmem:v7+s6+$0x0] =	vst.idx.msk vm0, v5  }
0x65c: {  	v5 =	vld.idx.msk [tilespmem:v9+s16+$0x0], vm0  }
0x65d: {  	v7 =	vor.u32 $0x300, v8  }
0x65e: {  	v6 =	vadd.s32 $0xFFF40380, v6;
	_ =	sdelay $0x1  }
.Ltmp66:
0x65f: {  	(pc) =	sbr.rel @p2 .LBB2_88-.Ltmp66, $4  }
0x660: {  	_ = 	snop  }
0x661: {  	s7 =	sadd.s32 $0x10, s7;
	[tilespmem:v7+s6+$0x0] =	vst.idx.msk vm0, v5  }
0x662: {  	v5 =	vadd.s32 s7, v0;
	v6 =	vld.idx.msk [tilespmem:v6+s16+$0x0], vm0  }
0x663: {  	v7 =	vor.u32 $0x380, v8;
	vm1 =	vlt.s32 v5, v4  }
.LBB2_89:
0x664: {  	_ =	sdelay $0x4  }
0x665: {  	[tilespmem:v7+s6+$0x0] =	vst.idx.msk @p1 vm0, v6  }
0x666: {  	v4 =	vld.idx.msk [tilespmem:v5+s23+$0x0], vm1;
	_ =	sdelay $0x4  }
0x667: {  	v51 =	vshll.u32 v4, $0x3  }
0x668: {  	v5 =	vld.idx.msk [tilespmem:v5+s22+$0x0], vm1;
	v4 =	vand.u32 $0x7F, v4;
	v6 =	vand.u32 $0xFFFFFC00, v51  }
0x669: {  	v4 =	vor.u32 v4, v6  }
0x66a: {  	v6 =	vadd.s32 $0xFFF40000, v4;
	_ =	sdelay $0x2  }
0x66b: {  	v52 =	vshll.u32 v5, $0x3  }
0x66c: {  	v5 =	vand.u32 $0x7F, v5;
	v7 =	vand.u32 $0xFFFFFC00, v52  }
0x66d: {  	v5 =	vor.u32 v5, v7;
	v6 =	vld.idx.msk [tilespmem:v6+s16+$0x0], vm1  }
0x66e: {  	v53 =	vadd.s32 $0xFFF40080, v4;
	_ =	sdelay $0x3  }
0x66f: {  	[tilespmem:v5+s6+$0x0] =	vst.idx.msk vm1, v6  }
0x670: {  	v54 =	vor.u32 $0x80, v5;
	v6 =	vld.idx.msk [tilespmem:v53+s16+$0x0], vm1  }
0x671: {  	v8 =	vadd.s32 $0xFFF40100, v4;
	_ =	sdelay $0x3  }
0x672: {  	[tilespmem:v54+s6+$0x0] =	vst.idx.msk vm1, v6  }
0x673: {  	v55 =	vor.u32 $0x100, v5;
	v6 =	vld.idx.msk [tilespmem:v8+s16+$0x0], vm1  }
0x674: {  	v56 =	vadd.s32 $0xFFF40180, v4;
	_ =	sdelay $0x3  }
0x675: {  	[tilespmem:v55+s6+$0x0] =	vst.idx.msk vm1, v6  }
0x676: {  	v57 =	vor.u32 $0x180, v5;
	v6 =	vld.idx.msk [tilespmem:v56+s16+$0x0], vm1  }
0x677: {  	v58 =	vadd.s32 $0xFFF40200, v4;
	_ =	sdelay $0x3  }
0x678: {  	[tilespmem:v57+s6+$0x0] =	vst.idx.msk vm1, v6  }
0x679: {  	v59 =	vor.u32 $0x200, v5;
	v6 =	vld.idx.msk [tilespmem:v58+s16+$0x0], vm1  }
0x67a: {  	v60 =	vadd.s32 $0xFFF40280, v4;
	_ =	sdelay $0x3  }
0x67b: {  	[tilespmem:v59+s6+$0x0] =	vst.idx.msk vm1, v6  }
0x67c: {  	v61 =	vor.u32 $0x280, v5;
	v6 =	vld.idx.msk [tilespmem:v60+s16+$0x0], vm1  }
0x67d: {  	v62 =	vadd.s32 $0xFFF40300, v4;
	_ =	sdelay $0x3  }
0x67e: {  	[tilespmem:v61+s6+$0x0] =	vst.idx.msk vm1, v6  }
0x67f: {  	v63 =	vor.u32 $0x300, v5;
	v6 =	vld.idx.msk [tilespmem:v62+s16+$0x0], vm1  }
0x680: {  	v4 =	vadd.s32 $0xFFF40380, v4;
	_ =	sdelay $0x3  }
0x681: {  	[tilespmem:v63+s6+$0x0] =	vst.idx.msk vm1, v6  }
0x682: {  	v5 =	vor.u32 $0x380, v5;
	v4 =	vld.idx.msk [tilespmem:v4+s16+$0x0], vm1;
	_ =	sdelay $0x4  }
0x683: {  	vm15 =	vmmov vm1;
	[tilespmem:v5+s6+$0x0] =	vst.idx.msk vm1, v4  }
.LBB2_90:
0x684: {  	s8 =	rddreg [dreg:$0x16]  }
0x685: {  	s7 =	ssub.s32 s8, s5  }
0x686: {  	s7 =	sadd.s32 $0xF, s7  }
0x687: {  	s7 =	sshrl.u32 s7, $0x4  }
0x688: {  	p1 =	seq.s32 s7, $0x0  }
.Ltmp67:
0x689: {  	_ = 	snop;
	(pc) =	sbr.rel @p1 .LBB2_96-.Ltmp67, $1  }
0x68a: {  	_ =	sdelay $0x3  }
0x68b: {  	p2 =	sne.s32 s7, $0x1  }
.Ltmp68:
0x68c: {  	_ = 	snop;
	(pc) =	sbr.rel @!p2 .LBB2_92-.Ltmp68, $3  }
0x68d: {  	_ =	sdelay $0x1  }
0x68e: {  	v4 =	vmov s8;
	v5 =	vadd.s32 s5, v0  }
0x68f: {  	s7 =	sadd.s32 $0xFFFFFFFF, s7;
	p1 =	por $0x0, $0x0;
	vm1 =	vlt.s32 v5, v4  }
0x690: {  	_ =	sdelay $0x4  }
0x691: {  	v6 =	vld.idx.msk [tilespmem:v5+s23+$0x0], vm1;
	_ =	sdelay $0x2  }
0x692: {  	v5 =	vld.idx.msk [tilespmem:v5+s22+$0x0], vm1;
	_ =	sdelay $0x1  }
0x693: {  	v7 =	vadd.s32 $0xFFFE7980, v6;
	_ =	sdelay $0x2  }
0x694: {  	v8 =	vshll.u32 v5, $0x3  }
0x695: {  	v5 =	vand.u32 $0x7F, v5;
	v8 =	vand.u32 $0xFFFFFC00, v8  }
0x696: {  	v8 =	vor.u32 v5, v8;
	v7 =	vld.idx.msk [tilespmem:v7+s20+$0x0], vm1  }
0x697: {  	v5 =	vadd.s32 $0xFFFE7A00, v6;
	_ =	sdelay $0x3  }
0x698: {  	[tilespmem:v8+s6+$0x0] =	vst.idx.msk vm1, v7  }
0x699: {  	v7 =	vor.u32 $0x80, v8;
	v5 =	vld.idx.msk [tilespmem:v5+s20+$0x0], vm1  }
0x69a: {  	v9 =	vadd.s32 $0xFFFE7A80, v6;
	_ =	sdelay $0x3  }
0x69b: {  	[tilespmem:v7+s6+$0x0] =	vst.idx.msk vm1, v5  }
0x69c: {  	v7 =	vor.u32 $0x100, v8;
	v5 =	vld.idx.msk [tilespmem:v9+s20+$0x0], vm1  }
0x69d: {  	v60 =	vadd.s32 $0xFFFE7B00, v6;
	_ =	sdelay $0x3  }
0x69e: {  	[tilespmem:v7+s6+$0x0] =	vst.idx.msk vm1, v5  }
0x69f: {  	v7 =	vor.u32 $0x180, v8;
	v5 =	vld.idx.msk [tilespmem:v60+s20+$0x0], vm1  }
0x6a0: {  	v61 =	vadd.s32 $0xFFFE7B80, v6;
	_ =	sdelay $0x3  }
0x6a1: {  	[tilespmem:v7+s6+$0x0] =	vst.idx.msk vm1, v5  }
0x6a2: {  	v7 =	vor.u32 $0x200, v8;
	v5 =	vld.idx.msk [tilespmem:v61+s20+$0x0], vm1  }
0x6a3: {  	v62 =	vadd.s32 $0xFFFE7C00, v6;
	_ =	sdelay $0x3  }
0x6a4: {  	[tilespmem:v7+s6+$0x0] =	vst.idx.msk vm1, v5  }
0x6a5: {  	v7 =	vor.u32 $0x280, v8;
	v5 =	vld.idx.msk [tilespmem:v62+s20+$0x0], vm1  }
0x6a6: {  	v63 =	vadd.s32 $0xFFFE7C80, v6;
	_ =	sdelay $0x3  }
0x6a7: {  	[tilespmem:v7+s6+$0x0] =	vst.idx.msk vm1, v5  }
0x6a8: {  	v7 =	vor.u32 $0x300, v8;
	v5 =	vld.idx.msk [tilespmem:v63+s20+$0x0], vm1  }
0x6a9: {  	v6 =	vadd.s32 $0xFFFE7D00, v6;
	_ =	sdelay $0x3  }
0x6aa: {  	vm0 =	vmmov vm1;
	p2 =	sne.s32 s7, $0x1;
	[tilespmem:v7+s6+$0x0] =	vst.idx.msk vm1, v5  }
.Ltmp69:
0x6ab: {  	s5 =	sadd.s32 $0x10, s5;
	v7 =	vor.u32 $0x380, v8;
	v6 =	vld.idx.msk [tilespmem:v6+s20+$0x0], vm1;
	(pc) =	sbr.rel @!p2 .LBB2_95-.Ltmp69, $2  }
0x6ac: {  	v5 =	vadd.s32 s5, v0;
	_ =	sdelay $0x2  }
0x6ad: {  	s7 =	sadd.s32 $0xFFFFFFFF, s7;
	p1 =	por $0x1, $0x1;
	vm1 =	vlt.s32 v5, v4  }
.LBB2_94:
0x6ae: {  	p2 =	sne.s32 s7, $0x1;
	s7 =	sadd.s32 $0xFFFFFFFF, s7;
	[tilespmem:v7+s6+$0x0] =	vst.idx.msk vm0, v6;
	vm0 =	vmmov vm1  }
0x6af: {  	v6 =	vld.idx.msk [tilespmem:v5+s23+$0x0], vm1;
	_ =	sdelay $0x3  }
0x6b0: {  	v5 =	vld.idx.msk [tilespmem:v5+s22+$0x0], vm1;
	_ =	sdelay $0x1  }
0x6b1: {  	v7 =	vadd.s32 $0xFFFE7980, v6;
	_ =	sdelay $0x3  }
0x6b2: {  	v8 =	vshll.u32 v5, $0x3  }
0x6b3: {  	v5 =	vand.u32 $0x7F, v5;
	v8 =	vand.u32 $0xFFFFFC00, v8;
	v7 =	vld.idx.msk [tilespmem:v7+s20+$0x0], vm1  }
0x6b4: {  	v8 =	vor.u32 v5, v8  }
0x6b5: {  	v5 =	vadd.s32 $0xFFFE7A00, v6;
	_ =	sdelay $0x3  }
0x6b6: {  	[tilespmem:v8+s6+$0x0] =	vst.idx.msk vm1, v7  }
0x6b7: {  	v5 =	vld.idx.msk [tilespmem:v5+s20+$0x0], vm1  }
0x6b8: {  	v7 =	vor.u32 $0x80, v8  }
0x6b9: {  	v9 =	vadd.s32 $0xFFFE7A80, v6;
	_ =	sdelay $0x3  }
0x6ba: {  	[tilespmem:v7+s6+$0x0] =	vst.idx.msk vm1, v5  }
0x6bb: {  	v5 =	vld.idx.msk [tilespmem:v9+s20+$0x0], vm1  }
0x6bc: {  	v7 =	vor.u32 $0x100, v8  }
0x6bd: {  	v9 =	vadd.s32 $0xFFFE7B00, v6;
	_ =	sdelay $0x3  }
0x6be: {  	[tilespmem:v7+s6+$0x0] =	vst.idx.msk vm1, v5  }
0x6bf: {  	v5 =	vld.idx.msk [tilespmem:v9+s20+$0x0], vm0  }
0x6c0: {  	v7 =	vor.u32 $0x180, v8  }
0x6c1: {  	v9 =	vadd.s32 $0xFFFE7B80, v6;
	_ =	sdelay $0x3  }
0x6c2: {  	[tilespmem:v7+s6+$0x0] =	vst.idx.msk vm0, v5  }
0x6c3: {  	v5 =	vld.idx.msk [tilespmem:v9+s20+$0x0], vm0  }
0x6c4: {  	v7 =	vor.u32 $0x200, v8  }
0x6c5: {  	v9 =	vadd.s32 $0xFFFE7C00, v6;
	_ =	sdelay $0x3  }
0x6c6: {  	[tilespmem:v7+s6+$0x0] =	vst.idx.msk vm0, v5  }
0x6c7: {  	v5 =	vld.idx.msk [tilespmem:v9+s20+$0x0], vm0  }
0x6c8: {  	v7 =	vor.u32 $0x280, v8  }
0x6c9: {  	v9 =	vadd.s32 $0xFFFE7C80, v6;
	_ =	sdelay $0x3  }
0x6ca: {  	[tilespmem:v7+s6+$0x0] =	vst.idx.msk vm0, v5  }
0x6cb: {  	v5 =	vld.idx.msk [tilespmem:v9+s20+$0x0], vm0  }
0x6cc: {  	v7 =	vor.u32 $0x300, v8  }
0x6cd: {  	v6 =	vadd.s32 $0xFFFE7D00, v6;
	_ =	sdelay $0x1  }
.Ltmp70:
0x6ce: {  	(pc) =	sbr.rel @p2 .LBB2_94-.Ltmp70, $4  }
0x6cf: {  	_ = 	snop  }
0x6d0: {  	s5 =	sadd.s32 $0x10, s5;
	[tilespmem:v7+s6+$0x0] =	vst.idx.msk vm0, v5  }
0x6d1: {  	v5 =	vadd.s32 s5, v0;
	v6 =	vld.idx.msk [tilespmem:v6+s20+$0x0], vm0  }
0x6d2: {  	v7 =	vor.u32 $0x380, v8;
	vm1 =	vlt.s32 v5, v4  }
.Ltmp71:
0x6d3: {  	_ = 	snop;
	(pc) =	sbr.rel .LBB2_95-.Ltmp71, $1  }
0x6d4: {  	_ =	sdelay $0x3  }
.LBB2_38:
.Ltmp72:
0x6d5: {  	(pc) =	sbr.rel .LBB2_41-.Ltmp72, $2  }
0x6d6: {  	_ =	sdelay $0x2  }
0x6d7: {  	_ = 	snop  }
.LBB2_44:
.Ltmp73:
0x6d8: {  	(pc) =	sbr.rel .LBB2_47-.Ltmp73, $2  }
0x6d9: {  	_ =	sdelay $0x2  }
0x6da: {  	_ = 	snop  }
.LBB2_86:
.Ltmp74:
0x6db: {  	(pc) =	sbr.rel .LBB2_89-.Ltmp74, $2  }
0x6dc: {  	_ =	sdelay $0x2  }
0x6dd: {  	_ = 	snop  }
.LBB2_98:
0x6de: {  	_ =	sfence.sel $0x180000  }
0x6df: {  	[bflag:$0x0] =	sbarrier.arrive $0xFFFF  }
0x6e0: {  	_ =	strace $0x90000047  }
0x6e1: {  	s0 =	stileid.u32;
	[bflag:$0x2] =	sbarrier.arrive $0xFFFF  }
0x6e2: {  	p0 =	sne.s32 s0, $0x0;
	s0 =	rddreg [dreg:$0x3]  }
0x6e3: {  	s0 =	sadd.s32 @!p0 $0x100000, s0  }
0x6e4: {  	[sflag:s0] =	ssyncadd.tile.s32 @!p0 $0x1;
	_ =	shalt  }
.Lfunc_end2:
_tile_overlayer_lowered:
.L_overlay_start_2:
0x6e5: {  	(tag) =	ssettag $0x2  }
0x6e6: {  	s0 =	rddreg [dreg:$0x0];
	s2 =	stileid.u32  }
0x6e7: {  	s1 =	rddreg [dreg:$0x1];
	p0 =	sne.s32 s2, $0x0  }
0x6e8: {  	s3 =	rddreg [dreg:$0x2];
	[bflag:$0x3] =	sbarrier.arrive $0xFFFF;
	s2 =	simm.s32 @!p0 $0x1C06  }
0x6e9: {  	[timem:s3], [sflag:s2] =	dma.local @!p0 [hbm:s0], s1  }
0x6ea: {  	s0 =	simm.s32 @!p0 $0x6  }
0x6eb: {  	_ =	swait.ge @!p0 [sflag:s0], s1  }
0x6ec: {  	s1 =	ssub.s32 @!p0 $0x0, s1;
	[sflag:s0] =	ssyncset.done @!p0 $0x0  }
0x6ed: {  	[sflag:s0] =	ssyncadd.s32 @!p0 s1  }
0x6ee: {  	[bflag:$0x3] =	sbarrier.arrive $0xFFFF  }
0x6ef: {  	_ =	shalt  }

</sc_bundles>
